<compile_context>
chip_gen: v7x
topology: tpu7x:2x2x1
jax: 0.10.2.dev20260603
libtpu: 0.0.44.dev20260713+nightly
codegen_flags: <defaults>
</compile_context>

<pallas_src>
import functools

import jax
import jax.numpy as jnp
from jax import lax
from jax.experimental import pallas as pl
from jax.experimental.pallas import tpu as pltpu
from jax.experimental.pallas import tpu_sc as plsc

CHUNK = 128
NBUF = 8
SUBCORES = 16




def _make_deg_kernel(n_pad, n_chunks):
  chunks_per_tile = n_chunks // (2 * SUBCORES)
  rows_per_tile = n_pad // SUBCORES
  mesh = plsc.VectorSubcoreMesh(core_axis_name="c", subcore_axis_name="s")

  @functools.partial(
      pl.kernel,
      out_type=(jax.ShapeDtypeStruct((n_pad,), jnp.float32),
                jax.ShapeDtypeStruct((n_pad,), jnp.float32)),
      mesh=mesh,
      scratch_types=[
          pltpu.VMEM_SHARED((n_pad,), jnp.float32),
          pltpu.VMEM((chunks_per_tile, CHUNK), jnp.int32),
          pltpu.VMEM((CHUNK,), jnp.float32),
          pltpu.VMEM((rows_per_tile,), jnp.float32),
          pltpu.SemaphoreType.DMA,
      ],
      compiler_params=pltpu.CompilerParams(use_tc_tiling_on_sc=False),
  )
  def deg_kernel(dst_hbm, out0_hbm, out1_hbm, acc, dstv, ones_v, zeros_v, ssem):
    c = lax.axis_index("c")
    s = lax.axis_index("s")
    tile = c * SUBCORES + s
    base = s * rows_per_tile

    for i in range(CHUNK // 16):
      ones_v[pl.ds(i * 16, 16)] = jnp.full((16,), 1.0, jnp.float32)
    for i in range(rows_per_tile // 16):
      zeros_v[pl.ds(i * 16, 16)] = jnp.zeros((16,), jnp.float32)

    pltpu.sync_copy(dst_hbm.at[pl.ds(tile * chunks_per_tile, chunks_per_tile)], dstv)
    pltpu.sync_copy(zeros_v, acc.at[pl.ds(base, rows_per_tile)])
    plsc.subcore_barrier()

    @pl.loop(0, chunks_per_tile)
    def _(j):
      pltpu.async_copy(ones_v, acc.at[dstv.at[j]], ssem, add=True)

    @pl.loop(0, chunks_per_tile)
    def _(j):
      pltpu.make_async_copy(ones_v, acc.at[dstv.at[j]], ssem).wait()

    plsc.subcore_barrier()
    pltpu.sync_copy(acc.at[pl.ds(base, rows_per_tile)], zeros_v)

    @pl.when(c == 0)
    def _():
      pltpu.sync_copy(zeros_v, out0_hbm.at[pl.ds(base, rows_per_tile)])

    @pl.when(c != 0)
    def _():
      pltpu.sync_copy(zeros_v, out1_hbm.at[pl.ds(base, rows_per_tile)])

  return deg_kernel


def _make_agg_kernel(n_pad, w2, n_chunks):
  chunks_per_tile = n_chunks // SUBCORES
  rows_per_tile = n_pad // SUBCORES
  mesh = plsc.VectorSubcoreMesh(core_axis_name="c", subcore_axis_name="s")

  @functools.partial(
      pl.kernel,
      out_type=(jax.ShapeDtypeStruct((n_pad, w2), jnp.float32),
                jax.ShapeDtypeStruct((n_pad, w2), jnp.float32)),
      mesh=mesh,
      scratch_types=[
          pltpu.VMEM_SHARED((n_pad, w2), jnp.float32),
          pltpu.VMEM((chunks_per_tile, CHUNK), jnp.int32),
          pltpu.VMEM((chunks_per_tile, CHUNK), jnp.int32),
          pltpu.VMEM((NBUF, CHUNK, w2), jnp.float32),
          pltpu.SemaphoreType.DMA((NBUF,)),
      ],
      compiler_params=pltpu.CompilerParams(use_tc_tiling_on_sc=False),
  )
  def agg_kernel(hs_l, hs_r, src_hbm, dst_hbm, out0_hbm, out1_hbm,
                 acc, srcv, dstv, rows, gsem):
    c = lax.axis_index("c")
    s = lax.axis_index("s")
    base = s * rows_per_tile

    pltpu.sync_copy(src_hbm.at[pl.ds(s * chunks_per_tile, chunks_per_tile)], srcv)
    pltpu.sync_copy(dst_hbm.at[pl.ds(s * chunks_per_tile, chunks_per_tile)], dstv)

    def run(hs_plane, out_hbm):
      pltpu.sync_copy(hs_plane.at[pl.ds(base, rows_per_tile)],
                      acc.at[pl.ds(base, rows_per_tile)])
      plsc.subcore_barrier()

      for b in range(NBUF):
        pltpu.async_copy(hs_plane.at[srcv.at[b]], rows.at[b], gsem.at[b])

      @pl.loop(0, chunks_per_tile // NBUF)
      def _(g):
        for b in range(NBUF):
          j = g * NBUF + b
          pltpu.make_async_copy(hs_plane.at[srcv.at[j]], rows.at[b], gsem.at[b]).wait()
          pltpu.sync_copy(rows.at[b], acc.at[dstv.at[j]], add=True)

          @pl.when(j + NBUF < chunks_per_tile)
          def _():
            pltpu.async_copy(hs_plane.at[srcv.at[j + NBUF]], rows.at[b], gsem.at[b])

      plsc.subcore_barrier()
      pltpu.sync_copy(acc.at[pl.ds(base, rows_per_tile)],
                      out_hbm.at[pl.ds(base, rows_per_tile)])

    @pl.when(c == 0)
    def _():
      run(hs_l, out0_hbm)

    @pl.when(c != 0)
    def _():
      run(hs_r, out1_hbm)

  return agg_kernel




def _fold128(v):
  blk, w = v.shape
  r = 128 // w
  v3 = v.reshape(blk // r, r, w)
  return jnp.concatenate([v3[:, j, :] for j in range(r)], axis=-1)


def _unfold128(m, w):
  rows = m.shape[0]
  r = 128 // w
  parts = [m[:, j * w:(j + 1) * w] for j in range(r)]
  return jnp.stack(parts, axis=1).reshape(rows * r, w)


def _tc_pre_body(dp0_ref, dp1_ref, x_ref, w1_ref, dinv_ref, hsl_ref, hsr_ref):
  blk = x_ref.shape[0]
  deg = dp0_ref[...] + dp1_ref[...] + 1.0
  dinv = lax.rsqrt(deg).reshape(blk, 1)
  h = jnp.dot(x_ref[...], w1_ref[...], preferred_element_type=jnp.float32)
  hs = h * dinv
  w2 = h.shape[-1] // 2
  dinv_ref[...] = dinv.reshape(blk)
  hsl_ref[...] = _fold128(hs[:, :w2])
  hsr_ref[...] = _fold128(hs[:, w2:])


def _tc_mid_body(al_ref, ar_ref, dinv_ref, b1_ref, w2_ref, hsl_ref, hsr_ref):
  blk = dinv_ref.shape[0]
  hidden = b1_ref.shape[-1]
  h2 = hidden // 2
  agg = jnp.concatenate([_unfold128(al_ref[...], h2),
                         _unfold128(ar_ref[...], h2)], axis=-1)
  dinv = dinv_ref[...].reshape(blk, 1)
  h1 = jnp.maximum(agg * dinv + b1_ref[...], 0.0)
  hs2 = jnp.dot(h1, w2_ref[...], preferred_element_type=jnp.float32) * dinv
  o2 = hs2.shape[-1] // 2
  hsl_ref[...] = _fold128(hs2[:, :o2])
  hsr_ref[...] = _fold128(hs2[:, o2:])


def _tc_post_body(al_ref, ar_ref, dinv_ref, b2_ref, z_ref):
  blk = dinv_ref.shape[0]
  o2 = b2_ref.shape[-1] // 2
  agg = jnp.concatenate([_unfold128(al_ref[...], o2),
                         _unfold128(ar_ref[...], o2)], axis=-1)
  z_ref[...] = agg * dinv_ref[...].reshape(blk, 1) + b2_ref[...]




@jax.jit
def kernel(x, edge_index, W1, b1, W2, b2):
  n, in_dim = x.shape
  hidden = W1.shape[1]
  out_dim = W2.shape[1]
  e = edge_index.shape[1]
  h2 = hidden // 2
  o2 = out_dim // 2

  blk = 1024
  n_pad = ((n + blk - 1) // blk + 1) * blk
  grid = n_pad // blk
  per_tile = -(-e // (SUBCORES * CHUNK * 8)) * (CHUNK * 8)
  e_pad = per_tile * SUBCORES
  n_chunks = e_pad // CHUNK

  x_p = jnp.pad(x, ((0, n_pad - n), (0, 0)))
  fill = n + jnp.arange(e_pad - e, dtype=jnp.int32) % (n_pad - n)
  src = jnp.concatenate([edge_index[0], fill]).reshape(n_chunks, CHUNK)
  dst = jnp.concatenate([edge_index[1], fill]).reshape(n_chunks, CHUNK)

  dp0, dp1 = _make_deg_kernel(n_pad, n_chunks)(dst)

  dinv, hs1l, hs1r = pl.pallas_call(
      _tc_pre_body,
      grid=(grid,),
      in_specs=[
          pl.BlockSpec((blk,), lambda i: (i,)),
          pl.BlockSpec((blk,), lambda i: (i,)),
          pl.BlockSpec((blk, in_dim), lambda i: (i, 0)),
          pl.BlockSpec((in_dim, hidden), lambda i: (0, 0)),
      ],
      out_specs=[
          pl.BlockSpec((blk,), lambda i: (i,)),
          pl.BlockSpec((blk * h2 // 128, 128), lambda i: (i, 0)),
          pl.BlockSpec((blk * h2 // 128, 128), lambda i: (i, 0)),
      ],
      out_shape=[
          jax.ShapeDtypeStruct((n_pad,), jnp.float32),
          jax.ShapeDtypeStruct((n_pad * h2 // 128, 128), jnp.float32),
          jax.ShapeDtypeStruct((n_pad * h2 // 128, 128), jnp.float32),
      ],
  )(dp0, dp1, x_p, W1)

  a1l, a1r = _make_agg_kernel(n_pad, h2, n_chunks)(
      hs1l.reshape(n_pad, h2), hs1r.reshape(n_pad, h2), src, dst)

  hs2l, hs2r = pl.pallas_call(
      _tc_mid_body,
      grid=(grid,),
      in_specs=[
          pl.BlockSpec((blk * h2 // 128, 128), lambda i: (i, 0)),
          pl.BlockSpec((blk * h2 // 128, 128), lambda i: (i, 0)),
          pl.BlockSpec((blk,), lambda i: (i,)),
          pl.BlockSpec((1, hidden), lambda i: (0, 0)),
          pl.BlockSpec((hidden, out_dim), lambda i: (0, 0)),
      ],
      out_specs=[
          pl.BlockSpec((blk * o2 // 128, 128), lambda i: (i, 0)),
          pl.BlockSpec((blk * o2 // 128, 128), lambda i: (i, 0)),
      ],
      out_shape=[
          jax.ShapeDtypeStruct((n_pad * o2 // 128, 128), jnp.float32),
          jax.ShapeDtypeStruct((n_pad * o2 // 128, 128), jnp.float32),
      ],
  )(a1l.reshape(n_pad * h2 // 128, 128), a1r.reshape(n_pad * h2 // 128, 128),
    dinv, b1.reshape(1, hidden), W2)

  a2l, a2r = _make_agg_kernel(n_pad, o2, n_chunks)(
      hs2l.reshape(n_pad, o2), hs2r.reshape(n_pad, o2), src, dst)

  z_p = pl.pallas_call(
      _tc_post_body,
      grid=(grid,),
      in_specs=[
          pl.BlockSpec((blk * o2 // 128, 128), lambda i: (i, 0)),
          pl.BlockSpec((blk * o2 // 128, 128), lambda i: (i, 0)),
          pl.BlockSpec((blk,), lambda i: (i,)),
          pl.BlockSpec((1, out_dim), lambda i: (0, 0)),
      ],
      out_specs=pl.BlockSpec((blk, out_dim), lambda i: (i, 0)),
      out_shape=jax.ShapeDtypeStruct((n_pad, out_dim), jnp.float32),
  )(a2l.reshape(n_pad * o2 // 128, 128), a2r.reshape(n_pad * o2 // 128, 128),
    dinv, b2.reshape(1, out_dim))

  return z_p[:n]

# --- scband reference (transcript-rebuilt; emitter-appended) ---
"""Pipeline reference for scband-gclencoder-33191507264214 (READ-ONLY COPY).

The authoritative reference and input builder live on the scoring server;
editing this copy changes nothing except your own understanding.
"""

import jax, jax.numpy as jnp
import numpy as np

N = 10000
E = 320000
IN_DIM = 128
HIDDEN = 64
OUT_DIM = 32


def setup_inputs(seed: int = 0) -> dict:
    key = jax.random.key(seed)
    k1, k2, k3, k4, k5, k6 = jax.random.split(key, 6)
    x = jax.random.normal(k1, (N, IN_DIM), dtype=jnp.float32)
    edge_index = jax.random.randint(k2, (2, E), 0, N, dtype=jnp.int32)
    W1 = jax.random.normal(k3, (IN_DIM, HIDDEN), dtype=jnp.float32) * (1.0 / np.sqrt(IN_DIM))
    b1 = jnp.zeros((HIDDEN,), dtype=jnp.float32)
    W2 = jax.random.normal(k4, (HIDDEN, OUT_DIM), dtype=jnp.float32) * (1.0 / np.sqrt(HIDDEN))
    b2 = jnp.zeros((OUT_DIM,), dtype=jnp.float32)
    return {"x": x, "edge_index": edge_index, "W1": W1, "b1": b1, "W2": W2, "b2": b2}


def _gcn_layer(x, src, dst, W, b):
    # GCNConv: x' = D^{-1/2} (A + I) D^{-1/2} X W + b  (self-loops already appended)
    n = x.shape[0]
    h = x @ W
    deg = jax.ops.segment_sum(jnp.ones_like(dst, dtype=h.dtype), dst, num_segments=n)
    dinv = jnp.where(deg > 0, 1.0 / jnp.sqrt(deg), 0.0)
    norm = dinv[src] * dinv[dst]
    msg = h[src] * norm[:, None]
    out = jax.ops.segment_sum(msg, dst, num_segments=n)
    return out + b


def reference(x, edge_index, W1, b1, W2, b2):
    n = x.shape[0]
    loop = jnp.arange(n, dtype=edge_index.dtype)
    src = jnp.concatenate([edge_index[0], loop])
    dst = jnp.concatenate([edge_index[1], loop])
    h = jax.nn.relu(_gcn_layer(x, src, dst, W1, b1))
    # dropout is identity at inference (eval mode)
    z = _gcn_layer(h, src, dst, W2, b2)
    return z

if __name__ == "__main__":
    import jax
    _d = setup_inputs()
    print(jax.jit(kernel)(*tuple(_d.values())))

</pallas_src>

<mosaic_0001>
#map = affine_map<(d0, d1) -> (0, 0)>
module attributes {stable_mosaic.version = 14 : i64} {
  func.func @agg_kernel(%arg0: i32, %arg1: i32, %arg2: memref<11264x16xf32, #tpu.memory_space<hbm>>, %arg3: memref<11264x16xf32, #tpu.memory_space<hbm>>, %arg4: memref<2560x128xi32, #tpu.memory_space<hbm>>, %arg5: memref<2560x128xi32, #tpu.memory_space<hbm>>, %arg6: memref<11264x16xf32, #tpu.memory_space<hbm>>, %arg7: memref<11264x16xf32, #tpu.memory_space<hbm>>, %arg8: memref<11264x16xf32, #tpu.memory_space<vmem_shared>>, %arg9: memref<160x128xi32, #tpu.memory_space<vmem>>, %arg10: memref<160x128xi32, #tpu.memory_space<vmem>>, %arg11: memref<8x128x16xf32, #tpu.memory_space<vmem>>, %arg12: memref<8x!tpu.dma_semaphore, #tpu.memory_space<semaphore_mem>>) attributes {dimension_semantics = [#tpu.dimension_semantics<core_parallel>, #tpu.dimension_semantics<subcore_parallel>], iteration_bounds = array<i64: 2, 16>, scalar_prefetch = 0 : i64, scratch_operands = 5 : i64, tpu.core_type = #tpu.core_type<sc_vector_subcore>, window_params = [{transform_indices = #map}, {transform_indices = #map}, {transform_indices = #map}, {transform_indices = #map}, {transform_indices = #map}, {transform_indices = #map}]} {
    %mul3A = arith.constant 704 : i32
    %mul3A_0 = arith.muli %arg1, %mul3A : i32
    %mul3A_1 = arith.constant 160 : i32
    %mul3A_2 = arith.muli %arg1, %mul3A_1 : i32
    "tpu.region"() ({
      %run_scoped3A = tpu.sem_alloc : memref<!tpu.dma_semaphore, #tpu.memory_space<semaphore_mem>>
      %dma_start3A = arith.constant 0 : i32
      %dma_start3A_11 = tpu.memref_slice %arg4[%mul3A_2, %dma_start3A] : memref<2560x128xi32, #tpu.memory_space<hbm>> -> memref<160x128xi32, #tpu.memory_space<hbm>>
      %dma_start3A_12 = arith.constant 0 : i32
      %dma_start3A_13 = tpu.memref_slice %arg4[%mul3A_2, %dma_start3A_12] : memref<2560x128xi32, #tpu.memory_space<hbm>> -> memref<160x128xi32, #tpu.memory_space<hbm>>
      tpu.enqueue_dma source(%dma_start3A_13 : memref<160x128xi32, #tpu.memory_space<hbm>>) target(%arg9 : memref<160x128xi32, #tpu.memory_space<vmem>>) target_semaphore(%run_scoped3A : memref<!tpu.dma_semaphore, #tpu.memory_space<semaphore_mem>>)
      %dma_wait3A = arith.constant 0 : i32
      %dma_wait3A_14 = tpu.memref_slice %arg4[%mul3A_2, %dma_wait3A] : memref<2560x128xi32, #tpu.memory_space<hbm>> -> memref<160x128xi32, #tpu.memory_space<hbm>>
      %dma_wait3A_15 = arith.constant 0 : i32
      %dma_wait3A_16 = tpu.memref_slice %arg4[%mul3A_2, %dma_wait3A_15] : memref<2560x128xi32, #tpu.memory_space<hbm>> -> memref<160x128xi32, #tpu.memory_space<hbm>>
      tpu.wait_dma2 semaphore(%run_scoped3A : memref<!tpu.dma_semaphore, #tpu.memory_space<semaphore_mem>>) src(%dma_wait3A_16 : memref<160x128xi32, #tpu.memory_space<hbm>>) dst(%arg9 : memref<160x128xi32, #tpu.memory_space<vmem>>)
      tpu.yield
    }) : () -> ()
    %mul3A_3 = arith.constant 160 : i32
    %mul3A_4 = arith.muli %arg1, %mul3A_3 : i32
    "tpu.region"() ({
      %run_scoped3A = tpu.sem_alloc : memref<!tpu.dma_semaphore, #tpu.memory_space<semaphore_mem>>
      %dma_start3A = arith.constant 0 : i32
      %dma_start3A_11 = tpu.memref_slice %arg5[%mul3A_4, %dma_start3A] : memref<2560x128xi32, #tpu.memory_space<hbm>> -> memref<160x128xi32, #tpu.memory_space<hbm>>
      %dma_start3A_12 = arith.constant 0 : i32
      %dma_start3A_13 = tpu.memref_slice %arg5[%mul3A_4, %dma_start3A_12] : memref<2560x128xi32, #tpu.memory_space<hbm>> -> memref<160x128xi32, #tpu.memory_space<hbm>>
      tpu.enqueue_dma source(%dma_start3A_13 : memref<160x128xi32, #tpu.memory_space<hbm>>) target(%arg10 : memref<160x128xi32, #tpu.memory_space<vmem>>) target_semaphore(%run_scoped3A : memref<!tpu.dma_semaphore, #tpu.memory_space<semaphore_mem>>)
      %dma_wait3A = arith.constant 0 : i32
      %dma_wait3A_14 = tpu.memref_slice %arg5[%mul3A_4, %dma_wait3A] : memref<2560x128xi32, #tpu.memory_space<hbm>> -> memref<160x128xi32, #tpu.memory_space<hbm>>
      %dma_wait3A_15 = arith.constant 0 : i32
      %dma_wait3A_16 = tpu.memref_slice %arg5[%mul3A_4, %dma_wait3A_15] : memref<2560x128xi32, #tpu.memory_space<hbm>> -> memref<160x128xi32, #tpu.memory_space<hbm>>
      tpu.wait_dma2 semaphore(%run_scoped3A : memref<!tpu.dma_semaphore, #tpu.memory_space<semaphore_mem>>) src(%dma_wait3A_16 : memref<160x128xi32, #tpu.memory_space<hbm>>) dst(%arg10 : memref<160x128xi32, #tpu.memory_space<vmem>>)
      tpu.yield
    }) : () -> ()
    %eq3A = arith.constant 0 : i32
    %eq3A_5 = arith.cmpi eq, %arg0, %eq3A : i32
    %convert_element_type3A = arith.extui %eq3A_5 : i1 to i32
    %cond3A = arith.constant 0 : i32
    %cond3A_6 = arith.cmpi ne, %convert_element_type3A, %cond3A : i32
    scf.if %cond3A_6 {
      "tpu.region"() ({
        %run_scoped3A = tpu.sem_alloc : memref<!tpu.dma_semaphore, #tpu.memory_space<semaphore_mem>>
        %dma_start3A_135 = arith.constant 0 : i32
        %dma_start3A_136 = tpu.memref_slice %arg8[%mul3A_0, %dma_start3A_135] : memref<11264x16xf32, #tpu.memory_space<vmem_shared>> -> memref<704x16xf32, #tpu.memory_space<vmem_shared>>
        %dma_start3A_137 = arith.constant 0 : i32
        %dma_start3A_138 = tpu.memref_slice %arg2[%mul3A_0, %dma_start3A_137] : memref<11264x16xf32, #tpu.memory_space<hbm>> -> memref<704x16xf32, #tpu.memory_space<hbm>>
        tpu.enqueue_dma source(%dma_start3A_138 : memref<704x16xf32, #tpu.memory_space<hbm>>) target(%dma_start3A_136 : memref<704x16xf32, #tpu.memory_space<vmem_shared>>) target_semaphore(%run_scoped3A : memref<!tpu.dma_semaphore, #tpu.memory_space<semaphore_mem>>)
        %dma_wait3A = arith.constant 0 : i32
        %dma_wait3A_139 = tpu.memref_slice %arg8[%mul3A_0, %dma_wait3A] : memref<11264x16xf32, #tpu.memory_space<vmem_shared>> -> memref<704x16xf32, #tpu.memory_space<vmem_shared>>
        %dma_wait3A_140 = arith.constant 0 : i32
        %dma_wait3A_141 = tpu.memref_slice %arg2[%mul3A_0, %dma_wait3A_140] : memref<11264x16xf32, #tpu.memory_space<hbm>> -> memref<704x16xf32, #tpu.memory_space<hbm>>
        tpu.wait_dma2 semaphore(%run_scoped3A : memref<!tpu.dma_semaphore, #tpu.memory_space<semaphore_mem>>) src(%dma_wait3A_141 : memref<704x16xf32, #tpu.memory_space<hbm>>) dst(%dma_wait3A_139 : memref<704x16xf32, #tpu.memory_space<vmem_shared>>)
        tpu.yield
      }) : () -> ()
      %barrier3A = arith.constant 0 : index
      tpu.barrier barrier_id(%barrier3A)
      %dma_start3A = arith.constant 0 : i32
      %dma_start3A_11 = arith.constant 0 : i32
      %dma_start3A_12 = arith.constant 0 : i32
      %dma_start3A_13 = arith.constant 0 : i32
      %dma_start3A_14 = arith.constant 0 : i32
      %dma_start3A_15 = tpu.memref_slice %arg11[%dma_start3A_11, %dma_start3A_13, %dma_start3A_14] : memref<8x128x16xf32, #tpu.memory_space<vmem>> -> memref<1x128x16xf32, #tpu.memory_space<vmem>>
      %dma_start3A_16 = tpu.memref_squeeze %dma_start3A_15 : memref<1x128x16xf32, #tpu.memory_space<vmem>> -> memref<128x16xf32, #tpu.memory_space<vmem>>
      %dma_start3A_17 = arith.constant 0 : i32
      %dma_start3A_18 = tpu.memref_slice %arg9[%dma_start3A, %dma_start3A_17] : memref<160x128xi32, #tpu.memory_space<vmem>> -> memref<1x128xi32, #tpu.memory_space<vmem>>
      %dma_start3A_19 = tpu.memref_squeeze %dma_start3A_18 : memref<1x128xi32, #tpu.memory_space<vmem>> -> memref<128xi32, #tpu.memory_space<vmem>>
      %dma_start3A_20 = arith.constant 0 : i32
      %dma_start3A_21 = arith.constant 0 : i32
      %dma_start3A_22 = tpu.memref_slice %arg2[%dma_start3A_20, %dma_start3A_21] : memref<11264x16xf32, #tpu.memory_space<hbm>> -> memref<11264x16xf32, #tpu.memory_space<hbm>>
      %dma_start3A_23 = tpu.memref_slice %arg12[%dma_start3A_12] : memref<8x!tpu.dma_semaphore, #tpu.memory_space<semaphore_mem>> -> memref<1x!tpu.dma_semaphore, #tpu.memory_space<semaphore_mem>>
      %dma_start3A_24 = tpu.memref_squeeze %dma_start3A_23 : memref<1x!tpu.dma_semaphore, #tpu.memory_space<semaphore_mem>> -> memref<!tpu.dma_semaphore, #tpu.memory_space<semaphore_mem>>
      tpu.enqueue_indirect_dma source(%dma_start3A_22 : memref<11264x16xf32, #tpu.memory_space<hbm>>) target(%dma_start3A_16 : memref<128x16xf32, #tpu.memory_space<vmem>>) offsets(%dma_start3A_19 : memref<128xi32, #tpu.memory_space<vmem>>) semaphore(%dma_start3A_24 : memref<!tpu.dma_semaphore, #tpu.memory_space<semaphore_mem>>)
      %dma_start3A_25 = arith.constant 1 : i32
      %dma_start3A_26 = arith.constant 1 : i32
      %dma_start3A_27 = arith.constant 1 : i32
      %dma_start3A_28 = arith.constant 0 : i32
      %dma_start3A_29 = arith.constant 0 : i32
      %dma_start3A_30 = tpu.memref_slice %arg11[%dma_start3A_26, %dma_start3A_28, %dma_start3A_29] : memref<8x128x16xf32, #tpu.memory_space<vmem>> -> memref<1x128x16xf32, #tpu.memory_space<vmem>>
      %dma_start3A_31 = tpu.memref_squeeze %dma_start3A_30 : memref<1x128x16xf32, #tpu.memory_space<vmem>> -> memref<128x16xf32, #tpu.memory_space<vmem>>
      %dma_start3A_32 = arith.constant 0 : i32
      %dma_start3A_33 = tpu.memref_slice %arg9[%dma_start3A_25, %dma_start3A_32] : memref<160x128xi32, #tpu.memory_space<vmem>> -> memref<1x128xi32, #tpu.memory_space<vmem>>
      %dma_start3A_34 = tpu.memref_squeeze %dma_start3A_33 : memref<1x128xi32, #tpu.memory_space<vmem>> -> memref<128xi32, #tpu.memory_space<vmem>>
      %dma_start3A_35 = arith.constant 0 : i32
      %dma_start3A_36 = arith.constant 0 : i32
      %dma_start3A_37 = tpu.memref_slice %arg2[%dma_start3A_35, %dma_start3A_36] : memref<11264x16xf32, #tpu.memory_space<hbm>> -> memref<11264x16xf32, #tpu.memory_space<hbm>>
      %dma_start3A_38 = tpu.memref_slice %arg12[%dma_start3A_27] : memref<8x!tpu.dma_semaphore, #tpu.memory_space<semaphore_mem>> -> memref<1x!tpu.dma_semaphore, #tpu.memory_space<semaphore_mem>>
      %dma_start3A_39 = tpu.memref_squeeze %dma_start3A_38 : memref<1x!tpu.dma_semaphore, #tpu.memory_space<semaphore_mem>> -> memref<!tpu.dma_semaphore, #tpu.memory_space<semaphore_mem>>
      tpu.enqueue_indirect_dma source(%dma_start3A_37 : memref<11264x16xf32, #tpu.memory_space<hbm>>) target(%dma_start3A_31 : memref<128x16xf32, #tpu.memory_space<vmem>>) offsets(%dma_start3A_34 : memref<128xi32, #tpu.memory_space<vmem>>) semaphore(%dma_start3A_39 : memref<!tpu.dma_semaphore, #tpu.memory_space<semaphore_mem>>)
      %dma_start3A_40 = arith.constant 2 : i32
      %dma_start3A_41 = arith.constant 2 : i32
      %dma_start3A_42 = arith.constant 2 : i32
      %dma_start3A_43 = arith.constant 0 : i32
      %dma_start3A_44 = arith.constant 0 : i32
      %dma_start3A_45 = tpu.memref_slice %arg11[%dma_start3A_41, %dma_start3A_43, %dma_start3A_44] : memref<8x128x16xf32, #tpu.memory_space<vmem>> -> memref<1x128x16xf32, #tpu.memory_space<vmem>>
      %dma_start3A_46 = tpu.memref_squeeze %dma_start3A_45 : memref<1x128x16xf32, #tpu.memory_space<vmem>> -> memref<128x16xf32, #tpu.memory_space<vmem>>
      %dma_start3A_47 = arith.constant 0 : i32
      %dma_start3A_48 = tpu.memref_slice %arg9[%dma_start3A_40, %dma_start3A_47] : memref<160x128xi32, #tpu.memory_space<vmem>> -> memref<1x128xi32, #tpu.memory_space<vmem>>
      %dma_start3A_49 = tpu.memref_squeeze %dma_start3A_48 : memref<1x128xi32, #tpu.memory_space<vmem>> -> memref<128xi32, #tpu.memory_space<vmem>>
      %dma_start3A_50 = arith.constant 0 : i32
      %dma_start3A_51 = arith.constant 0 : i32
      %dma_start3A_52 = tpu.memref_slice %arg2[%dma_start3A_50, %dma_start3A_51] : memref<11264x16xf32, #tpu.memory_space<hbm>> -> memref<11264x16xf32, #tpu.memory_space<hbm>>
      %dma_start3A_53 = tpu.memref_slice %arg12[%dma_start3A_42] : memref<8x!tpu.dma_semaphore, #tpu.memory_space<semaphore_mem>> -> memref<1x!tpu.dma_semaphore, #tpu.memory_space<semaphore_mem>>
      %dma_start3A_54 = tpu.memref_squeeze %dma_start3A_53 : memref<1x!tpu.dma_semaphore, #tpu.memory_space<semaphore_mem>> -> memref<!tpu.dma_semaphore, #tpu.memory_space<semaphore_mem>>
      tpu.enqueue_indirect_dma source(%dma_start3A_52 : memref<11264x16xf32, #tpu.memory_space<hbm>>) target(%dma_start3A_46 : memref<128x16xf32, #tpu.memory_space<vmem>>) offsets(%dma_start3A_49 : memref<128xi32, #tpu.memory_space<vmem>>) semaphore(%dma_start3A_54 : memref<!tpu.dma_semaphore, #tpu.memory_space<semaphore_mem>>)
      %dma_start3A_55 = arith.constant 3 : i32
      %dma_start3A_56 = arith.constant 3 : i32
      %dma_start3A_57 = arith.constant 3 : i32
      %dma_start3A_58 = arith.constant 0 : i32
      %dma_start3A_59 = arith.constant 0 : i32
      %dma_start3A_60 = tpu.memref_slice %arg11[%dma_start3A_56, %dma_start3A_58, %dma_start3A_59] : memref<8x128x16xf32, #tpu.memory_space<vmem>> -> memref<1x128x16xf32, #tpu.memory_space<vmem>>
      %dma_start3A_61 = tpu.memref_squeeze %dma_start3A_60 : memref<1x128x16xf32, #tpu.memory_space<vmem>> -> memref<128x16xf32, #tpu.memory_space<vmem>>
      %dma_start3A_62 = arith.constant 0 : i32
      %dma_start3A_63 = tpu.memref_slice %arg9[%dma_start3A_55, %dma_start3A_62] : memref<160x128xi32, #tpu.memory_space<vmem>> -> memref<1x128xi32, #tpu.memory_space<vmem>>
      %dma_start3A_64 = tpu.memref_squeeze %dma_start3A_63 : memref<1x128xi32, #tpu.memory_space<vmem>> -> memref<128xi32, #tpu.memory_space<vmem>>
      %dma_start3A_65 = arith.constant 0 : i32
      %dma_start3A_66 = arith.constant 0 : i32
      %dma_start3A_67 = tpu.memref_slice %arg2[%dma_start3A_65, %dma_start3A_66] : memref<11264x16xf32, #tpu.memory_space<hbm>> -> memref<11264x16xf32, #tpu.memory_space<hbm>>
      %dma_start3A_68 = tpu.memref_slice %arg12[%dma_start3A_57] : memref<8x!tpu.dma_semaphore, #tpu.memory_space<semaphore_mem>> -> memref<1x!tpu.dma_semaphore, #tpu.memory_space<semaphore_mem>>
      %dma_start3A_69 = tpu.memref_squeeze %dma_start3A_68 : memref<1x!tpu.dma_semaphore, #tpu.memory_space<semaphore_mem>> -> memref<!tpu.dma_semaphore, #tpu.memory_space<semaphore_mem>>
      tpu.enqueue_indirect_dma source(%dma_start3A_67 : memref<11264x16xf32, #tpu.memory_space<hbm>>) target(%dma_start3A_61 : memref<128x16xf32, #tpu.memory_space<vmem>>) offsets(%dma_start3A_64 : memref<128xi32, #tpu.memory_space<vmem>>) semaphore(%dma_start3A_69 : memref<!tpu.dma_semaphore, #tpu.memory_space<semaphore_mem>>)
      %dma_start3A_70 = arith.constant 4 : i32
      %dma_start3A_71 = arith.constant 4 : i32
      %dma_start3A_72 = arith.constant 4 : i32
      %dma_start3A_73 = arith.constant 0 : i32
      %dma_start3A_74 = arith.constant 0 : i32
      %dma_start3A_75 = tpu.memref_slice %arg11[%dma_start3A_71, %dma_start3A_73, %dma_start3A_74] : memref<8x128x16xf32, #tpu.memory_space<vmem>> -> memref<1x128x16xf32, #tpu.memory_space<vmem>>
      %dma_start3A_76 = tpu.memref_squeeze %dma_start3A_75 : memref<1x128x16xf32, #tpu.memory_space<vmem>> -> memref<128x16xf32, #tpu.memory_space<vmem>>
      %dma_start3A_77 = arith.constant 0 : i32
      %dma_start3A_78 = tpu.memref_slice %arg9[%dma_start3A_70, %dma_start3A_77] : memref<160x128xi32, #tpu.memory_space<vmem>> -> memref<1x128xi32, #tpu.memory_space<vmem>>
      %dma_start3A_79 = tpu.memref_squeeze %dma_start3A_78 : memref<1x128xi32, #tpu.memory_space<vmem>> -> memref<128xi32, #tpu.memory_space<vmem>>
      %dma_start3A_80 = arith.constant 0 : i32
      %dma_start3A_81 = arith.constant 0 : i32
      %dma_start3A_82 = tpu.memref_slice %arg2[%dma_start3A_80, %dma_start3A_81] : memref<11264x16xf32, #tpu.memory_space<hbm>> -> memref<11264x16xf32, #tpu.memory_space<hbm>>
      %dma_start3A_83 = tpu.memref_slice %arg12[%dma_start3A_72] : memref<8x!tpu.dma_semaphore, #tpu.memory_space<semaphore_mem>> -> memref<1x!tpu.dma_semaphore, #tpu.memory_space<semaphore_mem>>
      %dma_start3A_84 = tpu.memref_squeeze %dma_start3A_83 : memref<1x!tpu.dma_semaphore, #tpu.memory_space<semaphore_mem>> -> memref<!tpu.dma_semaphore, #tpu.memory_space<semaphore_mem>>
      tpu.enqueue_indirect_dma source(%dma_start3A_82 : memref<11264x16xf32, #tpu.memory_space<hbm>>) target(%dma_start3A_76 : memref<128x16xf32, #tpu.memory_space<vmem>>) offsets(%dma_start3A_79 : memref<128xi32, #tpu.memory_space<vmem>>) semaphore(%dma_start3A_84 : memref<!tpu.dma_semaphore, #tpu.memory_space<semaphore_mem>>)
      %dma_start3A_85 = arith.constant 5 : i32
      %dma_start3A_86 = arith.constant 5 : i32
      %dma_start3A_87 = arith.constant 5 : i32
      %dma_start3A_88 = arith.constant 0 : i32
      %dma_start3A_89 = arith.constant 0 : i32
      %dma_start3A_90 = tpu.memref_slice %arg11[%dma_start3A_86, %dma_start3A_88, %dma_start3A_89] : memref<8x128x16xf32, #tpu.memory_space<vmem>> -> memref<1x128x16xf32, #tpu.memory_space<vmem>>
      %dma_start3A_91 = tpu.memref_squeeze %dma_start3A_90 : memref<1x128x16xf32, #tpu.memory_space<vmem>> -> memref<128x16xf32, #tpu.memory_space<vmem>>
      %dma_start3A_92 = arith.constant 0 : i32
      %dma_start3A_93 = tpu.memref_slice %arg9[%dma_start3A_85, %dma_start3A_92] : memref<160x128xi32, #tpu.memory_space<vmem>> -> memref<1x128xi32, #tpu.memory_space<vmem>>
      %dma_start3A_94 = tpu.memref_squeeze %dma_start3A_93 : memref<1x128xi32, #tpu.memory_space<vmem>> -> memref<128xi32, #tpu.memory_space<vmem>>
      %dma_start3A_95 = arith.constant 0 : i32
      %dma_start3A_96 = arith.constant 0 : i32
      %dma_start3A_97 = tpu.memref_slice %arg2[%dma_start3A_95, %dma_start3A_96] : memref<11264x16xf32, #tpu.memory_space<hbm>> -> memref<11264x16xf32, #tpu.memory_space<hbm>>
      %dma_start3A_98 = tpu.memref_slice %arg12[%dma_start3A_87] : memref<8x!tpu.dma_semaphore, #tpu.memory_space<semaphore_mem>> -> memref<1x!tpu.dma_semaphore, #tpu.memory_space<semaphore_mem>>
      %dma_start3A_99 = tpu.memref_squeeze %dma_start3A_98 : memref<1x!tpu.dma_semaphore, #tpu.memory_space<semaphore_mem>> -> memref<!tpu.dma_semaphore, #tpu.memory_space<semaphore_mem>>
      tpu.enqueue_indirect_dma source(%dma_start3A_97 : memref<11264x16xf32, #tpu.memory_space<hbm>>) target(%dma_start3A_91 : memref<128x16xf32, #tpu.memory_space<vmem>>) offsets(%dma_start3A_94 : memref<128xi32, #tpu.memory_space<vmem>>) semaphore(%dma_start3A_99 : memref<!tpu.dma_semaphore, #tpu.memory_space<semaphore_mem>>)
      %dma_start3A_100 = arith.constant 6 : i32
      %dma_start3A_101 = arith.constant 6 : i32
      %dma_start3A_102 = arith.constant 6 : i32
      %dma_start3A_103 = arith.constant 0 : i32
      %dma_start3A_104 = arith.constant 0 : i32
      %dma_start3A_105 = tpu.memref_slice %arg11[%dma_start3A_101, %dma_start3A_103, %dma_start3A_104] : memref<8x128x16xf32, #tpu.memory_space<vmem>> -> memref<1x128x16xf32, #tpu.memory_space<vmem>>
      %dma_start3A_106 = tpu.memref_squeeze %dma_start3A_105 : memref<1x128x16xf32, #tpu.memory_space<vmem>> -> memref<128x16xf32, #tpu.memory_space<vmem>>
      %dma_start3A_107 = arith.constant 0 : i32
      %dma_start3A_108 = tpu.memref_slice %arg9[%dma_start3A_100, %dma_start3A_107] : memref<160x128xi32, #tpu.memory_space<vmem>> -> memref<1x128xi32, #tpu.memory_space<vmem>>
      %dma_start3A_109 = tpu.memref_squeeze %dma_start3A_108 : memref<1x128xi32, #tpu.memory_space<vmem>> -> memref<128xi32, #tpu.memory_space<vmem>>
      %dma_start3A_110 = arith.constant 0 : i32
      %dma_start3A_111 = arith.constant 0 : i32
      %dma_start3A_112 = tpu.memref_slice %arg2[%dma_start3A_110, %dma_start3A_111] : memref<11264x16xf32, #tpu.memory_space<hbm>> -> memref<11264x16xf32, #tpu.memory_space<hbm>>
      %dma_start3A_113 = tpu.memref_slice %arg12[%dma_start3A_102] : memref<8x!tpu.dma_semaphore, #tpu.memory_space<semaphore_mem>> -> memref<1x!tpu.dma_semaphore, #tpu.memory_space<semaphore_mem>>
      %dma_start3A_114 = tpu.memref_squeeze %dma_start3A_113 : memref<1x!tpu.dma_semaphore, #tpu.memory_space<semaphore_mem>> -> memref<!tpu.dma_semaphore, #tpu.memory_space<semaphore_mem>>
      tpu.enqueue_indirect_dma source(%dma_start3A_112 : memref<11264x16xf32, #tpu.memory_space<hbm>>) target(%dma_start3A_106 : memref<128x16xf32, #tpu.memory_space<vmem>>) offsets(%dma_start3A_109 : memref<128xi32, #tpu.memory_space<vmem>>) semaphore(%dma_start3A_114 : memref<!tpu.dma_semaphore, #tpu.memory_space<semaphore_mem>>)
      %dma_start3A_115 = arith.constant 7 : i32
      %dma_start3A_116 = arith.constant 7 : i32
      %dma_start3A_117 = arith.constant 7 : i32
      %dma_start3A_118 = arith.constant 0 : i32
      %dma_start3A_119 = arith.constant 0 : i32
      %dma_start3A_120 = tpu.memref_slice %arg11[%dma_start3A_116, %dma_start3A_118, %dma_start3A_119] : memref<8x128x16xf32, #tpu.memory_space<vmem>> -> memref<1x128x16xf32, #tpu.memory_space<vmem>>
      %dma_start3A_121 = tpu.memref_squeeze %dma_start3A_120 : memref<1x128x16xf32, #tpu.memory_space<vmem>> -> memref<128x16xf32, #tpu.memory_space<vmem>>
      %dma_start3A_122 = arith.constant 0 : i32
      %dma_start3A_123 = tpu.memref_slice %arg9[%dma_start3A_115, %dma_start3A_122] : memref<160x128xi32, #tpu.memory_space<vmem>> -> memref<1x128xi32, #tpu.memory_space<vmem>>
      %dma_start3A_124 = tpu.memref_squeeze %dma_start3A_123 : memref<1x128xi32, #tpu.memory_space<vmem>> -> memref<128xi32, #tpu.memory_space<vmem>>
      %dma_start3A_125 = arith.constant 0 : i32
      %dma_start3A_126 = arith.constant 0 : i32
      %dma_start3A_127 = tpu.memref_slice %arg2[%dma_start3A_125, %dma_start3A_126] : memref<11264x16xf32, #tpu.memory_space<hbm>> -> memref<11264x16xf32, #tpu.memory_space<hbm>>
      %dma_start3A_128 = tpu.memref_slice %arg12[%dma_start3A_117] : memref<8x!tpu.dma_semaphore, #tpu.memory_space<semaphore_mem>> -> memref<1x!tpu.dma_semaphore, #tpu.memory_space<semaphore_mem>>
      %dma_start3A_129 = tpu.memref_squeeze %dma_start3A_128 : memref<1x!tpu.dma_semaphore, #tpu.memory_space<semaphore_mem>> -> memref<!tpu.dma_semaphore, #tpu.memory_space<semaphore_mem>>
      tpu.enqueue_indirect_dma source(%dma_start3A_127 : memref<11264x16xf32, #tpu.memory_space<hbm>>) target(%dma_start3A_121 : memref<128x16xf32, #tpu.memory_space<vmem>>) offsets(%dma_start3A_124 : memref<128xi32, #tpu.memory_space<vmem>>) semaphore(%dma_start3A_129 : memref<!tpu.dma_semaphore, #tpu.memory_space<semaphore_mem>>)
      %scan3A = arith.constant 0 : i32
      %scan3A_130 = arith.constant 20 : i32
      %scan3A_131 = arith.addi %scan3A, %scan3A_130 : i32
      %scan3A_132 = arith.constant 1 : i32
      scf.for %scan3A_135 = %scan3A to %scan3A_131 step %scan3A_132  : i32 {
        %mul3A_136 = arith.constant 1 : i32
        %mul3A_137 = arith.muli %scan3A_135, %mul3A_136 : i32
        %add3A = arith.constant 0 : i32
        %add3A_138 = arith.addi %add3A, %mul3A_137 : i32
        %mul3A_139 = arith.constant 8 : i32
        %mul3A_140 = arith.muli %add3A_138, %mul3A_139 : i32
        %add3A_141 = arith.constant 0 : i32
        %add3A_142 = arith.addi %mul3A_140, %add3A_141 : i32
        %dma_wait3A = arith.constant 0 : i32
        %dma_wait3A_143 = arith.constant 0 : i32
        %dma_wait3A_144 = arith.constant 0 : i32
        %dma_wait3A_145 = arith.constant 0 : i32
        %dma_wait3A_146 = tpu.memref_slice %arg11[%dma_wait3A, %dma_wait3A_144, %dma_wait3A_145] : memref<8x128x16xf32, #tpu.memory_space<vmem>> -> memref<1x128x16xf32, #tpu.memory_space<vmem>>
        %dma_wait3A_147 = tpu.memref_squeeze %dma_wait3A_146 : memref<1x128x16xf32, #tpu.memory_space<vmem>> -> memref<128x16xf32, #tpu.memory_space<vmem>>
        %dma_wait3A_148 = arith.constant 0 : i32
        %dma_wait3A_149 = tpu.memref_slice %arg9[%add3A_142, %dma_wait3A_148] : memref<160x128xi32, #tpu.memory_space<vmem>> -> memref<1x128xi32, #tpu.memory_space<vmem>>
        %dma_wait3A_150 = tpu.memref_squeeze %dma_wait3A_149 : memref<1x128xi32, #tpu.memory_space<vmem>> -> memref<128xi32, #tpu.memory_space<vmem>>
        %dma_wait3A_151 = arith.constant 0 : i32
        %dma_wait3A_152 = arith.constant 0 : i32
        %dma_wait3A_153 = tpu.memref_slice %arg2[%dma_wait3A_151, %dma_wait3A_152] : memref<11264x16xf32, #tpu.memory_space<hbm>> -> memref<11264x16xf32, #tpu.memory_space<hbm>>
        %dma_wait3A_154 = tpu.memref_slice %arg12[%dma_wait3A_143] : memref<8x!tpu.dma_semaphore, #tpu.memory_space<semaphore_mem>> -> memref<1x!tpu.dma_semaphore, #tpu.memory_space<semaphore_mem>>
        %dma_wait3A_155 = tpu.memref_squeeze %dma_wait3A_154 : memref<1x!tpu.dma_semaphore, #tpu.memory_space<semaphore_mem>> -> memref<!tpu.dma_semaphore, #tpu.memory_space<semaphore_mem>>
        tpu.wait_indirect_dma semaphore(%dma_wait3A_155 : memref<!tpu.dma_semaphore, #tpu.memory_space<semaphore_mem>>) src(%dma_wait3A_153 : memref<11264x16xf32, #tpu.memory_space<hbm>>) dst(%dma_wait3A_147 : memref<128x16xf32, #tpu.memory_space<vmem>>)
        %run_scoped3A = arith.constant 0 : i32
        "tpu.region"() ({
          %run_scoped3A_344 = tpu.sem_alloc : memref<!tpu.dma_semaphore, #tpu.memory_space<semaphore_mem>>
          %dma_start3A_345 = arith.constant 0 : i32
          %dma_start3A_346 = arith.constant 0 : i32
          %dma_start3A_347 = tpu.memref_slice %arg11[%run_scoped3A, %dma_start3A_345, %dma_start3A_346] : memref<8x128x16xf32, #tpu.memory_space<vmem>> -> memref<1x128x16xf32, #tpu.memory_space<vmem>>
          %dma_start3A_348 = tpu.memref_squeeze %dma_start3A_347 : memref<1x128x16xf32, #tpu.memory_space<vmem>> -> memref<128x16xf32, #tpu.memory_space<vmem>>
          %dma_start3A_349 = arith.constant 0 : i32
          %dma_start3A_350 = tpu.memref_slice %arg10[%add3A_142, %dma_start3A_349] : memref<160x128xi32, #tpu.memory_space<vmem>> -> memref<1x128xi32, #tpu.memory_space<vmem>>
          %dma_start3A_351 = tpu.memref_squeeze %dma_start3A_350 : memref<1x128xi32, #tpu.memory_space<vmem>> -> memref<128xi32, #tpu.memory_space<vmem>>
          %dma_start3A_352 = arith.constant 0 : i32
          %dma_start3A_353 = arith.constant 0 : i32
          %dma_start3A_354 = tpu.memref_slice %arg8[%dma_start3A_352, %dma_start3A_353] : memref<11264x16xf32, #tpu.memory_space<vmem_shared>> -> memref<11264x16xf32, #tpu.memory_space<vmem_shared>>
          tpu.enqueue_indirect_dma source(%dma_start3A_348 : memref<128x16xf32, #tpu.memory_space<vmem>>) target(%dma_start3A_354 : memref<11264x16xf32, #tpu.memory_space<vmem_shared>>) offsets(%dma_start3A_351 : memref<128xi32, #tpu.memory_space<vmem>>) semaphore(%run_scoped3A_344 : memref<!tpu.dma_semaphore, #tpu.memory_space<semaphore_mem>>) {add = true}
          %dma_wait3A_355 = arith.constant 0 : i32
          %dma_wait3A_356 = arith.constant 0 : i32
          %dma_wait3A_357 = tpu.memref_slice %arg11[%run_scoped3A, %dma_wait3A_355, %dma_wait3A_356] : memref<8x128x16xf32, #tpu.memory_space<vmem>> -> memref<1x128x16xf32, #tpu.memory_space<vmem>>
          %dma_wait3A_358 = tpu.memref_squeeze %dma_wait3A_357 : memref<1x128x16xf32, #tpu.memory_space<vmem>> -> memref<128x16xf32, #tpu.memory_space<vmem>>
          %dma_wait3A_359 = arith.constant 0 : i32
          %dma_wait3A_360 = tpu.memref_slice %arg10[%add3A_142, %dma_wait3A_359] : memref<160x128xi32, #tpu.memory_space<vmem>> -> memref<1x128xi32, #tpu.memory_space<vmem>>
          %dma_wait3A_361 = tpu.memref_squeeze %dma_wait3A_360 : memref<1x128xi32, #tpu.memory_space<vmem>> -> memref<128xi32, #tpu.memory_space<vmem>>
          %dma_wait3A_362 = arith.constant 0 : i32
          %dma_wait3A_363 = arith.constant 0 : i32
          %dma_wait3A_364 = tpu.memref_slice %arg8[%dma_wait3A_362, %dma_wait3A_363] : memref<11264x16xf32, #tpu.memory_space<vmem_shared>> -> memref<11264x16xf32, #tpu.memory_space<vmem_shared>>
          tpu.wait_indirect_dma semaphore(%run_scoped3A_344 : memref<!tpu.dma_semaphore, #tpu.memory_space<semaphore_mem>>) src(%dma_wait3A_358 : memref<128x16xf32, #tpu.memory_space<vmem>>) dst(%dma_wait3A_364 : memref<11264x16xf32, #tpu.memory_space<vmem_shared>>)
          tpu.yield
        }) : () -> ()
        %add3A_156 = arith.constant 8 : i32
        %add3A_157 = arith.addi %add3A_142, %add3A_156 : i32
        %lt3A = arith.constant 160 : i32
        %lt3A_158 = arith.cmpi slt, %add3A_157, %lt3A : i32
        %convert_element_type3A_159 = arith.extui %lt3A_158 : i1 to i32
        %cond3A_160 = arith.constant 0 : i32
        %cond3A_161 = arith.cmpi ne, %convert_element_type3A_159, %cond3A_160 : i32
        scf.if %cond3A_161 {
          %add3A_344 = arith.constant 8 : i32
          %add3A_345 = arith.addi %add3A_142, %add3A_344 : i32
          %dma_start3A_346 = arith.constant 0 : i32
          %dma_start3A_347 = arith.constant 0 : i32
          %dma_start3A_348 = arith.constant 0 : i32
          %dma_start3A_349 = arith.constant 0 : i32
          %dma_start3A_350 = tpu.memref_slice %arg11[%dma_start3A_346, %dma_start3A_348, %dma_start3A_349] : memref<8x128x16xf32, #tpu.memory_space<vmem>> -> memref<1x128x16xf32, #tpu.memory_space<vmem>>
          %dma_start3A_351 = tpu.memref_squeeze %dma_start3A_350 : memref<1x128x16xf32, #tpu.memory_space<vmem>> -> memref<128x16xf32, #tpu.memory_space<vmem>>
          %dma_start3A_352 = arith.constant 0 : i32
          %dma_start3A_353 = tpu.memref_slice %arg9[%add3A_345, %dma_start3A_352] : memref<160x128xi32, #tpu.memory_space<vmem>> -> memref<1x128xi32, #tpu.memory_space<vmem>>
          %dma_start3A_354 = tpu.memref_squeeze %dma_start3A_353 : memref<1x128xi32, #tpu.memory_space<vmem>> -> memref<128xi32, #tpu.memory_space<vmem>>
          %dma_start3A_355 = arith.constant 0 : i32
          %dma_start3A_356 = arith.constant 0 : i32
          %dma_start3A_357 = tpu.memref_slice %arg2[%dma_start3A_355, %dma_start3A_356] : memref<11264x16xf32, #tpu.memory_space<hbm>> -> memref<11264x16xf32, #tpu.memory_space<hbm>>
          %dma_start3A_358 = tpu.memref_slice %arg12[%dma_start3A_347] : memref<8x!tpu.dma_semaphore, #tpu.memory_space<semaphore_mem>> -> memref<1x!tpu.dma_semaphore, #tpu.memory_space<semaphore_mem>>
          %dma_start3A_359 = tpu.memref_squeeze %dma_start3A_358 : memref<1x!tpu.dma_semaphore, #tpu.memory_space<semaphore_mem>> -> memref<!tpu.dma_semaphore, #tpu.memory_space<semaphore_mem>>
          tpu.enqueue_indirect_dma source(%dma_start3A_357 : memref<11264x16xf32, #tpu.memory_space<hbm>>) target(%dma_start3A_351 : memref<128x16xf32, #tpu.memory_space<vmem>>) offsets(%dma_start3A_354 : memref<128xi32, #tpu.memory_space<vmem>>) semaphore(%dma_start3A_359 : memref<!tpu.dma_semaphore, #tpu.memory_space<semaphore_mem>>)
        } else {
        }
        %mul3A_162 = arith.constant 8 : i32
        %mul3A_163 = arith.muli %add3A_138, %mul3A_162 : i32
        %add3A_164 = arith.constant 1 : i32
        %add3A_165 = arith.addi %mul3A_163, %add3A_164 : i32
        %dma_wait3A_166 = arith.constant 1 : i32
        %dma_wait3A_167 = arith.constant 1 : i32
        %dma_wait3A_168 = arith.constant 0 : i32
        %dma_wait3A_169 = arith.constant 0 : i32
        %dma_wait3A_170 = tpu.memref_slice %arg11[%dma_wait3A_166, %dma_wait3A_168, %dma_wait3A_169] : memref<8x128x16xf32, #tpu.memory_space<vmem>> -> memref<1x128x16xf32, #tpu.memory_space<vmem>>
        %dma_wait3A_171 = tpu.memref_squeeze %dma_wait3A_170 : memref<1x128x16xf32, #tpu.memory_space<vmem>> -> memref<128x16xf32, #tpu.memory_space<vmem>>
        %dma_wait3A_172 = arith.constant 0 : i32
        %dma_wait3A_173 = tpu.memref_slice %arg9[%add3A_165, %dma_wait3A_172] : memref<160x128xi32, #tpu.memory_space<vmem>> -> memref<1x128xi32, #tpu.memory_space<vmem>>
        %dma_wait3A_174 = tpu.memref_squeeze %dma_wait3A_173 : memref<1x128xi32, #tpu.memory_space<vmem>> -> memref<128xi32, #tpu.memory_space<vmem>>
        %dma_wait3A_175 = arith.constant 0 : i32
        %dma_wait3A_176 = arith.constant 0 : i32
        %dma_wait3A_177 = tpu.memref_slice %arg2[%dma_wait3A_175, %dma_wait3A_176] : memref<11264x16xf32, #tpu.memory_space<hbm>> -> memref<11264x16xf32, #tpu.memory_space<hbm>>
        %dma_wait3A_178 = tpu.memref_slice %arg12[%dma_wait3A_167] : memref<8x!tpu.dma_semaphore, #tpu.memory_space<semaphore_mem>> -> memref<1x!tpu.dma_semaphore, #tpu.memory_space<semaphore_mem>>
        %dma_wait3A_179 = tpu.memref_squeeze %dma_wait3A_178 : memref<1x!tpu.dma_semaphore, #tpu.memory_space<semaphore_mem>> -> memref<!tpu.dma_semaphore, #tpu.memory_space<semaphore_mem>>
        tpu.wait_indirect_dma semaphore(%dma_wait3A_179 : memref<!tpu.dma_semaphore, #tpu.memory_space<semaphore_mem>>) src(%dma_wait3A_177 : memref<11264x16xf32, #tpu.memory_space<hbm>>) dst(%dma_wait3A_171 : memref<128x16xf32, #tpu.memory_space<vmem>>)
        %run_scoped3A_180 = arith.constant 1 : i32
        "tpu.region"() ({
          %run_scoped3A_344 = tpu.sem_alloc : memref<!tpu.dma_semaphore, #tpu.memory_space<semaphore_mem>>
          %dma_start3A_345 = arith.constant 0 : i32
          %dma_start3A_346 = arith.constant 0 : i32
          %dma_start3A_347 = tpu.memref_slice %arg11[%run_scoped3A_180, %dma_start3A_345, %dma_start3A_346] : memref<8x128x16xf32, #tpu.memory_space<vmem>> -> memref<1x128x16xf32, #tpu.memory_space<vmem>>
          %dma_start3A_348 = tpu.memref_squeeze %dma_start3A_347 : memref<1x128x16xf32, #tpu.memory_space<vmem>> -> memref<128x16xf32, #tpu.memory_space<vmem>>
          %dma_start3A_349 = arith.constant 0 : i32
          %dma_start3A_350 = tpu.memref_slice %arg10[%add3A_165, %dma_start3A_349] : memref<160x128xi32, #tpu.memory_space<vmem>> -> memref<1x128xi32, #tpu.memory_space<vmem>>
          %dma_start3A_351 = tpu.memref_squeeze %dma_start3A_350 : memref<1x128xi32, #tpu.memory_space<vmem>> -> memref<128xi32, #tpu.memory_space<vmem>>
          %dma_start3A_352 = arith.constant 0 : i32
          %dma_start3A_353 = arith.constant 0 : i32
          %dma_start3A_354 = tpu.memref_slice %arg8[%dma_start3A_352, %dma_start3A_353] : memref<11264x16xf32, #tpu.memory_space<vmem_shared>> -> memref<11264x16xf32, #tpu.memory_space<vmem_shared>>
          tpu.enqueue_indirect_dma source(%dma_start3A_348 : memref<128x16xf32, #tpu.memory_space<vmem>>) target(%dma_start3A_354 : memref<11264x16xf32, #tpu.memory_space<vmem_shared>>) offsets(%dma_start3A_351 : memref<128xi32, #tpu.memory_space<vmem>>) semaphore(%run_scoped3A_344 : memref<!tpu.dma_semaphore, #tpu.memory_space<semaphore_mem>>) {add = true}
          %dma_wait3A_355 = arith.constant 0 : i32
          %dma_wait3A_356 = arith.constant 0 : i32
          %dma_wait3A_357 = tpu.memref_slice %arg11[%run_scoped3A_180, %dma_wait3A_355, %dma_wait3A_356] : memref<8x128x16xf32, #tpu.memory_space<vmem>> -> memref<1x128x16xf32, #tpu.memory_space<vmem>>
          %dma_wait3A_358 = tpu.memref_squeeze %dma_wait3A_357 : memref<1x128x16xf32, #tpu.memory_space<vmem>> -> memref<128x16xf32, #tpu.memory_space<vmem>>
          %dma_wait3A_359 = arith.constant 0 : i32
          %dma_wait3A_360 = tpu.memref_slice %arg10[%add3A_165, %dma_wait3A_359] : memref<160x128xi32, #tpu.memory_space<vmem>> -> memref<1x128xi32, #tpu.memory_space<vmem>>
          %dma_wait3A_361 = tpu.memref_squeeze %dma_wait3A_360 : memref<1x128xi32, #tpu.memory_space<vmem>> -> memref<128xi32, #tpu.memory_space<vmem>>
          %dma_wait3A_362 = arith.constant 0 : i32
          %dma_wait3A_363 = arith.constant 0 : i32
          %dma_wait3A_364 = tpu.memref_slice %arg8[%dma_wait3A_362, %dma_wait3A_363] : memref<11264x16xf32, #tpu.memory_space<vmem_shared>> -> memref<11264x16xf32, #tpu.memory_space<vmem_shared>>
          tpu.wait_indirect_dma semaphore(%run_scoped3A_344 : memref<!tpu.dma_semaphore, #tpu.memory_space<semaphore_mem>>) src(%dma_wait3A_358 : memref<128x16xf32, #tpu.memory_space<vmem>>) dst(%dma_wait3A_364 : memref<11264x16xf32, #tpu.memory_space<vmem_shared>>)
          tpu.yield
        }) : () -> ()
        %add3A_181 = arith.constant 8 : i32
        %add3A_182 = arith.addi %add3A_165, %add3A_181 : i32
        %lt3A_183 = arith.constant 160 : i32
        %lt3A_184 = arith.cmpi slt, %add3A_182, %lt3A_183 : i32
        %convert_element_type3A_185 = arith.extui %lt3A_184 : i1 to i32
        %cond3A_186 = arith.constant 0 : i32
        %cond3A_187 = arith.cmpi ne, %convert_element_type3A_185, %cond3A_186 : i32
        scf.if %cond3A_187 {
          %add3A_344 = arith.constant 8 : i32
          %add3A_345 = arith.addi %add3A_165, %add3A_344 : i32
          %dma_start3A_346 = arith.constant 1 : i32
          %dma_start3A_347 = arith.constant 1 : i32
          %dma_start3A_348 = arith.constant 0 : i32
          %dma_start3A_349 = arith.constant 0 : i32
          %dma_start3A_350 = tpu.memref_slice %arg11[%dma_start3A_346, %dma_start3A_348, %dma_start3A_349] : memref<8x128x16xf32, #tpu.memory_space<vmem>> -> memref<1x128x16xf32, #tpu.memory_space<vmem>>
          %dma_start3A_351 = tpu.memref_squeeze %dma_start3A_350 : memref<1x128x16xf32, #tpu.memory_space<vmem>> -> memref<128x16xf32, #tpu.memory_space<vmem>>
          %dma_start3A_352 = arith.constant 0 : i32
          %dma_start3A_353 = tpu.memref_slice %arg9[%add3A_345, %dma_start3A_352] : memref<160x128xi32, #tpu.memory_space<vmem>> -> memref<1x128xi32, #tpu.memory_space<vmem>>
          %dma_start3A_354 = tpu.memref_squeeze %dma_start3A_353 : memref<1x128xi32, #tpu.memory_space<vmem>> -> memref<128xi32, #tpu.memory_space<vmem>>
          %dma_start3A_355 = arith.constant 0 : i32
          %dma_start3A_356 = arith.constant 0 : i32
          %dma_start3A_357 = tpu.memref_slice %arg2[%dma_start3A_355, %dma_start3A_356] : memref<11264x16xf32, #tpu.memory_space<hbm>> -> memref<11264x16xf32, #tpu.memory_space<hbm>>
          %dma_start3A_358 = tpu.memref_slice %arg12[%dma_start3A_347] : memref<8x!tpu.dma_semaphore, #tpu.memory_space<semaphore_mem>> -> memref<1x!tpu.dma_semaphore, #tpu.memory_space<semaphore_mem>>
          %dma_start3A_359 = tpu.memref_squeeze %dma_start3A_358 : memref<1x!tpu.dma_semaphore, #tpu.memory_space<semaphore_mem>> -> memref<!tpu.dma_semaphore, #tpu.memory_space<semaphore_mem>>
          tpu.enqueue_indirect_dma source(%dma_start3A_357 : memref<11264x16xf32, #tpu.memory_space<hbm>>) target(%dma_start3A_351 : memref<128x16xf32, #tpu.memory_space<vmem>>) offsets(%dma_start3A_354 : memref<128xi32, #tpu.memory_space<vmem>>) semaphore(%dma_start3A_359 : memref<!tpu.dma_semaphore, #tpu.memory_space<semaphore_mem>>)
        } else {
        }
        %mul3A_188 = arith.constant 8 : i32
        %mul3A_189 = arith.muli %add3A_138, %mul3A_188 : i32
        %add3A_190 = arith.constant 2 : i32
        %add3A_191 = arith.addi %mul3A_189, %add3A_190 : i32
        %dma_wait3A_192 = arith.constant 2 : i32
        %dma_wait3A_193 = arith.constant 2 : i32
        %dma_wait3A_194 = arith.constant 0 : i32
        %dma_wait3A_195 = arith.constant 0 : i32
        %dma_wait3A_196 = tpu.memref_slice %arg11[%dma_wait3A_192, %dma_wait3A_194, %dma_wait3A_195] : memref<8x128x16xf32, #tpu.memory_space<vmem>> -> memref<1x128x16xf32, #tpu.memory_space<vmem>>
        %dma_wait3A_197 = tpu.memref_squeeze %dma_wait3A_196 : memref<1x128x16xf32, #tpu.memory_space<vmem>> -> memref<128x16xf32, #tpu.memory_space<vmem>>
        %dma_wait3A_198 = arith.constant 0 : i32
        %dma_wait3A_199 = tpu.memref_slice %arg9[%add3A_191, %dma_wait3A_198] : memref<160x128xi32, #tpu.memory_space<vmem>> -> memref<1x128xi32, #tpu.memory_space<vmem>>
        %dma_wait3A_200 = tpu.memref_squeeze %dma_wait3A_199 : memref<1x128xi32, #tpu.memory_space<vmem>> -> memref<128xi32, #tpu.memory_space<vmem>>
        %dma_wait3A_201 = arith.constant 0 : i32
        %dma_wait3A_202 = arith.constant 0 : i32
        %dma_wait3A_203 = tpu.memref_slice %arg2[%dma_wait3A_201, %dma_wait3A_202] : memref<11264x16xf32, #tpu.memory_space<hbm>> -> memref<11264x16xf32, #tpu.memory_space<hbm>>
        %dma_wait3A_204 = tpu.memref_slice %arg12[%dma_wait3A_193] : memref<8x!tpu.dma_semaphore, #tpu.memory_space<semaphore_mem>> -> memref<1x!tpu.dma_semaphore, #tpu.memory_space<semaphore_mem>>
        %dma_wait3A_205 = tpu.memref_squeeze %dma_wait3A_204 : memref<1x!tpu.dma_semaphore, #tpu.memory_space<semaphore_mem>> -> memref<!tpu.dma_semaphore, #tpu.memory_space<semaphore_mem>>
        tpu.wait_indirect_dma semaphore(%dma_wait3A_205 : memref<!tpu.dma_semaphore, #tpu.memory_space<semaphore_mem>>) src(%dma_wait3A_203 : memref<11264x16xf32, #tpu.memory_space<hbm>>) dst(%dma_wait3A_197 : memref<128x16xf32, #tpu.memory_space<vmem>>)
        %run_scoped3A_206 = arith.constant 2 : i32
        "tpu.region"() ({
          %run_scoped3A_344 = tpu.sem_alloc : memref<!tpu.dma_semaphore, #tpu.memory_space<semaphore_mem>>
          %dma_start3A_345 = arith.constant 0 : i32
          %dma_start3A_346 = arith.constant 0 : i32
          %dma_start3A_347 = tpu.memref_slice %arg11[%run_scoped3A_206, %dma_start3A_345, %dma_start3A_346] : memref<8x128x16xf32, #tpu.memory_space<vmem>> -> memref<1x128x16xf32, #tpu.memory_space<vmem>>
          %dma_start3A_348 = tpu.memref_squeeze %dma_start3A_347 : memref<1x128x16xf32, #tpu.memory_space<vmem>> -> memref<128x16xf32, #tpu.memory_space<vmem>>
          %dma_start3A_349 = arith.constant 0 : i32
          %dma_start3A_350 = tpu.memref_slice %arg10[%add3A_191, %dma_start3A_349] : memref<160x128xi32, #tpu.memory_space<vmem>> -> memref<1x128xi32, #tpu.memory_space<vmem>>
          %dma_start3A_351 = tpu.memref_squeeze %dma_start3A_350 : memref<1x128xi32, #tpu.memory_space<vmem>> -> memref<128xi32, #tpu.memory_space<vmem>>
          %dma_start3A_352 = arith.constant 0 : i32
          %dma_start3A_353 = arith.constant 0 : i32
          %dma_start3A_354 = tpu.memref_slice %arg8[%dma_start3A_352, %dma_start3A_353] : memref<11264x16xf32, #tpu.memory_space<vmem_shared>> -> memref<11264x16xf32, #tpu.memory_space<vmem_shared>>
          tpu.enqueue_indirect_dma source(%dma_start3A_348 : memref<128x16xf32, #tpu.memory_space<vmem>>) target(%dma_start3A_354 : memref<11264x16xf32, #tpu.memory_space<vmem_shared>>) offsets(%dma_start3A_351 : memref<128xi32, #tpu.memory_space<vmem>>) semaphore(%run_scoped3A_344 : memref<!tpu.dma_semaphore, #tpu.memory_space<semaphore_mem>>) {add = true}
          %dma_wait3A_355 = arith.constant 0 : i32
          %dma_wait3A_356 = arith.constant 0 : i32
          %dma_wait3A_357 = tpu.memref_slice %arg11[%run_scoped3A_206, %dma_wait3A_355, %dma_wait3A_356] : memref<8x128x16xf32, #tpu.memory_space<vmem>> -> memref<1x128x16xf32, #tpu.memory_space<vmem>>
          %dma_wait3A_358 = tpu.memref_squeeze %dma_wait3A_357 : memref<1x128x16xf32, #tpu.memory_space<vmem>> -> memref<128x16xf32, #tpu.memory_space<vmem>>
          %dma_wait3A_359 = arith.constant 0 : i32
          %dma_wait3A_360 = tpu.memref_slice %arg10[%add3A_191, %dma_wait3A_359] : memref<160x128xi32, #tpu.memory_space<vmem>> -> memref<1x128xi32, #tpu.memory_space<vmem>>
          %dma_wait3A_361 = tpu.memref_squeeze %dma_wait3A_360 : memref<1x128xi32, #tpu.memory_space<vmem>> -> memref<128xi32, #tpu.memory_space<vmem>>
          %dma_wait3A_362 = arith.constant 0 : i32
          %dma_wait3A_363 = arith.constant 0 : i32
          %dma_wait3A_364 = tpu.memref_slice %arg8[%dma_wait3A_362, %dma_wait3A_363] : memref<11264x16xf32, #tpu.memory_space<vmem_shared>> -> memref<11264x16xf32, #tpu.memory_space<vmem_shared>>
          tpu.wait_indirect_dma semaphore(%run_scoped3A_344 : memref<!tpu.dma_semaphore, #tpu.memory_space<semaphore_mem>>) src(%dma_wait3A_358 : memref<128x16xf32, #tpu.memory_space<vmem>>) dst(%dma_wait3A_364 : memref<11264x16xf32, #tpu.memory_space<vmem_shared>>)
          tpu.yield
        }) : () -> ()
        %add3A_207 = arith.constant 8 : i32
        %add3A_208 = arith.addi %add3A_191, %add3A_207 : i32
        %lt3A_209 = arith.constant 160 : i32
        %lt3A_210 = arith.cmpi slt, %add3A_208, %lt3A_209 : i32
        %convert_element_type3A_211 = arith.extui %lt3A_210 : i1 to i32
        %cond3A_212 = arith.constant 0 : i32
        %cond3A_213 = arith.cmpi ne, %convert_element_type3A_211, %cond3A_212 : i32
        scf.if %cond3A_213 {
          %add3A_344 = arith.constant 8 : i32
          %add3A_345 = arith.addi %add3A_191, %add3A_344 : i32
          %dma_start3A_346 = arith.constant 2 : i32
          %dma_start3A_347 = arith.constant 2 : i32
          %dma_start3A_348 = arith.constant 0 : i32
          %dma_start3A_349 = arith.constant 0 : i32
          %dma_start3A_350 = tpu.memref_slice %arg11[%dma_start3A_346, %dma_start3A_348, %dma_start3A_349] : memref<8x128x16xf32, #tpu.memory_space<vmem>> -> memref<1x128x16xf32, #tpu.memory_space<vmem>>
          %dma_start3A_351 = tpu.memref_squeeze %dma_start3A_350 : memref<1x128x16xf32, #tpu.memory_space<vmem>> -> memref<128x16xf32, #tpu.memory_space<vmem>>
          %dma_start3A_352 = arith.constant 0 : i32
          %dma_start3A_353 = tpu.memref_slice %arg9[%add3A_345, %dma_start3A_352] : memref<160x128xi32, #tpu.memory_space<vmem>> -> memref<1x128xi32, #tpu.memory_space<vmem>>
          %dma_start3A_354 = tpu.memref_squeeze %dma_start3A_353 : memref<1x128xi32, #tpu.memory_space<vmem>> -> memref<128xi32, #tpu.memory_space<vmem>>
          %dma_start3A_355 = arith.constant 0 : i32
          %dma_start3A_356 = arith.constant 0 : i32
          %dma_start3A_357 = tpu.memref_slice %arg2[%dma_start3A_355, %dma_start3A_356] : memref<11264x16xf32, #tpu.memory_space<hbm>> -> memref<11264x16xf32, #tpu.memory_space<hbm>>
          %dma_start3A_358 = tpu.memref_slice %arg12[%dma_start3A_347] : memref<8x!tpu.dma_semaphore, #tpu.memory_space<semaphore_mem>> -> memref<1x!tpu.dma_semaphore, #tpu.memory_space<semaphore_mem>>
          %dma_start3A_359 = tpu.memref_squeeze %dma_start3A_358 : memref<1x!tpu.dma_semaphore, #tpu.memory_space<semaphore_mem>> -> memref<!tpu.dma_semaphore, #tpu.memory_space<semaphore_mem>>
          tpu.enqueue_indirect_dma source(%dma_start3A_357 : memref<11264x16xf32, #tpu.memory_space<hbm>>) target(%dma_start3A_351 : memref<128x16xf32, #tpu.memory_space<vmem>>) offsets(%dma_start3A_354 : memref<128xi32, #tpu.memory_space<vmem>>) semaphore(%dma_start3A_359 : memref<!tpu.dma_semaphore, #tpu.memory_space<semaphore_mem>>)
        } else {
        }
        %mul3A_214 = arith.constant 8 : i32
        %mul3A_215 = arith.muli %add3A_138, %mul3A_214 : i32
        %add3A_216 = arith.constant 3 : i32
        %add3A_217 = arith.addi %mul3A_215, %add3A_216 : i32
        %dma_wait3A_218 = arith.constant 3 : i32
        %dma_wait3A_219 = arith.constant 3 : i32
        %dma_wait3A_220 = arith.constant 0 : i32
        %dma_wait3A_221 = arith.constant 0 : i32
        %dma_wait3A_222 = tpu.memref_slice %arg11[%dma_wait3A_218, %dma_wait3A_220, %dma_wait3A_221] : memref<8x128x16xf32, #tpu.memory_space<vmem>> -> memref<1x128x16xf32, #tpu.memory_space<vmem>>
        %dma_wait3A_223 = tpu.memref_squeeze %dma_wait3A_222 : memref<1x128x16xf32, #tpu.memory_space<vmem>> -> memref<128x16xf32, #tpu.memory_space<vmem>>
        %dma_wait3A_224 = arith.constant 0 : i32
        %dma_wait3A_225 = tpu.memref_slice %arg9[%add3A_217, %dma_wait3A_224] : memref<160x128xi32, #tpu.memory_space<vmem>> -> memref<1x128xi32, #tpu.memory_space<vmem>>
        %dma_wait3A_226 = tpu.memref_squeeze %dma_wait3A_225 : memref<1x128xi32, #tpu.memory_space<vmem>> -> memref<128xi32, #tpu.memory_space<vmem>>
        %dma_wait3A_227 = arith.constant 0 : i32
        %dma_wait3A_228 = arith.constant 0 : i32
        %dma_wait3A_229 = tpu.memref_slice %arg2[%dma_wait3A_227, %dma_wait3A_228] : memref<11264x16xf32, #tpu.memory_space<hbm>> -> memref<11264x16xf32, #tpu.memory_space<hbm>>
        %dma_wait3A_230 = tpu.memref_slice %arg12[%dma_wait3A_219] : memref<8x!tpu.dma_semaphore, #tpu.memory_space<semaphore_mem>> -> memref<1x!tpu.dma_semaphore, #tpu.memory_space<semaphore_mem>>
        %dma_wait3A_231 = tpu.memref_squeeze %dma_wait3A_230 : memref<1x!tpu.dma_semaphore, #tpu.memory_space<semaphore_mem>> -> memref<!tpu.dma_semaphore, #tpu.memory_space<semaphore_mem>>
        tpu.wait_indirect_dma semaphore(%dma_wait3A_231 : memref<!tpu.dma_semaphore, #tpu.memory_space<semaphore_mem>>) src(%dma_wait3A_229 : memref<11264x16xf32, #tpu.memory_space<hbm>>) dst(%dma_wait3A_223 : memref<128x16xf32, #tpu.memory_space<vmem>>)
        %run_scoped3A_232 = arith.constant 3 : i32
        "tpu.region"() ({
          %run_scoped3A_344 = tpu.sem_alloc : memref<!tpu.dma_semaphore, #tpu.memory_space<semaphore_mem>>
          %dma_start3A_345 = arith.constant 0 : i32
          %dma_start3A_346 = arith.constant 0 : i32
          %dma_start3A_347 = tpu.memref_slice %arg11[%run_scoped3A_232, %dma_start3A_345, %dma_start3A_346] : memref<8x128x16xf32, #tpu.memory_space<vmem>> -> memref<1x128x16xf32, #tpu.memory_space<vmem>>
          %dma_start3A_348 = tpu.memref_squeeze %dma_start3A_347 : memref<1x128x16xf32, #tpu.memory_space<vmem>> -> memref<128x16xf32, #tpu.memory_space<vmem>>
          %dma_start3A_349 = arith.constant 0 : i32
          %dma_start3A_350 = tpu.memref_slice %arg10[%add3A_217, %dma_start3A_349] : memref<160x128xi32, #tpu.memory_space<vmem>> -> memref<1x128xi32, #tpu.memory_space<vmem>>
          %dma_start3A_351 = tpu.memref_squeeze %dma_start3A_350 : memref<1x128xi32, #tpu.memory_space<vmem>> -> memref<128xi32, #tpu.memory_space<vmem>>
          %dma_start3A_352 = arith.constant 0 : i32
          %dma_start3A_353 = arith.constant 0 : i32
          %dma_start3A_354 = tpu.memref_slice %arg8[%dma_start3A_352, %dma_start3A_353] : memref<11264x16xf32, #tpu.memory_space<vmem_shared>> -> memref<11264x16xf32, #tpu.memory_space<vmem_shared>>
          tpu.enqueue_indirect_dma source(%dma_start3A_348 : memref<128x16xf32, #tpu.memory_space<vmem>>) target(%dma_start3A_354 : memref<11264x16xf32, #tpu.memory_space<vmem_shared>>) offsets(%dma_start3A_351 : memref<128xi32, #tpu.memory_space<vmem>>) semaphore(%run_scoped3A_344 : memref<!tpu.dma_semaphore, #tpu.memory_space<semaphore_mem>>) {add = true}
          %dma_wait3A_355 = arith.constant 0 : i32
          %dma_wait3A_356 = arith.constant 0 : i32
          %dma_wait3A_357 = tpu.memref_slice %arg11[%run_scoped3A_232, %dma_wait3A_355, %dma_wait3A_356] : memref<8x128x16xf32, #tpu.memory_space<vmem>> -> memref<1x128x16xf32, #tpu.memory_space<vmem>>
          %dma_wait3A_358 = tpu.memref_squeeze %dma_wait3A_357 : memref<1x128x16xf32, #tpu.memory_space<vmem>> -> memref<128x16xf32, #tpu.memory_space<vmem>>
          %dma_wait3A_359 = arith.constant 0 : i32
          %dma_wait3A_360 = tpu.memref_slice %arg10[%add3A_217, %dma_wait3A_359] : memref<160x128xi32, #tpu.memory_space<vmem>> -> memref<1x128xi32, #tpu.memory_space<vmem>>
          %dma_wait3A_361 = tpu.memref_squeeze %dma_wait3A_360 : memref<1x128xi32, #tpu.memory_space<vmem>> -> memref<128xi32, #tpu.memory_space<vmem>>
          %dma_wait3A_362 = arith.constant 0 : i32
          %dma_wait3A_363 = arith.constant 0 : i32
          %dma_wait3A_364 = tpu.memref_slice %arg8[%dma_wait3A_362, %dma_wait3A_363] : memref<11264x16xf32, #tpu.memory_space<vmem_shared>> -> memref<11264x16xf32, #tpu.memory_space<vmem_shared>>
          tpu.wait_indirect_dma semaphore(%run_scoped3A_344 : memref<!tpu.dma_semaphore, #tpu.memory_space<semaphore_mem>>) src(%dma_wait3A_358 : memref<128x16xf32, #tpu.memory_space<vmem>>) dst(%dma_wait3A_364 : memref<11264x16xf32, #tpu.memory_space<vmem_shared>>)
          tpu.yield
        }) : () -> ()
        %add3A_233 = arith.constant 8 : i32
        %add3A_234 = arith.addi %add3A_217, %add3A_233 : i32
        %lt3A_235 = arith.constant 160 : i32
        %lt3A_236 = arith.cmpi slt, %add3A_234, %lt3A_235 : i32
        %convert_element_type3A_237 = arith.extui %lt3A_236 : i1 to i32
        %cond3A_238 = arith.constant 0 : i32
        %cond3A_239 = arith.cmpi ne, %convert_element_type3A_237, %cond3A_238 : i32
        scf.if %cond3A_239 {
          %add3A_344 = arith.constant 8 : i32
          %add3A_345 = arith.addi %add3A_217, %add3A_344 : i32
          %dma_start3A_346 = arith.constant 3 : i32
          %dma_start3A_347 = arith.constant 3 : i32
          %dma_start3A_348 = arith.constant 0 : i32
          %dma_start3A_349 = arith.constant 0 : i32
          %dma_start3A_350 = tpu.memref_slice %arg11[%dma_start3A_346, %dma_start3A_348, %dma_start3A_349] : memref<8x128x16xf32, #tpu.memory_space<vmem>> -> memref<1x128x16xf32, #tpu.memory_space<vmem>>
          %dma_start3A_351 = tpu.memref_squeeze %dma_start3A_350 : memref<1x128x16xf32, #tpu.memory_space<vmem>> -> memref<128x16xf32, #tpu.memory_space<vmem>>
          %dma_start3A_352 = arith.constant 0 : i32
          %dma_start3A_353 = tpu.memref_slice %arg9[%add3A_345, %dma_start3A_352] : memref<160x128xi32, #tpu.memory_space<vmem>> -> memref<1x128xi32, #tpu.memory_space<vmem>>
          %dma_start3A_354 = tpu.memref_squeeze %dma_start3A_353 : memref<1x128xi32, #tpu.memory_space<vmem>> -> memref<128xi32, #tpu.memory_space<vmem>>
          %dma_start3A_355 = arith.constant 0 : i32
          %dma_start3A_356 = arith.constant 0 : i32
          %dma_start3A_357 = tpu.memref_slice %arg2[%dma_start3A_355, %dma_start3A_356] : memref<11264x16xf32, #tpu.memory_space<hbm>> -> memref<11264x16xf32, #tpu.memory_space<hbm>>
          %dma_start3A_358 = tpu.memref_slice %arg12[%dma_start3A_347] : memref<8x!tpu.dma_semaphore, #tpu.memory_space<semaphore_mem>> -> memref<1x!tpu.dma_semaphore, #tpu.memory_space<semaphore_mem>>
          %dma_start3A_359 = tpu.memref_squeeze %dma_start3A_358 : memref<1x!tpu.dma_semaphore, #tpu.memory_space<semaphore_mem>> -> memref<!tpu.dma_semaphore, #tpu.memory_space<semaphore_mem>>
          tpu.enqueue_indirect_dma source(%dma_start3A_357 : memref<11264x16xf32, #tpu.memory_space<hbm>>) target(%dma_start3A_351 : memref<128x16xf32, #tpu.memory_space<vmem>>) offsets(%dma_start3A_354 : memref<128xi32, #tpu.memory_space<vmem>>) semaphore(%dma_start3A_359 : memref<!tpu.dma_semaphore, #tpu.memory_space<semaphore_mem>>)
        } else {
        }
        %mul3A_240 = arith.constant 8 : i32
        %mul3A_241 = arith.muli %add3A_138, %mul3A_240 : i32
        %add3A_242 = arith.constant 4 : i32
        %add3A_243 = arith.addi %mul3A_241, %add3A_242 : i32
        %dma_wait3A_244 = arith.constant 4 : i32
        %dma_wait3A_245 = arith.constant 4 : i32
        %dma_wait3A_246 = arith.constant 0 : i32
        %dma_wait3A_247 = arith.constant 0 : i32
        %dma_wait3A_248 = tpu.memref_slice %arg11[%dma_wait3A_244, %dma_wait3A_246, %dma_wait3A_247] : memref<8x128x16xf32, #tpu.memory_space<vmem>> -> memref<1x128x16xf32, #tpu.memory_space<vmem>>
        %dma_wait3A_249 = tpu.memref_squeeze %dma_wait3A_248 : memref<1x128x16xf32, #tpu.memory_space<vmem>> -> memref<128x16xf32, #tpu.memory_space<vmem>>
        %dma_wait3A_250 = arith.constant 0 : i32
        %dma_wait3A_251 = tpu.memref_slice %arg9[%add3A_243, %dma_wait3A_250] : memref<160x128xi32, #tpu.memory_space<vmem>> -> memref<1x128xi32, #tpu.memory_space<vmem>>
        %dma_wait3A_252 = tpu.memref_squeeze %dma_wait3A_251 : memref<1x128xi32, #tpu.memory_space<vmem>> -> memref<128xi32, #tpu.memory_space<vmem>>
        %dma_wait3A_253 = arith.constant 0 : i32
        %dma_wait3A_254 = arith.constant 0 : i32
        %dma_wait3A_255 = tpu.memref_slice %arg2[%dma_wait3A_253, %dma_wait3A_254] : memref<11264x16xf32, #tpu.memory_space<hbm>> -> memref<11264x16xf32, #tpu.memory_space<hbm>>
        %dma_wait3A_256 = tpu.memref_slice %arg12[%dma_wait3A_245] : memref<8x!tpu.dma_semaphore, #tpu.memory_space<semaphore_mem>> -> memref<1x!tpu.dma_semaphore, #tpu.memory_space<semaphore_mem>>
        %dma_wait3A_257 = tpu.memref_squeeze %dma_wait3A_256 : memref<1x!tpu.dma_semaphore, #tpu.memory_space<semaphore_mem>> -> memref<!tpu.dma_semaphore, #tpu.memory_space<semaphore_mem>>
        tpu.wait_indirect_dma semaphore(%dma_wait3A_257 : memref<!tpu.dma_semaphore, #tpu.memory_space<semaphore_mem>>) src(%dma_wait3A_255 : memref<11264x16xf32, #tpu.memory_space<hbm>>) dst(%dma_wait3A_249 : memref<128x16xf32, #tpu.memory_space<vmem>>)
        %run_scoped3A_258 = arith.constant 4 : i32
        "tpu.region"() ({
          %run_scoped3A_344 = tpu.sem_alloc : memref<!tpu.dma_semaphore, #tpu.memory_space<semaphore_mem>>
          %dma_start3A_345 = arith.constant 0 : i32
          %dma_start3A_346 = arith.constant 0 : i32
          %dma_start3A_347 = tpu.memref_slice %arg11[%run_scoped3A_258, %dma_start3A_345, %dma_start3A_346] : memref<8x128x16xf32, #tpu.memory_space<vmem>> -> memref<1x128x16xf32, #tpu.memory_space<vmem>>
          %dma_start3A_348 = tpu.memref_squeeze %dma_start3A_347 : memref<1x128x16xf32, #tpu.memory_space<vmem>> -> memref<128x16xf32, #tpu.memory_space<vmem>>
          %dma_start3A_349 = arith.constant 0 : i32
          %dma_start3A_350 = tpu.memref_slice %arg10[%add3A_243, %dma_start3A_349] : memref<160x128xi32, #tpu.memory_space<vmem>> -> memref<1x128xi32, #tpu.memory_space<vmem>>
          %dma_start3A_351 = tpu.memref_squeeze %dma_start3A_350 : memref<1x128xi32, #tpu.memory_space<vmem>> -> memref<128xi32, #tpu.memory_space<vmem>>
          %dma_start3A_352 = arith.constant 0 : i32
          %dma_start3A_353 = arith.constant 0 : i32
          %dma_start3A_354 = tpu.memref_slice %arg8[%dma_start3A_352, %dma_start3A_353] : memref<11264x16xf32, #tpu.memory_space<vmem_shared>> -> memref<11264x16xf32, #tpu.memory_space<vmem_shared>>
          tpu.enqueue_indirect_dma source(%dma_start3A_348 : memref<128x16xf32, #tpu.memory_space<vmem>>) target(%dma_start3A_354 : memref<11264x16xf32, #tpu.memory_space<vmem_shared>>) offsets(%dma_start3A_351 : memref<128xi32, #tpu.memory_space<vmem>>) semaphore(%run_scoped3A_344 : memref<!tpu.dma_semaphore, #tpu.memory_space<semaphore_mem>>) {add = true}
          %dma_wait3A_355 = arith.constant 0 : i32
          %dma_wait3A_356 = arith.constant 0 : i32
          %dma_wait3A_357 = tpu.memref_slice %arg11[%run_scoped3A_258, %dma_wait3A_355, %dma_wait3A_356] : memref<8x128x16xf32, #tpu.memory_space<vmem>> -> memref<1x128x16xf32, #tpu.memory_space<vmem>>
          %dma_wait3A_358 = tpu.memref_squeeze %dma_wait3A_357 : memref<1x128x16xf32, #tpu.memory_space<vmem>> -> memref<128x16xf32, #tpu.memory_space<vmem>>
          %dma_wait3A_359 = arith.constant 0 : i32
          %dma_wait3A_360 = tpu.memref_slice %arg10[%add3A_243, %dma_wait3A_359] : memref<160x128xi32, #tpu.memory_space<vmem>> -> memref<1x128xi32, #tpu.memory_space<vmem>>
          %dma_wait3A_361 = tpu.memref_squeeze %dma_wait3A_360 : memref<1x128xi32, #tpu.memory_space<vmem>> -> memref<128xi32, #tpu.memory_space<vmem>>
          %dma_wait3A_362 = arith.constant 0 : i32
          %dma_wait3A_363 = arith.constant 0 : i32
          %dma_wait3A_364 = tpu.memref_slice %arg8[%dma_wait3A_362, %dma_wait3A_363] : memref<11264x16xf32, #tpu.memory_space<vmem_shared>> -> memref<11264x16xf32, #tpu.memory_space<vmem_shared>>
          tpu.wait_indirect_dma semaphore(%run_scoped3A_344 : memref<!tpu.dma_semaphore, #tpu.memory_space<semaphore_mem>>) src(%dma_wait3A_358 : memref<128x16xf32, #tpu.memory_space<vmem>>) dst(%dma_wait3A_364 : memref<11264x16xf32, #tpu.memory_space<vmem_shared>>)
          tpu.yield
        }) : () -> ()
        %add3A_259 = arith.constant 8 : i32
        %add3A_260 = arith.addi %add3A_243, %add3A_259 : i32
        %lt3A_261 = arith.constant 160 : i32
        %lt3A_262 = arith.cmpi slt, %add3A_260, %lt3A_261 : i32
        %convert_element_type3A_263 = arith.extui %lt3A_262 : i1 to i32
        %cond3A_264 = arith.constant 0 : i32
        %cond3A_265 = arith.cmpi ne, %convert_element_type3A_263, %cond3A_264 : i32
        scf.if %cond3A_265 {
          %add3A_344 = arith.constant 8 : i32
          %add3A_345 = arith.addi %add3A_243, %add3A_344 : i32
          %dma_start3A_346 = arith.constant 4 : i32
          %dma_start3A_347 = arith.constant 4 : i32
          %dma_start3A_348 = arith.constant 0 : i32
          %dma_start3A_349 = arith.constant 0 : i32
          %dma_start3A_350 = tpu.memref_slice %arg11[%dma_start3A_346, %dma_start3A_348, %dma_start3A_349] : memref<8x128x16xf32, #tpu.memory_space<vmem>> -> memref<1x128x16xf32, #tpu.memory_space<vmem>>
          %dma_start3A_351 = tpu.memref_squeeze %dma_start3A_350 : memref<1x128x16xf32, #tpu.memory_space<vmem>> -> memref<128x16xf32, #tpu.memory_space<vmem>>
          %dma_start3A_352 = arith.constant 0 : i32
          %dma_start3A_353 = tpu.memref_slice %arg9[%add3A_345, %dma_start3A_352] : memref<160x128xi32, #tpu.memory_space<vmem>> -> memref<1x128xi32, #tpu.memory_space<vmem>>
          %dma_start3A_354 = tpu.memref_squeeze %dma_start3A_353 : memref<1x128xi32, #tpu.memory_space<vmem>> -> memref<128xi32, #tpu.memory_space<vmem>>
          %dma_start3A_355 = arith.constant 0 : i32
          %dma_start3A_356 = arith.constant 0 : i32
          %dma_start3A_357 = tpu.memref_slice %arg2[%dma_start3A_355, %dma_start3A_356] : memref<11264x16xf32, #tpu.memory_space<hbm>> -> memref<11264x16xf32, #tpu.memory_space<hbm>>
          %dma_start3A_358 = tpu.memref_slice %arg12[%dma_start3A_347] : memref<8x!tpu.dma_semaphore, #tpu.memory_space<semaphore_mem>> -> memref<1x!tpu.dma_semaphore, #tpu.memory_space<semaphore_mem>>
          %dma_start3A_359 = tpu.memref_squeeze %dma_start3A_358 : memref<1x!tpu.dma_semaphore, #tpu.memory_space<semaphore_mem>> -> memref<!tpu.dma_semaphore, #tpu.memory_space<semaphore_mem>>
          tpu.enqueue_indirect_dma source(%dma_start3A_357 : memref<11264x16xf32, #tpu.memory_space<hbm>>) target(%dma_start3A_351 : memref<128x16xf32, #tpu.memory_space<vmem>>) offsets(%dma_start3A_354 : memref<128xi32, #tpu.memory_space<vmem>>) semaphore(%dma_start3A_359 : memref<!tpu.dma_semaphore, #tpu.memory_space<semaphore_mem>>)
        } else {
        }
        %mul3A_266 = arith.constant 8 : i32
        %mul3A_267 = arith.muli %add3A_138, %mul3A_266 : i32
        %add3A_268 = arith.constant 5 : i32
        %add3A_269 = arith.addi %mul3A_267, %add3A_268 : i32
        %dma_wait3A_270 = arith.constant 5 : i32
        %dma_wait3A_271 = arith.constant 5 : i32
        %dma_wait3A_272 = arith.constant 0 : i32
        %dma_wait3A_273 = arith.constant 0 : i32
        %dma_wait3A_274 = tpu.memref_slice %arg11[%dma_wait3A_270, %dma_wait3A_272, %dma_wait3A_273] : memref<8x128x16xf32, #tpu.memory_space<vmem>> -> memref<1x128x16xf32, #tpu.memory_space<vmem>>
        %dma_wait3A_275 = tpu.memref_squeeze %dma_wait3A_274 : memref<1x128x16xf32, #tpu.memory_space<vmem>> -> memref<128x16xf32, #tpu.memory_space<vmem>>
        %dma_wait3A_276 = arith.constant 0 : i32
        %dma_wait3A_277 = tpu.memref_slice %arg9[%add3A_269, %dma_wait3A_276] : memref<160x128xi32, #tpu.memory_space<vmem>> -> memref<1x128xi32, #tpu.memory_space<vmem>>
        %dma_wait3A_278 = tpu.memref_squeeze %dma_wait3A_277 : memref<1x128xi32, #tpu.memory_space<vmem>> -> memref<128xi32, #tpu.memory_space<vmem>>
        %dma_wait3A_279 = arith.constant 0 : i32
        %dma_wait3A_280 = arith.constant 0 : i32
        %dma_wait3A_281 = tpu.memref_slice %arg2[%dma_wait3A_279, %dma_wait3A_280] : memref<11264x16xf32, #tpu.memory_space<hbm>> -> memref<11264x16xf32, #tpu.memory_space<hbm>>
        %dma_wait3A_282 = tpu.memref_slice %arg12[%dma_wait3A_271] : memref<8x!tpu.dma_semaphore, #tpu.memory_space<semaphore_mem>> -> memref<1x!tpu.dma_semaphore, #tpu.memory_space<semaphore_mem>>
        %dma_wait3A_283 = tpu.memref_squeeze %dma_wait3A_282 : memref<1x!tpu.dma_semaphore, #tpu.memory_space<semaphore_mem>> -> memref<!tpu.dma_semaphore, #tpu.memory_space<semaphore_mem>>
        tpu.wait_indirect_dma semaphore(%dma_wait3A_283 : memref<!tpu.dma_semaphore, #tpu.memory_space<semaphore_mem>>) src(%dma_wait3A_281 : memref<11264x16xf32, #tpu.memory_space<hbm>>) dst(%dma_wait3A_275 : memref<128x16xf32, #tpu.memory_space<vmem>>)
        %run_scoped3A_284 = arith.constant 5 : i32
        "tpu.region"() ({
          %run_scoped3A_344 = tpu.sem_alloc : memref<!tpu.dma_semaphore, #tpu.memory_space<semaphore_mem>>
          %dma_start3A_345 = arith.constant 0 : i32
          %dma_start3A_346 = arith.constant 0 : i32
          %dma_start3A_347 = tpu.memref_slice %arg11[%run_scoped3A_284, %dma_start3A_345, %dma_start3A_346] : memref<8x128x16xf32, #tpu.memory_space<vmem>> -> memref<1x128x16xf32, #tpu.memory_space<vmem>>
          %dma_start3A_348 = tpu.memref_squeeze %dma_start3A_347 : memref<1x128x16xf32, #tpu.memory_space<vmem>> -> memref<128x16xf32, #tpu.memory_space<vmem>>
          %dma_start3A_349 = arith.constant 0 : i32
          %dma_start3A_350 = tpu.memref_slice %arg10[%add3A_269, %dma_start3A_349] : memref<160x128xi32, #tpu.memory_space<vmem>> -> memref<1x128xi32, #tpu.memory_space<vmem>>
          %dma_start3A_351 = tpu.memref_squeeze %dma_start3A_350 : memref<1x128xi32, #tpu.memory_space<vmem>> -> memref<128xi32, #tpu.memory_space<vmem>>
          %dma_start3A_352 = arith.constant 0 : i32
          %dma_start3A_353 = arith.constant 0 : i32
          %dma_start3A_354 = tpu.memref_slice %arg8[%dma_start3A_352, %dma_start3A_353] : memref<11264x16xf32, #tpu.memory_space<vmem_shared>> -> memref<11264x16xf32, #tpu.memory_space<vmem_shared>>
          tpu.enqueue_indirect_dma source(%dma_start3A_348 : memref<128x16xf32, #tpu.memory_space<vmem>>) target(%dma_start3A_354 : memref<11264x16xf32, #tpu.memory_space<vmem_shared>>) offsets(%dma_start3A_351 : memref<128xi32, #tpu.memory_space<vmem>>) semaphore(%run_scoped3A_344 : memref<!tpu.dma_semaphore, #tpu.memory_space<semaphore_mem>>) {add = true}
          %dma_wait3A_355 = arith.constant 0 : i32
          %dma_wait3A_356 = arith.constant 0 : i32
          %dma_wait3A_357 = tpu.memref_slice %arg11[%run_scoped3A_284, %dma_wait3A_355, %dma_wait3A_356] : memref<8x128x16xf32, #tpu.memory_space<vmem>> -> memref<1x128x16xf32, #tpu.memory_space<vmem>>
          %dma_wait3A_358 = tpu.memref_squeeze %dma_wait3A_357 : memref<1x128x16xf32, #tpu.memory_space<vmem>> -> memref<128x16xf32, #tpu.memory_space<vmem>>
          %dma_wait3A_359 = arith.constant 0 : i32
          %dma_wait3A_360 = tpu.memref_slice %arg10[%add3A_269, %dma_wait3A_359] : memref<160x128xi32, #tpu.memory_space<vmem>> -> memref<1x128xi32, #tpu.memory_space<vmem>>
          %dma_wait3A_361 = tpu.memref_squeeze %dma_wait3A_360 : memref<1x128xi32, #tpu.memory_space<vmem>> -> memref<128xi32, #tpu.memory_space<vmem>>
          %dma_wait3A_362 = arith.constant 0 : i32
          %dma_wait3A_363 = arith.constant 0 : i32
          %dma_wait3A_364 = tpu.memref_slice %arg8[%dma_wait3A_362, %dma_wait3A_363] : memref<11264x16xf32, #tpu.memory_space<vmem_shared>> -> memref<11264x16xf32, #tpu.memory_space<vmem_shared>>
          tpu.wait_indirect_dma semaphore(%run_scoped3A_344 : memref<!tpu.dma_semaphore, #tpu.memory_space<semaphore_mem>>) src(%dma_wait3A_358 : memref<128x16xf32, #tpu.memory_space<vmem>>) dst(%dma_wait3A_364 : memref<11264x16xf32, #tpu.memory_space<vmem_shared>>)
          tpu.yield
        }) : () -> ()
        %add3A_285 = arith.constant 8 : i32
        %add3A_286 = arith.addi %add3A_269, %add3A_285 : i32
        %lt3A_287 = arith.constant 160 : i32
        %lt3A_288 = arith.cmpi slt, %add3A_286, %lt3A_287 : i32
        %convert_element_type3A_289 = arith.extui %lt3A_288 : i1 to i32
        %cond3A_290 = arith.constant 0 : i32
        %cond3A_291 = arith.cmpi ne, %convert_element_type3A_289, %cond3A_290 : i32
        scf.if %cond3A_291 {
          %add3A_344 = arith.constant 8 : i32
          %add3A_345 = arith.addi %add3A_269, %add3A_344 : i32
          %dma_start3A_346 = arith.constant 5 : i32
          %dma_start3A_347 = arith.constant 5 : i32
          %dma_start3A_348 = arith.constant 0 : i32
          %dma_start3A_349 = arith.constant 0 : i32
          %dma_start3A_350 = tpu.memref_slice %arg11[%dma_start3A_346, %dma_start3A_348, %dma_start3A_349] : memref<8x128x16xf32, #tpu.memory_space<vmem>> -> memref<1x128x16xf32, #tpu.memory_space<vmem>>
          %dma_start3A_351 = tpu.memref_squeeze %dma_start3A_350 : memref<1x128x16xf32, #tpu.memory_space<vmem>> -> memref<128x16xf32, #tpu.memory_space<vmem>>
          %dma_start3A_352 = arith.constant 0 : i32
          %dma_start3A_353 = tpu.memref_slice %arg9[%add3A_345, %dma_start3A_352] : memref<160x128xi32, #tpu.memory_space<vmem>> -> memref<1x128xi32, #tpu.memory_space<vmem>>
          %dma_start3A_354 = tpu.memref_squeeze %dma_start3A_353 : memref<1x128xi32, #tpu.memory_space<vmem>> -> memref<128xi32, #tpu.memory_space<vmem>>
          %dma_start3A_355 = arith.constant 0 : i32
          %dma_start3A_356 = arith.constant 0 : i32
          %dma_start3A_357 = tpu.memref_slice %arg2[%dma_start3A_355, %dma_start3A_356] : memref<11264x16xf32, #tpu.memory_space<hbm>> -> memref<11264x16xf32, #tpu.memory_space<hbm>>
          %dma_start3A_358 = tpu.memref_slice %arg12[%dma_start3A_347] : memref<8x!tpu.dma_semaphore, #tpu.memory_space<semaphore_mem>> -> memref<1x!tpu.dma_semaphore, #tpu.memory_space<semaphore_mem>>
          %dma_start3A_359 = tpu.memref_squeeze %dma_start3A_358 : memref<1x!tpu.dma_semaphore, #tpu.memory_space<semaphore_mem>> -> memref<!tpu.dma_semaphore, #tpu.memory_space<semaphore_mem>>
          tpu.enqueue_indirect_dma source(%dma_start3A_357 : memref<11264x16xf32, #tpu.memory_space<hbm>>) target(%dma_start3A_351 : memref<128x16xf32, #tpu.memory_space<vmem>>) offsets(%dma_start3A_354 : memref<128xi32, #tpu.memory_space<vmem>>) semaphore(%dma_start3A_359 : memref<!tpu.dma_semaphore, #tpu.memory_space<semaphore_mem>>)
        } else {
        }
        %mul3A_292 = arith.constant 8 : i32
        %mul3A_293 = arith.muli %add3A_138, %mul3A_292 : i32
        %add3A_294 = arith.constant 6 : i32
        %add3A_295 = arith.addi %mul3A_293, %add3A_294 : i32
        %dma_wait3A_296 = arith.constant 6 : i32
        %dma_wait3A_297 = arith.constant 6 : i32
        %dma_wait3A_298 = arith.constant 0 : i32
        %dma_wait3A_299 = arith.constant 0 : i32
        %dma_wait3A_300 = tpu.memref_slice %arg11[%dma_wait3A_296, %dma_wait3A_298, %dma_wait3A_299] : memref<8x128x16xf32, #tpu.memory_space<vmem>> -> memref<1x128x16xf32, #tpu.memory_space<vmem>>
        %dma_wait3A_301 = tpu.memref_squeeze %dma_wait3A_300 : memref<1x128x16xf32, #tpu.memory_space<vmem>> -> memref<128x16xf32, #tpu.memory_space<vmem>>
        %dma_wait3A_302 = arith.constant 0 : i32
        %dma_wait3A_303 = tpu.memref_slice %arg9[%add3A_295, %dma_wait3A_302] : memref<160x128xi32, #tpu.memory_space<vmem>> -> memref<1x128xi32, #tpu.memory_space<vmem>>
        %dma_wait3A_304 = tpu.memref_squeeze %dma_wait3A_303 : memref<1x128xi32, #tpu.memory_space<vmem>> -> memref<128xi32, #tpu.memory_space<vmem>>
        %dma_wait3A_305 = arith.constant 0 : i32
        %dma_wait3A_306 = arith.constant 0 : i32
        %dma_wait3A_307 = tpu.memref_slice %arg2[%dma_wait3A_305, %dma_wait3A_306] : memref<11264x16xf32, #tpu.memory_space<hbm>> -> memref<11264x16xf32, #tpu.memory_space<hbm>>
        %dma_wait3A_308 = tpu.memref_slice %arg12[%dma_wait3A_297] : memref<8x!tpu.dma_semaphore, #tpu.memory_space<semaphore_mem>> -> memref<1x!tpu.dma_semaphore, #tpu.memory_space<semaphore_mem>>
        %dma_wait3A_309 = tpu.memref_squeeze %dma_wait3A_308 : memref<1x!tpu.dma_semaphore, #tpu.memory_space<semaphore_mem>> -> memref<!tpu.dma_semaphore, #tpu.memory_space<semaphore_mem>>
        tpu.wait_indirect_dma semaphore(%dma_wait3A_309 : memref<!tpu.dma_semaphore, #tpu.memory_space<semaphore_mem>>) src(%dma_wait3A_307 : memref<11264x16xf32, #tpu.memory_space<hbm>>) dst(%dma_wait3A_301 : memref<128x16xf32, #tpu.memory_space<vmem>>)
        %run_scoped3A_310 = arith.constant 6 : i32
        "tpu.region"() ({
          %run_scoped3A_344 = tpu.sem_alloc : memref<!tpu.dma_semaphore, #tpu.memory_space<semaphore_mem>>
          %dma_start3A_345 = arith.constant 0 : i32
          %dma_start3A_346 = arith.constant 0 : i32
          %dma_start3A_347 = tpu.memref_slice %arg11[%run_scoped3A_310, %dma_start3A_345, %dma_start3A_346] : memref<8x128x16xf32, #tpu.memory_space<vmem>> -> memref<1x128x16xf32, #tpu.memory_space<vmem>>
          %dma_start3A_348 = tpu.memref_squeeze %dma_start3A_347 : memref<1x128x16xf32, #tpu.memory_space<vmem>> -> memref<128x16xf32, #tpu.memory_space<vmem>>
          %dma_start3A_349 = arith.constant 0 : i32
          %dma_start3A_350 = tpu.memref_slice %arg10[%add3A_295, %dma_start3A_349] : memref<160x128xi32, #tpu.memory_space<vmem>> -> memref<1x128xi32, #tpu.memory_space<vmem>>
          %dma_start3A_351 = tpu.memref_squeeze %dma_start3A_350 : memref<1x128xi32, #tpu.memory_space<vmem>> -> memref<128xi32, #tpu.memory_space<vmem>>
          %dma_start3A_352 = arith.constant 0 : i32
          %dma_start3A_353 = arith.constant 0 : i32
          %dma_start3A_354 = tpu.memref_slice %arg8[%dma_start3A_352, %dma_start3A_353] : memref<11264x16xf32, #tpu.memory_space<vmem_shared>> -> memref<11264x16xf32, #tpu.memory_space<vmem_shared>>
          tpu.enqueue_indirect_dma source(%dma_start3A_348 : memref<128x16xf32, #tpu.memory_space<vmem>>) target(%dma_start3A_354 : memref<11264x16xf32, #tpu.memory_space<vmem_shared>>) offsets(%dma_start3A_351 : memref<128xi32, #tpu.memory_space<vmem>>) semaphore(%run_scoped3A_344 : memref<!tpu.dma_semaphore, #tpu.memory_space<semaphore_mem>>) {add = true}
          %dma_wait3A_355 = arith.constant 0 : i32
          %dma_wait3A_356 = arith.constant 0 : i32
          %dma_wait3A_357 = tpu.memref_slice %arg11[%run_scoped3A_310, %dma_wait3A_355, %dma_wait3A_356] : memref<8x128x16xf32, #tpu.memory_space<vmem>> -> memref<1x128x16xf32, #tpu.memory_space<vmem>>
          %dma_wait3A_358 = tpu.memref_squeeze %dma_wait3A_357 : memref<1x128x16xf32, #tpu.memory_space<vmem>> -> memref<128x16xf32, #tpu.memory_space<vmem>>
          %dma_wait3A_359 = arith.constant 0 : i32
          %dma_wait3A_360 = tpu.memref_slice %arg10[%add3A_295, %dma_wait3A_359] : memref<160x128xi32, #tpu.memory_space<vmem>> -> memref<1x128xi32, #tpu.memory_space<vmem>>
          %dma_wait3A_361 = tpu.memref_squeeze %dma_wait3A_360 : memref<1x128xi32, #tpu.memory_space<vmem>> -> memref<128xi32, #tpu.memory_space<vmem>>
          %dma_wait3A_362 = arith.constant 0 : i32
          %dma_wait3A_363 = arith.constant 0 : i32
          %dma_wait3A_364 = tpu.memref_slice %arg8[%dma_wait3A_362, %dma_wait3A_363] : memref<11264x16xf32, #tpu.memory_space<vmem_shared>> -> memref<11264x16xf32, #tpu.memory_space<vmem_shared>>
          tpu.wait_indirect_dma semaphore(%run_scoped3A_344 : memref<!tpu.dma_semaphore, #tpu.memory_space<semaphore_mem>>) src(%dma_wait3A_358 : memref<128x16xf32, #tpu.memory_space<vmem>>) dst(%dma_wait3A_364 : memref<11264x16xf32, #tpu.memory_space<vmem_shared>>)
          tpu.yield
        }) : () -> ()
        %add3A_311 = arith.constant 8 : i32
        %add3A_312 = arith.addi %add3A_295, %add3A_311 : i32
        %lt3A_313 = arith.constant 160 : i32
        %lt3A_314 = arith.cmpi slt, %add3A_312, %lt3A_313 : i32
        %convert_element_type3A_315 = arith.extui %lt3A_314 : i1 to i32
        %cond3A_316 = arith.constant 0 : i32
        %cond3A_317 = arith.cmpi ne, %convert_element_type3A_315, %cond3A_316 : i32
        scf.if %cond3A_317 {
          %add3A_344 = arith.constant 8 : i32
          %add3A_345 = arith.addi %add3A_295, %add3A_344 : i32
          %dma_start3A_346 = arith.constant 6 : i32
          %dma_start3A_347 = arith.constant 6 : i32
          %dma_start3A_348 = arith.constant 0 : i32
          %dma_start3A_349 = arith.constant 0 : i32
          %dma_start3A_350 = tpu.memref_slice %arg11[%dma_start3A_346, %dma_start3A_348, %dma_start3A_349] : memref<8x128x16xf32, #tpu.memory_space<vmem>> -> memref<1x128x16xf32, #tpu.memory_space<vmem>>
          %dma_start3A_351 = tpu.memref_squeeze %dma_start3A_350 : memref<1x128x16xf32, #tpu.memory_space<vmem>> -> memref<128x16xf32, #tpu.memory_space<vmem>>
          %dma_start3A_352 = arith.constant 0 : i32
          %dma_start3A_353 = tpu.memref_slice %arg9[%add3A_345, %dma_start3A_352] : memref<160x128xi32, #tpu.memory_space<vmem>> -> memref<1x128xi32, #tpu.memory_space<vmem>>
          %dma_start3A_354 = tpu.memref_squeeze %dma_start3A_353 : memref<1x128xi32, #tpu.memory_space<vmem>> -> memref<128xi32, #tpu.memory_space<vmem>>
          %dma_start3A_355 = arith.constant 0 : i32
          %dma_start3A_356 = arith.constant 0 : i32
          %dma_start3A_357 = tpu.memref_slice %arg2[%dma_start3A_355, %dma_start3A_356] : memref<11264x16xf32, #tpu.memory_space<hbm>> -> memref<11264x16xf32, #tpu.memory_space<hbm>>
          %dma_start3A_358 = tpu.memref_slice %arg12[%dma_start3A_347] : memref<8x!tpu.dma_semaphore, #tpu.memory_space<semaphore_mem>> -> memref<1x!tpu.dma_semaphore, #tpu.memory_space<semaphore_mem>>
          %dma_start3A_359 = tpu.memref_squeeze %dma_start3A_358 : memref<1x!tpu.dma_semaphore, #tpu.memory_space<semaphore_mem>> -> memref<!tpu.dma_semaphore, #tpu.memory_space<semaphore_mem>>
          tpu.enqueue_indirect_dma source(%dma_start3A_357 : memref<11264x16xf32, #tpu.memory_space<hbm>>) target(%dma_start3A_351 : memref<128x16xf32, #tpu.memory_space<vmem>>) offsets(%dma_start3A_354 : memref<128xi32, #tpu.memory_space<vmem>>) semaphore(%dma_start3A_359 : memref<!tpu.dma_semaphore, #tpu.memory_space<semaphore_mem>>)
        } else {
        }
        %mul3A_318 = arith.constant 8 : i32
        %mul3A_319 = arith.muli %add3A_138, %mul3A_318 : i32
        %add3A_320 = arith.constant 7 : i32
        %add3A_321 = arith.addi %mul3A_319, %add3A_320 : i32
        %dma_wait3A_322 = arith.constant 7 : i32
        %dma_wait3A_323 = arith.constant 7 : i32
        %dma_wait3A_324 = arith.constant 0 : i32
        %dma_wait3A_325 = arith.constant 0 : i32
        %dma_wait3A_326 = tpu.memref_slice %arg11[%dma_wait3A_322, %dma_wait3A_324, %dma_wait3A_325] : memref<8x128x16xf32, #tpu.memory_space<vmem>> -> memref<1x128x16xf32, #tpu.memory_space<vmem>>
        %dma_wait3A_327 = tpu.memref_squeeze %dma_wait3A_326 : memref<1x128x16xf32, #tpu.memory_space<vmem>> -> memref<128x16xf32, #tpu.memory_space<vmem>>
        %dma_wait3A_328 = arith.constant 0 : i32
        %dma_wait3A_329 = tpu.memref_slice %arg9[%add3A_321, %dma_wait3A_328] : memref<160x128xi32, #tpu.memory_space<vmem>> -> memref<1x128xi32, #tpu.memory_space<vmem>>
        %dma_wait3A_330 = tpu.memref_squeeze %dma_wait3A_329 : memref<1x128xi32, #tpu.memory_space<vmem>> -> memref<128xi32, #tpu.memory_space<vmem>>
        %dma_wait3A_331 = arith.constant 0 : i32
        %dma_wait3A_332 = arith.constant 0 : i32
        %dma_wait3A_333 = tpu.memref_slice %arg2[%dma_wait3A_331, %dma_wait3A_332] : memref<11264x16xf32, #tpu.memory_space<hbm>> -> memref<11264x16xf32, #tpu.memory_space<hbm>>
        %dma_wait3A_334 = tpu.memref_slice %arg12[%dma_wait3A_323] : memref<8x!tpu.dma_semaphore, #tpu.memory_space<semaphore_mem>> -> memref<1x!tpu.dma_semaphore, #tpu.memory_space<semaphore_mem>>
        %dma_wait3A_335 = tpu.memref_squeeze %dma_wait3A_334 : memref<1x!tpu.dma_semaphore, #tpu.memory_space<semaphore_mem>> -> memref<!tpu.dma_semaphore, #tpu.memory_space<semaphore_mem>>
        tpu.wait_indirect_dma semaphore(%dma_wait3A_335 : memref<!tpu.dma_semaphore, #tpu.memory_space<semaphore_mem>>) src(%dma_wait3A_333 : memref<11264x16xf32, #tpu.memory_space<hbm>>) dst(%dma_wait3A_327 : memref<128x16xf32, #tpu.memory_space<vmem>>)
        %run_scoped3A_336 = arith.constant 7 : i32
        "tpu.region"() ({
          %run_scoped3A_344 = tpu.sem_alloc : memref<!tpu.dma_semaphore, #tpu.memory_space<semaphore_mem>>
          %dma_start3A_345 = arith.constant 0 : i32
          %dma_start3A_346 = arith.constant 0 : i32
          %dma_start3A_347 = tpu.memref_slice %arg11[%run_scoped3A_336, %dma_start3A_345, %dma_start3A_346] : memref<8x128x16xf32, #tpu.memory_space<vmem>> -> memref<1x128x16xf32, #tpu.memory_space<vmem>>
          %dma_start3A_348 = tpu.memref_squeeze %dma_start3A_347 : memref<1x128x16xf32, #tpu.memory_space<vmem>> -> memref<128x16xf32, #tpu.memory_space<vmem>>
          %dma_start3A_349 = arith.constant 0 : i32
          %dma_start3A_350 = tpu.memref_slice %arg10[%add3A_321, %dma_start3A_349] : memref<160x128xi32, #tpu.memory_space<vmem>> -> memref<1x128xi32, #tpu.memory_space<vmem>>
          %dma_start3A_351 = tpu.memref_squeeze %dma_start3A_350 : memref<1x128xi32, #tpu.memory_space<vmem>> -> memref<128xi32, #tpu.memory_space<vmem>>
          %dma_start3A_352 = arith.constant 0 : i32
          %dma_start3A_353 = arith.constant 0 : i32
          %dma_start3A_354 = tpu.memref_slice %arg8[%dma_start3A_352, %dma_start3A_353] : memref<11264x16xf32, #tpu.memory_space<vmem_shared>> -> memref<11264x16xf32, #tpu.memory_space<vmem_shared>>
          tpu.enqueue_indirect_dma source(%dma_start3A_348 : memref<128x16xf32, #tpu.memory_space<vmem>>) target(%dma_start3A_354 : memref<11264x16xf32, #tpu.memory_space<vmem_shared>>) offsets(%dma_start3A_351 : memref<128xi32, #tpu.memory_space<vmem>>) semaphore(%run_scoped3A_344 : memref<!tpu.dma_semaphore, #tpu.memory_space<semaphore_mem>>) {add = true}
          %dma_wait3A_355 = arith.constant 0 : i32
          %dma_wait3A_356 = arith.constant 0 : i32
          %dma_wait3A_357 = tpu.memref_slice %arg11[%run_scoped3A_336, %dma_wait3A_355, %dma_wait3A_356] : memref<8x128x16xf32, #tpu.memory_space<vmem>> -> memref<1x128x16xf32, #tpu.memory_space<vmem>>
          %dma_wait3A_358 = tpu.memref_squeeze %dma_wait3A_357 : memref<1x128x16xf32, #tpu.memory_space<vmem>> -> memref<128x16xf32, #tpu.memory_space<vmem>>
          %dma_wait3A_359 = arith.constant 0 : i32
          %dma_wait3A_360 = tpu.memref_slice %arg10[%add3A_321, %dma_wait3A_359] : memref<160x128xi32, #tpu.memory_space<vmem>> -> memref<1x128xi32, #tpu.memory_space<vmem>>
          %dma_wait3A_361 = tpu.memref_squeeze %dma_wait3A_360 : memref<1x128xi32, #tpu.memory_space<vmem>> -> memref<128xi32, #tpu.memory_space<vmem>>
          %dma_wait3A_362 = arith.constant 0 : i32
          %dma_wait3A_363 = arith.constant 0 : i32
          %dma_wait3A_364 = tpu.memref_slice %arg8[%dma_wait3A_362, %dma_wait3A_363] : memref<11264x16xf32, #tpu.memory_space<vmem_shared>> -> memref<11264x16xf32, #tpu.memory_space<vmem_shared>>
          tpu.wait_indirect_dma semaphore(%run_scoped3A_344 : memref<!tpu.dma_semaphore, #tpu.memory_space<semaphore_mem>>) src(%dma_wait3A_358 : memref<128x16xf32, #tpu.memory_space<vmem>>) dst(%dma_wait3A_364 : memref<11264x16xf32, #tpu.memory_space<vmem_shared>>)
          tpu.yield
        }) : () -> ()
        %add3A_337 = arith.constant 8 : i32
        %add3A_338 = arith.addi %add3A_321, %add3A_337 : i32
        %lt3A_339 = arith.constant 160 : i32
        %lt3A_340 = arith.cmpi slt, %add3A_338, %lt3A_339 : i32
        %convert_element_type3A_341 = arith.extui %lt3A_340 : i1 to i32
        %cond3A_342 = arith.constant 0 : i32
        %cond3A_343 = arith.cmpi ne, %convert_element_type3A_341, %cond3A_342 : i32
        scf.if %cond3A_343 {
          %add3A_344 = arith.constant 8 : i32
          %add3A_345 = arith.addi %add3A_321, %add3A_344 : i32
          %dma_start3A_346 = arith.constant 7 : i32
          %dma_start3A_347 = arith.constant 7 : i32
          %dma_start3A_348 = arith.constant 0 : i32
          %dma_start3A_349 = arith.constant 0 : i32
          %dma_start3A_350 = tpu.memref_slice %arg11[%dma_start3A_346, %dma_start3A_348, %dma_start3A_349] : memref<8x128x16xf32, #tpu.memory_space<vmem>> -> memref<1x128x16xf32, #tpu.memory_space<vmem>>
          %dma_start3A_351 = tpu.memref_squeeze %dma_start3A_350 : memref<1x128x16xf32, #tpu.memory_space<vmem>> -> memref<128x16xf32, #tpu.memory_space<vmem>>
          %dma_start3A_352 = arith.constant 0 : i32
          %dma_start3A_353 = tpu.memref_slice %arg9[%add3A_345, %dma_start3A_352] : memref<160x128xi32, #tpu.memory_space<vmem>> -> memref<1x128xi32, #tpu.memory_space<vmem>>
          %dma_start3A_354 = tpu.memref_squeeze %dma_start3A_353 : memref<1x128xi32, #tpu.memory_space<vmem>> -> memref<128xi32, #tpu.memory_space<vmem>>
          %dma_start3A_355 = arith.constant 0 : i32
          %dma_start3A_356 = arith.constant 0 : i32
          %dma_start3A_357 = tpu.memref_slice %arg2[%dma_start3A_355, %dma_start3A_356] : memref<11264x16xf32, #tpu.memory_space<hbm>> -> memref<11264x16xf32, #tpu.memory_space<hbm>>
          %dma_start3A_358 = tpu.memref_slice %arg12[%dma_start3A_347] : memref<8x!tpu.dma_semaphore, #tpu.memory_space<semaphore_mem>> -> memref<1x!tpu.dma_semaphore, #tpu.memory_space<semaphore_mem>>
          %dma_start3A_359 = tpu.memref_squeeze %dma_start3A_358 : memref<1x!tpu.dma_semaphore, #tpu.memory_space<semaphore_mem>> -> memref<!tpu.dma_semaphore, #tpu.memory_space<semaphore_mem>>
          tpu.enqueue_indirect_dma source(%dma_start3A_357 : memref<11264x16xf32, #tpu.memory_space<hbm>>) target(%dma_start3A_351 : memref<128x16xf32, #tpu.memory_space<vmem>>) offsets(%dma_start3A_354 : memref<128xi32, #tpu.memory_space<vmem>>) semaphore(%dma_start3A_359 : memref<!tpu.dma_semaphore, #tpu.memory_space<semaphore_mem>>)
        } else {
        }
      }
      %scan3A_133 = arith.constant 20 : i32
      %barrier3A_134 = arith.constant 0 : index
      tpu.barrier barrier_id(%barrier3A_134)
      "tpu.region"() ({
        %run_scoped3A = tpu.sem_alloc : memref<!tpu.dma_semaphore, #tpu.memory_space<semaphore_mem>>
        %dma_start3A_135 = arith.constant 0 : i32
        %dma_start3A_136 = tpu.memref_slice %arg6[%mul3A_0, %dma_start3A_135] : memref<11264x16xf32, #tpu.memory_space<hbm>> -> memref<704x16xf32, #tpu.memory_space<hbm>>
        %dma_start3A_137 = arith.constant 0 : i32
        %dma_start3A_138 = tpu.memref_slice %arg8[%mul3A_0, %dma_start3A_137] : memref<11264x16xf32, #tpu.memory_space<vmem_shared>> -> memref<704x16xf32, #tpu.memory_space<vmem_shared>>
        tpu.enqueue_dma source(%dma_start3A_138 : memref<704x16xf32, #tpu.memory_space<vmem_shared>>) target(%dma_start3A_136 : memref<704x16xf32, #tpu.memory_space<hbm>>) target_semaphore(%run_scoped3A : memref<!tpu.dma_semaphore, #tpu.memory_space<semaphore_mem>>)
        %dma_wait3A = arith.constant 0 : i32
        %dma_wait3A_139 = tpu.memref_slice %arg6[%mul3A_0, %dma_wait3A] : memref<11264x16xf32, #tpu.memory_space<hbm>> -> memref<704x16xf32, #tpu.memory_space<hbm>>
        %dma_wait3A_140 = arith.constant 0 : i32
        %dma_wait3A_141 = tpu.memref_slice %arg8[%mul3A_0, %dma_wait3A_140] : memref<11264x16xf32, #tpu.memory_space<vmem_shared>> -> memref<704x16xf32, #tpu.memory_space<vmem_shared>>
        tpu.wait_dma2 semaphore(%run_scoped3A : memref<!tpu.dma_semaphore, #tpu.memory_space<semaphore_mem>>) src(%dma_wait3A_141 : memref<704x16xf32, #tpu.memory_space<vmem_shared>>) dst(%dma_wait3A_139 : memref<704x16xf32, #tpu.memory_space<hbm>>)
        tpu.yield
      }) : () -> ()
    } else {
    }
    %ne3A = arith.constant 0 : i32
    %ne3A_7 = arith.cmpi ne, %arg0, %ne3A : i32
    %convert_element_type3A_8 = arith.extui %ne3A_7 : i1 to i32
    %cond3A_9 = arith.constant 0 : i32
    %cond3A_10 = arith.cmpi ne, %convert_element_type3A_8, %cond3A_9 : i32
    scf.if %cond3A_10 {
      "tpu.region"() ({
        %run_scoped3A = tpu.sem_alloc : memref<!tpu.dma_semaphore, #tpu.memory_space<semaphore_mem>>
        %dma_start3A_135 = arith.constant 0 : i32
        %dma_start3A_136 = tpu.memref_slice %arg8[%mul3A_0, %dma_start3A_135] : memref<11264x16xf32, #tpu.memory_space<vmem_shared>> -> memref<704x16xf32, #tpu.memory_space<vmem_shared>>
        %dma_start3A_137 = arith.constant 0 : i32
        %dma_start3A_138 = tpu.memref_slice %arg3[%mul3A_0, %dma_start3A_137] : memref<11264x16xf32, #tpu.memory_space<hbm>> -> memref<704x16xf32, #tpu.memory_space<hbm>>
        tpu.enqueue_dma source(%dma_start3A_138 : memref<704x16xf32, #tpu.memory_space<hbm>>) target(%dma_start3A_136 : memref<704x16xf32, #tpu.memory_space<vmem_shared>>) target_semaphore(%run_scoped3A : memref<!tpu.dma_semaphore, #tpu.memory_space<semaphore_mem>>)
        %dma_wait3A = arith.constant 0 : i32
        %dma_wait3A_139 = tpu.memref_slice %arg8[%mul3A_0, %dma_wait3A] : memref<11264x16xf32, #tpu.memory_space<vmem_shared>> -> memref<704x16xf32, #tpu.memory_space<vmem_shared>>
        %dma_wait3A_140 = arith.constant 0 : i32
        %dma_wait3A_141 = tpu.memref_slice %arg3[%mul3A_0, %dma_wait3A_140] : memref<11264x16xf32, #tpu.memory_space<hbm>> -> memref<704x16xf32, #tpu.memory_space<hbm>>
        tpu.wait_dma2 semaphore(%run_scoped3A : memref<!tpu.dma_semaphore, #tpu.memory_space<semaphore_mem>>) src(%dma_wait3A_141 : memref<704x16xf32, #tpu.memory_space<hbm>>) dst(%dma_wait3A_139 : memref<704x16xf32, #tpu.memory_space<vmem_shared>>)
        tpu.yield
      }) : () -> ()
      %barrier3A = arith.constant 0 : index
      tpu.barrier barrier_id(%barrier3A)
      %dma_start3A = arith.constant 0 : i32
      %dma_start3A_11 = arith.constant 0 : i32
      %dma_start3A_12 = arith.constant 0 : i32
      %dma_start3A_13 = arith.constant 0 : i32
      %dma_start3A_14 = arith.constant 0 : i32
      %dma_start3A_15 = tpu.memref_slice %arg11[%dma_start3A_11, %dma_start3A_13, %dma_start3A_14] : memref<8x128x16xf32, #tpu.memory_space<vmem>> -> memref<1x128x16xf32, #tpu.memory_space<vmem>>
      %dma_start3A_16 = tpu.memref_squeeze %dma_start3A_15 : memref<1x128x16xf32, #tpu.memory_space<vmem>> -> memref<128x16xf32, #tpu.memory_space<vmem>>
      %dma_start3A_17 = arith.constant 0 : i32
      %dma_start3A_18 = tpu.memref_slice %arg9[%dma_start3A, %dma_start3A_17] : memref<160x128xi32, #tpu.memory_space<vmem>> -> memref<1x128xi32, #tpu.memory_space<vmem>>
      %dma_start3A_19 = tpu.memref_squeeze %dma_start3A_18 : memref<1x128xi32, #tpu.memory_space<vmem>> -> memref<128xi32, #tpu.memory_space<vmem>>
      %dma_start3A_20 = arith.constant 0 : i32
      %dma_start3A_21 = arith.constant 0 : i32
      %dma_start3A_22 = tpu.memref_slice %arg3[%dma_start3A_20, %dma_start3A_21] : memref<11264x16xf32, #tpu.memory_space<hbm>> -> memref<11264x16xf32, #tpu.memory_space<hbm>>
      %dma_start3A_23 = tpu.memref_slice %arg12[%dma_start3A_12] : memref<8x!tpu.dma_semaphore, #tpu.memory_space<semaphore_mem>> -> memref<1x!tpu.dma_semaphore, #tpu.memory_space<semaphore_mem>>
      %dma_start3A_24 = tpu.memref_squeeze %dma_start3A_23 : memref<1x!tpu.dma_semaphore, #tpu.memory_space<semaphore_mem>> -> memref<!tpu.dma_semaphore, #tpu.memory_space<semaphore_mem>>
      tpu.enqueue_indirect_dma source(%dma_start3A_22 : memref<11264x16xf32, #tpu.memory_space<hbm>>) target(%dma_start3A_16 : memref<128x16xf32, #tpu.memory_space<vmem>>) offsets(%dma_start3A_19 : memref<128xi32, #tpu.memory_space<vmem>>) semaphore(%dma_start3A_24 : memref<!tpu.dma_semaphore, #tpu.memory_space<semaphore_mem>>)
      %dma_start3A_25 = arith.constant 1 : i32
      %dma_start3A_26 = arith.constant 1 : i32
      %dma_start3A_27 = arith.constant 1 : i32
      %dma_start3A_28 = arith.constant 0 : i32
      %dma_start3A_29 = arith.constant 0 : i32
      %dma_start3A_30 = tpu.memref_slice %arg11[%dma_start3A_26, %dma_start3A_28, %dma_start3A_29] : memref<8x128x16xf32, #tpu.memory_space<vmem>> -> memref<1x128x16xf32, #tpu.memory_space<vmem>>
      %dma_start3A_31 = tpu.memref_squeeze %dma_start3A_30 : memref<1x128x16xf32, #tpu.memory_space<vmem>> -> memref<128x16xf32, #tpu.memory_space<vmem>>
      %dma_start3A_32 = arith.constant 0 : i32
      %dma_start3A_33 = tpu.memref_slice %arg9[%dma_start3A_25, %dma_start3A_32] : memref<160x128xi32, #tpu.memory_space<vmem>> -> memref<1x128xi32, #tpu.memory_space<vmem>>
      %dma_start3A_34 = tpu.memref_squeeze %dma_start3A_33 : memref<1x128xi32, #tpu.memory_space<vmem>> -> memref<128xi32, #tpu.memory_space<vmem>>
      %dma_start3A_35 = arith.constant 0 : i32
      %dma_start3A_36 = arith.constant 0 : i32
      %dma_start3A_37 = tpu.memref_slice %arg3[%dma_start3A_35, %dma_start3A_36] : memref<11264x16xf32, #tpu.memory_space<hbm>> -> memref<11264x16xf32, #tpu.memory_space<hbm>>
      %dma_start3A_38 = tpu.memref_slice %arg12[%dma_start3A_27] : memref<8x!tpu.dma_semaphore, #tpu.memory_space<semaphore_mem>> -> memref<1x!tpu.dma_semaphore, #tpu.memory_space<semaphore_mem>>
      %dma_start3A_39 = tpu.memref_squeeze %dma_start3A_38 : memref<1x!tpu.dma_semaphore, #tpu.memory_space<semaphore_mem>> -> memref<!tpu.dma_semaphore, #tpu.memory_space<semaphore_mem>>
      tpu.enqueue_indirect_dma source(%dma_start3A_37 : memref<11264x16xf32, #tpu.memory_space<hbm>>) target(%dma_start3A_31 : memref<128x16xf32, #tpu.memory_space<vmem>>) offsets(%dma_start3A_34 : memref<128xi32, #tpu.memory_space<vmem>>) semaphore(%dma_start3A_39 : memref<!tpu.dma_semaphore, #tpu.memory_space<semaphore_mem>>)
      %dma_start3A_40 = arith.constant 2 : i32
      %dma_start3A_41 = arith.constant 2 : i32
      %dma_start3A_42 = arith.constant 2 : i32
      %dma_start3A_43 = arith.constant 0 : i32
      %dma_start3A_44 = arith.constant 0 : i32
      %dma_start3A_45 = tpu.memref_slice %arg11[%dma_start3A_41, %dma_start3A_43, %dma_start3A_44] : memref<8x128x16xf32, #tpu.memory_space<vmem>> -> memref<1x128x16xf32, #tpu.memory_space<vmem>>
      %dma_start3A_46 = tpu.memref_squeeze %dma_start3A_45 : memref<1x128x16xf32, #tpu.memory_space<vmem>> -> memref<128x16xf32, #tpu.memory_space<vmem>>
      %dma_start3A_47 = arith.constant 0 : i32
      %dma_start3A_48 = tpu.memref_slice %arg9[%dma_start3A_40, %dma_start3A_47] : memref<160x128xi32, #tpu.memory_space<vmem>> -> memref<1x128xi32, #tpu.memory_space<vmem>>
      %dma_start3A_49 = tpu.memref_squeeze %dma_start3A_48 : memref<1x128xi32, #tpu.memory_space<vmem>> -> memref<128xi32, #tpu.memory_space<vmem>>
      %dma_start3A_50 = arith.constant 0 : i32
      %dma_start3A_51 = arith.constant 0 : i32
      %dma_start3A_52 = tpu.memref_slice %arg3[%dma_start3A_50, %dma_start3A_51] : memref<11264x16xf32, #tpu.memory_space<hbm>> -> memref<11264x16xf32, #tpu.memory_space<hbm>>
      %dma_start3A_53 = tpu.memref_slice %arg12[%dma_start3A_42] : memref<8x!tpu.dma_semaphore, #tpu.memory_space<semaphore_mem>> -> memref<1x!tpu.dma_semaphore, #tpu.memory_space<semaphore_mem>>
      %dma_start3A_54 = tpu.memref_squeeze %dma_start3A_53 : memref<1x!tpu.dma_semaphore, #tpu.memory_space<semaphore_mem>> -> memref<!tpu.dma_semaphore, #tpu.memory_space<semaphore_mem>>
      tpu.enqueue_indirect_dma source(%dma_start3A_52 : memref<11264x16xf32, #tpu.memory_space<hbm>>) target(%dma_start3A_46 : memref<128x16xf32, #tpu.memory_space<vmem>>) offsets(%dma_start3A_49 : memref<128xi32, #tpu.memory_space<vmem>>) semaphore(%dma_start3A_54 : memref<!tpu.dma_semaphore, #tpu.memory_space<semaphore_mem>>)
      %dma_start3A_55 = arith.constant 3 : i32
      %dma_start3A_56 = arith.constant 3 : i32
      %dma_start3A_57 = arith.constant 3 : i32
      %dma_start3A_58 = arith.constant 0 : i32
      %dma_start3A_59 = arith.constant 0 : i32
      %dma_start3A_60 = tpu.memref_slice %arg11[%dma_start3A_56, %dma_start3A_58, %dma_start3A_59] : memref<8x128x16xf32, #tpu.memory_space<vmem>> -> memref<1x128x16xf32, #tpu.memory_space<vmem>>
      %dma_start3A_61 = tpu.memref_squeeze %dma_start3A_60 : memref<1x128x16xf32, #tpu.memory_space<vmem>> -> memref<128x16xf32, #tpu.memory_space<vmem>>
      %dma_start3A_62 = arith.constant 0 : i32
      %dma_start3A_63 = tpu.memref_slice %arg9[%dma_start3A_55, %dma_start3A_62] : memref<160x128xi32, #tpu.memory_space<vmem>> -> memref<1x128xi32, #tpu.memory_space<vmem>>
      %dma_start3A_64 = tpu.memref_squeeze %dma_start3A_63 : memref<1x128xi32, #tpu.memory_space<vmem>> -> memref<128xi32, #tpu.memory_space<vmem>>
      %dma_start3A_65 = arith.constant 0 : i32
      %dma_start3A_66 = arith.constant 0 : i32
      %dma_start3A_67 = tpu.memref_slice %arg3[%dma_start3A_65, %dma_start3A_66] : memref<11264x16xf32, #tpu.memory_space<hbm>> -> memref<11264x16xf32, #tpu.memory_space<hbm>>
      %dma_start3A_68 = tpu.memref_slice %arg12[%dma_start3A_57] : memref<8x!tpu.dma_semaphore, #tpu.memory_space<semaphore_mem>> -> memref<1x!tpu.dma_semaphore, #tpu.memory_space<semaphore_mem>>
      %dma_start3A_69 = tpu.memref_squeeze %dma_start3A_68 : memref<1x!tpu.dma_semaphore, #tpu.memory_space<semaphore_mem>> -> memref<!tpu.dma_semaphore, #tpu.memory_space<semaphore_mem>>
      tpu.enqueue_indirect_dma source(%dma_start3A_67 : memref<11264x16xf32, #tpu.memory_space<hbm>>) target(%dma_start3A_61 : memref<128x16xf32, #tpu.memory_space<vmem>>) offsets(%dma_start3A_64 : memref<128xi32, #tpu.memory_space<vmem>>) semaphore(%dma_start3A_69 : memref<!tpu.dma_semaphore, #tpu.memory_space<semaphore_mem>>)
      %dma_start3A_70 = arith.constant 4 : i32
      %dma_start3A_71 = arith.constant 4 : i32
      %dma_start3A_72 = arith.constant 4 : i32
      %dma_start3A_73 = arith.constant 0 : i32
      %dma_start3A_74 = arith.constant 0 : i32
      %dma_start3A_75 = tpu.memref_slice %arg11[%dma_start3A_71, %dma_start3A_73, %dma_start3A_74] : memref<8x128x16xf32, #tpu.memory_space<vmem>> -> memref<1x128x16xf32, #tpu.memory_space<vmem>>
      %dma_start3A_76 = tpu.memref_squeeze %dma_start3A_75 : memref<1x128x16xf32, #tpu.memory_space<vmem>> -> memref<128x16xf32, #tpu.memory_space<vmem>>
      %dma_start3A_77 = arith.constant 0 : i32
      %dma_start3A_78 = tpu.memref_slice %arg9[%dma_start3A_70, %dma_start3A_77] : memref<160x128xi32, #tpu.memory_space<vmem>> -> memref<1x128xi32, #tpu.memory_space<vmem>>
      %dma_start3A_79 = tpu.memref_squeeze %dma_start3A_78 : memref<1x128xi32, #tpu.memory_space<vmem>> -> memref<128xi32, #tpu.memory_space<vmem>>
      %dma_start3A_80 = arith.constant 0 : i32
      %dma_start3A_81 = arith.constant 0 : i32
      %dma_start3A_82 = tpu.memref_slice %arg3[%dma_start3A_80, %dma_start3A_81] : memref<11264x16xf32, #tpu.memory_space<hbm>> -> memref<11264x16xf32, #tpu.memory_space<hbm>>
      %dma_start3A_83 = tpu.memref_slice %arg12[%dma_start3A_72] : memref<8x!tpu.dma_semaphore, #tpu.memory_space<semaphore_mem>> -> memref<1x!tpu.dma_semaphore, #tpu.memory_space<semaphore_mem>>
      %dma_start3A_84 = tpu.memref_squeeze %dma_start3A_83 : memref<1x!tpu.dma_semaphore, #tpu.memory_space<semaphore_mem>> -> memref<!tpu.dma_semaphore, #tpu.memory_space<semaphore_mem>>
      tpu.enqueue_indirect_dma source(%dma_start3A_82 : memref<11264x16xf32, #tpu.memory_space<hbm>>) target(%dma_start3A_76 : memref<128x16xf32, #tpu.memory_space<vmem>>) offsets(%dma_start3A_79 : memref<128xi32, #tpu.memory_space<vmem>>) semaphore(%dma_start3A_84 : memref<!tpu.dma_semaphore, #tpu.memory_space<semaphore_mem>>)
      %dma_start3A_85 = arith.constant 5 : i32
      %dma_start3A_86 = arith.constant 5 : i32
      %dma_start3A_87 = arith.constant 5 : i32
      %dma_start3A_88 = arith.constant 0 : i32
      %dma_start3A_89 = arith.constant 0 : i32
      %dma_start3A_90 = tpu.memref_slice %arg11[%dma_start3A_86, %dma_start3A_88, %dma_start3A_89] : memref<8x128x16xf32, #tpu.memory_space<vmem>> -> memref<1x128x16xf32, #tpu.memory_space<vmem>>
      %dma_start3A_91 = tpu.memref_squeeze %dma_start3A_90 : memref<1x128x16xf32, #tpu.memory_space<vmem>> -> memref<128x16xf32, #tpu.memory_space<vmem>>
      %dma_start3A_92 = arith.constant 0 : i32
      %dma_start3A_93 = tpu.memref_slice %arg9[%dma_start3A_85, %dma_start3A_92] : memref<160x128xi32, #tpu.memory_space<vmem>> -> memref<1x128xi32, #tpu.memory_space<vmem>>
      %dma_start3A_94 = tpu.memref_squeeze %dma_start3A_93 : memref<1x128xi32, #tpu.memory_space<vmem>> -> memref<128xi32, #tpu.memory_space<vmem>>
      %dma_start3A_95 = arith.constant 0 : i32
      %dma_start3A_96 = arith.constant 0 : i32
      %dma_start3A_97 = tpu.memref_slice %arg3[%dma_start3A_95, %dma_start3A_96] : memref<11264x16xf32, #tpu.memory_space<hbm>> -> memref<11264x16xf32, #tpu.memory_space<hbm>>
      %dma_start3A_98 = tpu.memref_slice %arg12[%dma_start3A_87] : memref<8x!tpu.dma_semaphore, #tpu.memory_space<semaphore_mem>> -> memref<1x!tpu.dma_semaphore, #tpu.memory_space<semaphore_mem>>
      %dma_start3A_99 = tpu.memref_squeeze %dma_start3A_98 : memref<1x!tpu.dma_semaphore, #tpu.memory_space<semaphore_mem>> -> memref<!tpu.dma_semaphore, #tpu.memory_space<semaphore_mem>>
      tpu.enqueue_indirect_dma source(%dma_start3A_97 : memref<11264x16xf32, #tpu.memory_space<hbm>>) target(%dma_start3A_91 : memref<128x16xf32, #tpu.memory_space<vmem>>) offsets(%dma_start3A_94 : memref<128xi32, #tpu.memory_space<vmem>>) semaphore(%dma_start3A_99 : memref<!tpu.dma_semaphore, #tpu.memory_space<semaphore_mem>>)
      %dma_start3A_100 = arith.constant 6 : i32
      %dma_start3A_101 = arith.constant 6 : i32
      %dma_start3A_102 = arith.constant 6 : i32
      %dma_start3A_103 = arith.constant 0 : i32
      %dma_start3A_104 = arith.constant 0 : i32
      %dma_start3A_105 = tpu.memref_slice %arg11[%dma_start3A_101, %dma_start3A_103, %dma_start3A_104] : memref<8x128x16xf32, #tpu.memory_space<vmem>> -> memref<1x128x16xf32, #tpu.memory_space<vmem>>
      %dma_start3A_106 = tpu.memref_squeeze %dma_start3A_105 : memref<1x128x16xf32, #tpu.memory_space<vmem>> -> memref<128x16xf32, #tpu.memory_space<vmem>>
      %dma_start3A_107 = arith.constant 0 : i32
      %dma_start3A_108 = tpu.memref_slice %arg9[%dma_start3A_100, %dma_start3A_107] : memref<160x128xi32, #tpu.memory_space<vmem>> -> memref<1x128xi32, #tpu.memory_space<vmem>>
      %dma_start3A_109 = tpu.memref_squeeze %dma_start3A_108 : memref<1x128xi32, #tpu.memory_space<vmem>> -> memref<128xi32, #tpu.memory_space<vmem>>
      %dma_start3A_110 = arith.constant 0 : i32
      %dma_start3A_111 = arith.constant 0 : i32
      %dma_start3A_112 = tpu.memref_slice %arg3[%dma_start3A_110, %dma_start3A_111] : memref<11264x16xf32, #tpu.memory_space<hbm>> -> memref<11264x16xf32, #tpu.memory_space<hbm>>
      %dma_start3A_113 = tpu.memref_slice %arg12[%dma_start3A_102] : memref<8x!tpu.dma_semaphore, #tpu.memory_space<semaphore_mem>> -> memref<1x!tpu.dma_semaphore, #tpu.memory_space<semaphore_mem>>
      %dma_start3A_114 = tpu.memref_squeeze %dma_start3A_113 : memref<1x!tpu.dma_semaphore, #tpu.memory_space<semaphore_mem>> -> memref<!tpu.dma_semaphore, #tpu.memory_space<semaphore_mem>>
      tpu.enqueue_indirect_dma source(%dma_start3A_112 : memref<11264x16xf32, #tpu.memory_space<hbm>>) target(%dma_start3A_106 : memref<128x16xf32, #tpu.memory_space<vmem>>) offsets(%dma_start3A_109 : memref<128xi32, #tpu.memory_space<vmem>>) semaphore(%dma_start3A_114 : memref<!tpu.dma_semaphore, #tpu.memory_space<semaphore_mem>>)
      %dma_start3A_115 = arith.constant 7 : i32
      %dma_start3A_116 = arith.constant 7 : i32
      %dma_start3A_117 = arith.constant 7 : i32
      %dma_start3A_118 = arith.constant 0 : i32
      %dma_start3A_119 = arith.constant 0 : i32
      %dma_start3A_120 = tpu.memref_slice %arg11[%dma_start3A_116, %dma_start3A_118, %dma_start3A_119] : memref<8x128x16xf32, #tpu.memory_space<vmem>> -> memref<1x128x16xf32, #tpu.memory_space<vmem>>
      %dma_start3A_121 = tpu.memref_squeeze %dma_start3A_120 : memref<1x128x16xf32, #tpu.memory_space<vmem>> -> memref<128x16xf32, #tpu.memory_space<vmem>>
      %dma_start3A_122 = arith.constant 0 : i32
      %dma_start3A_123 = tpu.memref_slice %arg9[%dma_start3A_115, %dma_start3A_122] : memref<160x128xi32, #tpu.memory_space<vmem>> -> memref<1x128xi32, #tpu.memory_space<vmem>>
      %dma_start3A_124 = tpu.memref_squeeze %dma_start3A_123 : memref<1x128xi32, #tpu.memory_space<vmem>> -> memref<128xi32, #tpu.memory_space<vmem>>
      %dma_start3A_125 = arith.constant 0 : i32
      %dma_start3A_126 = arith.constant 0 : i32
      %dma_start3A_127 = tpu.memref_slice %arg3[%dma_start3A_125, %dma_start3A_126] : memref<11264x16xf32, #tpu.memory_space<hbm>> -> memref<11264x16xf32, #tpu.memory_space<hbm>>
      %dma_start3A_128 = tpu.memref_slice %arg12[%dma_start3A_117] : memref<8x!tpu.dma_semaphore, #tpu.memory_space<semaphore_mem>> -> memref<1x!tpu.dma_semaphore, #tpu.memory_space<semaphore_mem>>
      %dma_start3A_129 = tpu.memref_squeeze %dma_start3A_128 : memref<1x!tpu.dma_semaphore, #tpu.memory_space<semaphore_mem>> -> memref<!tpu.dma_semaphore, #tpu.memory_space<semaphore_mem>>
      tpu.enqueue_indirect_dma source(%dma_start3A_127 : memref<11264x16xf32, #tpu.memory_space<hbm>>) target(%dma_start3A_121 : memref<128x16xf32, #tpu.memory_space<vmem>>) offsets(%dma_start3A_124 : memref<128xi32, #tpu.memory_space<vmem>>) semaphore(%dma_start3A_129 : memref<!tpu.dma_semaphore, #tpu.memory_space<semaphore_mem>>)
      %scan3A = arith.constant 0 : i32
      %scan3A_130 = arith.constant 20 : i32
      %scan3A_131 = arith.addi %scan3A, %scan3A_130 : i32
      %scan3A_132 = arith.constant 1 : i32
      scf.for %scan3A_135 = %scan3A to %scan3A_131 step %scan3A_132  : i32 {
        %mul3A_136 = arith.constant 1 : i32
        %mul3A_137 = arith.muli %scan3A_135, %mul3A_136 : i32
        %add3A = arith.constant 0 : i32
        %add3A_138 = arith.addi %add3A, %mul3A_137 : i32
        %mul3A_139 = arith.constant 8 : i32
        %mul3A_140 = arith.muli %add3A_138, %mul3A_139 : i32
        %add3A_141 = arith.constant 0 : i32
        %add3A_142 = arith.addi %mul3A_140, %add3A_141 : i32
        %dma_wait3A = arith.constant 0 : i32
        %dma_wait3A_143 = arith.constant 0 : i32
        %dma_wait3A_144 = arith.constant 0 : i32
        %dma_wait3A_145 = arith.constant 0 : i32
        %dma_wait3A_146 = tpu.memref_slice %arg11[%dma_wait3A, %dma_wait3A_144, %dma_wait3A_145] : memref<8x128x16xf32, #tpu.memory_space<vmem>> -> memref<1x128x16xf32, #tpu.memory_space<vmem>>
        %dma_wait3A_147 = tpu.memref_squeeze %dma_wait3A_146 : memref<1x128x16xf32, #tpu.memory_space<vmem>> -> memref<128x16xf32, #tpu.memory_space<vmem>>
        %dma_wait3A_148 = arith.constant 0 : i32
        %dma_wait3A_149 = tpu.memref_slice %arg9[%add3A_142, %dma_wait3A_148] : memref<160x128xi32, #tpu.memory_space<vmem>> -> memref<1x128xi32, #tpu.memory_space<vmem>>
        %dma_wait3A_150 = tpu.memref_squeeze %dma_wait3A_149 : memref<1x128xi32, #tpu.memory_space<vmem>> -> memref<128xi32, #tpu.memory_space<vmem>>
        %dma_wait3A_151 = arith.constant 0 : i32
        %dma_wait3A_152 = arith.constant 0 : i32
        %dma_wait3A_153 = tpu.memref_slice %arg3[%dma_wait3A_151, %dma_wait3A_152] : memref<11264x16xf32, #tpu.memory_space<hbm>> -> memref<11264x16xf32, #tpu.memory_space<hbm>>
        %dma_wait3A_154 = tpu.memref_slice %arg12[%dma_wait3A_143] : memref<8x!tpu.dma_semaphore, #tpu.memory_space<semaphore_mem>> -> memref<1x!tpu.dma_semaphore, #tpu.memory_space<semaphore_mem>>
        %dma_wait3A_155 = tpu.memref_squeeze %dma_wait3A_154 : memref<1x!tpu.dma_semaphore, #tpu.memory_space<semaphore_mem>> -> memref<!tpu.dma_semaphore, #tpu.memory_space<semaphore_mem>>
        tpu.wait_indirect_dma semaphore(%dma_wait3A_155 : memref<!tpu.dma_semaphore, #tpu.memory_space<semaphore_mem>>) src(%dma_wait3A_153 : memref<11264x16xf32, #tpu.memory_space<hbm>>) dst(%dma_wait3A_147 : memref<128x16xf32, #tpu.memory_space<vmem>>)
        %run_scoped3A = arith.constant 0 : i32
        "tpu.region"() ({
          %run_scoped3A_344 = tpu.sem_alloc : memref<!tpu.dma_semaphore, #tpu.memory_space<semaphore_mem>>
          %dma_start3A_345 = arith.constant 0 : i32
          %dma_start3A_346 = arith.constant 0 : i32
          %dma_start3A_347 = tpu.memref_slice %arg11[%run_scoped3A, %dma_start3A_345, %dma_start3A_346] : memref<8x128x16xf32, #tpu.memory_space<vmem>> -> memref<1x128x16xf32, #tpu.memory_space<vmem>>
          %dma_start3A_348 = tpu.memref_squeeze %dma_start3A_347 : memref<1x128x16xf32, #tpu.memory_space<vmem>> -> memref<128x16xf32, #tpu.memory_space<vmem>>
          %dma_start3A_349 = arith.constant 0 : i32
          %dma_start3A_350 = tpu.memref_slice %arg10[%add3A_142, %dma_start3A_349] : memref<160x128xi32, #tpu.memory_space<vmem>> -> memref<1x128xi32, #tpu.memory_space<vmem>>
          %dma_start3A_351 = tpu.memref_squeeze %dma_start3A_350 : memref<1x128xi32, #tpu.memory_space<vmem>> -> memref<128xi32, #tpu.memory_space<vmem>>
          %dma_start3A_352 = arith.constant 0 : i32
          %dma_start3A_353 = arith.constant 0 : i32
          %dma_start3A_354 = tpu.memref_slice %arg8[%dma_start3A_352, %dma_start3A_353] : memref<11264x16xf32, #tpu.memory_space<vmem_shared>> -> memref<11264x16xf32, #tpu.memory_space<vmem_shared>>
          tpu.enqueue_indirect_dma source(%dma_start3A_348 : memref<128x16xf32, #tpu.memory_space<vmem>>) target(%dma_start3A_354 : memref<11264x16xf32, #tpu.memory_space<vmem_shared>>) offsets(%dma_start3A_351 : memref<128xi32, #tpu.memory_space<vmem>>) semaphore(%run_scoped3A_344 : memref<!tpu.dma_semaphore, #tpu.memory_space<semaphore_mem>>) {add = true}
          %dma_wait3A_355 = arith.constant 0 : i32
          %dma_wait3A_356 = arith.constant 0 : i32
          %dma_wait3A_357 = tpu.memref_slice %arg11[%run_scoped3A, %dma_wait3A_355, %dma_wait3A_356] : memref<8x128x16xf32, #tpu.memory_space<vmem>> -> memref<1x128x16xf32, #tpu.memory_space<vmem>>
          %dma_wait3A_358 = tpu.memref_squeeze %dma_wait3A_357 : memref<1x128x16xf32, #tpu.memory_space<vmem>> -> memref<128x16xf32, #tpu.memory_space<vmem>>
          %dma_wait3A_359 = arith.constant 0 : i32
          %dma_wait3A_360 = tpu.memref_slice %arg10[%add3A_142, %dma_wait3A_359] : memref<160x128xi32, #tpu.memory_space<vmem>> -> memref<1x128xi32, #tpu.memory_space<vmem>>
          %dma_wait3A_361 = tpu.memref_squeeze %dma_wait3A_360 : memref<1x128xi32, #tpu.memory_space<vmem>> -> memref<128xi32, #tpu.memory_space<vmem>>
          %dma_wait3A_362 = arith.constant 0 : i32
          %dma_wait3A_363 = arith.constant 0 : i32
          %dma_wait3A_364 = tpu.memref_slice %arg8[%dma_wait3A_362, %dma_wait3A_363] : memref<11264x16xf32, #tpu.memory_space<vmem_shared>> -> memref<11264x16xf32, #tpu.memory_space<vmem_shared>>
          tpu.wait_indirect_dma semaphore(%run_scoped3A_344 : memref<!tpu.dma_semaphore, #tpu.memory_space<semaphore_mem>>) src(%dma_wait3A_358 : memref<128x16xf32, #tpu.memory_space<vmem>>) dst(%dma_wait3A_364 : memref<11264x16xf32, #tpu.memory_space<vmem_shared>>)
          tpu.yield
        }) : () -> ()
        %add3A_156 = arith.constant 8 : i32
        %add3A_157 = arith.addi %add3A_142, %add3A_156 : i32
        %lt3A = arith.constant 160 : i32
        %lt3A_158 = arith.cmpi slt, %add3A_157, %lt3A : i32
        %convert_element_type3A_159 = arith.extui %lt3A_158 : i1 to i32
        %cond3A_160 = arith.constant 0 : i32
        %cond3A_161 = arith.cmpi ne, %convert_element_type3A_159, %cond3A_160 : i32
        scf.if %cond3A_161 {
          %add3A_344 = arith.constant 8 : i32
          %add3A_345 = arith.addi %add3A_142, %add3A_344 : i32
          %dma_start3A_346 = arith.constant 0 : i32
          %dma_start3A_347 = arith.constant 0 : i32
          %dma_start3A_348 = arith.constant 0 : i32
          %dma_start3A_349 = arith.constant 0 : i32
          %dma_start3A_350 = tpu.memref_slice %arg11[%dma_start3A_346, %dma_start3A_348, %dma_start3A_349] : memref<8x128x16xf32, #tpu.memory_space<vmem>> -> memref<1x128x16xf32, #tpu.memory_space<vmem>>
          %dma_start3A_351 = tpu.memref_squeeze %dma_start3A_350 : memref<1x128x16xf32, #tpu.memory_space<vmem>> -> memref<128x16xf32, #tpu.memory_space<vmem>>
          %dma_start3A_352 = arith.constant 0 : i32
          %dma_start3A_353 = tpu.memref_slice %arg9[%add3A_345, %dma_start3A_352] : memref<160x128xi32, #tpu.memory_space<vmem>> -> memref<1x128xi32, #tpu.memory_space<vmem>>
          %dma_start3A_354 = tpu.memref_squeeze %dma_start3A_353 : memref<1x128xi32, #tpu.memory_space<vmem>> -> memref<128xi32, #tpu.memory_space<vmem>>
          %dma_start3A_355 = arith.constant 0 : i32
          %dma_start3A_356 = arith.constant 0 : i32
          %dma_start3A_357 = tpu.memref_slice %arg3[%dma_start3A_355, %dma_start3A_356] : memref<11264x16xf32, #tpu.memory_space<hbm>> -> memref<11264x16xf32, #tpu.memory_space<hbm>>
          %dma_start3A_358 = tpu.memref_slice %arg12[%dma_start3A_347] : memref<8x!tpu.dma_semaphore, #tpu.memory_space<semaphore_mem>> -> memref<1x!tpu.dma_semaphore, #tpu.memory_space<semaphore_mem>>
          %dma_start3A_359 = tpu.memref_squeeze %dma_start3A_358 : memref<1x!tpu.dma_semaphore, #tpu.memory_space<semaphore_mem>> -> memref<!tpu.dma_semaphore, #tpu.memory_space<semaphore_mem>>
          tpu.enqueue_indirect_dma source(%dma_start3A_357 : memref<11264x16xf32, #tpu.memory_space<hbm>>) target(%dma_start3A_351 : memref<128x16xf32, #tpu.memory_space<vmem>>) offsets(%dma_start3A_354 : memref<128xi32, #tpu.memory_space<vmem>>) semaphore(%dma_start3A_359 : memref<!tpu.dma_semaphore, #tpu.memory_space<semaphore_mem>>)
        } else {
        }
        %mul3A_162 = arith.constant 8 : i32
        %mul3A_163 = arith.muli %add3A_138, %mul3A_162 : i32
        %add3A_164 = arith.constant 1 : i32
        %add3A_165 = arith.addi %mul3A_163, %add3A_164 : i32
        %dma_wait3A_166 = arith.constant 1 : i32
        %dma_wait3A_167 = arith.constant 1 : i32
        %dma_wait3A_168 = arith.constant 0 : i32
        %dma_wait3A_169 = arith.constant 0 : i32
        %dma_wait3A_170 = tpu.memref_slice %arg11[%dma_wait3A_166, %dma_wait3A_168, %dma_wait3A_169] : memref<8x128x16xf32, #tpu.memory_space<vmem>> -> memref<1x128x16xf32, #tpu.memory_space<vmem>>
        %dma_wait3A_171 = tpu.memref_squeeze %dma_wait3A_170 : memref<1x128x16xf32, #tpu.memory_space<vmem>> -> memref<128x16xf32, #tpu.memory_space<vmem>>
        %dma_wait3A_172 = arith.constant 0 : i32
        %dma_wait3A_173 = tpu.memref_slice %arg9[%add3A_165, %dma_wait3A_172] : memref<160x128xi32, #tpu.memory_space<vmem>> -> memref<1x128xi32, #tpu.memory_space<vmem>>
        %dma_wait3A_174 = tpu.memref_squeeze %dma_wait3A_173 : memref<1x128xi32, #tpu.memory_space<vmem>> -> memref<128xi32, #tpu.memory_space<vmem>>
        %dma_wait3A_175 = arith.constant 0 : i32
        %dma_wait3A_176 = arith.constant 0 : i32
        %dma_wait3A_177 = tpu.memref_slice %arg3[%dma_wait3A_175, %dma_wait3A_176] : memref<11264x16xf32, #tpu.memory_space<hbm>> -> memref<11264x16xf32, #tpu.memory_space<hbm>>
        %dma_wait3A_178 = tpu.memref_slice %arg12[%dma_wait3A_167] : memref<8x!tpu.dma_semaphore, #tpu.memory_space<semaphore_mem>> -> memref<1x!tpu.dma_semaphore, #tpu.memory_space<semaphore_mem>>
        %dma_wait3A_179 = tpu.memref_squeeze %dma_wait3A_178 : memref<1x!tpu.dma_semaphore, #tpu.memory_space<semaphore_mem>> -> memref<!tpu.dma_semaphore, #tpu.memory_space<semaphore_mem>>
        tpu.wait_indirect_dma semaphore(%dma_wait3A_179 : memref<!tpu.dma_semaphore, #tpu.memory_space<semaphore_mem>>) src(%dma_wait3A_177 : memref<11264x16xf32, #tpu.memory_space<hbm>>) dst(%dma_wait3A_171 : memref<128x16xf32, #tpu.memory_space<vmem>>)
        %run_scoped3A_180 = arith.constant 1 : i32
        "tpu.region"() ({
          %run_scoped3A_344 = tpu.sem_alloc : memref<!tpu.dma_semaphore, #tpu.memory_space<semaphore_mem>>
          %dma_start3A_345 = arith.constant 0 : i32
          %dma_start3A_346 = arith.constant 0 : i32
          %dma_start3A_347 = tpu.memref_slice %arg11[%run_scoped3A_180, %dma_start3A_345, %dma_start3A_346] : memref<8x128x16xf32, #tpu.memory_space<vmem>> -> memref<1x128x16xf32, #tpu.memory_space<vmem>>
          %dma_start3A_348 = tpu.memref_squeeze %dma_start3A_347 : memref<1x128x16xf32, #tpu.memory_space<vmem>> -> memref<128x16xf32, #tpu.memory_space<vmem>>
          %dma_start3A_349 = arith.constant 0 : i32
          %dma_start3A_350 = tpu.memref_slice %arg10[%add3A_165, %dma_start3A_349] : memref<160x128xi32, #tpu.memory_space<vmem>> -> memref<1x128xi32, #tpu.memory_space<vmem>>
          %dma_start3A_351 = tpu.memref_squeeze %dma_start3A_350 : memref<1x128xi32, #tpu.memory_space<vmem>> -> memref<128xi32, #tpu.memory_space<vmem>>
          %dma_start3A_352 = arith.constant 0 : i32
          %dma_start3A_353 = arith.constant 0 : i32
          %dma_start3A_354 = tpu.memref_slice %arg8[%dma_start3A_352, %dma_start3A_353] : memref<11264x16xf32, #tpu.memory_space<vmem_shared>> -> memref<11264x16xf32, #tpu.memory_space<vmem_shared>>
          tpu.enqueue_indirect_dma source(%dma_start3A_348 : memref<128x16xf32, #tpu.memory_space<vmem>>) target(%dma_start3A_354 : memref<11264x16xf32, #tpu.memory_space<vmem_shared>>) offsets(%dma_start3A_351 : memref<128xi32, #tpu.memory_space<vmem>>) semaphore(%run_scoped3A_344 : memref<!tpu.dma_semaphore, #tpu.memory_space<semaphore_mem>>) {add = true}
          %dma_wait3A_355 = arith.constant 0 : i32
          %dma_wait3A_356 = arith.constant 0 : i32
          %dma_wait3A_357 = tpu.memref_slice %arg11[%run_scoped3A_180, %dma_wait3A_355, %dma_wait3A_356] : memref<8x128x16xf32, #tpu.memory_space<vmem>> -> memref<1x128x16xf32, #tpu.memory_space<vmem>>
          %dma_wait3A_358 = tpu.memref_squeeze %dma_wait3A_357 : memref<1x128x16xf32, #tpu.memory_space<vmem>> -> memref<128x16xf32, #tpu.memory_space<vmem>>
          %dma_wait3A_359 = arith.constant 0 : i32
          %dma_wait3A_360 = tpu.memref_slice %arg10[%add3A_165, %dma_wait3A_359] : memref<160x128xi32, #tpu.memory_space<vmem>> -> memref<1x128xi32, #tpu.memory_space<vmem>>
          %dma_wait3A_361 = tpu.memref_squeeze %dma_wait3A_360 : memref<1x128xi32, #tpu.memory_space<vmem>> -> memref<128xi32, #tpu.memory_space<vmem>>
          %dma_wait3A_362 = arith.constant 0 : i32
          %dma_wait3A_363 = arith.constant 0 : i32
          %dma_wait3A_364 = tpu.memref_slice %arg8[%dma_wait3A_362, %dma_wait3A_363] : memref<11264x16xf32, #tpu.memory_space<vmem_shared>> -> memref<11264x16xf32, #tpu.memory_space<vmem_shared>>
          tpu.wait_indirect_dma semaphore(%run_scoped3A_344 : memref<!tpu.dma_semaphore, #tpu.memory_space<semaphore_mem>>) src(%dma_wait3A_358 : memref<128x16xf32, #tpu.memory_space<vmem>>) dst(%dma_wait3A_364 : memref<11264x16xf32, #tpu.memory_space<vmem_shared>>)
          tpu.yield
        }) : () -> ()
        %add3A_181 = arith.constant 8 : i32
        %add3A_182 = arith.addi %add3A_165, %add3A_181 : i32
        %lt3A_183 = arith.constant 160 : i32
        %lt3A_184 = arith.cmpi slt, %add3A_182, %lt3A_183 : i32
        %convert_element_type3A_185 = arith.extui %lt3A_184 : i1 to i32
        %cond3A_186 = arith.constant 0 : i32
        %cond3A_187 = arith.cmpi ne, %convert_element_type3A_185, %cond3A_186 : i32
        scf.if %cond3A_187 {
          %add3A_344 = arith.constant 8 : i32
          %add3A_345 = arith.addi %add3A_165, %add3A_344 : i32
          %dma_start3A_346 = arith.constant 1 : i32
          %dma_start3A_347 = arith.constant 1 : i32
          %dma_start3A_348 = arith.constant 0 : i32
          %dma_start3A_349 = arith.constant 0 : i32
          %dma_start3A_350 = tpu.memref_slice %arg11[%dma_start3A_346, %dma_start3A_348, %dma_start3A_349] : memref<8x128x16xf32, #tpu.memory_space<vmem>> -> memref<1x128x16xf32, #tpu.memory_space<vmem>>
          %dma_start3A_351 = tpu.memref_squeeze %dma_start3A_350 : memref<1x128x16xf32, #tpu.memory_space<vmem>> -> memref<128x16xf32, #tpu.memory_space<vmem>>
          %dma_start3A_352 = arith.constant 0 : i32
          %dma_start3A_353 = tpu.memref_slice %arg9[%add3A_345, %dma_start3A_352] : memref<160x128xi32, #tpu.memory_space<vmem>> -> memref<1x128xi32, #tpu.memory_space<vmem>>
          %dma_start3A_354 = tpu.memref_squeeze %dma_start3A_353 : memref<1x128xi32, #tpu.memory_space<vmem>> -> memref<128xi32, #tpu.memory_space<vmem>>
          %dma_start3A_355 = arith.constant 0 : i32
          %dma_start3A_356 = arith.constant 0 : i32
          %dma_start3A_357 = tpu.memref_slice %arg3[%dma_start3A_355, %dma_start3A_356] : memref<11264x16xf32, #tpu.memory_space<hbm>> -> memref<11264x16xf32, #tpu.memory_space<hbm>>
          %dma_start3A_358 = tpu.memref_slice %arg12[%dma_start3A_347] : memref<8x!tpu.dma_semaphore, #tpu.memory_space<semaphore_mem>> -> memref<1x!tpu.dma_semaphore, #tpu.memory_space<semaphore_mem>>
          %dma_start3A_359 = tpu.memref_squeeze %dma_start3A_358 : memref<1x!tpu.dma_semaphore, #tpu.memory_space<semaphore_mem>> -> memref<!tpu.dma_semaphore, #tpu.memory_space<semaphore_mem>>
          tpu.enqueue_indirect_dma source(%dma_start3A_357 : memref<11264x16xf32, #tpu.memory_space<hbm>>) target(%dma_start3A_351 : memref<128x16xf32, #tpu.memory_space<vmem>>) offsets(%dma_start3A_354 : memref<128xi32, #tpu.memory_space<vmem>>) semaphore(%dma_start3A_359 : memref<!tpu.dma_semaphore, #tpu.memory_space<semaphore_mem>>)
        } else {
        }
        %mul3A_188 = arith.constant 8 : i32
        %mul3A_189 = arith.muli %add3A_138, %mul3A_188 : i32
        %add3A_190 = arith.constant 2 : i32
        %add3A_191 = arith.addi %mul3A_189, %add3A_190 : i32
        %dma_wait3A_192 = arith.constant 2 : i32
        %dma_wait3A_193 = arith.constant 2 : i32
        %dma_wait3A_194 = arith.constant 0 : i32
        %dma_wait3A_195 = arith.constant 0 : i32
        %dma_wait3A_196 = tpu.memref_slice %arg11[%dma_wait3A_192, %dma_wait3A_194, %dma_wait3A_195] : memref<8x128x16xf32, #tpu.memory_space<vmem>> -> memref<1x128x16xf32, #tpu.memory_space<vmem>>
        %dma_wait3A_197 = tpu.memref_squeeze %dma_wait3A_196 : memref<1x128x16xf32, #tpu.memory_space<vmem>> -> memref<128x16xf32, #tpu.memory_space<vmem>>
        %dma_wait3A_198 = arith.constant 0 : i32
        %dma_wait3A_199 = tpu.memref_slice %arg9[%add3A_191, %dma_wait3A_198] : memref<160x128xi32, #tpu.memory_space<vmem>> -> memref<1x128xi32, #tpu.memory_space<vmem>>
        %dma_wait3A_200 = tpu.memref_squeeze %dma_wait3A_199 : memref<1x128xi32, #tpu.memory_space<vmem>> -> memref<128xi32, #tpu.memory_space<vmem>>
        %dma_wait3A_201 = arith.constant 0 : i32
        %dma_wait3A_202 = arith.constant 0 : i32
        %dma_wait3A_203 = tpu.memref_slice %arg3[%dma_wait3A_201, %dma_wait3A_202] : memref<11264x16xf32, #tpu.memory_space<hbm>> -> memref<11264x16xf32, #tpu.memory_space<hbm>>
        %dma_wait3A_204 = tpu.memref_slice %arg12[%dma_wait3A_193] : memref<8x!tpu.dma_semaphore, #tpu.memory_space<semaphore_mem>> -> memref<1x!tpu.dma_semaphore, #tpu.memory_space<semaphore_mem>>
        %dma_wait3A_205 = tpu.memref_squeeze %dma_wait3A_204 : memref<1x!tpu.dma_semaphore, #tpu.memory_space<semaphore_mem>> -> memref<!tpu.dma_semaphore, #tpu.memory_space<semaphore_mem>>
        tpu.wait_indirect_dma semaphore(%dma_wait3A_205 : memref<!tpu.dma_semaphore, #tpu.memory_space<semaphore_mem>>) src(%dma_wait3A_203 : memref<11264x16xf32, #tpu.memory_space<hbm>>) dst(%dma_wait3A_197 : memref<128x16xf32, #tpu.memory_space<vmem>>)
        %run_scoped3A_206 = arith.constant 2 : i32
        "tpu.region"() ({
          %run_scoped3A_344 = tpu.sem_alloc : memref<!tpu.dma_semaphore, #tpu.memory_space<semaphore_mem>>
          %dma_start3A_345 = arith.constant 0 : i32
          %dma_start3A_346 = arith.constant 0 : i32
          %dma_start3A_347 = tpu.memref_slice %arg11[%run_scoped3A_206, %dma_start3A_345, %dma_start3A_346] : memref<8x128x16xf32, #tpu.memory_space<vmem>> -> memref<1x128x16xf32, #tpu.memory_space<vmem>>
          %dma_start3A_348 = tpu.memref_squeeze %dma_start3A_347 : memref<1x128x16xf32, #tpu.memory_space<vmem>> -> memref<128x16xf32, #tpu.memory_space<vmem>>
          %dma_start3A_349 = arith.constant 0 : i32
          %dma_start3A_350 = tpu.memref_slice %arg10[%add3A_191, %dma_start3A_349] : memref<160x128xi32, #tpu.memory_space<vmem>> -> memref<1x128xi32, #tpu.memory_space<vmem>>
          %dma_start3A_351 = tpu.memref_squeeze %dma_start3A_350 : memref<1x128xi32, #tpu.memory_space<vmem>> -> memref<128xi32, #tpu.memory_space<vmem>>
          %dma_start3A_352 = arith.constant 0 : i32
          %dma_start3A_353 = arith.constant 0 : i32
          %dma_start3A_354 = tpu.memref_slice %arg8[%dma_start3A_352, %dma_start3A_353] : memref<11264x16xf32, #tpu.memory_space<vmem_shared>> -> memref<11264x16xf32, #tpu.memory_space<vmem_shared>>
          tpu.enqueue_indirect_dma source(%dma_start3A_348 : memref<128x16xf32, #tpu.memory_space<vmem>>) target(%dma_start3A_354 : memref<11264x16xf32, #tpu.memory_space<vmem_shared>>) offsets(%dma_start3A_351 : memref<128xi32, #tpu.memory_space<vmem>>) semaphore(%run_scoped3A_344 : memref<!tpu.dma_semaphore, #tpu.memory_space<semaphore_mem>>) {add = true}
          %dma_wait3A_355 = arith.constant 0 : i32
          %dma_wait3A_356 = arith.constant 0 : i32
          %dma_wait3A_357 = tpu.memref_slice %arg11[%run_scoped3A_206, %dma_wait3A_355, %dma_wait3A_356] : memref<8x128x16xf32, #tpu.memory_space<vmem>> -> memref<1x128x16xf32, #tpu.memory_space<vmem>>
          %dma_wait3A_358 = tpu.memref_squeeze %dma_wait3A_357 : memref<1x128x16xf32, #tpu.memory_space<vmem>> -> memref<128x16xf32, #tpu.memory_space<vmem>>
          %dma_wait3A_359 = arith.constant 0 : i32
          %dma_wait3A_360 = tpu.memref_slice %arg10[%add3A_191, %dma_wait3A_359] : memref<160x128xi32, #tpu.memory_space<vmem>> -> memref<1x128xi32, #tpu.memory_space<vmem>>
          %dma_wait3A_361 = tpu.memref_squeeze %dma_wait3A_360 : memref<1x128xi32, #tpu.memory_space<vmem>> -> memref<128xi32, #tpu.memory_space<vmem>>
          %dma_wait3A_362 = arith.constant 0 : i32
          %dma_wait3A_363 = arith.constant 0 : i32
          %dma_wait3A_364 = tpu.memref_slice %arg8[%dma_wait3A_362, %dma_wait3A_363] : memref<11264x16xf32, #tpu.memory_space<vmem_shared>> -> memref<11264x16xf32, #tpu.memory_space<vmem_shared>>
          tpu.wait_indirect_dma semaphore(%run_scoped3A_344 : memref<!tpu.dma_semaphore, #tpu.memory_space<semaphore_mem>>) src(%dma_wait3A_358 : memref<128x16xf32, #tpu.memory_space<vmem>>) dst(%dma_wait3A_364 : memref<11264x16xf32, #tpu.memory_space<vmem_shared>>)
          tpu.yield
        }) : () -> ()
        %add3A_207 = arith.constant 8 : i32
        %add3A_208 = arith.addi %add3A_191, %add3A_207 : i32
        %lt3A_209 = arith.constant 160 : i32
        %lt3A_210 = arith.cmpi slt, %add3A_208, %lt3A_209 : i32
        %convert_element_type3A_211 = arith.extui %lt3A_210 : i1 to i32
        %cond3A_212 = arith.constant 0 : i32
        %cond3A_213 = arith.cmpi ne, %convert_element_type3A_211, %cond3A_212 : i32
        scf.if %cond3A_213 {
          %add3A_344 = arith.constant 8 : i32
          %add3A_345 = arith.addi %add3A_191, %add3A_344 : i32
          %dma_start3A_346 = arith.constant 2 : i32
          %dma_start3A_347 = arith.constant 2 : i32
          %dma_start3A_348 = arith.constant 0 : i32
          %dma_start3A_349 = arith.constant 0 : i32
          %dma_start3A_350 = tpu.memref_slice %arg11[%dma_start3A_346, %dma_start3A_348, %dma_start3A_349] : memref<8x128x16xf32, #tpu.memory_space<vmem>> -> memref<1x128x16xf32, #tpu.memory_space<vmem>>
          %dma_start3A_351 = tpu.memref_squeeze %dma_start3A_350 : memref<1x128x16xf32, #tpu.memory_space<vmem>> -> memref<128x16xf32, #tpu.memory_space<vmem>>
          %dma_start3A_352 = arith.constant 0 : i32
          %dma_start3A_353 = tpu.memref_slice %arg9[%add3A_345, %dma_start3A_352] : memref<160x128xi32, #tpu.memory_space<vmem>> -> memref<1x128xi32, #tpu.memory_space<vmem>>
          %dma_start3A_354 = tpu.memref_squeeze %dma_start3A_353 : memref<1x128xi32, #tpu.memory_space<vmem>> -> memref<128xi32, #tpu.memory_space<vmem>>
          %dma_start3A_355 = arith.constant 0 : i32
          %dma_start3A_356 = arith.constant 0 : i32
          %dma_start3A_357 = tpu.memref_slice %arg3[%dma_start3A_355, %dma_start3A_356] : memref<11264x16xf32, #tpu.memory_space<hbm>> -> memref<11264x16xf32, #tpu.memory_space<hbm>>
          %dma_start3A_358 = tpu.memref_slice %arg12[%dma_start3A_347] : memref<8x!tpu.dma_semaphore, #tpu.memory_space<semaphore_mem>> -> memref<1x!tpu.dma_semaphore, #tpu.memory_space<semaphore_mem>>
          %dma_start3A_359 = tpu.memref_squeeze %dma_start3A_358 : memref<1x!tpu.dma_semaphore, #tpu.memory_space<semaphore_mem>> -> memref<!tpu.dma_semaphore, #tpu.memory_space<semaphore_mem>>
          tpu.enqueue_indirect_dma source(%dma_start3A_357 : memref<11264x16xf32, #tpu.memory_space<hbm>>) target(%dma_start3A_351 : memref<128x16xf32, #tpu.memory_space<vmem>>) offsets(%dma_start3A_354 : memref<128xi32, #tpu.memory_space<vmem>>) semaphore(%dma_start3A_359 : memref<!tpu.dma_semaphore, #tpu.memory_space<semaphore_mem>>)
        } else {
        }
        %mul3A_214 = arith.constant 8 : i32
        %mul3A_215 = arith.muli %add3A_138, %mul3A_214 : i32
        %add3A_216 = arith.constant 3 : i32
        %add3A_217 = arith.addi %mul3A_215, %add3A_216 : i32
        %dma_wait3A_218 = arith.constant 3 : i32
        %dma_wait3A_219 = arith.constant 3 : i32
        %dma_wait3A_220 = arith.constant 0 : i32
        %dma_wait3A_221 = arith.constant 0 : i32
        %dma_wait3A_222 = tpu.memref_slice %arg11[%dma_wait3A_218, %dma_wait3A_220, %dma_wait3A_221] : memref<8x128x16xf32, #tpu.memory_space<vmem>> -> memref<1x128x16xf32, #tpu.memory_space<vmem>>
        %dma_wait3A_223 = tpu.memref_squeeze %dma_wait3A_222 : memref<1x128x16xf32, #tpu.memory_space<vmem>> -> memref<128x16xf32, #tpu.memory_space<vmem>>
        %dma_wait3A_224 = arith.constant 0 : i32
        %dma_wait3A_225 = tpu.memref_slice %arg9[%add3A_217, %dma_wait3A_224] : memref<160x128xi32, #tpu.memory_space<vmem>> -> memref<1x128xi32, #tpu.memory_space<vmem>>
        %dma_wait3A_226 = tpu.memref_squeeze %dma_wait3A_225 : memref<1x128xi32, #tpu.memory_space<vmem>> -> memref<128xi32, #tpu.memory_space<vmem>>
        %dma_wait3A_227 = arith.constant 0 : i32
        %dma_wait3A_228 = arith.constant 0 : i32
        %dma_wait3A_229 = tpu.memref_slice %arg3[%dma_wait3A_227, %dma_wait3A_228] : memref<11264x16xf32, #tpu.memory_space<hbm>> -> memref<11264x16xf32, #tpu.memory_space<hbm>>
        %dma_wait3A_230 = tpu.memref_slice %arg12[%dma_wait3A_219] : memref<8x!tpu.dma_semaphore, #tpu.memory_space<semaphore_mem>> -> memref<1x!tpu.dma_semaphore, #tpu.memory_space<semaphore_mem>>
        %dma_wait3A_231 = tpu.memref_squeeze %dma_wait3A_230 : memref<1x!tpu.dma_semaphore, #tpu.memory_space<semaphore_mem>> -> memref<!tpu.dma_semaphore, #tpu.memory_space<semaphore_mem>>
        tpu.wait_indirect_dma semaphore(%dma_wait3A_231 : memref<!tpu.dma_semaphore, #tpu.memory_space<semaphore_mem>>) src(%dma_wait3A_229 : memref<11264x16xf32, #tpu.memory_space<hbm>>) dst(%dma_wait3A_223 : memref<128x16xf32, #tpu.memory_space<vmem>>)
        %run_scoped3A_232 = arith.constant 3 : i32
        "tpu.region"() ({
          %run_scoped3A_344 = tpu.sem_alloc : memref<!tpu.dma_semaphore, #tpu.memory_space<semaphore_mem>>
          %dma_start3A_345 = arith.constant 0 : i32
          %dma_start3A_346 = arith.constant 0 : i32
          %dma_start3A_347 = tpu.memref_slice %arg11[%run_scoped3A_232, %dma_start3A_345, %dma_start3A_346] : memref<8x128x16xf32, #tpu.memory_space<vmem>> -> memref<1x128x16xf32, #tpu.memory_space<vmem>>
          %dma_start3A_348 = tpu.memref_squeeze %dma_start3A_347 : memref<1x128x16xf32, #tpu.memory_space<vmem>> -> memref<128x16xf32, #tpu.memory_space<vmem>>
          %dma_start3A_349 = arith.constant 0 : i32
          %dma_start3A_350 = tpu.memref_slice %arg10[%add3A_217, %dma_start3A_349] : memref<160x128xi32, #tpu.memory_space<vmem>> -> memref<1x128xi32, #tpu.memory_space<vmem>>
          %dma_start3A_351 = tpu.memref_squeeze %dma_start3A_350 : memref<1x128xi32, #tpu.memory_space<vmem>> -> memref<128xi32, #tpu.memory_space<vmem>>
          %dma_start3A_352 = arith.constant 0 : i32
          %dma_start3A_353 = arith.constant 0 : i32
          %dma_start3A_354 = tpu.memref_slice %arg8[%dma_start3A_352, %dma_start3A_353] : memref<11264x16xf32, #tpu.memory_space<vmem_shared>> -> memref<11264x16xf32, #tpu.memory_space<vmem_shared>>
          tpu.enqueue_indirect_dma source(%dma_start3A_348 : memref<128x16xf32, #tpu.memory_space<vmem>>) target(%dma_start3A_354 : memref<11264x16xf32, #tpu.memory_space<vmem_shared>>) offsets(%dma_start3A_351 : memref<128xi32, #tpu.memory_space<vmem>>) semaphore(%run_scoped3A_344 : memref<!tpu.dma_semaphore, #tpu.memory_space<semaphore_mem>>) {add = true}
          %dma_wait3A_355 = arith.constant 0 : i32
          %dma_wait3A_356 = arith.constant 0 : i32
          %dma_wait3A_357 = tpu.memref_slice %arg11[%run_scoped3A_232, %dma_wait3A_355, %dma_wait3A_356] : memref<8x128x16xf32, #tpu.memory_space<vmem>> -> memref<1x128x16xf32, #tpu.memory_space<vmem>>
          %dma_wait3A_358 = tpu.memref_squeeze %dma_wait3A_357 : memref<1x128x16xf32, #tpu.memory_space<vmem>> -> memref<128x16xf32, #tpu.memory_space<vmem>>
          %dma_wait3A_359 = arith.constant 0 : i32
          %dma_wait3A_360 = tpu.memref_slice %arg10[%add3A_217, %dma_wait3A_359] : memref<160x128xi32, #tpu.memory_space<vmem>> -> memref<1x128xi32, #tpu.memory_space<vmem>>
          %dma_wait3A_361 = tpu.memref_squeeze %dma_wait3A_360 : memref<1x128xi32, #tpu.memory_space<vmem>> -> memref<128xi32, #tpu.memory_space<vmem>>
          %dma_wait3A_362 = arith.constant 0 : i32
          %dma_wait3A_363 = arith.constant 0 : i32
          %dma_wait3A_364 = tpu.memref_slice %arg8[%dma_wait3A_362, %dma_wait3A_363] : memref<11264x16xf32, #tpu.memory_space<vmem_shared>> -> memref<11264x16xf32, #tpu.memory_space<vmem_shared>>
          tpu.wait_indirect_dma semaphore(%run_scoped3A_344 : memref<!tpu.dma_semaphore, #tpu.memory_space<semaphore_mem>>) src(%dma_wait3A_358 : memref<128x16xf32, #tpu.memory_space<vmem>>) dst(%dma_wait3A_364 : memref<11264x16xf32, #tpu.memory_space<vmem_shared>>)
          tpu.yield
        }) : () -> ()
        %add3A_233 = arith.constant 8 : i32
        %add3A_234 = arith.addi %add3A_217, %add3A_233 : i32
        %lt3A_235 = arith.constant 160 : i32
        %lt3A_236 = arith.cmpi slt, %add3A_234, %lt3A_235 : i32
        %convert_element_type3A_237 = arith.extui %lt3A_236 : i1 to i32
        %cond3A_238 = arith.constant 0 : i32
        %cond3A_239 = arith.cmpi ne, %convert_element_type3A_237, %cond3A_238 : i32
        scf.if %cond3A_239 {
          %add3A_344 = arith.constant 8 : i32
          %add3A_345 = arith.addi %add3A_217, %add3A_344 : i32
          %dma_start3A_346 = arith.constant 3 : i32
          %dma_start3A_347 = arith.constant 3 : i32
          %dma_start3A_348 = arith.constant 0 : i32
          %dma_start3A_349 = arith.constant 0 : i32
          %dma_start3A_350 = tpu.memref_slice %arg11[%dma_start3A_346, %dma_start3A_348, %dma_start3A_349] : memref<8x128x16xf32, #tpu.memory_space<vmem>> -> memref<1x128x16xf32, #tpu.memory_space<vmem>>
          %dma_start3A_351 = tpu.memref_squeeze %dma_start3A_350 : memref<1x128x16xf32, #tpu.memory_space<vmem>> -> memref<128x16xf32, #tpu.memory_space<vmem>>
          %dma_start3A_352 = arith.constant 0 : i32
          %dma_start3A_353 = tpu.memref_slice %arg9[%add3A_345, %dma_start3A_352] : memref<160x128xi32, #tpu.memory_space<vmem>> -> memref<1x128xi32, #tpu.memory_space<vmem>>
          %dma_start3A_354 = tpu.memref_squeeze %dma_start3A_353 : memref<1x128xi32, #tpu.memory_space<vmem>> -> memref<128xi32, #tpu.memory_space<vmem>>
          %dma_start3A_355 = arith.constant 0 : i32
          %dma_start3A_356 = arith.constant 0 : i32
          %dma_start3A_357 = tpu.memref_slice %arg3[%dma_start3A_355, %dma_start3A_356] : memref<11264x16xf32, #tpu.memory_space<hbm>> -> memref<11264x16xf32, #tpu.memory_space<hbm>>
          %dma_start3A_358 = tpu.memref_slice %arg12[%dma_start3A_347] : memref<8x!tpu.dma_semaphore, #tpu.memory_space<semaphore_mem>> -> memref<1x!tpu.dma_semaphore, #tpu.memory_space<semaphore_mem>>
          %dma_start3A_359 = tpu.memref_squeeze %dma_start3A_358 : memref<1x!tpu.dma_semaphore, #tpu.memory_space<semaphore_mem>> -> memref<!tpu.dma_semaphore, #tpu.memory_space<semaphore_mem>>
          tpu.enqueue_indirect_dma source(%dma_start3A_357 : memref<11264x16xf32, #tpu.memory_space<hbm>>) target(%dma_start3A_351 : memref<128x16xf32, #tpu.memory_space<vmem>>) offsets(%dma_start3A_354 : memref<128xi32, #tpu.memory_space<vmem>>) semaphore(%dma_start3A_359 : memref<!tpu.dma_semaphore, #tpu.memory_space<semaphore_mem>>)
        } else {
        }
        %mul3A_240 = arith.constant 8 : i32
        %mul3A_241 = arith.muli %add3A_138, %mul3A_240 : i32
        %add3A_242 = arith.constant 4 : i32
        %add3A_243 = arith.addi %mul3A_241, %add3A_242 : i32
        %dma_wait3A_244 = arith.constant 4 : i32
        %dma_wait3A_245 = arith.constant 4 : i32
        %dma_wait3A_246 = arith.constant 0 : i32
        %dma_wait3A_247 = arith.constant 0 : i32
        %dma_wait3A_248 = tpu.memref_slice %arg11[%dma_wait3A_244, %dma_wait3A_246, %dma_wait3A_247] : memref<8x128x16xf32, #tpu.memory_space<vmem>> -> memref<1x128x16xf32, #tpu.memory_space<vmem>>
        %dma_wait3A_249 = tpu.memref_squeeze %dma_wait3A_248 : memref<1x128x16xf32, #tpu.memory_space<vmem>> -> memref<128x16xf32, #tpu.memory_space<vmem>>
        %dma_wait3A_250 = arith.constant 0 : i32
        %dma_wait3A_251 = tpu.memref_slice %arg9[%add3A_243, %dma_wait3A_250] : memref<160x128xi32, #tpu.memory_space<vmem>> -> memref<1x128xi32, #tpu.memory_space<vmem>>
        %dma_wait3A_252 = tpu.memref_squeeze %dma_wait3A_251 : memref<1x128xi32, #tpu.memory_space<vmem>> -> memref<128xi32, #tpu.memory_space<vmem>>
        %dma_wait3A_253 = arith.constant 0 : i32
        %dma_wait3A_254 = arith.constant 0 : i32
        %dma_wait3A_255 = tpu.memref_slice %arg3[%dma_wait3A_253, %dma_wait3A_254] : memref<11264x16xf32, #tpu.memory_space<hbm>> -> memref<11264x16xf32, #tpu.memory_space<hbm>>
        %dma_wait3A_256 = tpu.memref_slice %arg12[%dma_wait3A_245] : memref<8x!tpu.dma_semaphore, #tpu.memory_space<semaphore_mem>> -> memref<1x!tpu.dma_semaphore, #tpu.memory_space<semaphore_mem>>
        %dma_wait3A_257 = tpu.memref_squeeze %dma_wait3A_256 : memref<1x!tpu.dma_semaphore, #tpu.memory_space<semaphore_mem>> -> memref<!tpu.dma_semaphore, #tpu.memory_space<semaphore_mem>>
        tpu.wait_indirect_dma semaphore(%dma_wait3A_257 : memref<!tpu.dma_semaphore, #tpu.memory_space<semaphore_mem>>) src(%dma_wait3A_255 : memref<11264x16xf32, #tpu.memory_space<hbm>>) dst(%dma_wait3A_249 : memref<128x16xf32, #tpu.memory_space<vmem>>)
        %run_scoped3A_258 = arith.constant 4 : i32
        "tpu.region"() ({
          %run_scoped3A_344 = tpu.sem_alloc : memref<!tpu.dma_semaphore, #tpu.memory_space<semaphore_mem>>
          %dma_start3A_345 = arith.constant 0 : i32
          %dma_start3A_346 = arith.constant 0 : i32
          %dma_start3A_347 = tpu.memref_slice %arg11[%run_scoped3A_258, %dma_start3A_345, %dma_start3A_346] : memref<8x128x16xf32, #tpu.memory_space<vmem>> -> memref<1x128x16xf32, #tpu.memory_space<vmem>>
          %dma_start3A_348 = tpu.memref_squeeze %dma_start3A_347 : memref<1x128x16xf32, #tpu.memory_space<vmem>> -> memref<128x16xf32, #tpu.memory_space<vmem>>
          %dma_start3A_349 = arith.constant 0 : i32
          %dma_start3A_350 = tpu.memref_slice %arg10[%add3A_243, %dma_start3A_349] : memref<160x128xi32, #tpu.memory_space<vmem>> -> memref<1x128xi32, #tpu.memory_space<vmem>>
          %dma_start3A_351 = tpu.memref_squeeze %dma_start3A_350 : memref<1x128xi32, #tpu.memory_space<vmem>> -> memref<128xi32, #tpu.memory_space<vmem>>
          %dma_start3A_352 = arith.constant 0 : i32
          %dma_start3A_353 = arith.constant 0 : i32
          %dma_start3A_354 = tpu.memref_slice %arg8[%dma_start3A_352, %dma_start3A_353] : memref<11264x16xf32, #tpu.memory_space<vmem_shared>> -> memref<11264x16xf32, #tpu.memory_space<vmem_shared>>
          tpu.enqueue_indirect_dma source(%dma_start3A_348 : memref<128x16xf32, #tpu.memory_space<vmem>>) target(%dma_start3A_354 : memref<11264x16xf32, #tpu.memory_space<vmem_shared>>) offsets(%dma_start3A_351 : memref<128xi32, #tpu.memory_space<vmem>>) semaphore(%run_scoped3A_344 : memref<!tpu.dma_semaphore, #tpu.memory_space<semaphore_mem>>) {add = true}
          %dma_wait3A_355 = arith.constant 0 : i32
          %dma_wait3A_356 = arith.constant 0 : i32
          %dma_wait3A_357 = tpu.memref_slice %arg11[%run_scoped3A_258, %dma_wait3A_355, %dma_wait3A_356] : memref<8x128x16xf32, #tpu.memory_space<vmem>> -> memref<1x128x16xf32, #tpu.memory_space<vmem>>
          %dma_wait3A_358 = tpu.memref_squeeze %dma_wait3A_357 : memref<1x128x16xf32, #tpu.memory_space<vmem>> -> memref<128x16xf32, #tpu.memory_space<vmem>>
          %dma_wait3A_359 = arith.constant 0 : i32
          %dma_wait3A_360 = tpu.memref_slice %arg10[%add3A_243, %dma_wait3A_359] : memref<160x128xi32, #tpu.memory_space<vmem>> -> memref<1x128xi32, #tpu.memory_space<vmem>>
          %dma_wait3A_361 = tpu.memref_squeeze %dma_wait3A_360 : memref<1x128xi32, #tpu.memory_space<vmem>> -> memref<128xi32, #tpu.memory_space<vmem>>
          %dma_wait3A_362 = arith.constant 0 : i32
          %dma_wait3A_363 = arith.constant 0 : i32
          %dma_wait3A_364 = tpu.memref_slice %arg8[%dma_wait3A_362, %dma_wait3A_363] : memref<11264x16xf32, #tpu.memory_space<vmem_shared>> -> memref<11264x16xf32, #tpu.memory_space<vmem_shared>>
          tpu.wait_indirect_dma semaphore(%run_scoped3A_344 : memref<!tpu.dma_semaphore, #tpu.memory_space<semaphore_mem>>) src(%dma_wait3A_358 : memref<128x16xf32, #tpu.memory_space<vmem>>) dst(%dma_wait3A_364 : memref<11264x16xf32, #tpu.memory_space<vmem_shared>>)
          tpu.yield
        }) : () -> ()
        %add3A_259 = arith.constant 8 : i32
        %add3A_260 = arith.addi %add3A_243, %add3A_259 : i32
        %lt3A_261 = arith.constant 160 : i32
        %lt3A_262 = arith.cmpi slt, %add3A_260, %lt3A_261 : i32
        %convert_element_type3A_263 = arith.extui %lt3A_262 : i1 to i32
        %cond3A_264 = arith.constant 0 : i32
        %cond3A_265 = arith.cmpi ne, %convert_element_type3A_263, %cond3A_264 : i32
        scf.if %cond3A_265 {
          %add3A_344 = arith.constant 8 : i32
          %add3A_345 = arith.addi %add3A_243, %add3A_344 : i32
          %dma_start3A_346 = arith.constant 4 : i32
          %dma_start3A_347 = arith.constant 4 : i32
          %dma_start3A_348 = arith.constant 0 : i32
          %dma_start3A_349 = arith.constant 0 : i32
          %dma_start3A_350 = tpu.memref_slice %arg11[%dma_start3A_346, %dma_start3A_348, %dma_start3A_349] : memref<8x128x16xf32, #tpu.memory_space<vmem>> -> memref<1x128x16xf32, #tpu.memory_space<vmem>>
          %dma_start3A_351 = tpu.memref_squeeze %dma_start3A_350 : memref<1x128x16xf32, #tpu.memory_space<vmem>> -> memref<128x16xf32, #tpu.memory_space<vmem>>
          %dma_start3A_352 = arith.constant 0 : i32
          %dma_start3A_353 = tpu.memref_slice %arg9[%add3A_345, %dma_start3A_352] : memref<160x128xi32, #tpu.memory_space<vmem>> -> memref<1x128xi32, #tpu.memory_space<vmem>>
          %dma_start3A_354 = tpu.memref_squeeze %dma_start3A_353 : memref<1x128xi32, #tpu.memory_space<vmem>> -> memref<128xi32, #tpu.memory_space<vmem>>
          %dma_start3A_355 = arith.constant 0 : i32
          %dma_start3A_356 = arith.constant 0 : i32
          %dma_start3A_357 = tpu.memref_slice %arg3[%dma_start3A_355, %dma_start3A_356] : memref<11264x16xf32, #tpu.memory_space<hbm>> -> memref<11264x16xf32, #tpu.memory_space<hbm>>
          %dma_start3A_358 = tpu.memref_slice %arg12[%dma_start3A_347] : memref<8x!tpu.dma_semaphore, #tpu.memory_space<semaphore_mem>> -> memref<1x!tpu.dma_semaphore, #tpu.memory_space<semaphore_mem>>
          %dma_start3A_359 = tpu.memref_squeeze %dma_start3A_358 : memref<1x!tpu.dma_semaphore, #tpu.memory_space<semaphore_mem>> -> memref<!tpu.dma_semaphore, #tpu.memory_space<semaphore_mem>>
          tpu.enqueue_indirect_dma source(%dma_start3A_357 : memref<11264x16xf32, #tpu.memory_space<hbm>>) target(%dma_start3A_351 : memref<128x16xf32, #tpu.memory_space<vmem>>) offsets(%dma_start3A_354 : memref<128xi32, #tpu.memory_space<vmem>>) semaphore(%dma_start3A_359 : memref<!tpu.dma_semaphore, #tpu.memory_space<semaphore_mem>>)
        } else {
        }
        %mul3A_266 = arith.constant 8 : i32
        %mul3A_267 = arith.muli %add3A_138, %mul3A_266 : i32
        %add3A_268 = arith.constant 5 : i32
        %add3A_269 = arith.addi %mul3A_267, %add3A_268 : i32
        %dma_wait3A_270 = arith.constant 5 : i32
        %dma_wait3A_271 = arith.constant 5 : i32
        %dma_wait3A_272 = arith.constant 0 : i32
        %dma_wait3A_273 = arith.constant 0 : i32
        %dma_wait3A_274 = tpu.memref_slice %arg11[%dma_wait3A_270, %dma_wait3A_272, %dma_wait3A_273] : memref<8x128x16xf32, #tpu.memory_space<vmem>> -> memref<1x128x16xf32, #tpu.memory_space<vmem>>
        %dma_wait3A_275 = tpu.memref_squeeze %dma_wait3A_274 : memref<1x128x16xf32, #tpu.memory_space<vmem>> -> memref<128x16xf32, #tpu.memory_space<vmem>>
        %dma_wait3A_276 = arith.constant 0 : i32
        %dma_wait3A_277 = tpu.memref_slice %arg9[%add3A_269, %dma_wait3A_276] : memref<160x128xi32, #tpu.memory_space<vmem>> -> memref<1x128xi32, #tpu.memory_space<vmem>>
        %dma_wait3A_278 = tpu.memref_squeeze %dma_wait3A_277 : memref<1x128xi32, #tpu.memory_space<vmem>> -> memref<128xi32, #tpu.memory_space<vmem>>
        %dma_wait3A_279 = arith.constant 0 : i32
        %dma_wait3A_280 = arith.constant 0 : i32
        %dma_wait3A_281 = tpu.memref_slice %arg3[%dma_wait3A_279, %dma_wait3A_280] : memref<11264x16xf32, #tpu.memory_space<hbm>> -> memref<11264x16xf32, #tpu.memory_space<hbm>>
        %dma_wait3A_282 = tpu.memref_slice %arg12[%dma_wait3A_271] : memref<8x!tpu.dma_semaphore, #tpu.memory_space<semaphore_mem>> -> memref<1x!tpu.dma_semaphore, #tpu.memory_space<semaphore_mem>>
        %dma_wait3A_283 = tpu.memref_squeeze %dma_wait3A_282 : memref<1x!tpu.dma_semaphore, #tpu.memory_space<semaphore_mem>> -> memref<!tpu.dma_semaphore, #tpu.memory_space<semaphore_mem>>
        tpu.wait_indirect_dma semaphore(%dma_wait3A_283 : memref<!tpu.dma_semaphore, #tpu.memory_space<semaphore_mem>>) src(%dma_wait3A_281 : memref<11264x16xf32, #tpu.memory_space<hbm>>) dst(%dma_wait3A_275 : memref<128x16xf32, #tpu.memory_space<vmem>>)
        %run_scoped3A_284 = arith.constant 5 : i32
        "tpu.region"() ({
          %run_scoped3A_344 = tpu.sem_alloc : memref<!tpu.dma_semaphore, #tpu.memory_space<semaphore_mem>>
          %dma_start3A_345 = arith.constant 0 : i32
          %dma_start3A_346 = arith.constant 0 : i32
          %dma_start3A_347 = tpu.memref_slice %arg11[%run_scoped3A_284, %dma_start3A_345, %dma_start3A_346] : memref<8x128x16xf32, #tpu.memory_space<vmem>> -> memref<1x128x16xf32, #tpu.memory_space<vmem>>
          %dma_start3A_348 = tpu.memref_squeeze %dma_start3A_347 : memref<1x128x16xf32, #tpu.memory_space<vmem>> -> memref<128x16xf32, #tpu.memory_space<vmem>>
          %dma_start3A_349 = arith.constant 0 : i32
          %dma_start3A_350 = tpu.memref_slice %arg10[%add3A_269, %dma_start3A_349] : memref<160x128xi32, #tpu.memory_space<vmem>> -> memref<1x128xi32, #tpu.memory_space<vmem>>
          %dma_start3A_351 = tpu.memref_squeeze %dma_start3A_350 : memref<1x128xi32, #tpu.memory_space<vmem>> -> memref<128xi32, #tpu.memory_space<vmem>>
          %dma_start3A_352 = arith.constant 0 : i32
          %dma_start3A_353 = arith.constant 0 : i32
          %dma_start3A_354 = tpu.memref_slice %arg8[%dma_start3A_352, %dma_start3A_353] : memref<11264x16xf32, #tpu.memory_space<vmem_shared>> -> memref<11264x16xf32, #tpu.memory_space<vmem_shared>>
          tpu.enqueue_indirect_dma source(%dma_start3A_348 : memref<128x16xf32, #tpu.memory_space<vmem>>) target(%dma_start3A_354 : memref<11264x16xf32, #tpu.memory_space<vmem_shared>>) offsets(%dma_start3A_351 : memref<128xi32, #tpu.memory_space<vmem>>) semaphore(%run_scoped3A_344 : memref<!tpu.dma_semaphore, #tpu.memory_space<semaphore_mem>>) {add = true}
          %dma_wait3A_355 = arith.constant 0 : i32
          %dma_wait3A_356 = arith.constant 0 : i32
          %dma_wait3A_357 = tpu.memref_slice %arg11[%run_scoped3A_284, %dma_wait3A_355, %dma_wait3A_356] : memref<8x128x16xf32, #tpu.memory_space<vmem>> -> memref<1x128x16xf32, #tpu.memory_space<vmem>>
          %dma_wait3A_358 = tpu.memref_squeeze %dma_wait3A_357 : memref<1x128x16xf32, #tpu.memory_space<vmem>> -> memref<128x16xf32, #tpu.memory_space<vmem>>
          %dma_wait3A_359 = arith.constant 0 : i32
          %dma_wait3A_360 = tpu.memref_slice %arg10[%add3A_269, %dma_wait3A_359] : memref<160x128xi32, #tpu.memory_space<vmem>> -> memref<1x128xi32, #tpu.memory_space<vmem>>
          %dma_wait3A_361 = tpu.memref_squeeze %dma_wait3A_360 : memref<1x128xi32, #tpu.memory_space<vmem>> -> memref<128xi32, #tpu.memory_space<vmem>>
          %dma_wait3A_362 = arith.constant 0 : i32
          %dma_wait3A_363 = arith.constant 0 : i32
          %dma_wait3A_364 = tpu.memref_slice %arg8[%dma_wait3A_362, %dma_wait3A_363] : memref<11264x16xf32, #tpu.memory_space<vmem_shared>> -> memref<11264x16xf32, #tpu.memory_space<vmem_shared>>
          tpu.wait_indirect_dma semaphore(%run_scoped3A_344 : memref<!tpu.dma_semaphore, #tpu.memory_space<semaphore_mem>>) src(%dma_wait3A_358 : memref<128x16xf32, #tpu.memory_space<vmem>>) dst(%dma_wait3A_364 : memref<11264x16xf32, #tpu.memory_space<vmem_shared>>)
          tpu.yield
        }) : () -> ()
        %add3A_285 = arith.constant 8 : i32
        %add3A_286 = arith.addi %add3A_269, %add3A_285 : i32
        %lt3A_287 = arith.constant 160 : i32
        %lt3A_288 = arith.cmpi slt, %add3A_286, %lt3A_287 : i32
        %convert_element_type3A_289 = arith.extui %lt3A_288 : i1 to i32
        %cond3A_290 = arith.constant 0 : i32
        %cond3A_291 = arith.cmpi ne, %convert_element_type3A_289, %cond3A_290 : i32
        scf.if %cond3A_291 {
          %add3A_344 = arith.constant 8 : i32
          %add3A_345 = arith.addi %add3A_269, %add3A_344 : i32
          %dma_start3A_346 = arith.constant 5 : i32
          %dma_start3A_347 = arith.constant 5 : i32
          %dma_start3A_348 = arith.constant 0 : i32
          %dma_start3A_349 = arith.constant 0 : i32
          %dma_start3A_350 = tpu.memref_slice %arg11[%dma_start3A_346, %dma_start3A_348, %dma_start3A_349] : memref<8x128x16xf32, #tpu.memory_space<vmem>> -> memref<1x128x16xf32, #tpu.memory_space<vmem>>
          %dma_start3A_351 = tpu.memref_squeeze %dma_start3A_350 : memref<1x128x16xf32, #tpu.memory_space<vmem>> -> memref<128x16xf32, #tpu.memory_space<vmem>>
          %dma_start3A_352 = arith.constant 0 : i32
          %dma_start3A_353 = tpu.memref_slice %arg9[%add3A_345, %dma_start3A_352] : memref<160x128xi32, #tpu.memory_space<vmem>> -> memref<1x128xi32, #tpu.memory_space<vmem>>
          %dma_start3A_354 = tpu.memref_squeeze %dma_start3A_353 : memref<1x128xi32, #tpu.memory_space<vmem>> -> memref<128xi32, #tpu.memory_space<vmem>>
          %dma_start3A_355 = arith.constant 0 : i32
          %dma_start3A_356 = arith.constant 0 : i32
          %dma_start3A_357 = tpu.memref_slice %arg3[%dma_start3A_355, %dma_start3A_356] : memref<11264x16xf32, #tpu.memory_space<hbm>> -> memref<11264x16xf32, #tpu.memory_space<hbm>>
          %dma_start3A_358 = tpu.memref_slice %arg12[%dma_start3A_347] : memref<8x!tpu.dma_semaphore, #tpu.memory_space<semaphore_mem>> -> memref<1x!tpu.dma_semaphore, #tpu.memory_space<semaphore_mem>>
          %dma_start3A_359 = tpu.memref_squeeze %dma_start3A_358 : memref<1x!tpu.dma_semaphore, #tpu.memory_space<semaphore_mem>> -> memref<!tpu.dma_semaphore, #tpu.memory_space<semaphore_mem>>
          tpu.enqueue_indirect_dma source(%dma_start3A_357 : memref<11264x16xf32, #tpu.memory_space<hbm>>) target(%dma_start3A_351 : memref<128x16xf32, #tpu.memory_space<vmem>>) offsets(%dma_start3A_354 : memref<128xi32, #tpu.memory_space<vmem>>) semaphore(%dma_start3A_359 : memref<!tpu.dma_semaphore, #tpu.memory_space<semaphore_mem>>)
        } else {
        }
        %mul3A_292 = arith.constant 8 : i32
        %mul3A_293 = arith.muli %add3A_138, %mul3A_292 : i32
        %add3A_294 = arith.constant 6 : i32
        %add3A_295 = arith.addi %mul3A_293, %add3A_294 : i32
        %dma_wait3A_296 = arith.constant 6 : i32
        %dma_wait3A_297 = arith.constant 6 : i32
        %dma_wait3A_298 = arith.constant 0 : i32
        %dma_wait3A_299 = arith.constant 0 : i32
        %dma_wait3A_300 = tpu.memref_slice %arg11[%dma_wait3A_296, %dma_wait3A_298, %dma_wait3A_299] : memref<8x128x16xf32, #tpu.memory_space<vmem>> -> memref<1x128x16xf32, #tpu.memory_space<vmem>>
        %dma_wait3A_301 = tpu.memref_squeeze %dma_wait3A_300 : memref<1x128x16xf32, #tpu.memory_space<vmem>> -> memref<128x16xf32, #tpu.memory_space<vmem>>
        %dma_wait3A_302 = arith.constant 0 : i32
        %dma_wait3A_303 = tpu.memref_slice %arg9[%add3A_295, %dma_wait3A_302] : memref<160x128xi32, #tpu.memory_space<vmem>> -> memref<1x128xi32, #tpu.memory_space<vmem>>
        %dma_wait3A_304 = tpu.memref_squeeze %dma_wait3A_303 : memref<1x128xi32, #tpu.memory_space<vmem>> -> memref<128xi32, #tpu.memory_space<vmem>>
        %dma_wait3A_305 = arith.constant 0 : i32
        %dma_wait3A_306 = arith.constant 0 : i32
        %dma_wait3A_307 = tpu.memref_slice %arg3[%dma_wait3A_305, %dma_wait3A_306] : memref<11264x16xf32, #tpu.memory_space<hbm>> -> memref<11264x16xf32, #tpu.memory_space<hbm>>
        %dma_wait3A_308 = tpu.memref_slice %arg12[%dma_wait3A_297] : memref<8x!tpu.dma_semaphore, #tpu.memory_space<semaphore_mem>> -> memref<1x!tpu.dma_semaphore, #tpu.memory_space<semaphore_mem>>
        %dma_wait3A_309 = tpu.memref_squeeze %dma_wait3A_308 : memref<1x!tpu.dma_semaphore, #tpu.memory_space<semaphore_mem>> -> memref<!tpu.dma_semaphore, #tpu.memory_space<semaphore_mem>>
        tpu.wait_indirect_dma semaphore(%dma_wait3A_309 : memref<!tpu.dma_semaphore, #tpu.memory_space<semaphore_mem>>) src(%dma_wait3A_307 : memref<11264x16xf32, #tpu.memory_space<hbm>>) dst(%dma_wait3A_301 : memref<128x16xf32, #tpu.memory_space<vmem>>)
        %run_scoped3A_310 = arith.constant 6 : i32
        "tpu.region"() ({
          %run_scoped3A_344 = tpu.sem_alloc : memref<!tpu.dma_semaphore, #tpu.memory_space<semaphore_mem>>
          %dma_start3A_345 = arith.constant 0 : i32
          %dma_start3A_346 = arith.constant 0 : i32
          %dma_start3A_347 = tpu.memref_slice %arg11[%run_scoped3A_310, %dma_start3A_345, %dma_start3A_346] : memref<8x128x16xf32, #tpu.memory_space<vmem>> -> memref<1x128x16xf32, #tpu.memory_space<vmem>>
          %dma_start3A_348 = tpu.memref_squeeze %dma_start3A_347 : memref<1x128x16xf32, #tpu.memory_space<vmem>> -> memref<128x16xf32, #tpu.memory_space<vmem>>
          %dma_start3A_349 = arith.constant 0 : i32
          %dma_start3A_350 = tpu.memref_slice %arg10[%add3A_295, %dma_start3A_349] : memref<160x128xi32, #tpu.memory_space<vmem>> -> memref<1x128xi32, #tpu.memory_space<vmem>>
          %dma_start3A_351 = tpu.memref_squeeze %dma_start3A_350 : memref<1x128xi32, #tpu.memory_space<vmem>> -> memref<128xi32, #tpu.memory_space<vmem>>
          %dma_start3A_352 = arith.constant 0 : i32
          %dma_start3A_353 = arith.constant 0 : i32
          %dma_start3A_354 = tpu.memref_slice %arg8[%dma_start3A_352, %dma_start3A_353] : memref<11264x16xf32, #tpu.memory_space<vmem_shared>> -> memref<11264x16xf32, #tpu.memory_space<vmem_shared>>
          tpu.enqueue_indirect_dma source(%dma_start3A_348 : memref<128x16xf32, #tpu.memory_space<vmem>>) target(%dma_start3A_354 : memref<11264x16xf32, #tpu.memory_space<vmem_shared>>) offsets(%dma_start3A_351 : memref<128xi32, #tpu.memory_space<vmem>>) semaphore(%run_scoped3A_344 : memref<!tpu.dma_semaphore, #tpu.memory_space<semaphore_mem>>) {add = true}
          %dma_wait3A_355 = arith.constant 0 : i32
          %dma_wait3A_356 = arith.constant 0 : i32
          %dma_wait3A_357 = tpu.memref_slice %arg11[%run_scoped3A_310, %dma_wait3A_355, %dma_wait3A_356] : memref<8x128x16xf32, #tpu.memory_space<vmem>> -> memref<1x128x16xf32, #tpu.memory_space<vmem>>
          %dma_wait3A_358 = tpu.memref_squeeze %dma_wait3A_357 : memref<1x128x16xf32, #tpu.memory_space<vmem>> -> memref<128x16xf32, #tpu.memory_space<vmem>>
          %dma_wait3A_359 = arith.constant 0 : i32
          %dma_wait3A_360 = tpu.memref_slice %arg10[%add3A_295, %dma_wait3A_359] : memref<160x128xi32, #tpu.memory_space<vmem>> -> memref<1x128xi32, #tpu.memory_space<vmem>>
          %dma_wait3A_361 = tpu.memref_squeeze %dma_wait3A_360 : memref<1x128xi32, #tpu.memory_space<vmem>> -> memref<128xi32, #tpu.memory_space<vmem>>
          %dma_wait3A_362 = arith.constant 0 : i32
          %dma_wait3A_363 = arith.constant 0 : i32
          %dma_wait3A_364 = tpu.memref_slice %arg8[%dma_wait3A_362, %dma_wait3A_363] : memref<11264x16xf32, #tpu.memory_space<vmem_shared>> -> memref<11264x16xf32, #tpu.memory_space<vmem_shared>>
          tpu.wait_indirect_dma semaphore(%run_scoped3A_344 : memref<!tpu.dma_semaphore, #tpu.memory_space<semaphore_mem>>) src(%dma_wait3A_358 : memref<128x16xf32, #tpu.memory_space<vmem>>) dst(%dma_wait3A_364 : memref<11264x16xf32, #tpu.memory_space<vmem_shared>>)
          tpu.yield
        }) : () -> ()
        %add3A_311 = arith.constant 8 : i32
        %add3A_312 = arith.addi %add3A_295, %add3A_311 : i32
        %lt3A_313 = arith.constant 160 : i32
        %lt3A_314 = arith.cmpi slt, %add3A_312, %lt3A_313 : i32
        %convert_element_type3A_315 = arith.extui %lt3A_314 : i1 to i32
        %cond3A_316 = arith.constant 0 : i32
        %cond3A_317 = arith.cmpi ne, %convert_element_type3A_315, %cond3A_316 : i32
        scf.if %cond3A_317 {
          %add3A_344 = arith.constant 8 : i32
          %add3A_345 = arith.addi %add3A_295, %add3A_344 : i32
          %dma_start3A_346 = arith.constant 6 : i32
          %dma_start3A_347 = arith.constant 6 : i32
          %dma_start3A_348 = arith.constant 0 : i32
          %dma_start3A_349 = arith.constant 0 : i32
          %dma_start3A_350 = tpu.memref_slice %arg11[%dma_start3A_346, %dma_start3A_348, %dma_start3A_349] : memref<8x128x16xf32, #tpu.memory_space<vmem>> -> memref<1x128x16xf32, #tpu.memory_space<vmem>>
          %dma_start3A_351 = tpu.memref_squeeze %dma_start3A_350 : memref<1x128x16xf32, #tpu.memory_space<vmem>> -> memref<128x16xf32, #tpu.memory_space<vmem>>
          %dma_start3A_352 = arith.constant 0 : i32
          %dma_start3A_353 = tpu.memref_slice %arg9[%add3A_345, %dma_start3A_352] : memref<160x128xi32, #tpu.memory_space<vmem>> -> memref<1x128xi32, #tpu.memory_space<vmem>>
          %dma_start3A_354 = tpu.memref_squeeze %dma_start3A_353 : memref<1x128xi32, #tpu.memory_space<vmem>> -> memref<128xi32, #tpu.memory_space<vmem>>
          %dma_start3A_355 = arith.constant 0 : i32
          %dma_start3A_356 = arith.constant 0 : i32
          %dma_start3A_357 = tpu.memref_slice %arg3[%dma_start3A_355, %dma_start3A_356] : memref<11264x16xf32, #tpu.memory_space<hbm>> -> memref<11264x16xf32, #tpu.memory_space<hbm>>
          %dma_start3A_358 = tpu.memref_slice %arg12[%dma_start3A_347] : memref<8x!tpu.dma_semaphore, #tpu.memory_space<semaphore_mem>> -> memref<1x!tpu.dma_semaphore, #tpu.memory_space<semaphore_mem>>
          %dma_start3A_359 = tpu.memref_squeeze %dma_start3A_358 : memref<1x!tpu.dma_semaphore, #tpu.memory_space<semaphore_mem>> -> memref<!tpu.dma_semaphore, #tpu.memory_space<semaphore_mem>>
          tpu.enqueue_indirect_dma source(%dma_start3A_357 : memref<11264x16xf32, #tpu.memory_space<hbm>>) target(%dma_start3A_351 : memref<128x16xf32, #tpu.memory_space<vmem>>) offsets(%dma_start3A_354 : memref<128xi32, #tpu.memory_space<vmem>>) semaphore(%dma_start3A_359 : memref<!tpu.dma_semaphore, #tpu.memory_space<semaphore_mem>>)
        } else {
        }
        %mul3A_318 = arith.constant 8 : i32
        %mul3A_319 = arith.muli %add3A_138, %mul3A_318 : i32
        %add3A_320 = arith.constant 7 : i32
        %add3A_321 = arith.addi %mul3A_319, %add3A_320 : i32
        %dma_wait3A_322 = arith.constant 7 : i32
        %dma_wait3A_323 = arith.constant 7 : i32
        %dma_wait3A_324 = arith.constant 0 : i32
        %dma_wait3A_325 = arith.constant 0 : i32
        %dma_wait3A_326 = tpu.memref_slice %arg11[%dma_wait3A_322, %dma_wait3A_324, %dma_wait3A_325] : memref<8x128x16xf32, #tpu.memory_space<vmem>> -> memref<1x128x16xf32, #tpu.memory_space<vmem>>
        %dma_wait3A_327 = tpu.memref_squeeze %dma_wait3A_326 : memref<1x128x16xf32, #tpu.memory_space<vmem>> -> memref<128x16xf32, #tpu.memory_space<vmem>>
        %dma_wait3A_328 = arith.constant 0 : i32
        %dma_wait3A_329 = tpu.memref_slice %arg9[%add3A_321, %dma_wait3A_328] : memref<160x128xi32, #tpu.memory_space<vmem>> -> memref<1x128xi32, #tpu.memory_space<vmem>>
        %dma_wait3A_330 = tpu.memref_squeeze %dma_wait3A_329 : memref<1x128xi32, #tpu.memory_space<vmem>> -> memref<128xi32, #tpu.memory_space<vmem>>
        %dma_wait3A_331 = arith.constant 0 : i32
        %dma_wait3A_332 = arith.constant 0 : i32
        %dma_wait3A_333 = tpu.memref_slice %arg3[%dma_wait3A_331, %dma_wait3A_332] : memref<11264x16xf32, #tpu.memory_space<hbm>> -> memref<11264x16xf32, #tpu.memory_space<hbm>>
        %dma_wait3A_334 = tpu.memref_slice %arg12[%dma_wait3A_323] : memref<8x!tpu.dma_semaphore, #tpu.memory_space<semaphore_mem>> -> memref<1x!tpu.dma_semaphore, #tpu.memory_space<semaphore_mem>>
        %dma_wait3A_335 = tpu.memref_squeeze %dma_wait3A_334 : memref<1x!tpu.dma_semaphore, #tpu.memory_space<semaphore_mem>> -> memref<!tpu.dma_semaphore, #tpu.memory_space<semaphore_mem>>
        tpu.wait_indirect_dma semaphore(%dma_wait3A_335 : memref<!tpu.dma_semaphore, #tpu.memory_space<semaphore_mem>>) src(%dma_wait3A_333 : memref<11264x16xf32, #tpu.memory_space<hbm>>) dst(%dma_wait3A_327 : memref<128x16xf32, #tpu.memory_space<vmem>>)
        %run_scoped3A_336 = arith.constant 7 : i32
        "tpu.region"() ({
          %run_scoped3A_344 = tpu.sem_alloc : memref<!tpu.dma_semaphore, #tpu.memory_space<semaphore_mem>>
          %dma_start3A_345 = arith.constant 0 : i32
          %dma_start3A_346 = arith.constant 0 : i32
          %dma_start3A_347 = tpu.memref_slice %arg11[%run_scoped3A_336, %dma_start3A_345, %dma_start3A_346] : memref<8x128x16xf32, #tpu.memory_space<vmem>> -> memref<1x128x16xf32, #tpu.memory_space<vmem>>
          %dma_start3A_348 = tpu.memref_squeeze %dma_start3A_347 : memref<1x128x16xf32, #tpu.memory_space<vmem>> -> memref<128x16xf32, #tpu.memory_space<vmem>>
          %dma_start3A_349 = arith.constant 0 : i32
          %dma_start3A_350 = tpu.memref_slice %arg10[%add3A_321, %dma_start3A_349] : memref<160x128xi32, #tpu.memory_space<vmem>> -> memref<1x128xi32, #tpu.memory_space<vmem>>
          %dma_start3A_351 = tpu.memref_squeeze %dma_start3A_350 : memref<1x128xi32, #tpu.memory_space<vmem>> -> memref<128xi32, #tpu.memory_space<vmem>>
          %dma_start3A_352 = arith.constant 0 : i32
          %dma_start3A_353 = arith.constant 0 : i32
          %dma_start3A_354 = tpu.memref_slice %arg8[%dma_start3A_352, %dma_start3A_353] : memref<11264x16xf32, #tpu.memory_space<vmem_shared>> -> memref<11264x16xf32, #tpu.memory_space<vmem_shared>>
          tpu.enqueue_indirect_dma source(%dma_start3A_348 : memref<128x16xf32, #tpu.memory_space<vmem>>) target(%dma_start3A_354 : memref<11264x16xf32, #tpu.memory_space<vmem_shared>>) offsets(%dma_start3A_351 : memref<128xi32, #tpu.memory_space<vmem>>) semaphore(%run_scoped3A_344 : memref<!tpu.dma_semaphore, #tpu.memory_space<semaphore_mem>>) {add = true}
          %dma_wait3A_355 = arith.constant 0 : i32
          %dma_wait3A_356 = arith.constant 0 : i32
          %dma_wait3A_357 = tpu.memref_slice %arg11[%run_scoped3A_336, %dma_wait3A_355, %dma_wait3A_356] : memref<8x128x16xf32, #tpu.memory_space<vmem>> -> memref<1x128x16xf32, #tpu.memory_space<vmem>>
          %dma_wait3A_358 = tpu.memref_squeeze %dma_wait3A_357 : memref<1x128x16xf32, #tpu.memory_space<vmem>> -> memref<128x16xf32, #tpu.memory_space<vmem>>
          %dma_wait3A_359 = arith.constant 0 : i32
          %dma_wait3A_360 = tpu.memref_slice %arg10[%add3A_321, %dma_wait3A_359] : memref<160x128xi32, #tpu.memory_space<vmem>> -> memref<1x128xi32, #tpu.memory_space<vmem>>
          %dma_wait3A_361 = tpu.memref_squeeze %dma_wait3A_360 : memref<1x128xi32, #tpu.memory_space<vmem>> -> memref<128xi32, #tpu.memory_space<vmem>>
          %dma_wait3A_362 = arith.constant 0 : i32
          %dma_wait3A_363 = arith.constant 0 : i32
          %dma_wait3A_364 = tpu.memref_slice %arg8[%dma_wait3A_362, %dma_wait3A_363] : memref<11264x16xf32, #tpu.memory_space<vmem_shared>> -> memref<11264x16xf32, #tpu.memory_space<vmem_shared>>
          tpu.wait_indirect_dma semaphore(%run_scoped3A_344 : memref<!tpu.dma_semaphore, #tpu.memory_space<semaphore_mem>>) src(%dma_wait3A_358 : memref<128x16xf32, #tpu.memory_space<vmem>>) dst(%dma_wait3A_364 : memref<11264x16xf32, #tpu.memory_space<vmem_shared>>)
          tpu.yield
        }) : () -> ()
        %add3A_337 = arith.constant 8 : i32
        %add3A_338 = arith.addi %add3A_321, %add3A_337 : i32
        %lt3A_339 = arith.constant 160 : i32
        %lt3A_340 = arith.cmpi slt, %add3A_338, %lt3A_339 : i32
        %convert_element_type3A_341 = arith.extui %lt3A_340 : i1 to i32
        %cond3A_342 = arith.constant 0 : i32
        %cond3A_343 = arith.cmpi ne, %convert_element_type3A_341, %cond3A_342 : i32
        scf.if %cond3A_343 {
          %add3A_344 = arith.constant 8 : i32
          %add3A_345 = arith.addi %add3A_321, %add3A_344 : i32
          %dma_start3A_346 = arith.constant 7 : i32
          %dma_start3A_347 = arith.constant 7 : i32
          %dma_start3A_348 = arith.constant 0 : i32
          %dma_start3A_349 = arith.constant 0 : i32
          %dma_start3A_350 = tpu.memref_slice %arg11[%dma_start3A_346, %dma_start3A_348, %dma_start3A_349] : memref<8x128x16xf32, #tpu.memory_space<vmem>> -> memref<1x128x16xf32, #tpu.memory_space<vmem>>
          %dma_start3A_351 = tpu.memref_squeeze %dma_start3A_350 : memref<1x128x16xf32, #tpu.memory_space<vmem>> -> memref<128x16xf32, #tpu.memory_space<vmem>>
          %dma_start3A_352 = arith.constant 0 : i32
          %dma_start3A_353 = tpu.memref_slice %arg9[%add3A_345, %dma_start3A_352] : memref<160x128xi32, #tpu.memory_space<vmem>> -> memref<1x128xi32, #tpu.memory_space<vmem>>
          %dma_start3A_354 = tpu.memref_squeeze %dma_start3A_353 : memref<1x128xi32, #tpu.memory_space<vmem>> -> memref<128xi32, #tpu.memory_space<vmem>>
          %dma_start3A_355 = arith.constant 0 : i32
          %dma_start3A_356 = arith.constant 0 : i32
          %dma_start3A_357 = tpu.memref_slice %arg3[%dma_start3A_355, %dma_start3A_356] : memref<11264x16xf32, #tpu.memory_space<hbm>> -> memref<11264x16xf32, #tpu.memory_space<hbm>>
          %dma_start3A_358 = tpu.memref_slice %arg12[%dma_start3A_347] : memref<8x!tpu.dma_semaphore, #tpu.memory_space<semaphore_mem>> -> memref<1x!tpu.dma_semaphore, #tpu.memory_space<semaphore_mem>>
          %dma_start3A_359 = tpu.memref_squeeze %dma_start3A_358 : memref<1x!tpu.dma_semaphore, #tpu.memory_space<semaphore_mem>> -> memref<!tpu.dma_semaphore, #tpu.memory_space<semaphore_mem>>
          tpu.enqueue_indirect_dma source(%dma_start3A_357 : memref<11264x16xf32, #tpu.memory_space<hbm>>) target(%dma_start3A_351 : memref<128x16xf32, #tpu.memory_space<vmem>>) offsets(%dma_start3A_354 : memref<128xi32, #tpu.memory_space<vmem>>) semaphore(%dma_start3A_359 : memref<!tpu.dma_semaphore, #tpu.memory_space<semaphore_mem>>)
        } else {
        }
      }
      %scan3A_133 = arith.constant 20 : i32
      %barrier3A_134 = arith.constant 0 : index
      tpu.barrier barrier_id(%barrier3A_134)
      "tpu.region"() ({
        %run_scoped3A = tpu.sem_alloc : memref<!tpu.dma_semaphore, #tpu.memory_space<semaphore_mem>>
        %dma_start3A_135 = arith.constant 0 : i32
        %dma_start3A_136 = tpu.memref_slice %arg7[%mul3A_0, %dma_start3A_135] : memref<11264x16xf32, #tpu.memory_space<hbm>> -> memref<704x16xf32, #tpu.memory_space<hbm>>
        %dma_start3A_137 = arith.constant 0 : i32
        %dma_start3A_138 = tpu.memref_slice %arg8[%mul3A_0, %dma_start3A_137] : memref<11264x16xf32, #tpu.memory_space<vmem_shared>> -> memref<704x16xf32, #tpu.memory_space<vmem_shared>>
        tpu.enqueue_dma source(%dma_start3A_138 : memref<704x16xf32, #tpu.memory_space<vmem_shared>>) target(%dma_start3A_136 : memref<704x16xf32, #tpu.memory_space<hbm>>) target_semaphore(%run_scoped3A : memref<!tpu.dma_semaphore, #tpu.memory_space<semaphore_mem>>)
        %dma_wait3A = arith.constant 0 : i32
        %dma_wait3A_139 = tpu.memref_slice %arg7[%mul3A_0, %dma_wait3A] : memref<11264x16xf32, #tpu.memory_space<hbm>> -> memref<704x16xf32, #tpu.memory_space<hbm>>
        %dma_wait3A_140 = arith.constant 0 : i32
        %dma_wait3A_141 = tpu.memref_slice %arg8[%mul3A_0, %dma_wait3A_140] : memref<11264x16xf32, #tpu.memory_space<vmem_shared>> -> memref<704x16xf32, #tpu.memory_space<vmem_shared>>
        tpu.wait_dma2 semaphore(%run_scoped3A : memref<!tpu.dma_semaphore, #tpu.memory_space<semaphore_mem>>) src(%dma_wait3A_141 : memref<704x16xf32, #tpu.memory_space<vmem_shared>>) dst(%dma_wait3A_139 : memref<704x16xf32, #tpu.memory_space<hbm>>)
        tpu.yield
      }) : () -> ()
    } else {
    }
    return
  }
}

#map = affine_map<(d0, d1) -> (0, 0)>
#map1 = affine_map<(d0, d1) -> (0)>
module attributes {stable_mosaic.version = 14 : i64} {
  func.func @deg_kernel(%arg0: i32, %arg1: i32, %arg2: memref<2560x128xi32, #tpu.memory_space<hbm>>, %arg3: memref<11264xf32, #tpu.memory_space<hbm>>, %arg4: memref<11264xf32, #tpu.memory_space<hbm>>, %arg5: memref<11264xf32, #tpu.memory_space<vmem_shared>>, %arg6: memref<80x128xi32, #tpu.memory_space<vmem>>, %arg7: memref<128xf32, #tpu.memory_space<vmem>>, %arg8: memref<704xf32, #tpu.memory_space<vmem>>, %arg9: memref<!tpu.dma_semaphore, #tpu.memory_space<semaphore_mem>>) attributes {dimension_semantics = [#tpu.dimension_semantics<core_parallel>, #tpu.dimension_semantics<subcore_parallel>], iteration_bounds = array<i64: 2, 16>, scalar_prefetch = 0 : i64, scratch_operands = 5 : i64, tpu.core_type = #tpu.core_type<sc_vector_subcore>, window_params = [{transform_indices = #map}, {transform_indices = #map1}, {transform_indices = #map1}]} {
    %mul3A = arith.constant 16 : i32
    %mul3A_0 = arith.muli %arg0, %mul3A : i32
    %add3A = arith.addi %mul3A_0, %arg1 : i32
    %mul3A_1 = arith.constant 704 : i32
    %mul3A_2 = arith.muli %arg1, %mul3A_1 : i32
    %broadcast_in_dim3A = arith.constant 1.000000e+00 : f32
    %broadcast_in_dim3A_3 = vector.broadcast %broadcast_in_dim3A : f32 to vector<16xf32>
    %swap3A = arith.constant 0 : index
    %swap3A_4 = tpu.vector_load %arg7[%swap3A] {strides = array<i32>} : memref<128xf32, #tpu.memory_space<vmem>>, vector<16xf32>,
    %swap3A_5 = vector.shape_cast %swap3A_4 : vector<16xf32> to vector<16xf32>
    %swap3A_6 = vector.shape_cast %broadcast_in_dim3A_3 : vector<16xf32> to vector<16xf32>
    tpu.vector_store %arg7[%swap3A], %swap3A_6 {strides = array<i32>} : memref<128xf32, #tpu.memory_space<vmem>>, vector<16xf32>,
    %broadcast_in_dim3A_7 = arith.constant 1.000000e+00 : f32
    %broadcast_in_dim3A_8 = vector.broadcast %broadcast_in_dim3A_7 : f32 to vector<16xf32>
    %swap3A_9 = arith.constant 16 : index
    %swap3A_10 = tpu.vector_load %arg7[%swap3A_9] {strides = array<i32>} : memref<128xf32, #tpu.memory_space<vmem>>, vector<16xf32>,
    %swap3A_11 = vector.shape_cast %swap3A_10 : vector<16xf32> to vector<16xf32>
    %swap3A_12 = vector.shape_cast %broadcast_in_dim3A_8 : vector<16xf32> to vector<16xf32>
    tpu.vector_store %arg7[%swap3A_9], %swap3A_12 {strides = array<i32>} : memref<128xf32, #tpu.memory_space<vmem>>, vector<16xf32>,
    %broadcast_in_dim3A_13 = arith.constant 1.000000e+00 : f32
    %broadcast_in_dim3A_14 = vector.broadcast %broadcast_in_dim3A_13 : f32 to vector<16xf32>
    %swap3A_15 = arith.constant 32 : index
    %swap3A_16 = tpu.vector_load %arg7[%swap3A_15] {strides = array<i32>} : memref<128xf32, #tpu.memory_space<vmem>>, vector<16xf32>,
    %swap3A_17 = vector.shape_cast %swap3A_16 : vector<16xf32> to vector<16xf32>
    %swap3A_18 = vector.shape_cast %broadcast_in_dim3A_14 : vector<16xf32> to vector<16xf32>
    tpu.vector_store %arg7[%swap3A_15], %swap3A_18 {strides = array<i32>} : memref<128xf32, #tpu.memory_space<vmem>>, vector<16xf32>,
    %broadcast_in_dim3A_19 = arith.constant 1.000000e+00 : f32
    %broadcast_in_dim3A_20 = vector.broadcast %broadcast_in_dim3A_19 : f32 to vector<16xf32>
    %swap3A_21 = arith.constant 48 : index
    %swap3A_22 = tpu.vector_load %arg7[%swap3A_21] {strides = array<i32>} : memref<128xf32, #tpu.memory_space<vmem>>, vector<16xf32>,
    %swap3A_23 = vector.shape_cast %swap3A_22 : vector<16xf32> to vector<16xf32>
    %swap3A_24 = vector.shape_cast %broadcast_in_dim3A_20 : vector<16xf32> to vector<16xf32>
    tpu.vector_store %arg7[%swap3A_21], %swap3A_24 {strides = array<i32>} : memref<128xf32, #tpu.memory_space<vmem>>, vector<16xf32>,
    %broadcast_in_dim3A_25 = arith.constant 1.000000e+00 : f32
    %broadcast_in_dim3A_26 = vector.broadcast %broadcast_in_dim3A_25 : f32 to vector<16xf32>
    %swap3A_27 = arith.constant 64 : index
    %swap3A_28 = tpu.vector_load %arg7[%swap3A_27] {strides = array<i32>} : memref<128xf32, #tpu.memory_space<vmem>>, vector<16xf32>,
    %swap3A_29 = vector.shape_cast %swap3A_28 : vector<16xf32> to vector<16xf32>
    %swap3A_30 = vector.shape_cast %broadcast_in_dim3A_26 : vector<16xf32> to vector<16xf32>
    tpu.vector_store %arg7[%swap3A_27], %swap3A_30 {strides = array<i32>} : memref<128xf32, #tpu.memory_space<vmem>>, vector<16xf32>,
    %broadcast_in_dim3A_31 = arith.constant 1.000000e+00 : f32
    %broadcast_in_dim3A_32 = vector.broadcast %broadcast_in_dim3A_31 : f32 to vector<16xf32>
    %swap3A_33 = arith.constant 80 : index
    %swap3A_34 = tpu.vector_load %arg7[%swap3A_33] {strides = array<i32>} : memref<128xf32, #tpu.memory_space<vmem>>, vector<16xf32>,
    %swap3A_35 = vector.shape_cast %swap3A_34 : vector<16xf32> to vector<16xf32>
    %swap3A_36 = vector.shape_cast %broadcast_in_dim3A_32 : vector<16xf32> to vector<16xf32>
    tpu.vector_store %arg7[%swap3A_33], %swap3A_36 {strides = array<i32>} : memref<128xf32, #tpu.memory_space<vmem>>, vector<16xf32>,
    %broadcast_in_dim3A_37 = arith.constant 1.000000e+00 : f32
    %broadcast_in_dim3A_38 = vector.broadcast %broadcast_in_dim3A_37 : f32 to vector<16xf32>
    %swap3A_39 = arith.constant 96 : index
    %swap3A_40 = tpu.vector_load %arg7[%swap3A_39] {strides = array<i32>} : memref<128xf32, #tpu.memory_space<vmem>>, vector<16xf32>,
    %swap3A_41 = vector.shape_cast %swap3A_40 : vector<16xf32> to vector<16xf32>
    %swap3A_42 = vector.shape_cast %broadcast_in_dim3A_38 : vector<16xf32> to vector<16xf32>
    tpu.vector_store %arg7[%swap3A_39], %swap3A_42 {strides = array<i32>} : memref<128xf32, #tpu.memory_space<vmem>>, vector<16xf32>,
    %broadcast_in_dim3A_43 = arith.constant 1.000000e+00 : f32
    %broadcast_in_dim3A_44 = vector.broadcast %broadcast_in_dim3A_43 : f32 to vector<16xf32>
    %swap3A_45 = arith.constant 112 : index
    %swap3A_46 = tpu.vector_load %arg7[%swap3A_45] {strides = array<i32>} : memref<128xf32, #tpu.memory_space<vmem>>, vector<16xf32>,
    %swap3A_47 = vector.shape_cast %swap3A_46 : vector<16xf32> to vector<16xf32>
    %swap3A_48 = vector.shape_cast %broadcast_in_dim3A_44 : vector<16xf32> to vector<16xf32>
    tpu.vector_store %arg7[%swap3A_45], %swap3A_48 {strides = array<i32>} : memref<128xf32, #tpu.memory_space<vmem>>, vector<16xf32>,
    %broadcast_in_dim3A_49 = arith.constant 0.000000e+00 : f32
    %broadcast_in_dim3A_50 = vector.broadcast %broadcast_in_dim3A_49 : f32 to vector<16xf32>
    %swap3A_51 = arith.constant 0 : index
    %swap3A_52 = tpu.vector_load %arg8[%swap3A_51] {strides = array<i32>} : memref<704xf32, #tpu.memory_space<vmem>>, vector<16xf32>,
    %swap3A_53 = vector.shape_cast %swap3A_52 : vector<16xf32> to vector<16xf32>
    %swap3A_54 = vector.shape_cast %broadcast_in_dim3A_50 : vector<16xf32> to vector<16xf32>
    tpu.vector_store %arg8[%swap3A_51], %swap3A_54 {strides = array<i32>} : memref<704xf32, #tpu.memory_space<vmem>>, vector<16xf32>,
    %broadcast_in_dim3A_55 = arith.constant 0.000000e+00 : f32
    %broadcast_in_dim3A_56 = vector.broadcast %broadcast_in_dim3A_55 : f32 to vector<16xf32>
    %swap3A_57 = arith.constant 16 : index
    %swap3A_58 = tpu.vector_load %arg8[%swap3A_57] {strides = array<i32>} : memref<704xf32, #tpu.memory_space<vmem>>, vector<16xf32>,
    %swap3A_59 = vector.shape_cast %swap3A_58 : vector<16xf32> to vector<16xf32>
    %swap3A_60 = vector.shape_cast %broadcast_in_dim3A_56 : vector<16xf32> to vector<16xf32>
    tpu.vector_store %arg8[%swap3A_57], %swap3A_60 {strides = array<i32>} : memref<704xf32, #tpu.memory_space<vmem>>, vector<16xf32>,
    %broadcast_in_dim3A_61 = arith.constant 0.000000e+00 : f32
    %broadcast_in_dim3A_62 = vector.broadcast %broadcast_in_dim3A_61 : f32 to vector<16xf32>
    %swap3A_63 = arith.constant 32 : index
    %swap3A_64 = tpu.vector_load %arg8[%swap3A_63] {strides = array<i32>} : memref<704xf32, #tpu.memory_space<vmem>>, vector<16xf32>,
    %swap3A_65 = vector.shape_cast %swap3A_64 : vector<16xf32> to vector<16xf32>
    %swap3A_66 = vector.shape_cast %broadcast_in_dim3A_62 : vector<16xf32> to vector<16xf32>
    tpu.vector_store %arg8[%swap3A_63], %swap3A_66 {strides = array<i32>} : memref<704xf32, #tpu.memory_space<vmem>>, vector<16xf32>,
    %broadcast_in_dim3A_67 = arith.constant 0.000000e+00 : f32
    %broadcast_in_dim3A_68 = vector.broadcast %broadcast_in_dim3A_67 : f32 to vector<16xf32>
    %swap3A_69 = arith.constant 48 : index
    %swap3A_70 = tpu.vector_load %arg8[%swap3A_69] {strides = array<i32>} : memref<704xf32, #tpu.memory_space<vmem>>, vector<16xf32>,
    %swap3A_71 = vector.shape_cast %swap3A_70 : vector<16xf32> to vector<16xf32>
    %swap3A_72 = vector.shape_cast %broadcast_in_dim3A_68 : vector<16xf32> to vector<16xf32>
    tpu.vector_store %arg8[%swap3A_69], %swap3A_72 {strides = array<i32>} : memref<704xf32, #tpu.memory_space<vmem>>, vector<16xf32>,
    %broadcast_in_dim3A_73 = arith.constant 0.000000e+00 : f32
    %broadcast_in_dim3A_74 = vector.broadcast %broadcast_in_dim3A_73 : f32 to vector<16xf32>
    %swap3A_75 = arith.constant 64 : index
    %swap3A_76 = tpu.vector_load %arg8[%swap3A_75] {strides = array<i32>} : memref<704xf32, #tpu.memory_space<vmem>>, vector<16xf32>,
    %swap3A_77 = vector.shape_cast %swap3A_76 : vector<16xf32> to vector<16xf32>
    %swap3A_78 = vector.shape_cast %broadcast_in_dim3A_74 : vector<16xf32> to vector<16xf32>
    tpu.vector_store %arg8[%swap3A_75], %swap3A_78 {strides = array<i32>} : memref<704xf32, #tpu.memory_space<vmem>>, vector<16xf32>,
    %broadcast_in_dim3A_79 = arith.constant 0.000000e+00 : f32
    %broadcast_in_dim3A_80 = vector.broadcast %broadcast_in_dim3A_79 : f32 to vector<16xf32>
    %swap3A_81 = arith.constant 80 : index
    %swap3A_82 = tpu.vector_load %arg8[%swap3A_81] {strides = array<i32>} : memref<704xf32, #tpu.memory_space<vmem>>, vector<16xf32>,
    %swap3A_83 = vector.shape_cast %swap3A_82 : vector<16xf32> to vector<16xf32>
    %swap3A_84 = vector.shape_cast %broadcast_in_dim3A_80 : vector<16xf32> to vector<16xf32>
    tpu.vector_store %arg8[%swap3A_81], %swap3A_84 {strides = array<i32>} : memref<704xf32, #tpu.memory_space<vmem>>, vector<16xf32>,
    %broadcast_in_dim3A_85 = arith.constant 0.000000e+00 : f32
    %broadcast_in_dim3A_86 = vector.broadcast %broadcast_in_dim3A_85 : f32 to vector<16xf32>
    %swap3A_87 = arith.constant 96 : index
    %swap3A_88 = tpu.vector_load %arg8[%swap3A_87] {strides = array<i32>} : memref<704xf32, #tpu.memory_space<vmem>>, vector<16xf32>,
    %swap3A_89 = vector.shape_cast %swap3A_88 : vector<16xf32> to vector<16xf32>
    %swap3A_90 = vector.shape_cast %broadcast_in_dim3A_86 : vector<16xf32> to vector<16xf32>
    tpu.vector_store %arg8[%swap3A_87], %swap3A_90 {strides = array<i32>} : memref<704xf32, #tpu.memory_space<vmem>>, vector<16xf32>,
    %broadcast_in_dim3A_91 = arith.constant 0.000000e+00 : f32
    %broadcast_in_dim3A_92 = vector.broadcast %broadcast_in_dim3A_91 : f32 to vector<16xf32>
    %swap3A_93 = arith.constant 112 : index
    %swap3A_94 = tpu.vector_load %arg8[%swap3A_93] {strides = array<i32>} : memref<704xf32, #tpu.memory_space<vmem>>, vector<16xf32>,
    %swap3A_95 = vector.shape_cast %swap3A_94 : vector<16xf32> to vector<16xf32>
    %swap3A_96 = vector.shape_cast %broadcast_in_dim3A_92 : vector<16xf32> to vector<16xf32>
    tpu.vector_store %arg8[%swap3A_93], %swap3A_96 {strides = array<i32>} : memref<704xf32, #tpu.memory_space<vmem>>, vector<16xf32>,
    %broadcast_in_dim3A_97 = arith.constant 0.000000e+00 : f32
    %broadcast_in_dim3A_98 = vector.broadcast %broadcast_in_dim3A_97 : f32 to vector<16xf32>
    %swap3A_99 = arith.constant 128 : index
    %swap3A_100 = tpu.vector_load %arg8[%swap3A_99] {strides = array<i32>} : memref<704xf32, #tpu.memory_space<vmem>>, vector<16xf32>,
    %swap3A_101 = vector.shape_cast %swap3A_100 : vector<16xf32> to vector<16xf32>
    %swap3A_102 = vector.shape_cast %broadcast_in_dim3A_98 : vector<16xf32> to vector<16xf32>
    tpu.vector_store %arg8[%swap3A_99], %swap3A_102 {strides = array<i32>} : memref<704xf32, #tpu.memory_space<vmem>>, vector<16xf32>,
    %broadcast_in_dim3A_103 = arith.constant 0.000000e+00 : f32
    %broadcast_in_dim3A_104 = vector.broadcast %broadcast_in_dim3A_103 : f32 to vector<16xf32>
    %swap3A_105 = arith.constant 144 : index
    %swap3A_106 = tpu.vector_load %arg8[%swap3A_105] {strides = array<i32>} : memref<704xf32, #tpu.memory_space<vmem>>, vector<16xf32>,
    %swap3A_107 = vector.shape_cast %swap3A_106 : vector<16xf32> to vector<16xf32>
    %swap3A_108 = vector.shape_cast %broadcast_in_dim3A_104 : vector<16xf32> to vector<16xf32>
    tpu.vector_store %arg8[%swap3A_105], %swap3A_108 {strides = array<i32>} : memref<704xf32, #tpu.memory_space<vmem>>, vector<16xf32>,
    %broadcast_in_dim3A_109 = arith.constant 0.000000e+00 : f32
    %broadcast_in_dim3A_110 = vector.broadcast %broadcast_in_dim3A_109 : f32 to vector<16xf32>
    %swap3A_111 = arith.constant 160 : index
    %swap3A_112 = tpu.vector_load %arg8[%swap3A_111] {strides = array<i32>} : memref<704xf32, #tpu.memory_space<vmem>>, vector<16xf32>,
    %swap3A_113 = vector.shape_cast %swap3A_112 : vector<16xf32> to vector<16xf32>
    %swap3A_114 = vector.shape_cast %broadcast_in_dim3A_110 : vector<16xf32> to vector<16xf32>
    tpu.vector_store %arg8[%swap3A_111], %swap3A_114 {strides = array<i32>} : memref<704xf32, #tpu.memory_space<vmem>>, vector<16xf32>,
    %broadcast_in_dim3A_115 = arith.constant 0.000000e+00 : f32
    %broadcast_in_dim3A_116 = vector.broadcast %broadcast_in_dim3A_115 : f32 to vector<16xf32>
    %swap3A_117 = arith.constant 176 : index
    %swap3A_118 = tpu.vector_load %arg8[%swap3A_117] {strides = array<i32>} : memref<704xf32, #tpu.memory_space<vmem>>, vector<16xf32>,
    %swap3A_119 = vector.shape_cast %swap3A_118 : vector<16xf32> to vector<16xf32>
    %swap3A_120 = vector.shape_cast %broadcast_in_dim3A_116 : vector<16xf32> to vector<16xf32>
    tpu.vector_store %arg8[%swap3A_117], %swap3A_120 {strides = array<i32>} : memref<704xf32, #tpu.memory_space<vmem>>, vector<16xf32>,
    %broadcast_in_dim3A_121 = arith.constant 0.000000e+00 : f32
    %broadcast_in_dim3A_122 = vector.broadcast %broadcast_in_dim3A_121 : f32 to vector<16xf32>
    %swap3A_123 = arith.constant 192 : index
    %swap3A_124 = tpu.vector_load %arg8[%swap3A_123] {strides = array<i32>} : memref<704xf32, #tpu.memory_space<vmem>>, vector<16xf32>,
    %swap3A_125 = vector.shape_cast %swap3A_124 : vector<16xf32> to vector<16xf32>
    %swap3A_126 = vector.shape_cast %broadcast_in_dim3A_122 : vector<16xf32> to vector<16xf32>
    tpu.vector_store %arg8[%swap3A_123], %swap3A_126 {strides = array<i32>} : memref<704xf32, #tpu.memory_space<vmem>>, vector<16xf32>,
    %broadcast_in_dim3A_127 = arith.constant 0.000000e+00 : f32
    %broadcast_in_dim3A_128 = vector.broadcast %broadcast_in_dim3A_127 : f32 to vector<16xf32>
    %swap3A_129 = arith.constant 208 : index
    %swap3A_130 = tpu.vector_load %arg8[%swap3A_129] {strides = array<i32>} : memref<704xf32, #tpu.memory_space<vmem>>, vector<16xf32>,
    %swap3A_131 = vector.shape_cast %swap3A_130 : vector<16xf32> to vector<16xf32>
    %swap3A_132 = vector.shape_cast %broadcast_in_dim3A_128 : vector<16xf32> to vector<16xf32>
    tpu.vector_store %arg8[%swap3A_129], %swap3A_132 {strides = array<i32>} : memref<704xf32, #tpu.memory_space<vmem>>, vector<16xf32>,
    %broadcast_in_dim3A_133 = arith.constant 0.000000e+00 : f32
    %broadcast_in_dim3A_134 = vector.broadcast %broadcast_in_dim3A_133 : f32 to vector<16xf32>
    %swap3A_135 = arith.constant 224 : index
    %swap3A_136 = tpu.vector_load %arg8[%swap3A_135] {strides = array<i32>} : memref<704xf32, #tpu.memory_space<vmem>>, vector<16xf32>,
    %swap3A_137 = vector.shape_cast %swap3A_136 : vector<16xf32> to vector<16xf32>
    %swap3A_138 = vector.shape_cast %broadcast_in_dim3A_134 : vector<16xf32> to vector<16xf32>
    tpu.vector_store %arg8[%swap3A_135], %swap3A_138 {strides = array<i32>} : memref<704xf32, #tpu.memory_space<vmem>>, vector<16xf32>,
    %broadcast_in_dim3A_139 = arith.constant 0.000000e+00 : f32
    %broadcast_in_dim3A_140 = vector.broadcast %broadcast_in_dim3A_139 : f32 to vector<16xf32>
    %swap3A_141 = arith.constant 240 : index
    %swap3A_142 = tpu.vector_load %arg8[%swap3A_141] {strides = array<i32>} : memref<704xf32, #tpu.memory_space<vmem>>, vector<16xf32>,
    %swap3A_143 = vector.shape_cast %swap3A_142 : vector<16xf32> to vector<16xf32>
    %swap3A_144 = vector.shape_cast %broadcast_in_dim3A_140 : vector<16xf32> to vector<16xf32>
    tpu.vector_store %arg8[%swap3A_141], %swap3A_144 {strides = array<i32>} : memref<704xf32, #tpu.memory_space<vmem>>, vector<16xf32>,
    %broadcast_in_dim3A_145 = arith.constant 0.000000e+00 : f32
    %broadcast_in_dim3A_146 = vector.broadcast %broadcast_in_dim3A_145 : f32 to vector<16xf32>
    %swap3A_147 = arith.constant 256 : index
    %swap3A_148 = tpu.vector_load %arg8[%swap3A_147] {strides = array<i32>} : memref<704xf32, #tpu.memory_space<vmem>>, vector<16xf32>,
    %swap3A_149 = vector.shape_cast %swap3A_148 : vector<16xf32> to vector<16xf32>
    %swap3A_150 = vector.shape_cast %broadcast_in_dim3A_146 : vector<16xf32> to vector<16xf32>
    tpu.vector_store %arg8[%swap3A_147], %swap3A_150 {strides = array<i32>} : memref<704xf32, #tpu.memory_space<vmem>>, vector<16xf32>,
    %broadcast_in_dim3A_151 = arith.constant 0.000000e+00 : f32
    %broadcast_in_dim3A_152 = vector.broadcast %broadcast_in_dim3A_151 : f32 to vector<16xf32>
    %swap3A_153 = arith.constant 272 : index
    %swap3A_154 = tpu.vector_load %arg8[%swap3A_153] {strides = array<i32>} : memref<704xf32, #tpu.memory_space<vmem>>, vector<16xf32>,
    %swap3A_155 = vector.shape_cast %swap3A_154 : vector<16xf32> to vector<16xf32>
    %swap3A_156 = vector.shape_cast %broadcast_in_dim3A_152 : vector<16xf32> to vector<16xf32>
    tpu.vector_store %arg8[%swap3A_153], %swap3A_156 {strides = array<i32>} : memref<704xf32, #tpu.memory_space<vmem>>, vector<16xf32>,
    %broadcast_in_dim3A_157 = arith.constant 0.000000e+00 : f32
    %broadcast_in_dim3A_158 = vector.broadcast %broadcast_in_dim3A_157 : f32 to vector<16xf32>
    %swap3A_159 = arith.constant 288 : index
    %swap3A_160 = tpu.vector_load %arg8[%swap3A_159] {strides = array<i32>} : memref<704xf32, #tpu.memory_space<vmem>>, vector<16xf32>,
    %swap3A_161 = vector.shape_cast %swap3A_160 : vector<16xf32> to vector<16xf32>
    %swap3A_162 = vector.shape_cast %broadcast_in_dim3A_158 : vector<16xf32> to vector<16xf32>
    tpu.vector_store %arg8[%swap3A_159], %swap3A_162 {strides = array<i32>} : memref<704xf32, #tpu.memory_space<vmem>>, vector<16xf32>,
    %broadcast_in_dim3A_163 = arith.constant 0.000000e+00 : f32
    %broadcast_in_dim3A_164 = vector.broadcast %broadcast_in_dim3A_163 : f32 to vector<16xf32>
    %swap3A_165 = arith.constant 304 : index
    %swap3A_166 = tpu.vector_load %arg8[%swap3A_165] {strides = array<i32>} : memref<704xf32, #tpu.memory_space<vmem>>, vector<16xf32>,
    %swap3A_167 = vector.shape_cast %swap3A_166 : vector<16xf32> to vector<16xf32>
    %swap3A_168 = vector.shape_cast %broadcast_in_dim3A_164 : vector<16xf32> to vector<16xf32>
    tpu.vector_store %arg8[%swap3A_165], %swap3A_168 {strides = array<i32>} : memref<704xf32, #tpu.memory_space<vmem>>, vector<16xf32>,
    %broadcast_in_dim3A_169 = arith.constant 0.000000e+00 : f32
    %broadcast_in_dim3A_170 = vector.broadcast %broadcast_in_dim3A_169 : f32 to vector<16xf32>
    %swap3A_171 = arith.constant 320 : index
    %swap3A_172 = tpu.vector_load %arg8[%swap3A_171] {strides = array<i32>} : memref<704xf32, #tpu.memory_space<vmem>>, vector<16xf32>,
    %swap3A_173 = vector.shape_cast %swap3A_172 : vector<16xf32> to vector<16xf32>
    %swap3A_174 = vector.shape_cast %broadcast_in_dim3A_170 : vector<16xf32> to vector<16xf32>
    tpu.vector_store %arg8[%swap3A_171], %swap3A_174 {strides = array<i32>} : memref<704xf32, #tpu.memory_space<vmem>>, vector<16xf32>,
    %broadcast_in_dim3A_175 = arith.constant 0.000000e+00 : f32
    %broadcast_in_dim3A_176 = vector.broadcast %broadcast_in_dim3A_175 : f32 to vector<16xf32>
    %swap3A_177 = arith.constant 336 : index
    %swap3A_178 = tpu.vector_load %arg8[%swap3A_177] {strides = array<i32>} : memref<704xf32, #tpu.memory_space<vmem>>, vector<16xf32>,
    %swap3A_179 = vector.shape_cast %swap3A_178 : vector<16xf32> to vector<16xf32>
    %swap3A_180 = vector.shape_cast %broadcast_in_dim3A_176 : vector<16xf32> to vector<16xf32>
    tpu.vector_store %arg8[%swap3A_177], %swap3A_180 {strides = array<i32>} : memref<704xf32, #tpu.memory_space<vmem>>, vector<16xf32>,
    %broadcast_in_dim3A_181 = arith.constant 0.000000e+00 : f32
    %broadcast_in_dim3A_182 = vector.broadcast %broadcast_in_dim3A_181 : f32 to vector<16xf32>
    %swap3A_183 = arith.constant 352 : index
    %swap3A_184 = tpu.vector_load %arg8[%swap3A_183] {strides = array<i32>} : memref<704xf32, #tpu.memory_space<vmem>>, vector<16xf32>,
    %swap3A_185 = vector.shape_cast %swap3A_184 : vector<16xf32> to vector<16xf32>
    %swap3A_186 = vector.shape_cast %broadcast_in_dim3A_182 : vector<16xf32> to vector<16xf32>
    tpu.vector_store %arg8[%swap3A_183], %swap3A_186 {strides = array<i32>} : memref<704xf32, #tpu.memory_space<vmem>>, vector<16xf32>,
    %broadcast_in_dim3A_187 = arith.constant 0.000000e+00 : f32
    %broadcast_in_dim3A_188 = vector.broadcast %broadcast_in_dim3A_187 : f32 to vector<16xf32>
    %swap3A_189 = arith.constant 368 : index
    %swap3A_190 = tpu.vector_load %arg8[%swap3A_189] {strides = array<i32>} : memref<704xf32, #tpu.memory_space<vmem>>, vector<16xf32>,
    %swap3A_191 = vector.shape_cast %swap3A_190 : vector<16xf32> to vector<16xf32>
    %swap3A_192 = vector.shape_cast %broadcast_in_dim3A_188 : vector<16xf32> to vector<16xf32>
    tpu.vector_store %arg8[%swap3A_189], %swap3A_192 {strides = array<i32>} : memref<704xf32, #tpu.memory_space<vmem>>, vector<16xf32>,
    %broadcast_in_dim3A_193 = arith.constant 0.000000e+00 : f32
    %broadcast_in_dim3A_194 = vector.broadcast %broadcast_in_dim3A_193 : f32 to vector<16xf32>
    %swap3A_195 = arith.constant 384 : index
    %swap3A_196 = tpu.vector_load %arg8[%swap3A_195] {strides = array<i32>} : memref<704xf32, #tpu.memory_space<vmem>>, vector<16xf32>,
    %swap3A_197 = vector.shape_cast %swap3A_196 : vector<16xf32> to vector<16xf32>
    %swap3A_198 = vector.shape_cast %broadcast_in_dim3A_194 : vector<16xf32> to vector<16xf32>
    tpu.vector_store %arg8[%swap3A_195], %swap3A_198 {strides = array<i32>} : memref<704xf32, #tpu.memory_space<vmem>>, vector<16xf32>,
    %broadcast_in_dim3A_199 = arith.constant 0.000000e+00 : f32
    %broadcast_in_dim3A_200 = vector.broadcast %broadcast_in_dim3A_199 : f32 to vector<16xf32>
    %swap3A_201 = arith.constant 400 : index
    %swap3A_202 = tpu.vector_load %arg8[%swap3A_201] {strides = array<i32>} : memref<704xf32, #tpu.memory_space<vmem>>, vector<16xf32>,
    %swap3A_203 = vector.shape_cast %swap3A_202 : vector<16xf32> to vector<16xf32>
    %swap3A_204 = vector.shape_cast %broadcast_in_dim3A_200 : vector<16xf32> to vector<16xf32>
    tpu.vector_store %arg8[%swap3A_201], %swap3A_204 {strides = array<i32>} : memref<704xf32, #tpu.memory_space<vmem>>, vector<16xf32>,
    %broadcast_in_dim3A_205 = arith.constant 0.000000e+00 : f32
    %broadcast_in_dim3A_206 = vector.broadcast %broadcast_in_dim3A_205 : f32 to vector<16xf32>
    %swap3A_207 = arith.constant 416 : index
    %swap3A_208 = tpu.vector_load %arg8[%swap3A_207] {strides = array<i32>} : memref<704xf32, #tpu.memory_space<vmem>>, vector<16xf32>,
    %swap3A_209 = vector.shape_cast %swap3A_208 : vector<16xf32> to vector<16xf32>
    %swap3A_210 = vector.shape_cast %broadcast_in_dim3A_206 : vector<16xf32> to vector<16xf32>
    tpu.vector_store %arg8[%swap3A_207], %swap3A_210 {strides = array<i32>} : memref<704xf32, #tpu.memory_space<vmem>>, vector<16xf32>,
    %broadcast_in_dim3A_211 = arith.constant 0.000000e+00 : f32
    %broadcast_in_dim3A_212 = vector.broadcast %broadcast_in_dim3A_211 : f32 to vector<16xf32>
    %swap3A_213 = arith.constant 432 : index
    %swap3A_214 = tpu.vector_load %arg8[%swap3A_213] {strides = array<i32>} : memref<704xf32, #tpu.memory_space<vmem>>, vector<16xf32>,
    %swap3A_215 = vector.shape_cast %swap3A_214 : vector<16xf32> to vector<16xf32>
    %swap3A_216 = vector.shape_cast %broadcast_in_dim3A_212 : vector<16xf32> to vector<16xf32>
    tpu.vector_store %arg8[%swap3A_213], %swap3A_216 {strides = array<i32>} : memref<704xf32, #tpu.memory_space<vmem>>, vector<16xf32>,
    %broadcast_in_dim3A_217 = arith.constant 0.000000e+00 : f32
    %broadcast_in_dim3A_218 = vector.broadcast %broadcast_in_dim3A_217 : f32 to vector<16xf32>
    %swap3A_219 = arith.constant 448 : index
    %swap3A_220 = tpu.vector_load %arg8[%swap3A_219] {strides = array<i32>} : memref<704xf32, #tpu.memory_space<vmem>>, vector<16xf32>,
    %swap3A_221 = vector.shape_cast %swap3A_220 : vector<16xf32> to vector<16xf32>
    %swap3A_222 = vector.shape_cast %broadcast_in_dim3A_218 : vector<16xf32> to vector<16xf32>
    tpu.vector_store %arg8[%swap3A_219], %swap3A_222 {strides = array<i32>} : memref<704xf32, #tpu.memory_space<vmem>>, vector<16xf32>,
    %broadcast_in_dim3A_223 = arith.constant 0.000000e+00 : f32
    %broadcast_in_dim3A_224 = vector.broadcast %broadcast_in_dim3A_223 : f32 to vector<16xf32>
    %swap3A_225 = arith.constant 464 : index
    %swap3A_226 = tpu.vector_load %arg8[%swap3A_225] {strides = array<i32>} : memref<704xf32, #tpu.memory_space<vmem>>, vector<16xf32>,
    %swap3A_227 = vector.shape_cast %swap3A_226 : vector<16xf32> to vector<16xf32>
    %swap3A_228 = vector.shape_cast %broadcast_in_dim3A_224 : vector<16xf32> to vector<16xf32>
    tpu.vector_store %arg8[%swap3A_225], %swap3A_228 {strides = array<i32>} : memref<704xf32, #tpu.memory_space<vmem>>, vector<16xf32>,
    %broadcast_in_dim3A_229 = arith.constant 0.000000e+00 : f32
    %broadcast_in_dim3A_230 = vector.broadcast %broadcast_in_dim3A_229 : f32 to vector<16xf32>
    %swap3A_231 = arith.constant 480 : index
    %swap3A_232 = tpu.vector_load %arg8[%swap3A_231] {strides = array<i32>} : memref<704xf32, #tpu.memory_space<vmem>>, vector<16xf32>,
    %swap3A_233 = vector.shape_cast %swap3A_232 : vector<16xf32> to vector<16xf32>
    %swap3A_234 = vector.shape_cast %broadcast_in_dim3A_230 : vector<16xf32> to vector<16xf32>
    tpu.vector_store %arg8[%swap3A_231], %swap3A_234 {strides = array<i32>} : memref<704xf32, #tpu.memory_space<vmem>>, vector<16xf32>,
    %broadcast_in_dim3A_235 = arith.constant 0.000000e+00 : f32
    %broadcast_in_dim3A_236 = vector.broadcast %broadcast_in_dim3A_235 : f32 to vector<16xf32>
    %swap3A_237 = arith.constant 496 : index
    %swap3A_238 = tpu.vector_load %arg8[%swap3A_237] {strides = array<i32>} : memref<704xf32, #tpu.memory_space<vmem>>, vector<16xf32>,
    %swap3A_239 = vector.shape_cast %swap3A_238 : vector<16xf32> to vector<16xf32>
    %swap3A_240 = vector.shape_cast %broadcast_in_dim3A_236 : vector<16xf32> to vector<16xf32>
    tpu.vector_store %arg8[%swap3A_237], %swap3A_240 {strides = array<i32>} : memref<704xf32, #tpu.memory_space<vmem>>, vector<16xf32>,
    %broadcast_in_dim3A_241 = arith.constant 0.000000e+00 : f32
    %broadcast_in_dim3A_242 = vector.broadcast %broadcast_in_dim3A_241 : f32 to vector<16xf32>
    %swap3A_243 = arith.constant 512 : index
    %swap3A_244 = tpu.vector_load %arg8[%swap3A_243] {strides = array<i32>} : memref<704xf32, #tpu.memory_space<vmem>>, vector<16xf32>,
    %swap3A_245 = vector.shape_cast %swap3A_244 : vector<16xf32> to vector<16xf32>
    %swap3A_246 = vector.shape_cast %broadcast_in_dim3A_242 : vector<16xf32> to vector<16xf32>
    tpu.vector_store %arg8[%swap3A_243], %swap3A_246 {strides = array<i32>} : memref<704xf32, #tpu.memory_space<vmem>>, vector<16xf32>,
    %broadcast_in_dim3A_247 = arith.constant 0.000000e+00 : f32
    %broadcast_in_dim3A_248 = vector.broadcast %broadcast_in_dim3A_247 : f32 to vector<16xf32>
    %swap3A_249 = arith.constant 528 : index
    %swap3A_250 = tpu.vector_load %arg8[%swap3A_249] {strides = array<i32>} : memref<704xf32, #tpu.memory_space<vmem>>, vector<16xf32>,
    %swap3A_251 = vector.shape_cast %swap3A_250 : vector<16xf32> to vector<16xf32>
    %swap3A_252 = vector.shape_cast %broadcast_in_dim3A_248 : vector<16xf32> to vector<16xf32>
    tpu.vector_store %arg8[%swap3A_249], %swap3A_252 {strides = array<i32>} : memref<704xf32, #tpu.memory_space<vmem>>, vector<16xf32>,
    %broadcast_in_dim3A_253 = arith.constant 0.000000e+00 : f32
    %broadcast_in_dim3A_254 = vector.broadcast %broadcast_in_dim3A_253 : f32 to vector<16xf32>
    %swap3A_255 = arith.constant 544 : index
    %swap3A_256 = tpu.vector_load %arg8[%swap3A_255] {strides = array<i32>} : memref<704xf32, #tpu.memory_space<vmem>>, vector<16xf32>,
    %swap3A_257 = vector.shape_cast %swap3A_256 : vector<16xf32> to vector<16xf32>
    %swap3A_258 = vector.shape_cast %broadcast_in_dim3A_254 : vector<16xf32> to vector<16xf32>
    tpu.vector_store %arg8[%swap3A_255], %swap3A_258 {strides = array<i32>} : memref<704xf32, #tpu.memory_space<vmem>>, vector<16xf32>,
    %broadcast_in_dim3A_259 = arith.constant 0.000000e+00 : f32
    %broadcast_in_dim3A_260 = vector.broadcast %broadcast_in_dim3A_259 : f32 to vector<16xf32>
    %swap3A_261 = arith.constant 560 : index
    %swap3A_262 = tpu.vector_load %arg8[%swap3A_261] {strides = array<i32>} : memref<704xf32, #tpu.memory_space<vmem>>, vector<16xf32>,
    %swap3A_263 = vector.shape_cast %swap3A_262 : vector<16xf32> to vector<16xf32>
    %swap3A_264 = vector.shape_cast %broadcast_in_dim3A_260 : vector<16xf32> to vector<16xf32>
    tpu.vector_store %arg8[%swap3A_261], %swap3A_264 {strides = array<i32>} : memref<704xf32, #tpu.memory_space<vmem>>, vector<16xf32>,
    %broadcast_in_dim3A_265 = arith.constant 0.000000e+00 : f32
    %broadcast_in_dim3A_266 = vector.broadcast %broadcast_in_dim3A_265 : f32 to vector<16xf32>
    %swap3A_267 = arith.constant 576 : index
    %swap3A_268 = tpu.vector_load %arg8[%swap3A_267] {strides = array<i32>} : memref<704xf32, #tpu.memory_space<vmem>>, vector<16xf32>,
    %swap3A_269 = vector.shape_cast %swap3A_268 : vector<16xf32> to vector<16xf32>
    %swap3A_270 = vector.shape_cast %broadcast_in_dim3A_266 : vector<16xf32> to vector<16xf32>
    tpu.vector_store %arg8[%swap3A_267], %swap3A_270 {strides = array<i32>} : memref<704xf32, #tpu.memory_space<vmem>>, vector<16xf32>,
    %broadcast_in_dim3A_271 = arith.constant 0.000000e+00 : f32
    %broadcast_in_dim3A_272 = vector.broadcast %broadcast_in_dim3A_271 : f32 to vector<16xf32>
    %swap3A_273 = arith.constant 592 : index
    %swap3A_274 = tpu.vector_load %arg8[%swap3A_273] {strides = array<i32>} : memref<704xf32, #tpu.memory_space<vmem>>, vector<16xf32>,
    %swap3A_275 = vector.shape_cast %swap3A_274 : vector<16xf32> to vector<16xf32>
    %swap3A_276 = vector.shape_cast %broadcast_in_dim3A_272 : vector<16xf32> to vector<16xf32>
    tpu.vector_store %arg8[%swap3A_273], %swap3A_276 {strides = array<i32>} : memref<704xf32, #tpu.memory_space<vmem>>, vector<16xf32>,
    %broadcast_in_dim3A_277 = arith.constant 0.000000e+00 : f32
    %broadcast_in_dim3A_278 = vector.broadcast %broadcast_in_dim3A_277 : f32 to vector<16xf32>
    %swap3A_279 = arith.constant 608 : index
    %swap3A_280 = tpu.vector_load %arg8[%swap3A_279] {strides = array<i32>} : memref<704xf32, #tpu.memory_space<vmem>>, vector<16xf32>,
    %swap3A_281 = vector.shape_cast %swap3A_280 : vector<16xf32> to vector<16xf32>
    %swap3A_282 = vector.shape_cast %broadcast_in_dim3A_278 : vector<16xf32> to vector<16xf32>
    tpu.vector_store %arg8[%swap3A_279], %swap3A_282 {strides = array<i32>} : memref<704xf32, #tpu.memory_space<vmem>>, vector<16xf32>,
    %broadcast_in_dim3A_283 = arith.constant 0.000000e+00 : f32
    %broadcast_in_dim3A_284 = vector.broadcast %broadcast_in_dim3A_283 : f32 to vector<16xf32>
    %swap3A_285 = arith.constant 624 : index
    %swap3A_286 = tpu.vector_load %arg8[%swap3A_285] {strides = array<i32>} : memref<704xf32, #tpu.memory_space<vmem>>, vector<16xf32>,
    %swap3A_287 = vector.shape_cast %swap3A_286 : vector<16xf32> to vector<16xf32>
    %swap3A_288 = vector.shape_cast %broadcast_in_dim3A_284 : vector<16xf32> to vector<16xf32>
    tpu.vector_store %arg8[%swap3A_285], %swap3A_288 {strides = array<i32>} : memref<704xf32, #tpu.memory_space<vmem>>, vector<16xf32>,
    %broadcast_in_dim3A_289 = arith.constant 0.000000e+00 : f32
    %broadcast_in_dim3A_290 = vector.broadcast %broadcast_in_dim3A_289 : f32 to vector<16xf32>
    %swap3A_291 = arith.constant 640 : index
    %swap3A_292 = tpu.vector_load %arg8[%swap3A_291] {strides = array<i32>} : memref<704xf32, #tpu.memory_space<vmem>>, vector<16xf32>,
    %swap3A_293 = vector.shape_cast %swap3A_292 : vector<16xf32> to vector<16xf32>
    %swap3A_294 = vector.shape_cast %broadcast_in_dim3A_290 : vector<16xf32> to vector<16xf32>
    tpu.vector_store %arg8[%swap3A_291], %swap3A_294 {strides = array<i32>} : memref<704xf32, #tpu.memory_space<vmem>>, vector<16xf32>,
    %broadcast_in_dim3A_295 = arith.constant 0.000000e+00 : f32
    %broadcast_in_dim3A_296 = vector.broadcast %broadcast_in_dim3A_295 : f32 to vector<16xf32>
    %swap3A_297 = arith.constant 656 : index
    %swap3A_298 = tpu.vector_load %arg8[%swap3A_297] {strides = array<i32>} : memref<704xf32, #tpu.memory_space<vmem>>, vector<16xf32>,
    %swap3A_299 = vector.shape_cast %swap3A_298 : vector<16xf32> to vector<16xf32>
    %swap3A_300 = vector.shape_cast %broadcast_in_dim3A_296 : vector<16xf32> to vector<16xf32>
    tpu.vector_store %arg8[%swap3A_297], %swap3A_300 {strides = array<i32>} : memref<704xf32, #tpu.memory_space<vmem>>, vector<16xf32>,
    %broadcast_in_dim3A_301 = arith.constant 0.000000e+00 : f32
    %broadcast_in_dim3A_302 = vector.broadcast %broadcast_in_dim3A_301 : f32 to vector<16xf32>
    %swap3A_303 = arith.constant 672 : index
    %swap3A_304 = tpu.vector_load %arg8[%swap3A_303] {strides = array<i32>} : memref<704xf32, #tpu.memory_space<vmem>>, vector<16xf32>,
    %swap3A_305 = vector.shape_cast %swap3A_304 : vector<16xf32> to vector<16xf32>
    %swap3A_306 = vector.shape_cast %broadcast_in_dim3A_302 : vector<16xf32> to vector<16xf32>
    tpu.vector_store %arg8[%swap3A_303], %swap3A_306 {strides = array<i32>} : memref<704xf32, #tpu.memory_space<vmem>>, vector<16xf32>,
    %broadcast_in_dim3A_307 = arith.constant 0.000000e+00 : f32
    %broadcast_in_dim3A_308 = vector.broadcast %broadcast_in_dim3A_307 : f32 to vector<16xf32>
    %swap3A_309 = arith.constant 688 : index
    %swap3A_310 = tpu.vector_load %arg8[%swap3A_309] {strides = array<i32>} : memref<704xf32, #tpu.memory_space<vmem>>, vector<16xf32>,
    %swap3A_311 = vector.shape_cast %swap3A_310 : vector<16xf32> to vector<16xf32>
    %swap3A_312 = vector.shape_cast %broadcast_in_dim3A_308 : vector<16xf32> to vector<16xf32>
    tpu.vector_store %arg8[%swap3A_309], %swap3A_312 {strides = array<i32>} : memref<704xf32, #tpu.memory_space<vmem>>, vector<16xf32>,
    %mul3A_313 = arith.constant 80 : i32
    %mul3A_314 = arith.muli %add3A, %mul3A_313 : i32
    "tpu.region"() ({
      %run_scoped3A = tpu.sem_alloc : memref<!tpu.dma_semaphore, #tpu.memory_space<semaphore_mem>>
      %dma_start3A = arith.constant 0 : i32
      %dma_start3A_331 = tpu.memref_slice %arg2[%mul3A_314, %dma_start3A] : memref<2560x128xi32, #tpu.memory_space<hbm>> -> memref<80x128xi32, #tpu.memory_space<hbm>>
      %dma_start3A_332 = arith.constant 0 : i32
      %dma_start3A_333 = tpu.memref_slice %arg2[%mul3A_314, %dma_start3A_332] : memref<2560x128xi32, #tpu.memory_space<hbm>> -> memref<80x128xi32, #tpu.memory_space<hbm>>
      tpu.enqueue_dma source(%dma_start3A_333 : memref<80x128xi32, #tpu.memory_space<hbm>>) target(%arg6 : memref<80x128xi32, #tpu.memory_space<vmem>>) target_semaphore(%run_scoped3A : memref<!tpu.dma_semaphore, #tpu.memory_space<semaphore_mem>>)
      %dma_wait3A = arith.constant 0 : i32
      %dma_wait3A_334 = tpu.memref_slice %arg2[%mul3A_314, %dma_wait3A] : memref<2560x128xi32, #tpu.memory_space<hbm>> -> memref<80x128xi32, #tpu.memory_space<hbm>>
      %dma_wait3A_335 = arith.constant 0 : i32
      %dma_wait3A_336 = tpu.memref_slice %arg2[%mul3A_314, %dma_wait3A_335] : memref<2560x128xi32, #tpu.memory_space<hbm>> -> memref<80x128xi32, #tpu.memory_space<hbm>>
      tpu.wait_dma2 semaphore(%run_scoped3A : memref<!tpu.dma_semaphore, #tpu.memory_space<semaphore_mem>>) src(%dma_wait3A_336 : memref<80x128xi32, #tpu.memory_space<hbm>>) dst(%arg6 : memref<80x128xi32, #tpu.memory_space<vmem>>)
      tpu.yield
    }) : () -> ()
    "tpu.region"() ({
      %run_scoped3A = tpu.sem_alloc : memref<!tpu.dma_semaphore, #tpu.memory_space<semaphore_mem>>
      %dma_start3A = tpu.memref_slice %arg5[%mul3A_2] : memref<11264xf32, #tpu.memory_space<vmem_shared>> -> memref<704xf32, #tpu.memory_space<vmem_shared>>
      %dma_start3A_331 = tpu.memref_slice %arg5[%mul3A_2] : memref<11264xf32, #tpu.memory_space<vmem_shared>> -> memref<704xf32, #tpu.memory_space<vmem_shared>>
      tpu.enqueue_dma source(%arg8 : memref<704xf32, #tpu.memory_space<vmem>>) target(%dma_start3A_331 : memref<704xf32, #tpu.memory_space<vmem_shared>>) target_semaphore(%run_scoped3A : memref<!tpu.dma_semaphore, #tpu.memory_space<semaphore_mem>>)
      %dma_wait3A = tpu.memref_slice %arg5[%mul3A_2] : memref<11264xf32, #tpu.memory_space<vmem_shared>> -> memref<704xf32, #tpu.memory_space<vmem_shared>>
      %dma_wait3A_332 = tpu.memref_slice %arg5[%mul3A_2] : memref<11264xf32, #tpu.memory_space<vmem_shared>> -> memref<704xf32, #tpu.memory_space<vmem_shared>>
      tpu.wait_dma2 semaphore(%run_scoped3A : memref<!tpu.dma_semaphore, #tpu.memory_space<semaphore_mem>>) src(%arg8 : memref<704xf32, #tpu.memory_space<vmem>>) dst(%dma_wait3A_332 : memref<704xf32, #tpu.memory_space<vmem_shared>>)
      tpu.yield
    }) : () -> ()
    %barrier3A = arith.constant 0 : index
    tpu.barrier barrier_id(%barrier3A)
    %scan3A = arith.constant 0 : i32
    %scan3A_315 = arith.constant 80 : i32
    %scan3A_316 = arith.addi %scan3A, %scan3A_315 : i32
    %scan3A_317 = arith.constant 1 : i32
    scf.for %scan3A_331 = %scan3A to %scan3A_316 step %scan3A_317  : i32 {
      %mul3A_332 = arith.constant 1 : i32
      %mul3A_333 = arith.muli %scan3A_331, %mul3A_332 : i32
      %add3A_334 = arith.constant 0 : i32
      %add3A_335 = arith.addi %add3A_334, %mul3A_333 : i32
      %dma_start3A = arith.constant 0 : i32
      %dma_start3A_336 = tpu.memref_slice %arg6[%add3A_335, %dma_start3A] : memref<80x128xi32, #tpu.memory_space<vmem>> -> memref<1x128xi32, #tpu.memory_space<vmem>>
      %dma_start3A_337 = tpu.memref_squeeze %dma_start3A_336 : memref<1x128xi32, #tpu.memory_space<vmem>> -> memref<128xi32, #tpu.memory_space<vmem>>
      %dma_start3A_338 = arith.constant 0 : i32
      %dma_start3A_339 = tpu.memref_slice %arg5[%dma_start3A_338] : memref<11264xf32, #tpu.memory_space<vmem_shared>> -> memref<11264xf32, #tpu.memory_space<vmem_shared>>
      tpu.enqueue_indirect_dma source(%arg7 : memref<128xf32, #tpu.memory_space<vmem>>) target(%dma_start3A_339 : memref<11264xf32, #tpu.memory_space<vmem_shared>>) offsets(%dma_start3A_337 : memref<128xi32, #tpu.memory_space<vmem>>) semaphore(%arg9 : memref<!tpu.dma_semaphore, #tpu.memory_space<semaphore_mem>>) {add = true}
    }
    %scan3A_318 = arith.constant 80 : i32
    %scan3A_319 = arith.constant 0 : i32
    %scan3A_320 = arith.constant 80 : i32
    %scan3A_321 = arith.addi %scan3A_319, %scan3A_320 : i32
    %scan3A_322 = arith.constant 1 : i32
    scf.for %scan3A_331 = %scan3A_319 to %scan3A_321 step %scan3A_322  : i32 {
      %mul3A_332 = arith.constant 1 : i32
      %mul3A_333 = arith.muli %scan3A_331, %mul3A_332 : i32
      %add3A_334 = arith.constant 0 : i32
      %add3A_335 = arith.addi %add3A_334, %mul3A_333 : i32
      %dma_wait3A = arith.constant 0 : i32
      %dma_wait3A_336 = tpu.memref_slice %arg6[%add3A_335, %dma_wait3A] : memref<80x128xi32, #tpu.memory_space<vmem>> -> memref<1x128xi32, #tpu.memory_space<vmem>>
      %dma_wait3A_337 = tpu.memref_squeeze %dma_wait3A_336 : memref<1x128xi32, #tpu.memory_space<vmem>> -> memref<128xi32, #tpu.memory_space<vmem>>
      %dma_wait3A_338 = arith.constant 0 : i32
      %dma_wait3A_339 = tpu.memref_slice %arg5[%dma_wait3A_338] : memref<11264xf32, #tpu.memory_space<vmem_shared>> -> memref<11264xf32, #tpu.memory_space<vmem_shared>>
      tpu.wait_indirect_dma semaphore(%arg9 : memref<!tpu.dma_semaphore, #tpu.memory_space<semaphore_mem>>) src(%arg7 : memref<128xf32, #tpu.memory_space<vmem>>) dst(%dma_wait3A_339 : memref<11264xf32, #tpu.memory_space<vmem_shared>>)
    }
    %scan3A_323 = arith.constant 80 : i32
    %barrier3A_324 = arith.constant 0 : index
    tpu.barrier barrier_id(%barrier3A_324)
    "tpu.region"() ({
      %run_scoped3A = tpu.sem_alloc : memref<!tpu.dma_semaphore, #tpu.memory_space<semaphore_mem>>
      %dma_start3A = tpu.memref_slice %arg5[%mul3A_2] : memref<11264xf32, #tpu.memory_space<vmem_shared>> -> memref<704xf32, #tpu.memory_space<vmem_shared>>
      %dma_start3A_331 = tpu.memref_slice %arg5[%mul3A_2] : memref<11264xf32, #tpu.memory_space<vmem_shared>> -> memref<704xf32, #tpu.memory_space<vmem_shared>>
      tpu.enqueue_dma source(%dma_start3A_331 : memref<704xf32, #tpu.memory_space<vmem_shared>>) target(%arg8 : memref<704xf32, #tpu.memory_space<vmem>>) target_semaphore(%run_scoped3A : memref<!tpu.dma_semaphore, #tpu.memory_space<semaphore_mem>>)
      %dma_wait3A = tpu.memref_slice %arg5[%mul3A_2] : memref<11264xf32, #tpu.memory_space<vmem_shared>> -> memref<704xf32, #tpu.memory_space<vmem_shared>>
      %dma_wait3A_332 = tpu.memref_slice %arg5[%mul3A_2] : memref<11264xf32, #tpu.memory_space<vmem_shared>> -> memref<704xf32, #tpu.memory_space<vmem_shared>>
      tpu.wait_dma2 semaphore(%run_scoped3A : memref<!tpu.dma_semaphore, #tpu.memory_space<semaphore_mem>>) src(%dma_wait3A_332 : memref<704xf32, #tpu.memory_space<vmem_shared>>) dst(%arg8 : memref<704xf32, #tpu.memory_space<vmem>>)
      tpu.yield
    }) : () -> ()
    %eq3A = arith.constant 0 : i32
    %eq3A_325 = arith.cmpi eq, %arg0, %eq3A : i32
    %convert_element_type3A = arith.extui %eq3A_325 : i1 to i32
    %cond3A = arith.constant 0 : i32
    %cond3A_326 = arith.cmpi ne, %convert_element_type3A, %cond3A : i32
    scf.if %cond3A_326 {
      "tpu.region"() ({
        %run_scoped3A = tpu.sem_alloc : memref<!tpu.dma_semaphore, #tpu.memory_space<semaphore_mem>>
        %dma_start3A = tpu.memref_slice %arg3[%mul3A_2] : memref<11264xf32, #tpu.memory_space<hbm>> -> memref<704xf32, #tpu.memory_space<hbm>>
        %dma_start3A_331 = tpu.memref_slice %arg3[%mul3A_2] : memref<11264xf32, #tpu.memory_space<hbm>> -> memref<704xf32, #tpu.memory_space<hbm>>
        tpu.enqueue_dma source(%arg8 : memref<704xf32, #tpu.memory_space<vmem>>) target(%dma_start3A_331 : memref<704xf32, #tpu.memory_space<hbm>>) target_semaphore(%run_scoped3A : memref<!tpu.dma_semaphore, #tpu.memory_space<semaphore_mem>>)
        %dma_wait3A = tpu.memref_slice %arg3[%mul3A_2] : memref<11264xf32, #tpu.memory_space<hbm>> -> memref<704xf32, #tpu.memory_space<hbm>>
        %dma_wait3A_332 = tpu.memref_slice %arg3[%mul3A_2] : memref<11264xf32, #tpu.memory_space<hbm>> -> memref<704xf32, #tpu.memory_space<hbm>>
        tpu.wait_dma2 semaphore(%run_scoped3A : memref<!tpu.dma_semaphore, #tpu.memory_space<semaphore_mem>>) src(%arg8 : memref<704xf32, #tpu.memory_space<vmem>>) dst(%dma_wait3A_332 : memref<704xf32, #tpu.memory_space<hbm>>)
        tpu.yield
      }) : () -> ()
    } else {
    }
    %ne3A = arith.constant 0 : i32
    %ne3A_327 = arith.cmpi ne, %arg0, %ne3A : i32
    %convert_element_type3A_328 = arith.extui %ne3A_327 : i1 to i32
    %cond3A_329 = arith.constant 0 : i32
    %cond3A_330 = arith.cmpi ne, %convert_element_type3A_328, %cond3A_329 : i32
    scf.if %cond3A_330 {
      "tpu.region"() ({
        %run_scoped3A = tpu.sem_alloc : memref<!tpu.dma_semaphore, #tpu.memory_space<semaphore_mem>>
        %dma_start3A = tpu.memref_slice %arg4[%mul3A_2] : memref<11264xf32, #tpu.memory_space<hbm>> -> memref<704xf32, #tpu.memory_space<hbm>>
        %dma_start3A_331 = tpu.memref_slice %arg4[%mul3A_2] : memref<11264xf32, #tpu.memory_space<hbm>> -> memref<704xf32, #tpu.memory_space<hbm>>
        tpu.enqueue_dma source(%arg8 : memref<704xf32, #tpu.memory_space<vmem>>) target(%dma_start3A_331 : memref<704xf32, #tpu.memory_space<hbm>>) target_semaphore(%run_scoped3A : memref<!tpu.dma_semaphore, #tpu.memory_space<semaphore_mem>>)
        %dma_wait3A = tpu.memref_slice %arg4[%mul3A_2] : memref<11264xf32, #tpu.memory_space<hbm>> -> memref<704xf32, #tpu.memory_space<hbm>>
        %dma_wait3A_332 = tpu.memref_slice %arg4[%mul3A_2] : memref<11264xf32, #tpu.memory_space<hbm>> -> memref<704xf32, #tpu.memory_space<hbm>>
        tpu.wait_dma2 semaphore(%run_scoped3A : memref<!tpu.dma_semaphore, #tpu.memory_space<semaphore_mem>>) src(%arg8 : memref<704xf32, #tpu.memory_space<vmem>>) dst(%dma_wait3A_332 : memref<704xf32, #tpu.memory_space<hbm>>)
        tpu.yield
      }) : () -> ()
    } else {
    }
    return
  }
}

#map = affine_map<(d0, d1) -> (0, 0)>
module attributes {stable_mosaic.version = 14 : i64} {
  func.func @agg_kernel(%arg0: i32, %arg1: i32, %arg2: memref<11264x32xf32, #tpu.memory_space<hbm>>, %arg3: memref<11264x32xf32, #tpu.memory_space<hbm>>, %arg4: memref<2560x128xi32, #tpu.memory_space<hbm>>, %arg5: memref<2560x128xi32, #tpu.memory_space<hbm>>, %arg6: memref<11264x32xf32, #tpu.memory_space<hbm>>, %arg7: memref<11264x32xf32, #tpu.memory_space<hbm>>, %arg8: memref<11264x32xf32, #tpu.memory_space<vmem_shared>>, %arg9: memref<160x128xi32, #tpu.memory_space<vmem>>, %arg10: memref<160x128xi32, #tpu.memory_space<vmem>>, %arg11: memref<8x128x32xf32, #tpu.memory_space<vmem>>, %arg12: memref<8x!tpu.dma_semaphore, #tpu.memory_space<semaphore_mem>>) attributes {dimension_semantics = [#tpu.dimension_semantics<core_parallel>, #tpu.dimension_semantics<subcore_parallel>], iteration_bounds = array<i64: 2, 16>, scalar_prefetch = 0 : i64, scratch_operands = 5 : i64, tpu.core_type = #tpu.core_type<sc_vector_subcore>, window_params = [{transform_indices = #map}, {transform_indices = #map}, {transform_indices = #map}, {transform_indices = #map}, {transform_indices = #map}, {transform_indices = #map}]} {
    %mul3A = arith.constant 704 : i32
    %mul3A_0 = arith.muli %arg1, %mul3A : i32
    %mul3A_1 = arith.constant 160 : i32
    %mul3A_2 = arith.muli %arg1, %mul3A_1 : i32
    "tpu.region"() ({
      %run_scoped3A = tpu.sem_alloc : memref<!tpu.dma_semaphore, #tpu.memory_space<semaphore_mem>>
      %dma_start3A = arith.constant 0 : i32
      %dma_start3A_11 = tpu.memref_slice %arg4[%mul3A_2, %dma_start3A] : memref<2560x128xi32, #tpu.memory_space<hbm>> -> memref<160x128xi32, #tpu.memory_space<hbm>>
      %dma_start3A_12 = arith.constant 0 : i32
      %dma_start3A_13 = tpu.memref_slice %arg4[%mul3A_2, %dma_start3A_12] : memref<2560x128xi32, #tpu.memory_space<hbm>> -> memref<160x128xi32, #tpu.memory_space<hbm>>
      tpu.enqueue_dma source(%dma_start3A_13 : memref<160x128xi32, #tpu.memory_space<hbm>>) target(%arg9 : memref<160x128xi32, #tpu.memory_space<vmem>>) target_semaphore(%run_scoped3A : memref<!tpu.dma_semaphore, #tpu.memory_space<semaphore_mem>>)
      %dma_wait3A = arith.constant 0 : i32
      %dma_wait3A_14 = tpu.memref_slice %arg4[%mul3A_2, %dma_wait3A] : memref<2560x128xi32, #tpu.memory_space<hbm>> -> memref<160x128xi32, #tpu.memory_space<hbm>>
      %dma_wait3A_15 = arith.constant 0 : i32
      %dma_wait3A_16 = tpu.memref_slice %arg4[%mul3A_2, %dma_wait3A_15] : memref<2560x128xi32, #tpu.memory_space<hbm>> -> memref<160x128xi32, #tpu.memory_space<hbm>>
      tpu.wait_dma2 semaphore(%run_scoped3A : memref<!tpu.dma_semaphore, #tpu.memory_space<semaphore_mem>>) src(%dma_wait3A_16 : memref<160x128xi32, #tpu.memory_space<hbm>>) dst(%arg9 : memref<160x128xi32, #tpu.memory_space<vmem>>)
      tpu.yield
    }) : () -> ()
    %mul3A_3 = arith.constant 160 : i32
    %mul3A_4 = arith.muli %arg1, %mul3A_3 : i32
    "tpu.region"() ({
      %run_scoped3A = tpu.sem_alloc : memref<!tpu.dma_semaphore, #tpu.memory_space<semaphore_mem>>
      %dma_start3A = arith.constant 0 : i32
      %dma_start3A_11 = tpu.memref_slice %arg5[%mul3A_4, %dma_start3A] : memref<2560x128xi32, #tpu.memory_space<hbm>> -> memref<160x128xi32, #tpu.memory_space<hbm>>
      %dma_start3A_12 = arith.constant 0 : i32
      %dma_start3A_13 = tpu.memref_slice %arg5[%mul3A_4, %dma_start3A_12] : memref<2560x128xi32, #tpu.memory_space<hbm>> -> memref<160x128xi32, #tpu.memory_space<hbm>>
      tpu.enqueue_dma source(%dma_start3A_13 : memref<160x128xi32, #tpu.memory_space<hbm>>) target(%arg10 : memref<160x128xi32, #tpu.memory_space<vmem>>) target_semaphore(%run_scoped3A : memref<!tpu.dma_semaphore, #tpu.memory_space<semaphore_mem>>)
      %dma_wait3A = arith.constant 0 : i32
      %dma_wait3A_14 = tpu.memref_slice %arg5[%mul3A_4, %dma_wait3A] : memref<2560x128xi32, #tpu.memory_space<hbm>> -> memref<160x128xi32, #tpu.memory_space<hbm>>
      %dma_wait3A_15 = arith.constant 0 : i32
      %dma_wait3A_16 = tpu.memref_slice %arg5[%mul3A_4, %dma_wait3A_15] : memref<2560x128xi32, #tpu.memory_space<hbm>> -> memref<160x128xi32, #tpu.memory_space<hbm>>
      tpu.wait_dma2 semaphore(%run_scoped3A : memref<!tpu.dma_semaphore, #tpu.memory_space<semaphore_mem>>) src(%dma_wait3A_16 : memref<160x128xi32, #tpu.memory_space<hbm>>) dst(%arg10 : memref<160x128xi32, #tpu.memory_space<vmem>>)
      tpu.yield
    }) : () -> ()
    %eq3A = arith.constant 0 : i32
    %eq3A_5 = arith.cmpi eq, %arg0, %eq3A : i32
    %convert_element_type3A = arith.extui %eq3A_5 : i1 to i32
    %cond3A = arith.constant 0 : i32
    %cond3A_6 = arith.cmpi ne, %convert_element_type3A, %cond3A : i32
    scf.if %cond3A_6 {
      "tpu.region"() ({
        %run_scoped3A = tpu.sem_alloc : memref<!tpu.dma_semaphore, #tpu.memory_space<semaphore_mem>>
        %dma_start3A_135 = arith.constant 0 : i32
        %dma_start3A_136 = tpu.memref_slice %arg8[%mul3A_0, %dma_start3A_135] : memref<11264x32xf32, #tpu.memory_space<vmem_shared>> -> memref<704x32xf32, #tpu.memory_space<vmem_shared>>
        %dma_start3A_137 = arith.constant 0 : i32
        %dma_start3A_138 = tpu.memref_slice %arg2[%mul3A_0, %dma_start3A_137] : memref<11264x32xf32, #tpu.memory_space<hbm>> -> memref<704x32xf32, #tpu.memory_space<hbm>>
        tpu.enqueue_dma source(%dma_start3A_138 : memref<704x32xf32, #tpu.memory_space<hbm>>) target(%dma_start3A_136 : memref<704x32xf32, #tpu.memory_space<vmem_shared>>) target_semaphore(%run_scoped3A : memref<!tpu.dma_semaphore, #tpu.memory_space<semaphore_mem>>)
        %dma_wait3A = arith.constant 0 : i32
        %dma_wait3A_139 = tpu.memref_slice %arg8[%mul3A_0, %dma_wait3A] : memref<11264x32xf32, #tpu.memory_space<vmem_shared>> -> memref<704x32xf32, #tpu.memory_space<vmem_shared>>
        %dma_wait3A_140 = arith.constant 0 : i32
        %dma_wait3A_141 = tpu.memref_slice %arg2[%mul3A_0, %dma_wait3A_140] : memref<11264x32xf32, #tpu.memory_space<hbm>> -> memref<704x32xf32, #tpu.memory_space<hbm>>
        tpu.wait_dma2 semaphore(%run_scoped3A : memref<!tpu.dma_semaphore, #tpu.memory_space<semaphore_mem>>) src(%dma_wait3A_141 : memref<704x32xf32, #tpu.memory_space<hbm>>) dst(%dma_wait3A_139 : memref<704x32xf32, #tpu.memory_space<vmem_shared>>)
        tpu.yield
      }) : () -> ()
      %barrier3A = arith.constant 0 : index
      tpu.barrier barrier_id(%barrier3A)
      %dma_start3A = arith.constant 0 : i32
      %dma_start3A_11 = arith.constant 0 : i32
      %dma_start3A_12 = arith.constant 0 : i32
      %dma_start3A_13 = arith.constant 0 : i32
      %dma_start3A_14 = arith.constant 0 : i32
      %dma_start3A_15 = tpu.memref_slice %arg11[%dma_start3A_11, %dma_start3A_13, %dma_start3A_14] : memref<8x128x32xf32, #tpu.memory_space<vmem>> -> memref<1x128x32xf32, #tpu.memory_space<vmem>>
      %dma_start3A_16 = tpu.memref_squeeze %dma_start3A_15 : memref<1x128x32xf32, #tpu.memory_space<vmem>> -> memref<128x32xf32, #tpu.memory_space<vmem>>
      %dma_start3A_17 = arith.constant 0 : i32
      %dma_start3A_18 = tpu.memref_slice %arg9[%dma_start3A, %dma_start3A_17] : memref<160x128xi32, #tpu.memory_space<vmem>> -> memref<1x128xi32, #tpu.memory_space<vmem>>
      %dma_start3A_19 = tpu.memref_squeeze %dma_start3A_18 : memref<1x128xi32, #tpu.memory_space<vmem>> -> memref<128xi32, #tpu.memory_space<vmem>>
      %dma_start3A_20 = arith.constant 0 : i32
      %dma_start3A_21 = arith.constant 0 : i32
      %dma_start3A_22 = tpu.memref_slice %arg2[%dma_start3A_20, %dma_start3A_21] : memref<11264x32xf32, #tpu.memory_space<hbm>> -> memref<11264x32xf32, #tpu.memory_space<hbm>>
      %dma_start3A_23 = tpu.memref_slice %arg12[%dma_start3A_12] : memref<8x!tpu.dma_semaphore, #tpu.memory_space<semaphore_mem>> -> memref<1x!tpu.dma_semaphore, #tpu.memory_space<semaphore_mem>>
      %dma_start3A_24 = tpu.memref_squeeze %dma_start3A_23 : memref<1x!tpu.dma_semaphore, #tpu.memory_space<semaphore_mem>> -> memref<!tpu.dma_semaphore, #tpu.memory_space<semaphore_mem>>
      tpu.enqueue_indirect_dma source(%dma_start3A_22 : memref<11264x32xf32, #tpu.memory_space<hbm>>) target(%dma_start3A_16 : memref<128x32xf32, #tpu.memory_space<vmem>>) offsets(%dma_start3A_19 : memref<128xi32, #tpu.memory_space<vmem>>) semaphore(%dma_start3A_24 : memref<!tpu.dma_semaphore, #tpu.memory_space<semaphore_mem>>)
      %dma_start3A_25 = arith.constant 1 : i32
      %dma_start3A_26 = arith.constant 1 : i32
      %dma_start3A_27 = arith.constant 1 : i32
      %dma_start3A_28 = arith.constant 0 : i32
      %dma_start3A_29 = arith.constant 0 : i32
      %dma_start3A_30 = tpu.memref_slice %arg11[%dma_start3A_26, %dma_start3A_28, %dma_start3A_29] : memref<8x128x32xf32, #tpu.memory_space<vmem>> -> memref<1x128x32xf32, #tpu.memory_space<vmem>>
      %dma_start3A_31 = tpu.memref_squeeze %dma_start3A_30 : memref<1x128x32xf32, #tpu.memory_space<vmem>> -> memref<128x32xf32, #tpu.memory_space<vmem>>
      %dma_start3A_32 = arith.constant 0 : i32
      %dma_start3A_33 = tpu.memref_slice %arg9[%dma_start3A_25, %dma_start3A_32] : memref<160x128xi32, #tpu.memory_space<vmem>> -> memref<1x128xi32, #tpu.memory_space<vmem>>
      %dma_start3A_34 = tpu.memref_squeeze %dma_start3A_33 : memref<1x128xi32, #tpu.memory_space<vmem>> -> memref<128xi32, #tpu.memory_space<vmem>>
      %dma_start3A_35 = arith.constant 0 : i32
      %dma_start3A_36 = arith.constant 0 : i32
      %dma_start3A_37 = tpu.memref_slice %arg2[%dma_start3A_35, %dma_start3A_36] : memref<11264x32xf32, #tpu.memory_space<hbm>> -> memref<11264x32xf32, #tpu.memory_space<hbm>>
      %dma_start3A_38 = tpu.memref_slice %arg12[%dma_start3A_27] : memref<8x!tpu.dma_semaphore, #tpu.memory_space<semaphore_mem>> -> memref<1x!tpu.dma_semaphore, #tpu.memory_space<semaphore_mem>>
      %dma_start3A_39 = tpu.memref_squeeze %dma_start3A_38 : memref<1x!tpu.dma_semaphore, #tpu.memory_space<semaphore_mem>> -> memref<!tpu.dma_semaphore, #tpu.memory_space<semaphore_mem>>
      tpu.enqueue_indirect_dma source(%dma_start3A_37 : memref<11264x32xf32, #tpu.memory_space<hbm>>) target(%dma_start3A_31 : memref<128x32xf32, #tpu.memory_space<vmem>>) offsets(%dma_start3A_34 : memref<128xi32, #tpu.memory_space<vmem>>) semaphore(%dma_start3A_39 : memref<!tpu.dma_semaphore, #tpu.memory_space<semaphore_mem>>)
      %dma_start3A_40 = arith.constant 2 : i32
      %dma_start3A_41 = arith.constant 2 : i32
      %dma_start3A_42 = arith.constant 2 : i32
      %dma_start3A_43 = arith.constant 0 : i32
      %dma_start3A_44 = arith.constant 0 : i32
      %dma_start3A_45 = tpu.memref_slice %arg11[%dma_start3A_41, %dma_start3A_43, %dma_start3A_44] : memref<8x128x32xf32, #tpu.memory_space<vmem>> -> memref<1x128x32xf32, #tpu.memory_space<vmem>>
      %dma_start3A_46 = tpu.memref_squeeze %dma_start3A_45 : memref<1x128x32xf32, #tpu.memory_space<vmem>> -> memref<128x32xf32, #tpu.memory_space<vmem>>
      %dma_start3A_47 = arith.constant 0 : i32
      %dma_start3A_48 = tpu.memref_slice %arg9[%dma_start3A_40, %dma_start3A_47] : memref<160x128xi32, #tpu.memory_space<vmem>> -> memref<1x128xi32, #tpu.memory_space<vmem>>
      %dma_start3A_49 = tpu.memref_squeeze %dma_start3A_48 : memref<1x128xi32, #tpu.memory_space<vmem>> -> memref<128xi32, #tpu.memory_space<vmem>>
      %dma_start3A_50 = arith.constant 0 : i32
      %dma_start3A_51 = arith.constant 0 : i32
      %dma_start3A_52 = tpu.memref_slice %arg2[%dma_start3A_50, %dma_start3A_51] : memref<11264x32xf32, #tpu.memory_space<hbm>> -> memref<11264x32xf32, #tpu.memory_space<hbm>>
      %dma_start3A_53 = tpu.memref_slice %arg12[%dma_start3A_42] : memref<8x!tpu.dma_semaphore, #tpu.memory_space<semaphore_mem>> -> memref<1x!tpu.dma_semaphore, #tpu.memory_space<semaphore_mem>>
      %dma_start3A_54 = tpu.memref_squeeze %dma_start3A_53 : memref<1x!tpu.dma_semaphore, #tpu.memory_space<semaphore_mem>> -> memref<!tpu.dma_semaphore, #tpu.memory_space<semaphore_mem>>
      tpu.enqueue_indirect_dma source(%dma_start3A_52 : memref<11264x32xf32, #tpu.memory_space<hbm>>) target(%dma_start3A_46 : memref<128x32xf32, #tpu.memory_space<vmem>>) offsets(%dma_start3A_49 : memref<128xi32, #tpu.memory_space<vmem>>) semaphore(%dma_start3A_54 : memref<!tpu.dma_semaphore, #tpu.memory_space<semaphore_mem>>)
      %dma_start3A_55 = arith.constant 3 : i32
      %dma_start3A_56 = arith.constant 3 : i32
      %dma_start3A_57 = arith.constant 3 : i32
      %dma_start3A_58 = arith.constant 0 : i32
      %dma_start3A_59 = arith.constant 0 : i32
      %dma_start3A_60 = tpu.memref_slice %arg11[%dma_start3A_56, %dma_start3A_58, %dma_start3A_59] : memref<8x128x32xf32, #tpu.memory_space<vmem>> -> memref<1x128x32xf32, #tpu.memory_space<vmem>>
      %dma_start3A_61 = tpu.memref_squeeze %dma_start3A_60 : memref<1x128x32xf32, #tpu.memory_space<vmem>> -> memref<128x32xf32, #tpu.memory_space<vmem>>
      %dma_start3A_62 = arith.constant 0 : i32
      %dma_start3A_63 = tpu.memref_slice %arg9[%dma_start3A_55, %dma_start3A_62] : memref<160x128xi32, #tpu.memory_space<vmem>> -> memref<1x128xi32, #tpu.memory_space<vmem>>
      %dma_start3A_64 = tpu.memref_squeeze %dma_start3A_63 : memref<1x128xi32, #tpu.memory_space<vmem>> -> memref<128xi32, #tpu.memory_space<vmem>>
      %dma_start3A_65 = arith.constant 0 : i32
      %dma_start3A_66 = arith.constant 0 : i32
      %dma_start3A_67 = tpu.memref_slice %arg2[%dma_start3A_65, %dma_start3A_66] : memref<11264x32xf32, #tpu.memory_space<hbm>> -> memref<11264x32xf32, #tpu.memory_space<hbm>>
      %dma_start3A_68 = tpu.memref_slice %arg12[%dma_start3A_57] : memref<8x!tpu.dma_semaphore, #tpu.memory_space<semaphore_mem>> -> memref<1x!tpu.dma_semaphore, #tpu.memory_space<semaphore_mem>>
      %dma_start3A_69 = tpu.memref_squeeze %dma_start3A_68 : memref<1x!tpu.dma_semaphore, #tpu.memory_space<semaphore_mem>> -> memref<!tpu.dma_semaphore, #tpu.memory_space<semaphore_mem>>
      tpu.enqueue_indirect_dma source(%dma_start3A_67 : memref<11264x32xf32, #tpu.memory_space<hbm>>) target(%dma_start3A_61 : memref<128x32xf32, #tpu.memory_space<vmem>>) offsets(%dma_start3A_64 : memref<128xi32, #tpu.memory_space<vmem>>) semaphore(%dma_start3A_69 : memref<!tpu.dma_semaphore, #tpu.memory_space<semaphore_mem>>)
      %dma_start3A_70 = arith.constant 4 : i32
      %dma_start3A_71 = arith.constant 4 : i32
      %dma_start3A_72 = arith.constant 4 : i32
      %dma_start3A_73 = arith.constant 0 : i32
      %dma_start3A_74 = arith.constant 0 : i32
      %dma_start3A_75 = tpu.memref_slice %arg11[%dma_start3A_71, %dma_start3A_73, %dma_start3A_74] : memref<8x128x32xf32, #tpu.memory_space<vmem>> -> memref<1x128x32xf32, #tpu.memory_space<vmem>>
      %dma_start3A_76 = tpu.memref_squeeze %dma_start3A_75 : memref<1x128x32xf32, #tpu.memory_space<vmem>> -> memref<128x32xf32, #tpu.memory_space<vmem>>
      %dma_start3A_77 = arith.constant 0 : i32
      %dma_start3A_78 = tpu.memref_slice %arg9[%dma_start3A_70, %dma_start3A_77] : memref<160x128xi32, #tpu.memory_space<vmem>> -> memref<1x128xi32, #tpu.memory_space<vmem>>
      %dma_start3A_79 = tpu.memref_squeeze %dma_start3A_78 : memref<1x128xi32, #tpu.memory_space<vmem>> -> memref<128xi32, #tpu.memory_space<vmem>>
      %dma_start3A_80 = arith.constant 0 : i32
      %dma_start3A_81 = arith.constant 0 : i32
      %dma_start3A_82 = tpu.memref_slice %arg2[%dma_start3A_80, %dma_start3A_81] : memref<11264x32xf32, #tpu.memory_space<hbm>> -> memref<11264x32xf32, #tpu.memory_space<hbm>>
      %dma_start3A_83 = tpu.memref_slice %arg12[%dma_start3A_72] : memref<8x!tpu.dma_semaphore, #tpu.memory_space<semaphore_mem>> -> memref<1x!tpu.dma_semaphore, #tpu.memory_space<semaphore_mem>>
      %dma_start3A_84 = tpu.memref_squeeze %dma_start3A_83 : memref<1x!tpu.dma_semaphore, #tpu.memory_space<semaphore_mem>> -> memref<!tpu.dma_semaphore, #tpu.memory_space<semaphore_mem>>
      tpu.enqueue_indirect_dma source(%dma_start3A_82 : memref<11264x32xf32, #tpu.memory_space<hbm>>) target(%dma_start3A_76 : memref<128x32xf32, #tpu.memory_space<vmem>>) offsets(%dma_start3A_79 : memref<128xi32, #tpu.memory_space<vmem>>) semaphore(%dma_start3A_84 : memref<!tpu.dma_semaphore, #tpu.memory_space<semaphore_mem>>)
      %dma_start3A_85 = arith.constant 5 : i32
      %dma_start3A_86 = arith.constant 5 : i32
      %dma_start3A_87 = arith.constant 5 : i32
      %dma_start3A_88 = arith.constant 0 : i32
      %dma_start3A_89 = arith.constant 0 : i32
      %dma_start3A_90 = tpu.memref_slice %arg11[%dma_start3A_86, %dma_start3A_88, %dma_start3A_89] : memref<8x128x32xf32, #tpu.memory_space<vmem>> -> memref<1x128x32xf32, #tpu.memory_space<vmem>>
      %dma_start3A_91 = tpu.memref_squeeze %dma_start3A_90 : memref<1x128x32xf32, #tpu.memory_space<vmem>> -> memref<128x32xf32, #tpu.memory_space<vmem>>
      %dma_start3A_92 = arith.constant 0 : i32
      %dma_start3A_93 = tpu.memref_slice %arg9[%dma_start3A_85, %dma_start3A_92] : memref<160x128xi32, #tpu.memory_space<vmem>> -> memref<1x128xi32, #tpu.memory_space<vmem>>
      %dma_start3A_94 = tpu.memref_squeeze %dma_start3A_93 : memref<1x128xi32, #tpu.memory_space<vmem>> -> memref<128xi32, #tpu.memory_space<vmem>>
      %dma_start3A_95 = arith.constant 0 : i32
      %dma_start3A_96 = arith.constant 0 : i32
      %dma_start3A_97 = tpu.memref_slice %arg2[%dma_start3A_95, %dma_start3A_96] : memref<11264x32xf32, #tpu.memory_space<hbm>> -> memref<11264x32xf32, #tpu.memory_space<hbm>>
      %dma_start3A_98 = tpu.memref_slice %arg12[%dma_start3A_87] : memref<8x!tpu.dma_semaphore, #tpu.memory_space<semaphore_mem>> -> memref<1x!tpu.dma_semaphore, #tpu.memory_space<semaphore_mem>>
      %dma_start3A_99 = tpu.memref_squeeze %dma_start3A_98 : memref<1x!tpu.dma_semaphore, #tpu.memory_space<semaphore_mem>> -> memref<!tpu.dma_semaphore, #tpu.memory_space<semaphore_mem>>
      tpu.enqueue_indirect_dma source(%dma_start3A_97 : memref<11264x32xf32, #tpu.memory_space<hbm>>) target(%dma_start3A_91 : memref<128x32xf32, #tpu.memory_space<vmem>>) offsets(%dma_start3A_94 : memref<128xi32, #tpu.memory_space<vmem>>) semaphore(%dma_start3A_99 : memref<!tpu.dma_semaphore, #tpu.memory_space<semaphore_mem>>)
      %dma_start3A_100 = arith.constant 6 : i32
      %dma_start3A_101 = arith.constant 6 : i32
      %dma_start3A_102 = arith.constant 6 : i32
      %dma_start3A_103 = arith.constant 0 : i32
      %dma_start3A_104 = arith.constant 0 : i32
      %dma_start3A_105 = tpu.memref_slice %arg11[%dma_start3A_101, %dma_start3A_103, %dma_start3A_104] : memref<8x128x32xf32, #tpu.memory_space<vmem>> -> memref<1x128x32xf32, #tpu.memory_space<vmem>>
      %dma_start3A_106 = tpu.memref_squeeze %dma_start3A_105 : memref<1x128x32xf32, #tpu.memory_space<vmem>> -> memref<128x32xf32, #tpu.memory_space<vmem>>
      %dma_start3A_107 = arith.constant 0 : i32
      %dma_start3A_108 = tpu.memref_slice %arg9[%dma_start3A_100, %dma_start3A_107] : memref<160x128xi32, #tpu.memory_space<vmem>> -> memref<1x128xi32, #tpu.memory_space<vmem>>
      %dma_start3A_109 = tpu.memref_squeeze %dma_start3A_108 : memref<1x128xi32, #tpu.memory_space<vmem>> -> memref<128xi32, #tpu.memory_space<vmem>>
      %dma_start3A_110 = arith.constant 0 : i32
      %dma_start3A_111 = arith.constant 0 : i32
      %dma_start3A_112 = tpu.memref_slice %arg2[%dma_start3A_110, %dma_start3A_111] : memref<11264x32xf32, #tpu.memory_space<hbm>> -> memref<11264x32xf32, #tpu.memory_space<hbm>>
      %dma_start3A_113 = tpu.memref_slice %arg12[%dma_start3A_102] : memref<8x!tpu.dma_semaphore, #tpu.memory_space<semaphore_mem>> -> memref<1x!tpu.dma_semaphore, #tpu.memory_space<semaphore_mem>>
      %dma_start3A_114 = tpu.memref_squeeze %dma_start3A_113 : memref<1x!tpu.dma_semaphore, #tpu.memory_space<semaphore_mem>> -> memref<!tpu.dma_semaphore, #tpu.memory_space<semaphore_mem>>
      tpu.enqueue_indirect_dma source(%dma_start3A_112 : memref<11264x32xf32, #tpu.memory_space<hbm>>) target(%dma_start3A_106 : memref<128x32xf32, #tpu.memory_space<vmem>>) offsets(%dma_start3A_109 : memref<128xi32, #tpu.memory_space<vmem>>) semaphore(%dma_start3A_114 : memref<!tpu.dma_semaphore, #tpu.memory_space<semaphore_mem>>)
      %dma_start3A_115 = arith.constant 7 : i32
      %dma_start3A_116 = arith.constant 7 : i32
      %dma_start3A_117 = arith.constant 7 : i32
      %dma_start3A_118 = arith.constant 0 : i32
      %dma_start3A_119 = arith.constant 0 : i32
      %dma_start3A_120 = tpu.memref_slice %arg11[%dma_start3A_116, %dma_start3A_118, %dma_start3A_119] : memref<8x128x32xf32, #tpu.memory_space<vmem>> -> memref<1x128x32xf32, #tpu.memory_space<vmem>>
      %dma_start3A_121 = tpu.memref_squeeze %dma_start3A_120 : memref<1x128x32xf32, #tpu.memory_space<vmem>> -> memref<128x32xf32, #tpu.memory_space<vmem>>
      %dma_start3A_122 = arith.constant 0 : i32
      %dma_start3A_123 = tpu.memref_slice %arg9[%dma_start3A_115, %dma_start3A_122] : memref<160x128xi32, #tpu.memory_space<vmem>> -> memref<1x128xi32, #tpu.memory_space<vmem>>
      %dma_start3A_124 = tpu.memref_squeeze %dma_start3A_123 : memref<1x128xi32, #tpu.memory_space<vmem>> -> memref<128xi32, #tpu.memory_space<vmem>>
      %dma_start3A_125 = arith.constant 0 : i32
      %dma_start3A_126 = arith.constant 0 : i32
      %dma_start3A_127 = tpu.memref_slice %arg2[%dma_start3A_125, %dma_start3A_126] : memref<11264x32xf32, #tpu.memory_space<hbm>> -> memref<11264x32xf32, #tpu.memory_space<hbm>>
      %dma_start3A_128 = tpu.memref_slice %arg12[%dma_start3A_117] : memref<8x!tpu.dma_semaphore, #tpu.memory_space<semaphore_mem>> -> memref<1x!tpu.dma_semaphore, #tpu.memory_space<semaphore_mem>>
      %dma_start3A_129 = tpu.memref_squeeze %dma_start3A_128 : memref<1x!tpu.dma_semaphore, #tpu.memory_space<semaphore_mem>> -> memref<!tpu.dma_semaphore, #tpu.memory_space<semaphore_mem>>
      tpu.enqueue_indirect_dma source(%dma_start3A_127 : memref<11264x32xf32, #tpu.memory_space<hbm>>) target(%dma_start3A_121 : memref<128x32xf32, #tpu.memory_space<vmem>>) offsets(%dma_start3A_124 : memref<128xi32, #tpu.memory_space<vmem>>) semaphore(%dma_start3A_129 : memref<!tpu.dma_semaphore, #tpu.memory_space<semaphore_mem>>)
      %scan3A = arith.constant 0 : i32
      %scan3A_130 = arith.constant 20 : i32
      %scan3A_131 = arith.addi %scan3A, %scan3A_130 : i32
      %scan3A_132 = arith.constant 1 : i32
      scf.for %scan3A_135 = %scan3A to %scan3A_131 step %scan3A_132  : i32 {
        %mul3A_136 = arith.constant 1 : i32
        %mul3A_137 = arith.muli %scan3A_135, %mul3A_136 : i32
        %add3A = arith.constant 0 : i32
        %add3A_138 = arith.addi %add3A, %mul3A_137 : i32
        %mul3A_139 = arith.constant 8 : i32
        %mul3A_140 = arith.muli %add3A_138, %mul3A_139 : i32
        %add3A_141 = arith.constant 0 : i32
        %add3A_142 = arith.addi %mul3A_140, %add3A_141 : i32
        %dma_wait3A = arith.constant 0 : i32
        %dma_wait3A_143 = arith.constant 0 : i32
        %dma_wait3A_144 = arith.constant 0 : i32
        %dma_wait3A_145 = arith.constant 0 : i32
        %dma_wait3A_146 = tpu.memref_slice %arg11[%dma_wait3A, %dma_wait3A_144, %dma_wait3A_145] : memref<8x128x32xf32, #tpu.memory_space<vmem>> -> memref<1x128x32xf32, #tpu.memory_space<vmem>>
        %dma_wait3A_147 = tpu.memref_squeeze %dma_wait3A_146 : memref<1x128x32xf32, #tpu.memory_space<vmem>> -> memref<128x32xf32, #tpu.memory_space<vmem>>
        %dma_wait3A_148 = arith.constant 0 : i32
        %dma_wait3A_149 = tpu.memref_slice %arg9[%add3A_142, %dma_wait3A_148] : memref<160x128xi32, #tpu.memory_space<vmem>> -> memref<1x128xi32, #tpu.memory_space<vmem>>
        %dma_wait3A_150 = tpu.memref_squeeze %dma_wait3A_149 : memref<1x128xi32, #tpu.memory_space<vmem>> -> memref<128xi32, #tpu.memory_space<vmem>>
        %dma_wait3A_151 = arith.constant 0 : i32
        %dma_wait3A_152 = arith.constant 0 : i32
        %dma_wait3A_153 = tpu.memref_slice %arg2[%dma_wait3A_151, %dma_wait3A_152] : memref<11264x32xf32, #tpu.memory_space<hbm>> -> memref<11264x32xf32, #tpu.memory_space<hbm>>
        %dma_wait3A_154 = tpu.memref_slice %arg12[%dma_wait3A_143] : memref<8x!tpu.dma_semaphore, #tpu.memory_space<semaphore_mem>> -> memref<1x!tpu.dma_semaphore, #tpu.memory_space<semaphore_mem>>
        %dma_wait3A_155 = tpu.memref_squeeze %dma_wait3A_154 : memref<1x!tpu.dma_semaphore, #tpu.memory_space<semaphore_mem>> -> memref<!tpu.dma_semaphore, #tpu.memory_space<semaphore_mem>>
        tpu.wait_indirect_dma semaphore(%dma_wait3A_155 : memref<!tpu.dma_semaphore, #tpu.memory_space<semaphore_mem>>) src(%dma_wait3A_153 : memref<11264x32xf32, #tpu.memory_space<hbm>>) dst(%dma_wait3A_147 : memref<128x32xf32, #tpu.memory_space<vmem>>)
        %run_scoped3A = arith.constant 0 : i32
        "tpu.region"() ({
          %run_scoped3A_344 = tpu.sem_alloc : memref<!tpu.dma_semaphore, #tpu.memory_space<semaphore_mem>>
          %dma_start3A_345 = arith.constant 0 : i32
          %dma_start3A_346 = arith.constant 0 : i32
          %dma_start3A_347 = tpu.memref_slice %arg11[%run_scoped3A, %dma_start3A_345, %dma_start3A_346] : memref<8x128x32xf32, #tpu.memory_space<vmem>> -> memref<1x128x32xf32, #tpu.memory_space<vmem>>
          %dma_start3A_348 = tpu.memref_squeeze %dma_start3A_347 : memref<1x128x32xf32, #tpu.memory_space<vmem>> -> memref<128x32xf32, #tpu.memory_space<vmem>>
          %dma_start3A_349 = arith.constant 0 : i32
          %dma_start3A_350 = tpu.memref_slice %arg10[%add3A_142, %dma_start3A_349] : memref<160x128xi32, #tpu.memory_space<vmem>> -> memref<1x128xi32, #tpu.memory_space<vmem>>
          %dma_start3A_351 = tpu.memref_squeeze %dma_start3A_350 : memref<1x128xi32, #tpu.memory_space<vmem>> -> memref<128xi32, #tpu.memory_space<vmem>>
          %dma_start3A_352 = arith.constant 0 : i32
          %dma_start3A_353 = arith.constant 0 : i32
          %dma_start3A_354 = tpu.memref_slice %arg8[%dma_start3A_352, %dma_start3A_353] : memref<11264x32xf32, #tpu.memory_space<vmem_shared>> -> memref<11264x32xf32, #tpu.memory_space<vmem_shared>>
          tpu.enqueue_indirect_dma source(%dma_start3A_348 : memref<128x32xf32, #tpu.memory_space<vmem>>) target(%dma_start3A_354 : memref<11264x32xf32, #tpu.memory_space<vmem_shared>>) offsets(%dma_start3A_351 : memref<128xi32, #tpu.memory_space<vmem>>) semaphore(%run_scoped3A_344 : memref<!tpu.dma_semaphore, #tpu.memory_space<semaphore_mem>>) {add = true}
          %dma_wait3A_355 = arith.constant 0 : i32
          %dma_wait3A_356 = arith.constant 0 : i32
          %dma_wait3A_357 = tpu.memref_slice %arg11[%run_scoped3A, %dma_wait3A_355, %dma_wait3A_356] : memref<8x128x32xf32, #tpu.memory_space<vmem>> -> memref<1x128x32xf32, #tpu.memory_space<vmem>>
          %dma_wait3A_358 = tpu.memref_squeeze %dma_wait3A_357 : memref<1x128x32xf32, #tpu.memory_space<vmem>> -> memref<128x32xf32, #tpu.memory_space<vmem>>
          %dma_wait3A_359 = arith.constant 0 : i32
          %dma_wait3A_360 = tpu.memref_slice %arg10[%add3A_142, %dma_wait3A_359] : memref<160x128xi32, #tpu.memory_space<vmem>> -> memref<1x128xi32, #tpu.memory_space<vmem>>
          %dma_wait3A_361 = tpu.memref_squeeze %dma_wait3A_360 : memref<1x128xi32, #tpu.memory_space<vmem>> -> memref<128xi32, #tpu.memory_space<vmem>>
          %dma_wait3A_362 = arith.constant 0 : i32
          %dma_wait3A_363 = arith.constant 0 : i32
          %dma_wait3A_364 = tpu.memref_slice %arg8[%dma_wait3A_362, %dma_wait3A_363] : memref<11264x32xf32, #tpu.memory_space<vmem_shared>> -> memref<11264x32xf32, #tpu.memory_space<vmem_shared>>
          tpu.wait_indirect_dma semaphore(%run_scoped3A_344 : memref<!tpu.dma_semaphore, #tpu.memory_space<semaphore_mem>>) src(%dma_wait3A_358 : memref<128x32xf32, #tpu.memory_space<vmem>>) dst(%dma_wait3A_364 : memref<11264x32xf32, #tpu.memory_space<vmem_shared>>)
          tpu.yield
        }) : () -> ()
        %add3A_156 = arith.constant 8 : i32
        %add3A_157 = arith.addi %add3A_142, %add3A_156 : i32
        %lt3A = arith.constant 160 : i32
        %lt3A_158 = arith.cmpi slt, %add3A_157, %lt3A : i32
        %convert_element_type3A_159 = arith.extui %lt3A_158 : i1 to i32
        %cond3A_160 = arith.constant 0 : i32
        %cond3A_161 = arith.cmpi ne, %convert_element_type3A_159, %cond3A_160 : i32
        scf.if %cond3A_161 {
          %add3A_344 = arith.constant 8 : i32
          %add3A_345 = arith.addi %add3A_142, %add3A_344 : i32
          %dma_start3A_346 = arith.constant 0 : i32
          %dma_start3A_347 = arith.constant 0 : i32
          %dma_start3A_348 = arith.constant 0 : i32
          %dma_start3A_349 = arith.constant 0 : i32
          %dma_start3A_350 = tpu.memref_slice %arg11[%dma_start3A_346, %dma_start3A_348, %dma_start3A_349] : memref<8x128x32xf32, #tpu.memory_space<vmem>> -> memref<1x128x32xf32, #tpu.memory_space<vmem>>
          %dma_start3A_351 = tpu.memref_squeeze %dma_start3A_350 : memref<1x128x32xf32, #tpu.memory_space<vmem>> -> memref<128x32xf32, #tpu.memory_space<vmem>>
          %dma_start3A_352 = arith.constant 0 : i32
          %dma_start3A_353 = tpu.memref_slice %arg9[%add3A_345, %dma_start3A_352] : memref<160x128xi32, #tpu.memory_space<vmem>> -> memref<1x128xi32, #tpu.memory_space<vmem>>
          %dma_start3A_354 = tpu.memref_squeeze %dma_start3A_353 : memref<1x128xi32, #tpu.memory_space<vmem>> -> memref<128xi32, #tpu.memory_space<vmem>>
          %dma_start3A_355 = arith.constant 0 : i32
          %dma_start3A_356 = arith.constant 0 : i32
          %dma_start3A_357 = tpu.memref_slice %arg2[%dma_start3A_355, %dma_start3A_356] : memref<11264x32xf32, #tpu.memory_space<hbm>> -> memref<11264x32xf32, #tpu.memory_space<hbm>>
          %dma_start3A_358 = tpu.memref_slice %arg12[%dma_start3A_347] : memref<8x!tpu.dma_semaphore, #tpu.memory_space<semaphore_mem>> -> memref<1x!tpu.dma_semaphore, #tpu.memory_space<semaphore_mem>>
          %dma_start3A_359 = tpu.memref_squeeze %dma_start3A_358 : memref<1x!tpu.dma_semaphore, #tpu.memory_space<semaphore_mem>> -> memref<!tpu.dma_semaphore, #tpu.memory_space<semaphore_mem>>
          tpu.enqueue_indirect_dma source(%dma_start3A_357 : memref<11264x32xf32, #tpu.memory_space<hbm>>) target(%dma_start3A_351 : memref<128x32xf32, #tpu.memory_space<vmem>>) offsets(%dma_start3A_354 : memref<128xi32, #tpu.memory_space<vmem>>) semaphore(%dma_start3A_359 : memref<!tpu.dma_semaphore, #tpu.memory_space<semaphore_mem>>)
        } else {
        }
        %mul3A_162 = arith.constant 8 : i32
        %mul3A_163 = arith.muli %add3A_138, %mul3A_162 : i32
        %add3A_164 = arith.constant 1 : i32
        %add3A_165 = arith.addi %mul3A_163, %add3A_164 : i32
        %dma_wait3A_166 = arith.constant 1 : i32
        %dma_wait3A_167 = arith.constant 1 : i32
        %dma_wait3A_168 = arith.constant 0 : i32
        %dma_wait3A_169 = arith.constant 0 : i32
        %dma_wait3A_170 = tpu.memref_slice %arg11[%dma_wait3A_166, %dma_wait3A_168, %dma_wait3A_169] : memref<8x128x32xf32, #tpu.memory_space<vmem>> -> memref<1x128x32xf32, #tpu.memory_space<vmem>>
        %dma_wait3A_171 = tpu.memref_squeeze %dma_wait3A_170 : memref<1x128x32xf32, #tpu.memory_space<vmem>> -> memref<128x32xf32, #tpu.memory_space<vmem>>
        %dma_wait3A_172 = arith.constant 0 : i32
        %dma_wait3A_173 = tpu.memref_slice %arg9[%add3A_165, %dma_wait3A_172] : memref<160x128xi32, #tpu.memory_space<vmem>> -> memref<1x128xi32, #tpu.memory_space<vmem>>
        %dma_wait3A_174 = tpu.memref_squeeze %dma_wait3A_173 : memref<1x128xi32, #tpu.memory_space<vmem>> -> memref<128xi32, #tpu.memory_space<vmem>>
        %dma_wait3A_175 = arith.constant 0 : i32
        %dma_wait3A_176 = arith.constant 0 : i32
        %dma_wait3A_177 = tpu.memref_slice %arg2[%dma_wait3A_175, %dma_wait3A_176] : memref<11264x32xf32, #tpu.memory_space<hbm>> -> memref<11264x32xf32, #tpu.memory_space<hbm>>
        %dma_wait3A_178 = tpu.memref_slice %arg12[%dma_wait3A_167] : memref<8x!tpu.dma_semaphore, #tpu.memory_space<semaphore_mem>> -> memref<1x!tpu.dma_semaphore, #tpu.memory_space<semaphore_mem>>
        %dma_wait3A_179 = tpu.memref_squeeze %dma_wait3A_178 : memref<1x!tpu.dma_semaphore, #tpu.memory_space<semaphore_mem>> -> memref<!tpu.dma_semaphore, #tpu.memory_space<semaphore_mem>>
        tpu.wait_indirect_dma semaphore(%dma_wait3A_179 : memref<!tpu.dma_semaphore, #tpu.memory_space<semaphore_mem>>) src(%dma_wait3A_177 : memref<11264x32xf32, #tpu.memory_space<hbm>>) dst(%dma_wait3A_171 : memref<128x32xf32, #tpu.memory_space<vmem>>)
        %run_scoped3A_180 = arith.constant 1 : i32
        "tpu.region"() ({
          %run_scoped3A_344 = tpu.sem_alloc : memref<!tpu.dma_semaphore, #tpu.memory_space<semaphore_mem>>
          %dma_start3A_345 = arith.constant 0 : i32
          %dma_start3A_346 = arith.constant 0 : i32
          %dma_start3A_347 = tpu.memref_slice %arg11[%run_scoped3A_180, %dma_start3A_345, %dma_start3A_346] : memref<8x128x32xf32, #tpu.memory_space<vmem>> -> memref<1x128x32xf32, #tpu.memory_space<vmem>>
          %dma_start3A_348 = tpu.memref_squeeze %dma_start3A_347 : memref<1x128x32xf32, #tpu.memory_space<vmem>> -> memref<128x32xf32, #tpu.memory_space<vmem>>
          %dma_start3A_349 = arith.constant 0 : i32
          %dma_start3A_350 = tpu.memref_slice %arg10[%add3A_165, %dma_start3A_349] : memref<160x128xi32, #tpu.memory_space<vmem>> -> memref<1x128xi32, #tpu.memory_space<vmem>>
          %dma_start3A_351 = tpu.memref_squeeze %dma_start3A_350 : memref<1x128xi32, #tpu.memory_space<vmem>> -> memref<128xi32, #tpu.memory_space<vmem>>
          %dma_start3A_352 = arith.constant 0 : i32
          %dma_start3A_353 = arith.constant 0 : i32
          %dma_start3A_354 = tpu.memref_slice %arg8[%dma_start3A_352, %dma_start3A_353] : memref<11264x32xf32, #tpu.memory_space<vmem_shared>> -> memref<11264x32xf32, #tpu.memory_space<vmem_shared>>
          tpu.enqueue_indirect_dma source(%dma_start3A_348 : memref<128x32xf32, #tpu.memory_space<vmem>>) target(%dma_start3A_354 : memref<11264x32xf32, #tpu.memory_space<vmem_shared>>) offsets(%dma_start3A_351 : memref<128xi32, #tpu.memory_space<vmem>>) semaphore(%run_scoped3A_344 : memref<!tpu.dma_semaphore, #tpu.memory_space<semaphore_mem>>) {add = true}
          %dma_wait3A_355 = arith.constant 0 : i32
          %dma_wait3A_356 = arith.constant 0 : i32
          %dma_wait3A_357 = tpu.memref_slice %arg11[%run_scoped3A_180, %dma_wait3A_355, %dma_wait3A_356] : memref<8x128x32xf32, #tpu.memory_space<vmem>> -> memref<1x128x32xf32, #tpu.memory_space<vmem>>
          %dma_wait3A_358 = tpu.memref_squeeze %dma_wait3A_357 : memref<1x128x32xf32, #tpu.memory_space<vmem>> -> memref<128x32xf32, #tpu.memory_space<vmem>>
          %dma_wait3A_359 = arith.constant 0 : i32
          %dma_wait3A_360 = tpu.memref_slice %arg10[%add3A_165, %dma_wait3A_359] : memref<160x128xi32, #tpu.memory_space<vmem>> -> memref<1x128xi32, #tpu.memory_space<vmem>>
          %dma_wait3A_361 = tpu.memref_squeeze %dma_wait3A_360 : memref<1x128xi32, #tpu.memory_space<vmem>> -> memref<128xi32, #tpu.memory_space<vmem>>
          %dma_wait3A_362 = arith.constant 0 : i32
          %dma_wait3A_363 = arith.constant 0 : i32
          %dma_wait3A_364 = tpu.memref_slice %arg8[%dma_wait3A_362, %dma_wait3A_363] : memref<11264x32xf32, #tpu.memory_space<vmem_shared>> -> memref<11264x32xf32, #tpu.memory_space<vmem_shared>>
          tpu.wait_indirect_dma semaphore(%run_scoped3A_344 : memref<!tpu.dma_semaphore, #tpu.memory_space<semaphore_mem>>) src(%dma_wait3A_358 : memref<128x32xf32, #tpu.memory_space<vmem>>) dst(%dma_wait3A_364 : memref<11264x32xf32, #tpu.memory_space<vmem_shared>>)
          tpu.yield
        }) : () -> ()
        %add3A_181 = arith.constant 8 : i32
        %add3A_182 = arith.addi %add3A_165, %add3A_181 : i32
        %lt3A_183 = arith.constant 160 : i32
        %lt3A_184 = arith.cmpi slt, %add3A_182, %lt3A_183 : i32
        %convert_element_type3A_185 = arith.extui %lt3A_184 : i1 to i32
        %cond3A_186 = arith.constant 0 : i32
        %cond3A_187 = arith.cmpi ne, %convert_element_type3A_185, %cond3A_186 : i32
        scf.if %cond3A_187 {
          %add3A_344 = arith.constant 8 : i32
          %add3A_345 = arith.addi %add3A_165, %add3A_344 : i32
          %dma_start3A_346 = arith.constant 1 : i32
          %dma_start3A_347 = arith.constant 1 : i32
          %dma_start3A_348 = arith.constant 0 : i32
          %dma_start3A_349 = arith.constant 0 : i32
          %dma_start3A_350 = tpu.memref_slice %arg11[%dma_start3A_346, %dma_start3A_348, %dma_start3A_349] : memref<8x128x32xf32, #tpu.memory_space<vmem>> -> memref<1x128x32xf32, #tpu.memory_space<vmem>>
          %dma_start3A_351 = tpu.memref_squeeze %dma_start3A_350 : memref<1x128x32xf32, #tpu.memory_space<vmem>> -> memref<128x32xf32, #tpu.memory_space<vmem>>
          %dma_start3A_352 = arith.constant 0 : i32
          %dma_start3A_353 = tpu.memref_slice %arg9[%add3A_345, %dma_start3A_352] : memref<160x128xi32, #tpu.memory_space<vmem>> -> memref<1x128xi32, #tpu.memory_space<vmem>>
          %dma_start3A_354 = tpu.memref_squeeze %dma_start3A_353 : memref<1x128xi32, #tpu.memory_space<vmem>> -> memref<128xi32, #tpu.memory_space<vmem>>
          %dma_start3A_355 = arith.constant 0 : i32
          %dma_start3A_356 = arith.constant 0 : i32
          %dma_start3A_357 = tpu.memref_slice %arg2[%dma_start3A_355, %dma_start3A_356] : memref<11264x32xf32, #tpu.memory_space<hbm>> -> memref<11264x32xf32, #tpu.memory_space<hbm>>
          %dma_start3A_358 = tpu.memref_slice %arg12[%dma_start3A_347] : memref<8x!tpu.dma_semaphore, #tpu.memory_space<semaphore_mem>> -> memref<1x!tpu.dma_semaphore, #tpu.memory_space<semaphore_mem>>
          %dma_start3A_359 = tpu.memref_squeeze %dma_start3A_358 : memref<1x!tpu.dma_semaphore, #tpu.memory_space<semaphore_mem>> -> memref<!tpu.dma_semaphore, #tpu.memory_space<semaphore_mem>>
          tpu.enqueue_indirect_dma source(%dma_start3A_357 : memref<11264x32xf32, #tpu.memory_space<hbm>>) target(%dma_start3A_351 : memref<128x32xf32, #tpu.memory_space<vmem>>) offsets(%dma_start3A_354 : memref<128xi32, #tpu.memory_space<vmem>>) semaphore(%dma_start3A_359 : memref<!tpu.dma_semaphore, #tpu.memory_space<semaphore_mem>>)
        } else {
        }
        %mul3A_188 = arith.constant 8 : i32
        %mul3A_189 = arith.muli %add3A_138, %mul3A_188 : i32
        %add3A_190 = arith.constant 2 : i32
        %add3A_191 = arith.addi %mul3A_189, %add3A_190 : i32
        %dma_wait3A_192 = arith.constant 2 : i32
        %dma_wait3A_193 = arith.constant 2 : i32
        %dma_wait3A_194 = arith.constant 0 : i32
        %dma_wait3A_195 = arith.constant 0 : i32
        %dma_wait3A_196 = tpu.memref_slice %arg11[%dma_wait3A_192, %dma_wait3A_194, %dma_wait3A_195] : memref<8x128x32xf32, #tpu.memory_space<vmem>> -> memref<1x128x32xf32, #tpu.memory_space<vmem>>
        %dma_wait3A_197 = tpu.memref_squeeze %dma_wait3A_196 : memref<1x128x32xf32, #tpu.memory_space<vmem>> -> memref<128x32xf32, #tpu.memory_space<vmem>>
        %dma_wait3A_198 = arith.constant 0 : i32
        %dma_wait3A_199 = tpu.memref_slice %arg9[%add3A_191, %dma_wait3A_198] : memref<160x128xi32, #tpu.memory_space<vmem>> -> memref<1x128xi32, #tpu.memory_space<vmem>>
        %dma_wait3A_200 = tpu.memref_squeeze %dma_wait3A_199 : memref<1x128xi32, #tpu.memory_space<vmem>> -> memref<128xi32, #tpu.memory_space<vmem>>
        %dma_wait3A_201 = arith.constant 0 : i32
        %dma_wait3A_202 = arith.constant 0 : i32
        %dma_wait3A_203 = tpu.memref_slice %arg2[%dma_wait3A_201, %dma_wait3A_202] : memref<11264x32xf32, #tpu.memory_space<hbm>> -> memref<11264x32xf32, #tpu.memory_space<hbm>>
        %dma_wait3A_204 = tpu.memref_slice %arg12[%dma_wait3A_193] : memref<8x!tpu.dma_semaphore, #tpu.memory_space<semaphore_mem>> -> memref<1x!tpu.dma_semaphore, #tpu.memory_space<semaphore_mem>>
        %dma_wait3A_205 = tpu.memref_squeeze %dma_wait3A_204 : memref<1x!tpu.dma_semaphore, #tpu.memory_space<semaphore_mem>> -> memref<!tpu.dma_semaphore, #tpu.memory_space<semaphore_mem>>
        tpu.wait_indirect_dma semaphore(%dma_wait3A_205 : memref<!tpu.dma_semaphore, #tpu.memory_space<semaphore_mem>>) src(%dma_wait3A_203 : memref<11264x32xf32, #tpu.memory_space<hbm>>) dst(%dma_wait3A_197 : memref<128x32xf32, #tpu.memory_space<vmem>>)
        %run_scoped3A_206 = arith.constant 2 : i32
        "tpu.region"() ({
          %run_scoped3A_344 = tpu.sem_alloc : memref<!tpu.dma_semaphore, #tpu.memory_space<semaphore_mem>>
          %dma_start3A_345 = arith.constant 0 : i32
          %dma_start3A_346 = arith.constant 0 : i32
          %dma_start3A_347 = tpu.memref_slice %arg11[%run_scoped3A_206, %dma_start3A_345, %dma_start3A_346] : memref<8x128x32xf32, #tpu.memory_space<vmem>> -> memref<1x128x32xf32, #tpu.memory_space<vmem>>
          %dma_start3A_348 = tpu.memref_squeeze %dma_start3A_347 : memref<1x128x32xf32, #tpu.memory_space<vmem>> -> memref<128x32xf32, #tpu.memory_space<vmem>>
          %dma_start3A_349 = arith.constant 0 : i32
          %dma_start3A_350 = tpu.memref_slice %arg10[%add3A_191, %dma_start3A_349] : memref<160x128xi32, #tpu.memory_space<vmem>> -> memref<1x128xi32, #tpu.memory_space<vmem>>
          %dma_start3A_351 = tpu.memref_squeeze %dma_start3A_350 : memref<1x128xi32, #tpu.memory_space<vmem>> -> memref<128xi32, #tpu.memory_space<vmem>>
          %dma_start3A_352 = arith.constant 0 : i32
          %dma_start3A_353 = arith.constant 0 : i32
          %dma_start3A_354 = tpu.memref_slice %arg8[%dma_start3A_352, %dma_start3A_353] : memref<11264x32xf32, #tpu.memory_space<vmem_shared>> -> memref<11264x32xf32, #tpu.memory_space<vmem_shared>>
          tpu.enqueue_indirect_dma source(%dma_start3A_348 : memref<128x32xf32, #tpu.memory_space<vmem>>) target(%dma_start3A_354 : memref<11264x32xf32, #tpu.memory_space<vmem_shared>>) offsets(%dma_start3A_351 : memref<128xi32, #tpu.memory_space<vmem>>) semaphore(%run_scoped3A_344 : memref<!tpu.dma_semaphore, #tpu.memory_space<semaphore_mem>>) {add = true}
          %dma_wait3A_355 = arith.constant 0 : i32
          %dma_wait3A_356 = arith.constant 0 : i32
          %dma_wait3A_357 = tpu.memref_slice %arg11[%run_scoped3A_206, %dma_wait3A_355, %dma_wait3A_356] : memref<8x128x32xf32, #tpu.memory_space<vmem>> -> memref<1x128x32xf32, #tpu.memory_space<vmem>>
          %dma_wait3A_358 = tpu.memref_squeeze %dma_wait3A_357 : memref<1x128x32xf32, #tpu.memory_space<vmem>> -> memref<128x32xf32, #tpu.memory_space<vmem>>
          %dma_wait3A_359 = arith.constant 0 : i32
          %dma_wait3A_360 = tpu.memref_slice %arg10[%add3A_191, %dma_wait3A_359] : memref<160x128xi32, #tpu.memory_space<vmem>> -> memref<1x128xi32, #tpu.memory_space<vmem>>
          %dma_wait3A_361 = tpu.memref_squeeze %dma_wait3A_360 : memref<1x128xi32, #tpu.memory_space<vmem>> -> memref<128xi32, #tpu.memory_space<vmem>>
          %dma_wait3A_362 = arith.constant 0 : i32
          %dma_wait3A_363 = arith.constant 0 : i32
          %dma_wait3A_364 = tpu.memref_slice %arg8[%dma_wait3A_362, %dma_wait3A_363] : memref<11264x32xf32, #tpu.memory_space<vmem_shared>> -> memref<11264x32xf32, #tpu.memory_space<vmem_shared>>
          tpu.wait_indirect_dma semaphore(%run_scoped3A_344 : memref<!tpu.dma_semaphore, #tpu.memory_space<semaphore_mem>>) src(%dma_wait3A_358 : memref<128x32xf32, #tpu.memory_space<vmem>>) dst(%dma_wait3A_364 : memref<11264x32xf32, #tpu.memory_space<vmem_shared>>)
          tpu.yield
        }) : () -> ()
        %add3A_207 = arith.constant 8 : i32
        %add3A_208 = arith.addi %add3A_191, %add3A_207 : i32
        %lt3A_209 = arith.constant 160 : i32
        %lt3A_210 = arith.cmpi slt, %add3A_208, %lt3A_209 : i32
        %convert_element_type3A_211 = arith.extui %lt3A_210 : i1 to i32
        %cond3A_212 = arith.constant 0 : i32
        %cond3A_213 = arith.cmpi ne, %convert_element_type3A_211, %cond3A_212 : i32
        scf.if %cond3A_213 {
          %add3A_344 = arith.constant 8 : i32
          %add3A_345 = arith.addi %add3A_191, %add3A_344 : i32
          %dma_start3A_346 = arith.constant 2 : i32
          %dma_start3A_347 = arith.constant 2 : i32
          %dma_start3A_348 = arith.constant 0 : i32
          %dma_start3A_349 = arith.constant 0 : i32
          %dma_start3A_350 = tpu.memref_slice %arg11[%dma_start3A_346, %dma_start3A_348, %dma_start3A_349] : memref<8x128x32xf32, #tpu.memory_space<vmem>> -> memref<1x128x32xf32, #tpu.memory_space<vmem>>
          %dma_start3A_351 = tpu.memref_squeeze %dma_start3A_350 : memref<1x128x32xf32, #tpu.memory_space<vmem>> -> memref<128x32xf32, #tpu.memory_space<vmem>>
          %dma_start3A_352 = arith.constant 0 : i32
          %dma_start3A_353 = tpu.memref_slice %arg9[%add3A_345, %dma_start3A_352] : memref<160x128xi32, #tpu.memory_space<vmem>> -> memref<1x128xi32, #tpu.memory_space<vmem>>
          %dma_start3A_354 = tpu.memref_squeeze %dma_start3A_353 : memref<1x128xi32, #tpu.memory_space<vmem>> -> memref<128xi32, #tpu.memory_space<vmem>>
          %dma_start3A_355 = arith.constant 0 : i32
          %dma_start3A_356 = arith.constant 0 : i32
          %dma_start3A_357 = tpu.memref_slice %arg2[%dma_start3A_355, %dma_start3A_356] : memref<11264x32xf32, #tpu.memory_space<hbm>> -> memref<11264x32xf32, #tpu.memory_space<hbm>>
          %dma_start3A_358 = tpu.memref_slice %arg12[%dma_start3A_347] : memref<8x!tpu.dma_semaphore, #tpu.memory_space<semaphore_mem>> -> memref<1x!tpu.dma_semaphore, #tpu.memory_space<semaphore_mem>>
          %dma_start3A_359 = tpu.memref_squeeze %dma_start3A_358 : memref<1x!tpu.dma_semaphore, #tpu.memory_space<semaphore_mem>> -> memref<!tpu.dma_semaphore, #tpu.memory_space<semaphore_mem>>
          tpu.enqueue_indirect_dma source(%dma_start3A_357 : memref<11264x32xf32, #tpu.memory_space<hbm>>) target(%dma_start3A_351 : memref<128x32xf32, #tpu.memory_space<vmem>>) offsets(%dma_start3A_354 : memref<128xi32, #tpu.memory_space<vmem>>) semaphore(%dma_start3A_359 : memref<!tpu.dma_semaphore, #tpu.memory_space<semaphore_mem>>)
        } else {
        }
        %mul3A_214 = arith.constant 8 : i32
        %mul3A_215 = arith.muli %add3A_138, %mul3A_214 : i32
        %add3A_216 = arith.constant 3 : i32
        %add3A_217 = arith.addi %mul3A_215, %add3A_216 : i32
        %dma_wait3A_218 = arith.constant 3 : i32
        %dma_wait3A_219 = arith.constant 3 : i32
        %dma_wait3A_220 = arith.constant 0 : i32
        %dma_wait3A_221 = arith.constant 0 : i32
        %dma_wait3A_222 = tpu.memref_slice %arg11[%dma_wait3A_218, %dma_wait3A_220, %dma_wait3A_221] : memref<8x128x32xf32, #tpu.memory_space<vmem>> -> memref<1x128x32xf32, #tpu.memory_space<vmem>>
        %dma_wait3A_223 = tpu.memref_squeeze %dma_wait3A_222 : memref<1x128x32xf32, #tpu.memory_space<vmem>> -> memref<128x32xf32, #tpu.memory_space<vmem>>
        %dma_wait3A_224 = arith.constant 0 : i32
        %dma_wait3A_225 = tpu.memref_slice %arg9[%add3A_217, %dma_wait3A_224] : memref<160x128xi32, #tpu.memory_space<vmem>> -> memref<1x128xi32, #tpu.memory_space<vmem>>
        %dma_wait3A_226 = tpu.memref_squeeze %dma_wait3A_225 : memref<1x128xi32, #tpu.memory_space<vmem>> -> memref<128xi32, #tpu.memory_space<vmem>>
        %dma_wait3A_227 = arith.constant 0 : i32
        %dma_wait3A_228 = arith.constant 0 : i32
        %dma_wait3A_229 = tpu.memref_slice %arg2[%dma_wait3A_227, %dma_wait3A_228] : memref<11264x32xf32, #tpu.memory_space<hbm>> -> memref<11264x32xf32, #tpu.memory_space<hbm>>
        %dma_wait3A_230 = tpu.memref_slice %arg12[%dma_wait3A_219] : memref<8x!tpu.dma_semaphore, #tpu.memory_space<semaphore_mem>> -> memref<1x!tpu.dma_semaphore, #tpu.memory_space<semaphore_mem>>
        %dma_wait3A_231 = tpu.memref_squeeze %dma_wait3A_230 : memref<1x!tpu.dma_semaphore, #tpu.memory_space<semaphore_mem>> -> memref<!tpu.dma_semaphore, #tpu.memory_space<semaphore_mem>>
        tpu.wait_indirect_dma semaphore(%dma_wait3A_231 : memref<!tpu.dma_semaphore, #tpu.memory_space<semaphore_mem>>) src(%dma_wait3A_229 : memref<11264x32xf32, #tpu.memory_space<hbm>>) dst(%dma_wait3A_223 : memref<128x32xf32, #tpu.memory_space<vmem>>)
        %run_scoped3A_232 = arith.constant 3 : i32
        "tpu.region"() ({
          %run_scoped3A_344 = tpu.sem_alloc : memref<!tpu.dma_semaphore, #tpu.memory_space<semaphore_mem>>
          %dma_start3A_345 = arith.constant 0 : i32
          %dma_start3A_346 = arith.constant 0 : i32
          %dma_start3A_347 = tpu.memref_slice %arg11[%run_scoped3A_232, %dma_start3A_345, %dma_start3A_346] : memref<8x128x32xf32, #tpu.memory_space<vmem>> -> memref<1x128x32xf32, #tpu.memory_space<vmem>>
          %dma_start3A_348 = tpu.memref_squeeze %dma_start3A_347 : memref<1x128x32xf32, #tpu.memory_space<vmem>> -> memref<128x32xf32, #tpu.memory_space<vmem>>
          %dma_start3A_349 = arith.constant 0 : i32
          %dma_start3A_350 = tpu.memref_slice %arg10[%add3A_217, %dma_start3A_349] : memref<160x128xi32, #tpu.memory_space<vmem>> -> memref<1x128xi32, #tpu.memory_space<vmem>>
          %dma_start3A_351 = tpu.memref_squeeze %dma_start3A_350 : memref<1x128xi32, #tpu.memory_space<vmem>> -> memref<128xi32, #tpu.memory_space<vmem>>
          %dma_start3A_352 = arith.constant 0 : i32
          %dma_start3A_353 = arith.constant 0 : i32
          %dma_start3A_354 = tpu.memref_slice %arg8[%dma_start3A_352, %dma_start3A_353] : memref<11264x32xf32, #tpu.memory_space<vmem_shared>> -> memref<11264x32xf32, #tpu.memory_space<vmem_shared>>
          tpu.enqueue_indirect_dma source(%dma_start3A_348 : memref<128x32xf32, #tpu.memory_space<vmem>>) target(%dma_start3A_354 : memref<11264x32xf32, #tpu.memory_space<vmem_shared>>) offsets(%dma_start3A_351 : memref<128xi32, #tpu.memory_space<vmem>>) semaphore(%run_scoped3A_344 : memref<!tpu.dma_semaphore, #tpu.memory_space<semaphore_mem>>) {add = true}
          %dma_wait3A_355 = arith.constant 0 : i32
          %dma_wait3A_356 = arith.constant 0 : i32
          %dma_wait3A_357 = tpu.memref_slice %arg11[%run_scoped3A_232, %dma_wait3A_355, %dma_wait3A_356] : memref<8x128x32xf32, #tpu.memory_space<vmem>> -> memref<1x128x32xf32, #tpu.memory_space<vmem>>
          %dma_wait3A_358 = tpu.memref_squeeze %dma_wait3A_357 : memref<1x128x32xf32, #tpu.memory_space<vmem>> -> memref<128x32xf32, #tpu.memory_space<vmem>>
          %dma_wait3A_359 = arith.constant 0 : i32
          %dma_wait3A_360 = tpu.memref_slice %arg10[%add3A_217, %dma_wait3A_359] : memref<160x128xi32, #tpu.memory_space<vmem>> -> memref<1x128xi32, #tpu.memory_space<vmem>>
          %dma_wait3A_361 = tpu.memref_squeeze %dma_wait3A_360 : memref<1x128xi32, #tpu.memory_space<vmem>> -> memref<128xi32, #tpu.memory_space<vmem>>
          %dma_wait3A_362 = arith.constant 0 : i32
          %dma_wait3A_363 = arith.constant 0 : i32
          %dma_wait3A_364 = tpu.memref_slice %arg8[%dma_wait3A_362, %dma_wait3A_363] : memref<11264x32xf32, #tpu.memory_space<vmem_shared>> -> memref<11264x32xf32, #tpu.memory_space<vmem_shared>>
          tpu.wait_indirect_dma semaphore(%run_scoped3A_344 : memref<!tpu.dma_semaphore, #tpu.memory_space<semaphore_mem>>) src(%dma_wait3A_358 : memref<128x32xf32, #tpu.memory_space<vmem>>) dst(%dma_wait3A_364 : memref<11264x32xf32, #tpu.memory_space<vmem_shared>>)
          tpu.yield
        }) : () -> ()
        %add3A_233 = arith.constant 8 : i32
        %add3A_234 = arith.addi %add3A_217, %add3A_233 : i32
        %lt3A_235 = arith.constant 160 : i32
        %lt3A_236 = arith.cmpi slt, %add3A_234, %lt3A_235 : i32
        %convert_element_type3A_237 = arith.extui %lt3A_236 : i1 to i32
        %cond3A_238 = arith.constant 0 : i32
        %cond3A_239 = arith.cmpi ne, %convert_element_type3A_237, %cond3A_238 : i32
        scf.if %cond3A_239 {
          %add3A_344 = arith.constant 8 : i32
          %add3A_345 = arith.addi %add3A_217, %add3A_344 : i32
          %dma_start3A_346 = arith.constant 3 : i32
          %dma_start3A_347 = arith.constant 3 : i32
          %dma_start3A_348 = arith.constant 0 : i32
          %dma_start3A_349 = arith.constant 0 : i32
          %dma_start3A_350 = tpu.memref_slice %arg11[%dma_start3A_346, %dma_start3A_348, %dma_start3A_349] : memref<8x128x32xf32, #tpu.memory_space<vmem>> -> memref<1x128x32xf32, #tpu.memory_space<vmem>>
          %dma_start3A_351 = tpu.memref_squeeze %dma_start3A_350 : memref<1x128x32xf32, #tpu.memory_space<vmem>> -> memref<128x32xf32, #tpu.memory_space<vmem>>
          %dma_start3A_352 = arith.constant 0 : i32
          %dma_start3A_353 = tpu.memref_slice %arg9[%add3A_345, %dma_start3A_352] : memref<160x128xi32, #tpu.memory_space<vmem>> -> memref<1x128xi32, #tpu.memory_space<vmem>>
          %dma_start3A_354 = tpu.memref_squeeze %dma_start3A_353 : memref<1x128xi32, #tpu.memory_space<vmem>> -> memref<128xi32, #tpu.memory_space<vmem>>
          %dma_start3A_355 = arith.constant 0 : i32
          %dma_start3A_356 = arith.constant 0 : i32
          %dma_start3A_357 = tpu.memref_slice %arg2[%dma_start3A_355, %dma_start3A_356] : memref<11264x32xf32, #tpu.memory_space<hbm>> -> memref<11264x32xf32, #tpu.memory_space<hbm>>
          %dma_start3A_358 = tpu.memref_slice %arg12[%dma_start3A_347] : memref<8x!tpu.dma_semaphore, #tpu.memory_space<semaphore_mem>> -> memref<1x!tpu.dma_semaphore, #tpu.memory_space<semaphore_mem>>
          %dma_start3A_359 = tpu.memref_squeeze %dma_start3A_358 : memref<1x!tpu.dma_semaphore, #tpu.memory_space<semaphore_mem>> -> memref<!tpu.dma_semaphore, #tpu.memory_space<semaphore_mem>>
          tpu.enqueue_indirect_dma source(%dma_start3A_357 : memref<11264x32xf32, #tpu.memory_space<hbm>>) target(%dma_start3A_351 : memref<128x32xf32, #tpu.memory_space<vmem>>) offsets(%dma_start3A_354 : memref<128xi32, #tpu.memory_space<vmem>>) semaphore(%dma_start3A_359 : memref<!tpu.dma_semaphore, #tpu.memory_space<semaphore_mem>>)
        } else {
        }
        %mul3A_240 = arith.constant 8 : i32
        %mul3A_241 = arith.muli %add3A_138, %mul3A_240 : i32
        %add3A_242 = arith.constant 4 : i32
        %add3A_243 = arith.addi %mul3A_241, %add3A_242 : i32
        %dma_wait3A_244 = arith.constant 4 : i32
        %dma_wait3A_245 = arith.constant 4 : i32
        %dma_wait3A_246 = arith.constant 0 : i32
        %dma_wait3A_247 = arith.constant 0 : i32
        %dma_wait3A_248 = tpu.memref_slice %arg11[%dma_wait3A_244, %dma_wait3A_246, %dma_wait3A_247] : memref<8x128x32xf32, #tpu.memory_space<vmem>> -> memref<1x128x32xf32, #tpu.memory_space<vmem>>
        %dma_wait3A_249 = tpu.memref_squeeze %dma_wait3A_248 : memref<1x128x32xf32, #tpu.memory_space<vmem>> -> memref<128x32xf32, #tpu.memory_space<vmem>>
        %dma_wait3A_250 = arith.constant 0 : i32
        %dma_wait3A_251 = tpu.memref_slice %arg9[%add3A_243, %dma_wait3A_250] : memref<160x128xi32, #tpu.memory_space<vmem>> -> memref<1x128xi32, #tpu.memory_space<vmem>>
        %dma_wait3A_252 = tpu.memref_squeeze %dma_wait3A_251 : memref<1x128xi32, #tpu.memory_space<vmem>> -> memref<128xi32, #tpu.memory_space<vmem>>
        %dma_wait3A_253 = arith.constant 0 : i32
        %dma_wait3A_254 = arith.constant 0 : i32
        %dma_wait3A_255 = tpu.memref_slice %arg2[%dma_wait3A_253, %dma_wait3A_254] : memref<11264x32xf32, #tpu.memory_space<hbm>> -> memref<11264x32xf32, #tpu.memory_space<hbm>>
        %dma_wait3A_256 = tpu.memref_slice %arg12[%dma_wait3A_245] : memref<8x!tpu.dma_semaphore, #tpu.memory_space<semaphore_mem>> -> memref<1x!tpu.dma_semaphore, #tpu.memory_space<semaphore_mem>>
        %dma_wait3A_257 = tpu.memref_squeeze %dma_wait3A_256 : memref<1x!tpu.dma_semaphore, #tpu.memory_space<semaphore_mem>> -> memref<!tpu.dma_semaphore, #tpu.memory_space<semaphore_mem>>
        tpu.wait_indirect_dma semaphore(%dma_wait3A_257 : memref<!tpu.dma_semaphore, #tpu.memory_space<semaphore_mem>>) src(%dma_wait3A_255 : memref<11264x32xf32, #tpu.memory_space<hbm>>) dst(%dma_wait3A_249 : memref<128x32xf32, #tpu.memory_space<vmem>>)
        %run_scoped3A_258 = arith.constant 4 : i32
        "tpu.region"() ({
          %run_scoped3A_344 = tpu.sem_alloc : memref<!tpu.dma_semaphore, #tpu.memory_space<semaphore_mem>>
          %dma_start3A_345 = arith.constant 0 : i32
          %dma_start3A_346 = arith.constant 0 : i32
          %dma_start3A_347 = tpu.memref_slice %arg11[%run_scoped3A_258, %dma_start3A_345, %dma_start3A_346] : memref<8x128x32xf32, #tpu.memory_space<vmem>> -> memref<1x128x32xf32, #tpu.memory_space<vmem>>
          %dma_start3A_348 = tpu.memref_squeeze %dma_start3A_347 : memref<1x128x32xf32, #tpu.memory_space<vmem>> -> memref<128x32xf32, #tpu.memory_space<vmem>>
          %dma_start3A_349 = arith.constant 0 : i32
          %dma_start3A_350 = tpu.memref_slice %arg10[%add3A_243, %dma_start3A_349] : memref<160x128xi32, #tpu.memory_space<vmem>> -> memref<1x128xi32, #tpu.memory_space<vmem>>
          %dma_start3A_351 = tpu.memref_squeeze %dma_start3A_350 : memref<1x128xi32, #tpu.memory_space<vmem>> -> memref<128xi32, #tpu.memory_space<vmem>>
          %dma_start3A_352 = arith.constant 0 : i32
          %dma_start3A_353 = arith.constant 0 : i32
          %dma_start3A_354 = tpu.memref_slice %arg8[%dma_start3A_352, %dma_start3A_353] : memref<11264x32xf32, #tpu.memory_space<vmem_shared>> -> memref<11264x32xf32, #tpu.memory_space<vmem_shared>>
          tpu.enqueue_indirect_dma source(%dma_start3A_348 : memref<128x32xf32, #tpu.memory_space<vmem>>) target(%dma_start3A_354 : memref<11264x32xf32, #tpu.memory_space<vmem_shared>>) offsets(%dma_start3A_351 : memref<128xi32, #tpu.memory_space<vmem>>) semaphore(%run_scoped3A_344 : memref<!tpu.dma_semaphore, #tpu.memory_space<semaphore_mem>>) {add = true}
          %dma_wait3A_355 = arith.constant 0 : i32
          %dma_wait3A_356 = arith.constant 0 : i32
          %dma_wait3A_357 = tpu.memref_slice %arg11[%run_scoped3A_258, %dma_wait3A_355, %dma_wait3A_356] : memref<8x128x32xf32, #tpu.memory_space<vmem>> -> memref<1x128x32xf32, #tpu.memory_space<vmem>>
          %dma_wait3A_358 = tpu.memref_squeeze %dma_wait3A_357 : memref<1x128x32xf32, #tpu.memory_space<vmem>> -> memref<128x32xf32, #tpu.memory_space<vmem>>
          %dma_wait3A_359 = arith.constant 0 : i32
          %dma_wait3A_360 = tpu.memref_slice %arg10[%add3A_243, %dma_wait3A_359] : memref<160x128xi32, #tpu.memory_space<vmem>> -> memref<1x128xi32, #tpu.memory_space<vmem>>
          %dma_wait3A_361 = tpu.memref_squeeze %dma_wait3A_360 : memref<1x128xi32, #tpu.memory_space<vmem>> -> memref<128xi32, #tpu.memory_space<vmem>>
          %dma_wait3A_362 = arith.constant 0 : i32
          %dma_wait3A_363 = arith.constant 0 : i32
          %dma_wait3A_364 = tpu.memref_slice %arg8[%dma_wait3A_362, %dma_wait3A_363] : memref<11264x32xf32, #tpu.memory_space<vmem_shared>> -> memref<11264x32xf32, #tpu.memory_space<vmem_shared>>
          tpu.wait_indirect_dma semaphore(%run_scoped3A_344 : memref<!tpu.dma_semaphore, #tpu.memory_space<semaphore_mem>>) src(%dma_wait3A_358 : memref<128x32xf32, #tpu.memory_space<vmem>>) dst(%dma_wait3A_364 : memref<11264x32xf32, #tpu.memory_space<vmem_shared>>)
          tpu.yield
        }) : () -> ()
        %add3A_259 = arith.constant 8 : i32
        %add3A_260 = arith.addi %add3A_243, %add3A_259 : i32
        %lt3A_261 = arith.constant 160 : i32
        %lt3A_262 = arith.cmpi slt, %add3A_260, %lt3A_261 : i32
        %convert_element_type3A_263 = arith.extui %lt3A_262 : i1 to i32
        %cond3A_264 = arith.constant 0 : i32
        %cond3A_265 = arith.cmpi ne, %convert_element_type3A_263, %cond3A_264 : i32
        scf.if %cond3A_265 {
          %add3A_344 = arith.constant 8 : i32
          %add3A_345 = arith.addi %add3A_243, %add3A_344 : i32
          %dma_start3A_346 = arith.constant 4 : i32
          %dma_start3A_347 = arith.constant 4 : i32
          %dma_start3A_348 = arith.constant 0 : i32
          %dma_start3A_349 = arith.constant 0 : i32
          %dma_start3A_350 = tpu.memref_slice %arg11[%dma_start3A_346, %dma_start3A_348, %dma_start3A_349] : memref<8x128x32xf32, #tpu.memory_space<vmem>> -> memref<1x128x32xf32, #tpu.memory_space<vmem>>
          %dma_start3A_351 = tpu.memref_squeeze %dma_start3A_350 : memref<1x128x32xf32, #tpu.memory_space<vmem>> -> memref<128x32xf32, #tpu.memory_space<vmem>>
          %dma_start3A_352 = arith.constant 0 : i32
          %dma_start3A_353 = tpu.memref_slice %arg9[%add3A_345, %dma_start3A_352] : memref<160x128xi32, #tpu.memory_space<vmem>> -> memref<1x128xi32, #tpu.memory_space<vmem>>
          %dma_start3A_354 = tpu.memref_squeeze %dma_start3A_353 : memref<1x128xi32, #tpu.memory_space<vmem>> -> memref<128xi32, #tpu.memory_space<vmem>>
          %dma_start3A_355 = arith.constant 0 : i32
          %dma_start3A_356 = arith.constant 0 : i32
          %dma_start3A_357 = tpu.memref_slice %arg2[%dma_start3A_355, %dma_start3A_356] : memref<11264x32xf32, #tpu.memory_space<hbm>> -> memref<11264x32xf32, #tpu.memory_space<hbm>>
          %dma_start3A_358 = tpu.memref_slice %arg12[%dma_start3A_347] : memref<8x!tpu.dma_semaphore, #tpu.memory_space<semaphore_mem>> -> memref<1x!tpu.dma_semaphore, #tpu.memory_space<semaphore_mem>>
          %dma_start3A_359 = tpu.memref_squeeze %dma_start3A_358 : memref<1x!tpu.dma_semaphore, #tpu.memory_space<semaphore_mem>> -> memref<!tpu.dma_semaphore, #tpu.memory_space<semaphore_mem>>
          tpu.enqueue_indirect_dma source(%dma_start3A_357 : memref<11264x32xf32, #tpu.memory_space<hbm>>) target(%dma_start3A_351 : memref<128x32xf32, #tpu.memory_space<vmem>>) offsets(%dma_start3A_354 : memref<128xi32, #tpu.memory_space<vmem>>) semaphore(%dma_start3A_359 : memref<!tpu.dma_semaphore, #tpu.memory_space<semaphore_mem>>)
        } else {
        }
        %mul3A_266 = arith.constant 8 : i32
        %mul3A_267 = arith.muli %add3A_138, %mul3A_266 : i32
        %add3A_268 = arith.constant 5 : i32
        %add3A_269 = arith.addi %mul3A_267, %add3A_268 : i32
        %dma_wait3A_270 = arith.constant 5 : i32
        %dma_wait3A_271 = arith.constant 5 : i32
        %dma_wait3A_272 = arith.constant 0 : i32
        %dma_wait3A_273 = arith.constant 0 : i32
        %dma_wait3A_274 = tpu.memref_slice %arg11[%dma_wait3A_270, %dma_wait3A_272, %dma_wait3A_273] : memref<8x128x32xf32, #tpu.memory_space<vmem>> -> memref<1x128x32xf32, #tpu.memory_space<vmem>>
        %dma_wait3A_275 = tpu.memref_squeeze %dma_wait3A_274 : memref<1x128x32xf32, #tpu.memory_space<vmem>> -> memref<128x32xf32, #tpu.memory_space<vmem>>
        %dma_wait3A_276 = arith.constant 0 : i32
        %dma_wait3A_277 = tpu.memref_slice %arg9[%add3A_269, %dma_wait3A_276] : memref<160x128xi32, #tpu.memory_space<vmem>> -> memref<1x128xi32, #tpu.memory_space<vmem>>
        %dma_wait3A_278 = tpu.memref_squeeze %dma_wait3A_277 : memref<1x128xi32, #tpu.memory_space<vmem>> -> memref<128xi32, #tpu.memory_space<vmem>>
        %dma_wait3A_279 = arith.constant 0 : i32
        %dma_wait3A_280 = arith.constant 0 : i32
        %dma_wait3A_281 = tpu.memref_slice %arg2[%dma_wait3A_279, %dma_wait3A_280] : memref<11264x32xf32, #tpu.memory_space<hbm>> -> memref<11264x32xf32, #tpu.memory_space<hbm>>
        %dma_wait3A_282 = tpu.memref_slice %arg12[%dma_wait3A_271] : memref<8x!tpu.dma_semaphore, #tpu.memory_space<semaphore_mem>> -> memref<1x!tpu.dma_semaphore, #tpu.memory_space<semaphore_mem>>
        %dma_wait3A_283 = tpu.memref_squeeze %dma_wait3A_282 : memref<1x!tpu.dma_semaphore, #tpu.memory_space<semaphore_mem>> -> memref<!tpu.dma_semaphore, #tpu.memory_space<semaphore_mem>>
        tpu.wait_indirect_dma semaphore(%dma_wait3A_283 : memref<!tpu.dma_semaphore, #tpu.memory_space<semaphore_mem>>) src(%dma_wait3A_281 : memref<11264x32xf32, #tpu.memory_space<hbm>>) dst(%dma_wait3A_275 : memref<128x32xf32, #tpu.memory_space<vmem>>)
        %run_scoped3A_284 = arith.constant 5 : i32
        "tpu.region"() ({
          %run_scoped3A_344 = tpu.sem_alloc : memref<!tpu.dma_semaphore, #tpu.memory_space<semaphore_mem>>
          %dma_start3A_345 = arith.constant 0 : i32
          %dma_start3A_346 = arith.constant 0 : i32
          %dma_start3A_347 = tpu.memref_slice %arg11[%run_scoped3A_284, %dma_start3A_345, %dma_start3A_346] : memref<8x128x32xf32, #tpu.memory_space<vmem>> -> memref<1x128x32xf32, #tpu.memory_space<vmem>>
          %dma_start3A_348 = tpu.memref_squeeze %dma_start3A_347 : memref<1x128x32xf32, #tpu.memory_space<vmem>> -> memref<128x32xf32, #tpu.memory_space<vmem>>
          %dma_start3A_349 = arith.constant 0 : i32
          %dma_start3A_350 = tpu.memref_slice %arg10[%add3A_269, %dma_start3A_349] : memref<160x128xi32, #tpu.memory_space<vmem>> -> memref<1x128xi32, #tpu.memory_space<vmem>>
          %dma_start3A_351 = tpu.memref_squeeze %dma_start3A_350 : memref<1x128xi32, #tpu.memory_space<vmem>> -> memref<128xi32, #tpu.memory_space<vmem>>
          %dma_start3A_352 = arith.constant 0 : i32
          %dma_start3A_353 = arith.constant 0 : i32
          %dma_start3A_354 = tpu.memref_slice %arg8[%dma_start3A_352, %dma_start3A_353] : memref<11264x32xf32, #tpu.memory_space<vmem_shared>> -> memref<11264x32xf32, #tpu.memory_space<vmem_shared>>
          tpu.enqueue_indirect_dma source(%dma_start3A_348 : memref<128x32xf32, #tpu.memory_space<vmem>>) target(%dma_start3A_354 : memref<11264x32xf32, #tpu.memory_space<vmem_shared>>) offsets(%dma_start3A_351 : memref<128xi32, #tpu.memory_space<vmem>>) semaphore(%run_scoped3A_344 : memref<!tpu.dma_semaphore, #tpu.memory_space<semaphore_mem>>) {add = true}
          %dma_wait3A_355 = arith.constant 0 : i32
          %dma_wait3A_356 = arith.constant 0 : i32
          %dma_wait3A_357 = tpu.memref_slice %arg11[%run_scoped3A_284, %dma_wait3A_355, %dma_wait3A_356] : memref<8x128x32xf32, #tpu.memory_space<vmem>> -> memref<1x128x32xf32, #tpu.memory_space<vmem>>
          %dma_wait3A_358 = tpu.memref_squeeze %dma_wait3A_357 : memref<1x128x32xf32, #tpu.memory_space<vmem>> -> memref<128x32xf32, #tpu.memory_space<vmem>>
          %dma_wait3A_359 = arith.constant 0 : i32
          %dma_wait3A_360 = tpu.memref_slice %arg10[%add3A_269, %dma_wait3A_359] : memref<160x128xi32, #tpu.memory_space<vmem>> -> memref<1x128xi32, #tpu.memory_space<vmem>>
          %dma_wait3A_361 = tpu.memref_squeeze %dma_wait3A_360 : memref<1x128xi32, #tpu.memory_space<vmem>> -> memref<128xi32, #tpu.memory_space<vmem>>
          %dma_wait3A_362 = arith.constant 0 : i32
          %dma_wait3A_363 = arith.constant 0 : i32
          %dma_wait3A_364 = tpu.memref_slice %arg8[%dma_wait3A_362, %dma_wait3A_363] : memref<11264x32xf32, #tpu.memory_space<vmem_shared>> -> memref<11264x32xf32, #tpu.memory_space<vmem_shared>>
          tpu.wait_indirect_dma semaphore(%run_scoped3A_344 : memref<!tpu.dma_semaphore, #tpu.memory_space<semaphore_mem>>) src(%dma_wait3A_358 : memref<128x32xf32, #tpu.memory_space<vmem>>) dst(%dma_wait3A_364 : memref<11264x32xf32, #tpu.memory_space<vmem_shared>>)
          tpu.yield
        }) : () -> ()
        %add3A_285 = arith.constant 8 : i32
        %add3A_286 = arith.addi %add3A_269, %add3A_285 : i32
        %lt3A_287 = arith.constant 160 : i32
        %lt3A_288 = arith.cmpi slt, %add3A_286, %lt3A_287 : i32
        %convert_element_type3A_289 = arith.extui %lt3A_288 : i1 to i32
        %cond3A_290 = arith.constant 0 : i32
        %cond3A_291 = arith.cmpi ne, %convert_element_type3A_289, %cond3A_290 : i32
        scf.if %cond3A_291 {
          %add3A_344 = arith.constant 8 : i32
          %add3A_345 = arith.addi %add3A_269, %add3A_344 : i32
          %dma_start3A_346 = arith.constant 5 : i32
          %dma_start3A_347 = arith.constant 5 : i32
          %dma_start3A_348 = arith.constant 0 : i32
          %dma_start3A_349 = arith.constant 0 : i32
          %dma_start3A_350 = tpu.memref_slice %arg11[%dma_start3A_346, %dma_start3A_348, %dma_start3A_349] : memref<8x128x32xf32, #tpu.memory_space<vmem>> -> memref<1x128x32xf32, #tpu.memory_space<vmem>>
          %dma_start3A_351 = tpu.memref_squeeze %dma_start3A_350 : memref<1x128x32xf32, #tpu.memory_space<vmem>> -> memref<128x32xf32, #tpu.memory_space<vmem>>
          %dma_start3A_352 = arith.constant 0 : i32
          %dma_start3A_353 = tpu.memref_slice %arg9[%add3A_345, %dma_start3A_352] : memref<160x128xi32, #tpu.memory_space<vmem>> -> memref<1x128xi32, #tpu.memory_space<vmem>>
          %dma_start3A_354 = tpu.memref_squeeze %dma_start3A_353 : memref<1x128xi32, #tpu.memory_space<vmem>> -> memref<128xi32, #tpu.memory_space<vmem>>
          %dma_start3A_355 = arith.constant 0 : i32
          %dma_start3A_356 = arith.constant 0 : i32
          %dma_start3A_357 = tpu.memref_slice %arg2[%dma_start3A_355, %dma_start3A_356] : memref<11264x32xf32, #tpu.memory_space<hbm>> -> memref<11264x32xf32, #tpu.memory_space<hbm>>
          %dma_start3A_358 = tpu.memref_slice %arg12[%dma_start3A_347] : memref<8x!tpu.dma_semaphore, #tpu.memory_space<semaphore_mem>> -> memref<1x!tpu.dma_semaphore, #tpu.memory_space<semaphore_mem>>
          %dma_start3A_359 = tpu.memref_squeeze %dma_start3A_358 : memref<1x!tpu.dma_semaphore, #tpu.memory_space<semaphore_mem>> -> memref<!tpu.dma_semaphore, #tpu.memory_space<semaphore_mem>>
          tpu.enqueue_indirect_dma source(%dma_start3A_357 : memref<11264x32xf32, #tpu.memory_space<hbm>>) target(%dma_start3A_351 : memref<128x32xf32, #tpu.memory_space<vmem>>) offsets(%dma_start3A_354 : memref<128xi32, #tpu.memory_space<vmem>>) semaphore(%dma_start3A_359 : memref<!tpu.dma_semaphore, #tpu.memory_space<semaphore_mem>>)
        } else {
        }
        %mul3A_292 = arith.constant 8 : i32
        %mul3A_293 = arith.muli %add3A_138, %mul3A_292 : i32
        %add3A_294 = arith.constant 6 : i32
        %add3A_295 = arith.addi %mul3A_293, %add3A_294 : i32
        %dma_wait3A_296 = arith.constant 6 : i32
        %dma_wait3A_297 = arith.constant 6 : i32
        %dma_wait3A_298 = arith.constant 0 : i32
        %dma_wait3A_299 = arith.constant 0 : i32
        %dma_wait3A_300 = tpu.memref_slice %arg11[%dma_wait3A_296, %dma_wait3A_298, %dma_wait3A_299] : memref<8x128x32xf32, #tpu.memory_space<vmem>> -> memref<1x128x32xf32, #tpu.memory_space<vmem>>
        %dma_wait3A_301 = tpu.memref_squeeze %dma_wait3A_300 : memref<1x128x32xf32, #tpu.memory_space<vmem>> -> memref<128x32xf32, #tpu.memory_space<vmem>>
        %dma_wait3A_302 = arith.constant 0 : i32
        %dma_wait3A_303 = tpu.memref_slice %arg9[%add3A_295, %dma_wait3A_302] : memref<160x128xi32, #tpu.memory_space<vmem>> -> memref<1x128xi32, #tpu.memory_space<vmem>>
        %dma_wait3A_304 = tpu.memref_squeeze %dma_wait3A_303 : memref<1x128xi32, #tpu.memory_space<vmem>> -> memref<128xi32, #tpu.memory_space<vmem>>
        %dma_wait3A_305 = arith.constant 0 : i32
        %dma_wait3A_306 = arith.constant 0 : i32
        %dma_wait3A_307 = tpu.memref_slice %arg2[%dma_wait3A_305, %dma_wait3A_306] : memref<11264x32xf32, #tpu.memory_space<hbm>> -> memref<11264x32xf32, #tpu.memory_space<hbm>>
        %dma_wait3A_308 = tpu.memref_slice %arg12[%dma_wait3A_297] : memref<8x!tpu.dma_semaphore, #tpu.memory_space<semaphore_mem>> -> memref<1x!tpu.dma_semaphore, #tpu.memory_space<semaphore_mem>>
        %dma_wait3A_309 = tpu.memref_squeeze %dma_wait3A_308 : memref<1x!tpu.dma_semaphore, #tpu.memory_space<semaphore_mem>> -> memref<!tpu.dma_semaphore, #tpu.memory_space<semaphore_mem>>
        tpu.wait_indirect_dma semaphore(%dma_wait3A_309 : memref<!tpu.dma_semaphore, #tpu.memory_space<semaphore_mem>>) src(%dma_wait3A_307 : memref<11264x32xf32, #tpu.memory_space<hbm>>) dst(%dma_wait3A_301 : memref<128x32xf32, #tpu.memory_space<vmem>>)
        %run_scoped3A_310 = arith.constant 6 : i32
        "tpu.region"() ({
          %run_scoped3A_344 = tpu.sem_alloc : memref<!tpu.dma_semaphore, #tpu.memory_space<semaphore_mem>>
          %dma_start3A_345 = arith.constant 0 : i32
          %dma_start3A_346 = arith.constant 0 : i32
          %dma_start3A_347 = tpu.memref_slice %arg11[%run_scoped3A_310, %dma_start3A_345, %dma_start3A_346] : memref<8x128x32xf32, #tpu.memory_space<vmem>> -> memref<1x128x32xf32, #tpu.memory_space<vmem>>
          %dma_start3A_348 = tpu.memref_squeeze %dma_start3A_347 : memref<1x128x32xf32, #tpu.memory_space<vmem>> -> memref<128x32xf32, #tpu.memory_space<vmem>>
          %dma_start3A_349 = arith.constant 0 : i32
          %dma_start3A_350 = tpu.memref_slice %arg10[%add3A_295, %dma_start3A_349] : memref<160x128xi32, #tpu.memory_space<vmem>> -> memref<1x128xi32, #tpu.memory_space<vmem>>
          %dma_start3A_351 = tpu.memref_squeeze %dma_start3A_350 : memref<1x128xi32, #tpu.memory_space<vmem>> -> memref<128xi32, #tpu.memory_space<vmem>>
          %dma_start3A_352 = arith.constant 0 : i32
          %dma_start3A_353 = arith.constant 0 : i32
          %dma_start3A_354 = tpu.memref_slice %arg8[%dma_start3A_352, %dma_start3A_353] : memref<11264x32xf32, #tpu.memory_space<vmem_shared>> -> memref<11264x32xf32, #tpu.memory_space<vmem_shared>>
          tpu.enqueue_indirect_dma source(%dma_start3A_348 : memref<128x32xf32, #tpu.memory_space<vmem>>) target(%dma_start3A_354 : memref<11264x32xf32, #tpu.memory_space<vmem_shared>>) offsets(%dma_start3A_351 : memref<128xi32, #tpu.memory_space<vmem>>) semaphore(%run_scoped3A_344 : memref<!tpu.dma_semaphore, #tpu.memory_space<semaphore_mem>>) {add = true}
          %dma_wait3A_355 = arith.constant 0 : i32
          %dma_wait3A_356 = arith.constant 0 : i32
          %dma_wait3A_357 = tpu.memref_slice %arg11[%run_scoped3A_310, %dma_wait3A_355, %dma_wait3A_356] : memref<8x128x32xf32, #tpu.memory_space<vmem>> -> memref<1x128x32xf32, #tpu.memory_space<vmem>>
          %dma_wait3A_358 = tpu.memref_squeeze %dma_wait3A_357 : memref<1x128x32xf32, #tpu.memory_space<vmem>> -> memref<128x32xf32, #tpu.memory_space<vmem>>
          %dma_wait3A_359 = arith.constant 0 : i32
          %dma_wait3A_360 = tpu.memref_slice %arg10[%add3A_295, %dma_wait3A_359] : memref<160x128xi32, #tpu.memory_space<vmem>> -> memref<1x128xi32, #tpu.memory_space<vmem>>
          %dma_wait3A_361 = tpu.memref_squeeze %dma_wait3A_360 : memref<1x128xi32, #tpu.memory_space<vmem>> -> memref<128xi32, #tpu.memory_space<vmem>>
          %dma_wait3A_362 = arith.constant 0 : i32
          %dma_wait3A_363 = arith.constant 0 : i32
          %dma_wait3A_364 = tpu.memref_slice %arg8[%dma_wait3A_362, %dma_wait3A_363] : memref<11264x32xf32, #tpu.memory_space<vmem_shared>> -> memref<11264x32xf32, #tpu.memory_space<vmem_shared>>
          tpu.wait_indirect_dma semaphore(%run_scoped3A_344 : memref<!tpu.dma_semaphore, #tpu.memory_space<semaphore_mem>>) src(%dma_wait3A_358 : memref<128x32xf32, #tpu.memory_space<vmem>>) dst(%dma_wait3A_364 : memref<11264x32xf32, #tpu.memory_space<vmem_shared>>)
          tpu.yield
        }) : () -> ()
        %add3A_311 = arith.constant 8 : i32
        %add3A_312 = arith.addi %add3A_295, %add3A_311 : i32
        %lt3A_313 = arith.constant 160 : i32
        %lt3A_314 = arith.cmpi slt, %add3A_312, %lt3A_313 : i32
        %convert_element_type3A_315 = arith.extui %lt3A_314 : i1 to i32
        %cond3A_316 = arith.constant 0 : i32
        %cond3A_317 = arith.cmpi ne, %convert_element_type3A_315, %cond3A_316 : i32
        scf.if %cond3A_317 {
          %add3A_344 = arith.constant 8 : i32
          %add3A_345 = arith.addi %add3A_295, %add3A_344 : i32
          %dma_start3A_346 = arith.constant 6 : i32
          %dma_start3A_347 = arith.constant 6 : i32
          %dma_start3A_348 = arith.constant 0 : i32
          %dma_start3A_349 = arith.constant 0 : i32
          %dma_start3A_350 = tpu.memref_slice %arg11[%dma_start3A_346, %dma_start3A_348, %dma_start3A_349] : memref<8x128x32xf32, #tpu.memory_space<vmem>> -> memref<1x128x32xf32, #tpu.memory_space<vmem>>
          %dma_start3A_351 = tpu.memref_squeeze %dma_start3A_350 : memref<1x128x32xf32, #tpu.memory_space<vmem>> -> memref<128x32xf32, #tpu.memory_space<vmem>>
          %dma_start3A_352 = arith.constant 0 : i32
          %dma_start3A_353 = tpu.memref_slice %arg9[%add3A_345, %dma_start3A_352] : memref<160x128xi32, #tpu.memory_space<vmem>> -> memref<1x128xi32, #tpu.memory_space<vmem>>
          %dma_start3A_354 = tpu.memref_squeeze %dma_start3A_353 : memref<1x128xi32, #tpu.memory_space<vmem>> -> memref<128xi32, #tpu.memory_space<vmem>>
          %dma_start3A_355 = arith.constant 0 : i32
          %dma_start3A_356 = arith.constant 0 : i32
          %dma_start3A_357 = tpu.memref_slice %arg2[%dma_start3A_355, %dma_start3A_356] : memref<11264x32xf32, #tpu.memory_space<hbm>> -> memref<11264x32xf32, #tpu.memory_space<hbm>>
          %dma_start3A_358 = tpu.memref_slice %arg12[%dma_start3A_347] : memref<8x!tpu.dma_semaphore, #tpu.memory_space<semaphore_mem>> -> memref<1x!tpu.dma_semaphore, #tpu.memory_space<semaphore_mem>>
          %dma_start3A_359 = tpu.memref_squeeze %dma_start3A_358 : memref<1x!tpu.dma_semaphore, #tpu.memory_space<semaphore_mem>> -> memref<!tpu.dma_semaphore, #tpu.memory_space<semaphore_mem>>
          tpu.enqueue_indirect_dma source(%dma_start3A_357 : memref<11264x32xf32, #tpu.memory_space<hbm>>) target(%dma_start3A_351 : memref<128x32xf32, #tpu.memory_space<vmem>>) offsets(%dma_start3A_354 : memref<128xi32, #tpu.memory_space<vmem>>) semaphore(%dma_start3A_359 : memref<!tpu.dma_semaphore, #tpu.memory_space<semaphore_mem>>)
        } else {
        }
        %mul3A_318 = arith.constant 8 : i32
        %mul3A_319 = arith.muli %add3A_138, %mul3A_318 : i32
        %add3A_320 = arith.constant 7 : i32
        %add3A_321 = arith.addi %mul3A_319, %add3A_320 : i32
        %dma_wait3A_322 = arith.constant 7 : i32
        %dma_wait3A_323 = arith.constant 7 : i32
        %dma_wait3A_324 = arith.constant 0 : i32
        %dma_wait3A_325 = arith.constant 0 : i32
        %dma_wait3A_326 = tpu.memref_slice %arg11[%dma_wait3A_322, %dma_wait3A_324, %dma_wait3A_325] : memref<8x128x32xf32, #tpu.memory_space<vmem>> -> memref<1x128x32xf32, #tpu.memory_space<vmem>>
        %dma_wait3A_327 = tpu.memref_squeeze %dma_wait3A_326 : memref<1x128x32xf32, #tpu.memory_space<vmem>> -> memref<128x32xf32, #tpu.memory_space<vmem>>
        %dma_wait3A_328 = arith.constant 0 : i32
        %dma_wait3A_329 = tpu.memref_slice %arg9[%add3A_321, %dma_wait3A_328] : memref<160x128xi32, #tpu.memory_space<vmem>> -> memref<1x128xi32, #tpu.memory_space<vmem>>
        %dma_wait3A_330 = tpu.memref_squeeze %dma_wait3A_329 : memref<1x128xi32, #tpu.memory_space<vmem>> -> memref<128xi32, #tpu.memory_space<vmem>>
        %dma_wait3A_331 = arith.constant 0 : i32
        %dma_wait3A_332 = arith.constant 0 : i32
        %dma_wait3A_333 = tpu.memref_slice %arg2[%dma_wait3A_331, %dma_wait3A_332] : memref<11264x32xf32, #tpu.memory_space<hbm>> -> memref<11264x32xf32, #tpu.memory_space<hbm>>
        %dma_wait3A_334 = tpu.memref_slice %arg12[%dma_wait3A_323] : memref<8x!tpu.dma_semaphore, #tpu.memory_space<semaphore_mem>> -> memref<1x!tpu.dma_semaphore, #tpu.memory_space<semaphore_mem>>
        %dma_wait3A_335 = tpu.memref_squeeze %dma_wait3A_334 : memref<1x!tpu.dma_semaphore, #tpu.memory_space<semaphore_mem>> -> memref<!tpu.dma_semaphore, #tpu.memory_space<semaphore_mem>>
        tpu.wait_indirect_dma semaphore(%dma_wait3A_335 : memref<!tpu.dma_semaphore, #tpu.memory_space<semaphore_mem>>) src(%dma_wait3A_333 : memref<11264x32xf32, #tpu.memory_space<hbm>>) dst(%dma_wait3A_327 : memref<128x32xf32, #tpu.memory_space<vmem>>)
        %run_scoped3A_336 = arith.constant 7 : i32
        "tpu.region"() ({
          %run_scoped3A_344 = tpu.sem_alloc : memref<!tpu.dma_semaphore, #tpu.memory_space<semaphore_mem>>
          %dma_start3A_345 = arith.constant 0 : i32
          %dma_start3A_346 = arith.constant 0 : i32
          %dma_start3A_347 = tpu.memref_slice %arg11[%run_scoped3A_336, %dma_start3A_345, %dma_start3A_346] : memref<8x128x32xf32, #tpu.memory_space<vmem>> -> memref<1x128x32xf32, #tpu.memory_space<vmem>>
          %dma_start3A_348 = tpu.memref_squeeze %dma_start3A_347 : memref<1x128x32xf32, #tpu.memory_space<vmem>> -> memref<128x32xf32, #tpu.memory_space<vmem>>
          %dma_start3A_349 = arith.constant 0 : i32
          %dma_start3A_350 = tpu.memref_slice %arg10[%add3A_321, %dma_start3A_349] : memref<160x128xi32, #tpu.memory_space<vmem>> -> memref<1x128xi32, #tpu.memory_space<vmem>>
          %dma_start3A_351 = tpu.memref_squeeze %dma_start3A_350 : memref<1x128xi32, #tpu.memory_space<vmem>> -> memref<128xi32, #tpu.memory_space<vmem>>
          %dma_start3A_352 = arith.constant 0 : i32
          %dma_start3A_353 = arith.constant 0 : i32
          %dma_start3A_354 = tpu.memref_slice %arg8[%dma_start3A_352, %dma_start3A_353] : memref<11264x32xf32, #tpu.memory_space<vmem_shared>> -> memref<11264x32xf32, #tpu.memory_space<vmem_shared>>
          tpu.enqueue_indirect_dma source(%dma_start3A_348 : memref<128x32xf32, #tpu.memory_space<vmem>>) target(%dma_start3A_354 : memref<11264x32xf32, #tpu.memory_space<vmem_shared>>) offsets(%dma_start3A_351 : memref<128xi32, #tpu.memory_space<vmem>>) semaphore(%run_scoped3A_344 : memref<!tpu.dma_semaphore, #tpu.memory_space<semaphore_mem>>) {add = true}
          %dma_wait3A_355 = arith.constant 0 : i32
          %dma_wait3A_356 = arith.constant 0 : i32
          %dma_wait3A_357 = tpu.memref_slice %arg11[%run_scoped3A_336, %dma_wait3A_355, %dma_wait3A_356] : memref<8x128x32xf32, #tpu.memory_space<vmem>> -> memref<1x128x32xf32, #tpu.memory_space<vmem>>
          %dma_wait3A_358 = tpu.memref_squeeze %dma_wait3A_357 : memref<1x128x32xf32, #tpu.memory_space<vmem>> -> memref<128x32xf32, #tpu.memory_space<vmem>>
          %dma_wait3A_359 = arith.constant 0 : i32
          %dma_wait3A_360 = tpu.memref_slice %arg10[%add3A_321, %dma_wait3A_359] : memref<160x128xi32, #tpu.memory_space<vmem>> -> memref<1x128xi32, #tpu.memory_space<vmem>>
          %dma_wait3A_361 = tpu.memref_squeeze %dma_wait3A_360 : memref<1x128xi32, #tpu.memory_space<vmem>> -> memref<128xi32, #tpu.memory_space<vmem>>
          %dma_wait3A_362 = arith.constant 0 : i32
          %dma_wait3A_363 = arith.constant 0 : i32
          %dma_wait3A_364 = tpu.memref_slice %arg8[%dma_wait3A_362, %dma_wait3A_363] : memref<11264x32xf32, #tpu.memory_space<vmem_shared>> -> memref<11264x32xf32, #tpu.memory_space<vmem_shared>>
          tpu.wait_indirect_dma semaphore(%run_scoped3A_344 : memref<!tpu.dma_semaphore, #tpu.memory_space<semaphore_mem>>) src(%dma_wait3A_358 : memref<128x32xf32, #tpu.memory_space<vmem>>) dst(%dma_wait3A_364 : memref<11264x32xf32, #tpu.memory_space<vmem_shared>>)
          tpu.yield
        }) : () -> ()
        %add3A_337 = arith.constant 8 : i32
        %add3A_338 = arith.addi %add3A_321, %add3A_337 : i32
        %lt3A_339 = arith.constant 160 : i32
        %lt3A_340 = arith.cmpi slt, %add3A_338, %lt3A_339 : i32
        %convert_element_type3A_341 = arith.extui %lt3A_340 : i1 to i32
        %cond3A_342 = arith.constant 0 : i32
        %cond3A_343 = arith.cmpi ne, %convert_element_type3A_341, %cond3A_342 : i32
        scf.if %cond3A_343 {
          %add3A_344 = arith.constant 8 : i32
          %add3A_345 = arith.addi %add3A_321, %add3A_344 : i32
          %dma_start3A_346 = arith.constant 7 : i32
          %dma_start3A_347 = arith.constant 7 : i32
          %dma_start3A_348 = arith.constant 0 : i32
          %dma_start3A_349 = arith.constant 0 : i32
          %dma_start3A_350 = tpu.memref_slice %arg11[%dma_start3A_346, %dma_start3A_348, %dma_start3A_349] : memref<8x128x32xf32, #tpu.memory_space<vmem>> -> memref<1x128x32xf32, #tpu.memory_space<vmem>>
          %dma_start3A_351 = tpu.memref_squeeze %dma_start3A_350 : memref<1x128x32xf32, #tpu.memory_space<vmem>> -> memref<128x32xf32, #tpu.memory_space<vmem>>
          %dma_start3A_352 = arith.constant 0 : i32
          %dma_start3A_353 = tpu.memref_slice %arg9[%add3A_345, %dma_start3A_352] : memref<160x128xi32, #tpu.memory_space<vmem>> -> memref<1x128xi32, #tpu.memory_space<vmem>>
          %dma_start3A_354 = tpu.memref_squeeze %dma_start3A_353 : memref<1x128xi32, #tpu.memory_space<vmem>> -> memref<128xi32, #tpu.memory_space<vmem>>
          %dma_start3A_355 = arith.constant 0 : i32
          %dma_start3A_356 = arith.constant 0 : i32
          %dma_start3A_357 = tpu.memref_slice %arg2[%dma_start3A_355, %dma_start3A_356] : memref<11264x32xf32, #tpu.memory_space<hbm>> -> memref<11264x32xf32, #tpu.memory_space<hbm>>
          %dma_start3A_358 = tpu.memref_slice %arg12[%dma_start3A_347] : memref<8x!tpu.dma_semaphore, #tpu.memory_space<semaphore_mem>> -> memref<1x!tpu.dma_semaphore, #tpu.memory_space<semaphore_mem>>
          %dma_start3A_359 = tpu.memref_squeeze %dma_start3A_358 : memref<1x!tpu.dma_semaphore, #tpu.memory_space<semaphore_mem>> -> memref<!tpu.dma_semaphore, #tpu.memory_space<semaphore_mem>>
          tpu.enqueue_indirect_dma source(%dma_start3A_357 : memref<11264x32xf32, #tpu.memory_space<hbm>>) target(%dma_start3A_351 : memref<128x32xf32, #tpu.memory_space<vmem>>) offsets(%dma_start3A_354 : memref<128xi32, #tpu.memory_space<vmem>>) semaphore(%dma_start3A_359 : memref<!tpu.dma_semaphore, #tpu.memory_space<semaphore_mem>>)
        } else {
        }
      }
      %scan3A_133 = arith.constant 20 : i32
      %barrier3A_134 = arith.constant 0 : index
      tpu.barrier barrier_id(%barrier3A_134)
      "tpu.region"() ({
        %run_scoped3A = tpu.sem_alloc : memref<!tpu.dma_semaphore, #tpu.memory_space<semaphore_mem>>
        %dma_start3A_135 = arith.constant 0 : i32
        %dma_start3A_136 = tpu.memref_slice %arg6[%mul3A_0, %dma_start3A_135] : memref<11264x32xf32, #tpu.memory_space<hbm>> -> memref<704x32xf32, #tpu.memory_space<hbm>>
        %dma_start3A_137 = arith.constant 0 : i32
        %dma_start3A_138 = tpu.memref_slice %arg8[%mul3A_0, %dma_start3A_137] : memref<11264x32xf32, #tpu.memory_space<vmem_shared>> -> memref<704x32xf32, #tpu.memory_space<vmem_shared>>
        tpu.enqueue_dma source(%dma_start3A_138 : memref<704x32xf32, #tpu.memory_space<vmem_shared>>) target(%dma_start3A_136 : memref<704x32xf32, #tpu.memory_space<hbm>>) target_semaphore(%run_scoped3A : memref<!tpu.dma_semaphore, #tpu.memory_space<semaphore_mem>>)
        %dma_wait3A = arith.constant 0 : i32
        %dma_wait3A_139 = tpu.memref_slice %arg6[%mul3A_0, %dma_wait3A] : memref<11264x32xf32, #tpu.memory_space<hbm>> -> memref<704x32xf32, #tpu.memory_space<hbm>>
        %dma_wait3A_140 = arith.constant 0 : i32
        %dma_wait3A_141 = tpu.memref_slice %arg8[%mul3A_0, %dma_wait3A_140] : memref<11264x32xf32, #tpu.memory_space<vmem_shared>> -> memref<704x32xf32, #tpu.memory_space<vmem_shared>>
        tpu.wait_dma2 semaphore(%run_scoped3A : memref<!tpu.dma_semaphore, #tpu.memory_space<semaphore_mem>>) src(%dma_wait3A_141 : memref<704x32xf32, #tpu.memory_space<vmem_shared>>) dst(%dma_wait3A_139 : memref<704x32xf32, #tpu.memory_space<hbm>>)
        tpu.yield
      }) : () -> ()
    } else {
    }
    %ne3A = arith.constant 0 : i32
    %ne3A_7 = arith.cmpi ne, %arg0, %ne3A : i32
    %convert_element_type3A_8 = arith.extui %ne3A_7 : i1 to i32
    %cond3A_9 = arith.constant 0 : i32
    %cond3A_10 = arith.cmpi ne, %convert_element_type3A_8, %cond3A_9 : i32
    scf.if %cond3A_10 {
      "tpu.region"() ({
        %run_scoped3A = tpu.sem_alloc : memref<!tpu.dma_semaphore, #tpu.memory_space<semaphore_mem>>
        %dma_start3A_135 = arith.constant 0 : i32
        %dma_start3A_136 = tpu.memref_slice %arg8[%mul3A_0, %dma_start3A_135] : memref<11264x32xf32, #tpu.memory_space<vmem_shared>> -> memref<704x32xf32, #tpu.memory_space<vmem_shared>>
        %dma_start3A_137 = arith.constant 0 : i32
        %dma_start3A_138 = tpu.memref_slice %arg3[%mul3A_0, %dma_start3A_137] : memref<11264x32xf32, #tpu.memory_space<hbm>> -> memref<704x32xf32, #tpu.memory_space<hbm>>
        tpu.enqueue_dma source(%dma_start3A_138 : memref<704x32xf32, #tpu.memory_space<hbm>>) target(%dma_start3A_136 : memref<704x32xf32, #tpu.memory_space<vmem_shared>>) target_semaphore(%run_scoped3A : memref<!tpu.dma_semaphore, #tpu.memory_space<semaphore_mem>>)
        %dma_wait3A = arith.constant 0 : i32
        %dma_wait3A_139 = tpu.memref_slice %arg8[%mul3A_0, %dma_wait3A] : memref<11264x32xf32, #tpu.memory_space<vmem_shared>> -> memref<704x32xf32, #tpu.memory_space<vmem_shared>>
        %dma_wait3A_140 = arith.constant 0 : i32
        %dma_wait3A_141 = tpu.memref_slice %arg3[%mul3A_0, %dma_wait3A_140] : memref<11264x32xf32, #tpu.memory_space<hbm>> -> memref<704x32xf32, #tpu.memory_space<hbm>>
        tpu.wait_dma2 semaphore(%run_scoped3A : memref<!tpu.dma_semaphore, #tpu.memory_space<semaphore_mem>>) src(%dma_wait3A_141 : memref<704x32xf32, #tpu.memory_space<hbm>>) dst(%dma_wait3A_139 : memref<704x32xf32, #tpu.memory_space<vmem_shared>>)
        tpu.yield
      }) : () -> ()
      %barrier3A = arith.constant 0 : index
      tpu.barrier barrier_id(%barrier3A)
      %dma_start3A = arith.constant 0 : i32
      %dma_start3A_11 = arith.constant 0 : i32
      %dma_start3A_12 = arith.constant 0 : i32
      %dma_start3A_13 = arith.constant 0 : i32
      %dma_start3A_14 = arith.constant 0 : i32
      %dma_start3A_15 = tpu.memref_slice %arg11[%dma_start3A_11, %dma_start3A_13, %dma_start3A_14] : memref<8x128x32xf32, #tpu.memory_space<vmem>> -> memref<1x128x32xf32, #tpu.memory_space<vmem>>
      %dma_start3A_16 = tpu.memref_squeeze %dma_start3A_15 : memref<1x128x32xf32, #tpu.memory_space<vmem>> -> memref<128x32xf32, #tpu.memory_space<vmem>>
      %dma_start3A_17 = arith.constant 0 : i32
      %dma_start3A_18 = tpu.memref_slice %arg9[%dma_start3A, %dma_start3A_17] : memref<160x128xi32, #tpu.memory_space<vmem>> -> memref<1x128xi32, #tpu.memory_space<vmem>>
      %dma_start3A_19 = tpu.memref_squeeze %dma_start3A_18 : memref<1x128xi32, #tpu.memory_space<vmem>> -> memref<128xi32, #tpu.memory_space<vmem>>
      %dma_start3A_20 = arith.constant 0 : i32
      %dma_start3A_21 = arith.constant 0 : i32
      %dma_start3A_22 = tpu.memref_slice %arg3[%dma_start3A_20, %dma_start3A_21] : memref<11264x32xf32, #tpu.memory_space<hbm>> -> memref<11264x32xf32, #tpu.memory_space<hbm>>
      %dma_start3A_23 = tpu.memref_slice %arg12[%dma_start3A_12] : memref<8x!tpu.dma_semaphore, #tpu.memory_space<semaphore_mem>> -> memref<1x!tpu.dma_semaphore, #tpu.memory_space<semaphore_mem>>
      %dma_start3A_24 = tpu.memref_squeeze %dma_start3A_23 : memref<1x!tpu.dma_semaphore, #tpu.memory_space<semaphore_mem>> -> memref<!tpu.dma_semaphore, #tpu.memory_space<semaphore_mem>>
      tpu.enqueue_indirect_dma source(%dma_start3A_22 : memref<11264x32xf32, #tpu.memory_space<hbm>>) target(%dma_start3A_16 : memref<128x32xf32, #tpu.memory_space<vmem>>) offsets(%dma_start3A_19 : memref<128xi32, #tpu.memory_space<vmem>>) semaphore(%dma_start3A_24 : memref<!tpu.dma_semaphore, #tpu.memory_space<semaphore_mem>>)
      %dma_start3A_25 = arith.constant 1 : i32
      %dma_start3A_26 = arith.constant 1 : i32
      %dma_start3A_27 = arith.constant 1 : i32
      %dma_start3A_28 = arith.constant 0 : i32
      %dma_start3A_29 = arith.constant 0 : i32
      %dma_start3A_30 = tpu.memref_slice %arg11[%dma_start3A_26, %dma_start3A_28, %dma_start3A_29] : memref<8x128x32xf32, #tpu.memory_space<vmem>> -> memref<1x128x32xf32, #tpu.memory_space<vmem>>
      %dma_start3A_31 = tpu.memref_squeeze %dma_start3A_30 : memref<1x128x32xf32, #tpu.memory_space<vmem>> -> memref<128x32xf32, #tpu.memory_space<vmem>>
      %dma_start3A_32 = arith.constant 0 : i32
      %dma_start3A_33 = tpu.memref_slice %arg9[%dma_start3A_25, %dma_start3A_32] : memref<160x128xi32, #tpu.memory_space<vmem>> -> memref<1x128xi32, #tpu.memory_space<vmem>>
      %dma_start3A_34 = tpu.memref_squeeze %dma_start3A_33 : memref<1x128xi32, #tpu.memory_space<vmem>> -> memref<128xi32, #tpu.memory_space<vmem>>
      %dma_start3A_35 = arith.constant 0 : i32
      %dma_start3A_36 = arith.constant 0 : i32
      %dma_start3A_37 = tpu.memref_slice %arg3[%dma_start3A_35, %dma_start3A_36] : memref<11264x32xf32, #tpu.memory_space<hbm>> -> memref<11264x32xf32, #tpu.memory_space<hbm>>
      %dma_start3A_38 = tpu.memref_slice %arg12[%dma_start3A_27] : memref<8x!tpu.dma_semaphore, #tpu.memory_space<semaphore_mem>> -> memref<1x!tpu.dma_semaphore, #tpu.memory_space<semaphore_mem>>
      %dma_start3A_39 = tpu.memref_squeeze %dma_start3A_38 : memref<1x!tpu.dma_semaphore, #tpu.memory_space<semaphore_mem>> -> memref<!tpu.dma_semaphore, #tpu.memory_space<semaphore_mem>>
      tpu.enqueue_indirect_dma source(%dma_start3A_37 : memref<11264x32xf32, #tpu.memory_space<hbm>>) target(%dma_start3A_31 : memref<128x32xf32, #tpu.memory_space<vmem>>) offsets(%dma_start3A_34 : memref<128xi32, #tpu.memory_space<vmem>>) semaphore(%dma_start3A_39 : memref<!tpu.dma_semaphore, #tpu.memory_space<semaphore_mem>>)
      %dma_start3A_40 = arith.constant 2 : i32
      %dma_start3A_41 = arith.constant 2 : i32
      %dma_start3A_42 = arith.constant 2 : i32
      %dma_start3A_43 = arith.constant 0 : i32
      %dma_start3A_44 = arith.constant 0 : i32
      %dma_start3A_45 = tpu.memref_slice %arg11[%dma_start3A_41, %dma_start3A_43, %dma_start3A_44] : memref<8x128x32xf32, #tpu.memory_space<vmem>> -> memref<1x128x32xf32, #tpu.memory_space<vmem>>
      %dma_start3A_46 = tpu.memref_squeeze %dma_start3A_45 : memref<1x128x32xf32, #tpu.memory_space<vmem>> -> memref<128x32xf32, #tpu.memory_space<vmem>>
      %dma_start3A_47 = arith.constant 0 : i32
      %dma_start3A_48 = tpu.memref_slice %arg9[%dma_start3A_40, %dma_start3A_47] : memref<160x128xi32, #tpu.memory_space<vmem>> -> memref<1x128xi32, #tpu.memory_space<vmem>>
      %dma_start3A_49 = tpu.memref_squeeze %dma_start3A_48 : memref<1x128xi32, #tpu.memory_space<vmem>> -> memref<128xi32, #tpu.memory_space<vmem>>
      %dma_start3A_50 = arith.constant 0 : i32
      %dma_start3A_51 = arith.constant 0 : i32
      %dma_start3A_52 = tpu.memref_slice %arg3[%dma_start3A_50, %dma_start3A_51] : memref<11264x32xf32, #tpu.memory_space<hbm>> -> memref<11264x32xf32, #tpu.memory_space<hbm>>
      %dma_start3A_53 = tpu.memref_slice %arg12[%dma_start3A_42] : memref<8x!tpu.dma_semaphore, #tpu.memory_space<semaphore_mem>> -> memref<1x!tpu.dma_semaphore, #tpu.memory_space<semaphore_mem>>
      %dma_start3A_54 = tpu.memref_squeeze %dma_start3A_53 : memref<1x!tpu.dma_semaphore, #tpu.memory_space<semaphore_mem>> -> memref<!tpu.dma_semaphore, #tpu.memory_space<semaphore_mem>>
      tpu.enqueue_indirect_dma source(%dma_start3A_52 : memref<11264x32xf32, #tpu.memory_space<hbm>>) target(%dma_start3A_46 : memref<128x32xf32, #tpu.memory_space<vmem>>) offsets(%dma_start3A_49 : memref<128xi32, #tpu.memory_space<vmem>>) semaphore(%dma_start3A_54 : memref<!tpu.dma_semaphore, #tpu.memory_space<semaphore_mem>>)
      %dma_start3A_55 = arith.constant 3 : i32
      %dma_start3A_56 = arith.constant 3 : i32
      %dma_start3A_57 = arith.constant 3 : i32
      %dma_start3A_58 = arith.constant 0 : i32
      %dma_start3A_59 = arith.constant 0 : i32
      %dma_start3A_60 = tpu.memref_slice %arg11[%dma_start3A_56, %dma_start3A_58, %dma_start3A_59] : memref<8x128x32xf32, #tpu.memory_space<vmem>> -> memref<1x128x32xf32, #tpu.memory_space<vmem>>
      %dma_start3A_61 = tpu.memref_squeeze %dma_start3A_60 : memref<1x128x32xf32, #tpu.memory_space<vmem>> -> memref<128x32xf32, #tpu.memory_space<vmem>>
      %dma_start3A_62 = arith.constant 0 : i32
      %dma_start3A_63 = tpu.memref_slice %arg9[%dma_start3A_55, %dma_start3A_62] : memref<160x128xi32, #tpu.memory_space<vmem>> -> memref<1x128xi32, #tpu.memory_space<vmem>>
      %dma_start3A_64 = tpu.memref_squeeze %dma_start3A_63 : memref<1x128xi32, #tpu.memory_space<vmem>> -> memref<128xi32, #tpu.memory_space<vmem>>
      %dma_start3A_65 = arith.constant 0 : i32
      %dma_start3A_66 = arith.constant 0 : i32
      %dma_start3A_67 = tpu.memref_slice %arg3[%dma_start3A_65, %dma_start3A_66] : memref<11264x32xf32, #tpu.memory_space<hbm>> -> memref<11264x32xf32, #tpu.memory_space<hbm>>
      %dma_start3A_68 = tpu.memref_slice %arg12[%dma_start3A_57] : memref<8x!tpu.dma_semaphore, #tpu.memory_space<semaphore_mem>> -> memref<1x!tpu.dma_semaphore, #tpu.memory_space<semaphore_mem>>
      %dma_start3A_69 = tpu.memref_squeeze %dma_start3A_68 : memref<1x!tpu.dma_semaphore, #tpu.memory_space<semaphore_mem>> -> memref<!tpu.dma_semaphore, #tpu.memory_space<semaphore_mem>>
      tpu.enqueue_indirect_dma source(%dma_start3A_67 : memref<11264x32xf32, #tpu.memory_space<hbm>>) target(%dma_start3A_61 : memref<128x32xf32, #tpu.memory_space<vmem>>) offsets(%dma_start3A_64 : memref<128xi32, #tpu.memory_space<vmem>>) semaphore(%dma_start3A_69 : memref<!tpu.dma_semaphore, #tpu.memory_space<semaphore_mem>>)
      %dma_start3A_70 = arith.constant 4 : i32
      %dma_start3A_71 = arith.constant 4 : i32
      %dma_start3A_72 = arith.constant 4 : i32
      %dma_start3A_73 = arith.constant 0 : i32
      %dma_start3A_74 = arith.constant 0 : i32
      %dma_start3A_75 = tpu.memref_slice %arg11[%dma_start3A_71, %dma_start3A_73, %dma_start3A_74] : memref<8x128x32xf32, #tpu.memory_space<vmem>> -> memref<1x128x32xf32, #tpu.memory_space<vmem>>
      %dma_start3A_76 = tpu.memref_squeeze %dma_start3A_75 : memref<1x128x32xf32, #tpu.memory_space<vmem>> -> memref<128x32xf32, #tpu.memory_space<vmem>>
      %dma_start3A_77 = arith.constant 0 : i32
      %dma_start3A_78 = tpu.memref_slice %arg9[%dma_start3A_70, %dma_start3A_77] : memref<160x128xi32, #tpu.memory_space<vmem>> -> memref<1x128xi32, #tpu.memory_space<vmem>>
      %dma_start3A_79 = tpu.memref_squeeze %dma_start3A_78 : memref<1x128xi32, #tpu.memory_space<vmem>> -> memref<128xi32, #tpu.memory_space<vmem>>
      %dma_start3A_80 = arith.constant 0 : i32
      %dma_start3A_81 = arith.constant 0 : i32
      %dma_start3A_82 = tpu.memref_slice %arg3[%dma_start3A_80, %dma_start3A_81] : memref<11264x32xf32, #tpu.memory_space<hbm>> -> memref<11264x32xf32, #tpu.memory_space<hbm>>
      %dma_start3A_83 = tpu.memref_slice %arg12[%dma_start3A_72] : memref<8x!tpu.dma_semaphore, #tpu.memory_space<semaphore_mem>> -> memref<1x!tpu.dma_semaphore, #tpu.memory_space<semaphore_mem>>
      %dma_start3A_84 = tpu.memref_squeeze %dma_start3A_83 : memref<1x!tpu.dma_semaphore, #tpu.memory_space<semaphore_mem>> -> memref<!tpu.dma_semaphore, #tpu.memory_space<semaphore_mem>>
      tpu.enqueue_indirect_dma source(%dma_start3A_82 : memref<11264x32xf32, #tpu.memory_space<hbm>>) target(%dma_start3A_76 : memref<128x32xf32, #tpu.memory_space<vmem>>) offsets(%dma_start3A_79 : memref<128xi32, #tpu.memory_space<vmem>>) semaphore(%dma_start3A_84 : memref<!tpu.dma_semaphore, #tpu.memory_space<semaphore_mem>>)
      %dma_start3A_85 = arith.constant 5 : i32
      %dma_start3A_86 = arith.constant 5 : i32
      %dma_start3A_87 = arith.constant 5 : i32
      %dma_start3A_88 = arith.constant 0 : i32
      %dma_start3A_89 = arith.constant 0 : i32
      %dma_start3A_90 = tpu.memref_slice %arg11[%dma_start3A_86, %dma_start3A_88, %dma_start3A_89] : memref<8x128x32xf32, #tpu.memory_space<vmem>> -> memref<1x128x32xf32, #tpu.memory_space<vmem>>
      %dma_start3A_91 = tpu.memref_squeeze %dma_start3A_90 : memref<1x128x32xf32, #tpu.memory_space<vmem>> -> memref<128x32xf32, #tpu.memory_space<vmem>>
      %dma_start3A_92 = arith.constant 0 : i32
      %dma_start3A_93 = tpu.memref_slice %arg9[%dma_start3A_85, %dma_start3A_92] : memref<160x128xi32, #tpu.memory_space<vmem>> -> memref<1x128xi32, #tpu.memory_space<vmem>>
      %dma_start3A_94 = tpu.memref_squeeze %dma_start3A_93 : memref<1x128xi32, #tpu.memory_space<vmem>> -> memref<128xi32, #tpu.memory_space<vmem>>
      %dma_start3A_95 = arith.constant 0 : i32
      %dma_start3A_96 = arith.constant 0 : i32
      %dma_start3A_97 = tpu.memref_slice %arg3[%dma_start3A_95, %dma_start3A_96] : memref<11264x32xf32, #tpu.memory_space<hbm>> -> memref<11264x32xf32, #tpu.memory_space<hbm>>
      %dma_start3A_98 = tpu.memref_slice %arg12[%dma_start3A_87] : memref<8x!tpu.dma_semaphore, #tpu.memory_space<semaphore_mem>> -> memref<1x!tpu.dma_semaphore, #tpu.memory_space<semaphore_mem>>
      %dma_start3A_99 = tpu.memref_squeeze %dma_start3A_98 : memref<1x!tpu.dma_semaphore, #tpu.memory_space<semaphore_mem>> -> memref<!tpu.dma_semaphore, #tpu.memory_space<semaphore_mem>>
      tpu.enqueue_indirect_dma source(%dma_start3A_97 : memref<11264x32xf32, #tpu.memory_space<hbm>>) target(%dma_start3A_91 : memref<128x32xf32, #tpu.memory_space<vmem>>) offsets(%dma_start3A_94 : memref<128xi32, #tpu.memory_space<vmem>>) semaphore(%dma_start3A_99 : memref<!tpu.dma_semaphore, #tpu.memory_space<semaphore_mem>>)
      %dma_start3A_100 = arith.constant 6 : i32
      %dma_start3A_101 = arith.constant 6 : i32
      %dma_start3A_102 = arith.constant 6 : i32
      %dma_start3A_103 = arith.constant 0 : i32
      %dma_start3A_104 = arith.constant 0 : i32
      %dma_start3A_105 = tpu.memref_slice %arg11[%dma_start3A_101, %dma_start3A_103, %dma_start3A_104] : memref<8x128x32xf32, #tpu.memory_space<vmem>> -> memref<1x128x32xf32, #tpu.memory_space<vmem>>
      %dma_start3A_106 = tpu.memref_squeeze %dma_start3A_105 : memref<1x128x32xf32, #tpu.memory_space<vmem>> -> memref<128x32xf32, #tpu.memory_space<vmem>>
      %dma_start3A_107 = arith.constant 0 : i32
      %dma_start3A_108 = tpu.memref_slice %arg9[%dma_start3A_100, %dma_start3A_107] : memref<160x128xi32, #tpu.memory_space<vmem>> -> memref<1x128xi32, #tpu.memory_space<vmem>>
      %dma_start3A_109 = tpu.memref_squeeze %dma_start3A_108 : memref<1x128xi32, #tpu.memory_space<vmem>> -> memref<128xi32, #tpu.memory_space<vmem>>
      %dma_start3A_110 = arith.constant 0 : i32
      %dma_start3A_111 = arith.constant 0 : i32
      %dma_start3A_112 = tpu.memref_slice %arg3[%dma_start3A_110, %dma_start3A_111] : memref<11264x32xf32, #tpu.memory_space<hbm>> -> memref<11264x32xf32, #tpu.memory_space<hbm>>
      %dma_start3A_113 = tpu.memref_slice %arg12[%dma_start3A_102] : memref<8x!tpu.dma_semaphore, #tpu.memory_space<semaphore_mem>> -> memref<1x!tpu.dma_semaphore, #tpu.memory_space<semaphore_mem>>
      %dma_start3A_114 = tpu.memref_squeeze %dma_start3A_113 : memref<1x!tpu.dma_semaphore, #tpu.memory_space<semaphore_mem>> -> memref<!tpu.dma_semaphore, #tpu.memory_space<semaphore_mem>>
      tpu.enqueue_indirect_dma source(%dma_start3A_112 : memref<11264x32xf32, #tpu.memory_space<hbm>>) target(%dma_start3A_106 : memref<128x32xf32, #tpu.memory_space<vmem>>) offsets(%dma_start3A_109 : memref<128xi32, #tpu.memory_space<vmem>>) semaphore(%dma_start3A_114 : memref<!tpu.dma_semaphore, #tpu.memory_space<semaphore_mem>>)
      %dma_start3A_115 = arith.constant 7 : i32
      %dma_start3A_116 = arith.constant 7 : i32
      %dma_start3A_117 = arith.constant 7 : i32
      %dma_start3A_118 = arith.constant 0 : i32
      %dma_start3A_119 = arith.constant 0 : i32
      %dma_start3A_120 = tpu.memref_slice %arg11[%dma_start3A_116, %dma_start3A_118, %dma_start3A_119] : memref<8x128x32xf32, #tpu.memory_space<vmem>> -> memref<1x128x32xf32, #tpu.memory_space<vmem>>
      %dma_start3A_121 = tpu.memref_squeeze %dma_start3A_120 : memref<1x128x32xf32, #tpu.memory_space<vmem>> -> memref<128x32xf32, #tpu.memory_space<vmem>>
      %dma_start3A_122 = arith.constant 0 : i32
      %dma_start3A_123 = tpu.memref_slice %arg9[%dma_start3A_115, %dma_start3A_122] : memref<160x128xi32, #tpu.memory_space<vmem>> -> memref<1x128xi32, #tpu.memory_space<vmem>>
      %dma_start3A_124 = tpu.memref_squeeze %dma_start3A_123 : memref<1x128xi32, #tpu.memory_space<vmem>> -> memref<128xi32, #tpu.memory_space<vmem>>
      %dma_start3A_125 = arith.constant 0 : i32
      %dma_start3A_126 = arith.constant 0 : i32
      %dma_start3A_127 = tpu.memref_slice %arg3[%dma_start3A_125, %dma_start3A_126] : memref<11264x32xf32, #tpu.memory_space<hbm>> -> memref<11264x32xf32, #tpu.memory_space<hbm>>
      %dma_start3A_128 = tpu.memref_slice %arg12[%dma_start3A_117] : memref<8x!tpu.dma_semaphore, #tpu.memory_space<semaphore_mem>> -> memref<1x!tpu.dma_semaphore, #tpu.memory_space<semaphore_mem>>
      %dma_start3A_129 = tpu.memref_squeeze %dma_start3A_128 : memref<1x!tpu.dma_semaphore, #tpu.memory_space<semaphore_mem>> -> memref<!tpu.dma_semaphore, #tpu.memory_space<semaphore_mem>>
      tpu.enqueue_indirect_dma source(%dma_start3A_127 : memref<11264x32xf32, #tpu.memory_space<hbm>>) target(%dma_start3A_121 : memref<128x32xf32, #tpu.memory_space<vmem>>) offsets(%dma_start3A_124 : memref<128xi32, #tpu.memory_space<vmem>>) semaphore(%dma_start3A_129 : memref<!tpu.dma_semaphore, #tpu.memory_space<semaphore_mem>>)
      %scan3A = arith.constant 0 : i32
      %scan3A_130 = arith.constant 20 : i32
      %scan3A_131 = arith.addi %scan3A, %scan3A_130 : i32
      %scan3A_132 = arith.constant 1 : i32
      scf.for %scan3A_135 = %scan3A to %scan3A_131 step %scan3A_132  : i32 {
        %mul3A_136 = arith.constant 1 : i32
        %mul3A_137 = arith.muli %scan3A_135, %mul3A_136 : i32
        %add3A = arith.constant 0 : i32
        %add3A_138 = arith.addi %add3A, %mul3A_137 : i32
        %mul3A_139 = arith.constant 8 : i32
        %mul3A_140 = arith.muli %add3A_138, %mul3A_139 : i32
        %add3A_141 = arith.constant 0 : i32
        %add3A_142 = arith.addi %mul3A_140, %add3A_141 : i32
        %dma_wait3A = arith.constant 0 : i32
        %dma_wait3A_143 = arith.constant 0 : i32
        %dma_wait3A_144 = arith.constant 0 : i32
        %dma_wait3A_145 = arith.constant 0 : i32
        %dma_wait3A_146 = tpu.memref_slice %arg11[%dma_wait3A, %dma_wait3A_144, %dma_wait3A_145] : memref<8x128x32xf32, #tpu.memory_space<vmem>> -> memref<1x128x32xf32, #tpu.memory_space<vmem>>
        %dma_wait3A_147 = tpu.memref_squeeze %dma_wait3A_146 : memref<1x128x32xf32, #tpu.memory_space<vmem>> -> memref<128x32xf32, #tpu.memory_space<vmem>>
        %dma_wait3A_148 = arith.constant 0 : i32
        %dma_wait3A_149 = tpu.memref_slice %arg9[%add3A_142, %dma_wait3A_148] : memref<160x128xi32, #tpu.memory_space<vmem>> -> memref<1x128xi32, #tpu.memory_space<vmem>>
        %dma_wait3A_150 = tpu.memref_squeeze %dma_wait3A_149 : memref<1x128xi32, #tpu.memory_space<vmem>> -> memref<128xi32, #tpu.memory_space<vmem>>
        %dma_wait3A_151 = arith.constant 0 : i32
        %dma_wait3A_152 = arith.constant 0 : i32
        %dma_wait3A_153 = tpu.memref_slice %arg3[%dma_wait3A_151, %dma_wait3A_152] : memref<11264x32xf32, #tpu.memory_space<hbm>> -> memref<11264x32xf32, #tpu.memory_space<hbm>>
        %dma_wait3A_154 = tpu.memref_slice %arg12[%dma_wait3A_143] : memref<8x!tpu.dma_semaphore, #tpu.memory_space<semaphore_mem>> -> memref<1x!tpu.dma_semaphore, #tpu.memory_space<semaphore_mem>>
        %dma_wait3A_155 = tpu.memref_squeeze %dma_wait3A_154 : memref<1x!tpu.dma_semaphore, #tpu.memory_space<semaphore_mem>> -> memref<!tpu.dma_semaphore, #tpu.memory_space<semaphore_mem>>
        tpu.wait_indirect_dma semaphore(%dma_wait3A_155 : memref<!tpu.dma_semaphore, #tpu.memory_space<semaphore_mem>>) src(%dma_wait3A_153 : memref<11264x32xf32, #tpu.memory_space<hbm>>) dst(%dma_wait3A_147 : memref<128x32xf32, #tpu.memory_space<vmem>>)
        %run_scoped3A = arith.constant 0 : i32
        "tpu.region"() ({
          %run_scoped3A_344 = tpu.sem_alloc : memref<!tpu.dma_semaphore, #tpu.memory_space<semaphore_mem>>
          %dma_start3A_345 = arith.constant 0 : i32
          %dma_start3A_346 = arith.constant 0 : i32
          %dma_start3A_347 = tpu.memref_slice %arg11[%run_scoped3A, %dma_start3A_345, %dma_start3A_346] : memref<8x128x32xf32, #tpu.memory_space<vmem>> -> memref<1x128x32xf32, #tpu.memory_space<vmem>>
          %dma_start3A_348 = tpu.memref_squeeze %dma_start3A_347 : memref<1x128x32xf32, #tpu.memory_space<vmem>> -> memref<128x32xf32, #tpu.memory_space<vmem>>
          %dma_start3A_349 = arith.constant 0 : i32
          %dma_start3A_350 = tpu.memref_slice %arg10[%add3A_142, %dma_start3A_349] : memref<160x128xi32, #tpu.memory_space<vmem>> -> memref<1x128xi32, #tpu.memory_space<vmem>>
          %dma_start3A_351 = tpu.memref_squeeze %dma_start3A_350 : memref<1x128xi32, #tpu.memory_space<vmem>> -> memref<128xi32, #tpu.memory_space<vmem>>
          %dma_start3A_352 = arith.constant 0 : i32
          %dma_start3A_353 = arith.constant 0 : i32
          %dma_start3A_354 = tpu.memref_slice %arg8[%dma_start3A_352, %dma_start3A_353] : memref<11264x32xf32, #tpu.memory_space<vmem_shared>> -> memref<11264x32xf32, #tpu.memory_space<vmem_shared>>
          tpu.enqueue_indirect_dma source(%dma_start3A_348 : memref<128x32xf32, #tpu.memory_space<vmem>>) target(%dma_start3A_354 : memref<11264x32xf32, #tpu.memory_space<vmem_shared>>) offsets(%dma_start3A_351 : memref<128xi32, #tpu.memory_space<vmem>>) semaphore(%run_scoped3A_344 : memref<!tpu.dma_semaphore, #tpu.memory_space<semaphore_mem>>) {add = true}
          %dma_wait3A_355 = arith.constant 0 : i32
          %dma_wait3A_356 = arith.constant 0 : i32
          %dma_wait3A_357 = tpu.memref_slice %arg11[%run_scoped3A, %dma_wait3A_355, %dma_wait3A_356] : memref<8x128x32xf32, #tpu.memory_space<vmem>> -> memref<1x128x32xf32, #tpu.memory_space<vmem>>
          %dma_wait3A_358 = tpu.memref_squeeze %dma_wait3A_357 : memref<1x128x32xf32, #tpu.memory_space<vmem>> -> memref<128x32xf32, #tpu.memory_space<vmem>>
          %dma_wait3A_359 = arith.constant 0 : i32
          %dma_wait3A_360 = tpu.memref_slice %arg10[%add3A_142, %dma_wait3A_359] : memref<160x128xi32, #tpu.memory_space<vmem>> -> memref<1x128xi32, #tpu.memory_space<vmem>>
          %dma_wait3A_361 = tpu.memref_squeeze %dma_wait3A_360 : memref<1x128xi32, #tpu.memory_space<vmem>> -> memref<128xi32, #tpu.memory_space<vmem>>
          %dma_wait3A_362 = arith.constant 0 : i32
          %dma_wait3A_363 = arith.constant 0 : i32
          %dma_wait3A_364 = tpu.memref_slice %arg8[%dma_wait3A_362, %dma_wait3A_363] : memref<11264x32xf32, #tpu.memory_space<vmem_shared>> -> memref<11264x32xf32, #tpu.memory_space<vmem_shared>>
          tpu.wait_indirect_dma semaphore(%run_scoped3A_344 : memref<!tpu.dma_semaphore, #tpu.memory_space<semaphore_mem>>) src(%dma_wait3A_358 : memref<128x32xf32, #tpu.memory_space<vmem>>) dst(%dma_wait3A_364 : memref<11264x32xf32, #tpu.memory_space<vmem_shared>>)
          tpu.yield
        }) : () -> ()
        %add3A_156 = arith.constant 8 : i32
        %add3A_157 = arith.addi %add3A_142, %add3A_156 : i32
        %lt3A = arith.constant 160 : i32
        %lt3A_158 = arith.cmpi slt, %add3A_157, %lt3A : i32
        %convert_element_type3A_159 = arith.extui %lt3A_158 : i1 to i32
        %cond3A_160 = arith.constant 0 : i32
        %cond3A_161 = arith.cmpi ne, %convert_element_type3A_159, %cond3A_160 : i32
        scf.if %cond3A_161 {
          %add3A_344 = arith.constant 8 : i32
          %add3A_345 = arith.addi %add3A_142, %add3A_344 : i32
          %dma_start3A_346 = arith.constant 0 : i32
          %dma_start3A_347 = arith.constant 0 : i32
          %dma_start3A_348 = arith.constant 0 : i32
          %dma_start3A_349 = arith.constant 0 : i32
          %dma_start3A_350 = tpu.memref_slice %arg11[%dma_start3A_346, %dma_start3A_348, %dma_start3A_349] : memref<8x128x32xf32, #tpu.memory_space<vmem>> -> memref<1x128x32xf32, #tpu.memory_space<vmem>>
          %dma_start3A_351 = tpu.memref_squeeze %dma_start3A_350 : memref<1x128x32xf32, #tpu.memory_space<vmem>> -> memref<128x32xf32, #tpu.memory_space<vmem>>
          %dma_start3A_352 = arith.constant 0 : i32
          %dma_start3A_353 = tpu.memref_slice %arg9[%add3A_345, %dma_start3A_352] : memref<160x128xi32, #tpu.memory_space<vmem>> -> memref<1x128xi32, #tpu.memory_space<vmem>>
          %dma_start3A_354 = tpu.memref_squeeze %dma_start3A_353 : memref<1x128xi32, #tpu.memory_space<vmem>> -> memref<128xi32, #tpu.memory_space<vmem>>
          %dma_start3A_355 = arith.constant 0 : i32
          %dma_start3A_356 = arith.constant 0 : i32
          %dma_start3A_357 = tpu.memref_slice %arg3[%dma_start3A_355, %dma_start3A_356] : memref<11264x32xf32, #tpu.memory_space<hbm>> -> memref<11264x32xf32, #tpu.memory_space<hbm>>
          %dma_start3A_358 = tpu.memref_slice %arg12[%dma_start3A_347] : memref<8x!tpu.dma_semaphore, #tpu.memory_space<semaphore_mem>> -> memref<1x!tpu.dma_semaphore, #tpu.memory_space<semaphore_mem>>
          %dma_start3A_359 = tpu.memref_squeeze %dma_start3A_358 : memref<1x!tpu.dma_semaphore, #tpu.memory_space<semaphore_mem>> -> memref<!tpu.dma_semaphore, #tpu.memory_space<semaphore_mem>>
          tpu.enqueue_indirect_dma source(%dma_start3A_357 : memref<11264x32xf32, #tpu.memory_space<hbm>>) target(%dma_start3A_351 : memref<128x32xf32, #tpu.memory_space<vmem>>) offsets(%dma_start3A_354 : memref<128xi32, #tpu.memory_space<vmem>>) semaphore(%dma_start3A_359 : memref<!tpu.dma_semaphore, #tpu.memory_space<semaphore_mem>>)
        } else {
        }
        %mul3A_162 = arith.constant 8 : i32
        %mul3A_163 = arith.muli %add3A_138, %mul3A_162 : i32
        %add3A_164 = arith.constant 1 : i32
        %add3A_165 = arith.addi %mul3A_163, %add3A_164 : i32
        %dma_wait3A_166 = arith.constant 1 : i32
        %dma_wait3A_167 = arith.constant 1 : i32
        %dma_wait3A_168 = arith.constant 0 : i32
        %dma_wait3A_169 = arith.constant 0 : i32
        %dma_wait3A_170 = tpu.memref_slice %arg11[%dma_wait3A_166, %dma_wait3A_168, %dma_wait3A_169] : memref<8x128x32xf32, #tpu.memory_space<vmem>> -> memref<1x128x32xf32, #tpu.memory_space<vmem>>
        %dma_wait3A_171 = tpu.memref_squeeze %dma_wait3A_170 : memref<1x128x32xf32, #tpu.memory_space<vmem>> -> memref<128x32xf32, #tpu.memory_space<vmem>>
        %dma_wait3A_172 = arith.constant 0 : i32
        %dma_wait3A_173 = tpu.memref_slice %arg9[%add3A_165, %dma_wait3A_172] : memref<160x128xi32, #tpu.memory_space<vmem>> -> memref<1x128xi32, #tpu.memory_space<vmem>>
        %dma_wait3A_174 = tpu.memref_squeeze %dma_wait3A_173 : memref<1x128xi32, #tpu.memory_space<vmem>> -> memref<128xi32, #tpu.memory_space<vmem>>
        %dma_wait3A_175 = arith.constant 0 : i32
        %dma_wait3A_176 = arith.constant 0 : i32
        %dma_wait3A_177 = tpu.memref_slice %arg3[%dma_wait3A_175, %dma_wait3A_176] : memref<11264x32xf32, #tpu.memory_space<hbm>> -> memref<11264x32xf32, #tpu.memory_space<hbm>>
        %dma_wait3A_178 = tpu.memref_slice %arg12[%dma_wait3A_167] : memref<8x!tpu.dma_semaphore, #tpu.memory_space<semaphore_mem>> -> memref<1x!tpu.dma_semaphore, #tpu.memory_space<semaphore_mem>>
        %dma_wait3A_179 = tpu.memref_squeeze %dma_wait3A_178 : memref<1x!tpu.dma_semaphore, #tpu.memory_space<semaphore_mem>> -> memref<!tpu.dma_semaphore, #tpu.memory_space<semaphore_mem>>
        tpu.wait_indirect_dma semaphore(%dma_wait3A_179 : memref<!tpu.dma_semaphore, #tpu.memory_space<semaphore_mem>>) src(%dma_wait3A_177 : memref<11264x32xf32, #tpu.memory_space<hbm>>) dst(%dma_wait3A_171 : memref<128x32xf32, #tpu.memory_space<vmem>>)
        %run_scoped3A_180 = arith.constant 1 : i32
        "tpu.region"() ({
          %run_scoped3A_344 = tpu.sem_alloc : memref<!tpu.dma_semaphore, #tpu.memory_space<semaphore_mem>>
          %dma_start3A_345 = arith.constant 0 : i32
          %dma_start3A_346 = arith.constant 0 : i32
          %dma_start3A_347 = tpu.memref_slice %arg11[%run_scoped3A_180, %dma_start3A_345, %dma_start3A_346] : memref<8x128x32xf32, #tpu.memory_space<vmem>> -> memref<1x128x32xf32, #tpu.memory_space<vmem>>
          %dma_start3A_348 = tpu.memref_squeeze %dma_start3A_347 : memref<1x128x32xf32, #tpu.memory_space<vmem>> -> memref<128x32xf32, #tpu.memory_space<vmem>>
          %dma_start3A_349 = arith.constant 0 : i32
          %dma_start3A_350 = tpu.memref_slice %arg10[%add3A_165, %dma_start3A_349] : memref<160x128xi32, #tpu.memory_space<vmem>> -> memref<1x128xi32, #tpu.memory_space<vmem>>
          %dma_start3A_351 = tpu.memref_squeeze %dma_start3A_350 : memref<1x128xi32, #tpu.memory_space<vmem>> -> memref<128xi32, #tpu.memory_space<vmem>>
          %dma_start3A_352 = arith.constant 0 : i32
          %dma_start3A_353 = arith.constant 0 : i32
          %dma_start3A_354 = tpu.memref_slice %arg8[%dma_start3A_352, %dma_start3A_353] : memref<11264x32xf32, #tpu.memory_space<vmem_shared>> -> memref<11264x32xf32, #tpu.memory_space<vmem_shared>>
          tpu.enqueue_indirect_dma source(%dma_start3A_348 : memref<128x32xf32, #tpu.memory_space<vmem>>) target(%dma_start3A_354 : memref<11264x32xf32, #tpu.memory_space<vmem_shared>>) offsets(%dma_start3A_351 : memref<128xi32, #tpu.memory_space<vmem>>) semaphore(%run_scoped3A_344 : memref<!tpu.dma_semaphore, #tpu.memory_space<semaphore_mem>>) {add = true}
          %dma_wait3A_355 = arith.constant 0 : i32
          %dma_wait3A_356 = arith.constant 0 : i32
          %dma_wait3A_357 = tpu.memref_slice %arg11[%run_scoped3A_180, %dma_wait3A_355, %dma_wait3A_356] : memref<8x128x32xf32, #tpu.memory_space<vmem>> -> memref<1x128x32xf32, #tpu.memory_space<vmem>>
          %dma_wait3A_358 = tpu.memref_squeeze %dma_wait3A_357 : memref<1x128x32xf32, #tpu.memory_space<vmem>> -> memref<128x32xf32, #tpu.memory_space<vmem>>
          %dma_wait3A_359 = arith.constant 0 : i32
          %dma_wait3A_360 = tpu.memref_slice %arg10[%add3A_165, %dma_wait3A_359] : memref<160x128xi32, #tpu.memory_space<vmem>> -> memref<1x128xi32, #tpu.memory_space<vmem>>
          %dma_wait3A_361 = tpu.memref_squeeze %dma_wait3A_360 : memref<1x128xi32, #tpu.memory_space<vmem>> -> memref<128xi32, #tpu.memory_space<vmem>>
          %dma_wait3A_362 = arith.constant 0 : i32
          %dma_wait3A_363 = arith.constant 0 : i32
          %dma_wait3A_364 = tpu.memref_slice %arg8[%dma_wait3A_362, %dma_wait3A_363] : memref<11264x32xf32, #tpu.memory_space<vmem_shared>> -> memref<11264x32xf32, #tpu.memory_space<vmem_shared>>
          tpu.wait_indirect_dma semaphore(%run_scoped3A_344 : memref<!tpu.dma_semaphore, #tpu.memory_space<semaphore_mem>>) src(%dma_wait3A_358 : memref<128x32xf32, #tpu.memory_space<vmem>>) dst(%dma_wait3A_364 : memref<11264x32xf32, #tpu.memory_space<vmem_shared>>)
          tpu.yield
        }) : () -> ()
        %add3A_181 = arith.constant 8 : i32
        %add3A_182 = arith.addi %add3A_165, %add3A_181 : i32
        %lt3A_183 = arith.constant 160 : i32
        %lt3A_184 = arith.cmpi slt, %add3A_182, %lt3A_183 : i32
        %convert_element_type3A_185 = arith.extui %lt3A_184 : i1 to i32
        %cond3A_186 = arith.constant 0 : i32
        %cond3A_187 = arith.cmpi ne, %convert_element_type3A_185, %cond3A_186 : i32
        scf.if %cond3A_187 {
          %add3A_344 = arith.constant 8 : i32
          %add3A_345 = arith.addi %add3A_165, %add3A_344 : i32
          %dma_start3A_346 = arith.constant 1 : i32
          %dma_start3A_347 = arith.constant 1 : i32
          %dma_start3A_348 = arith.constant 0 : i32
          %dma_start3A_349 = arith.constant 0 : i32
          %dma_start3A_350 = tpu.memref_slice %arg11[%dma_start3A_346, %dma_start3A_348, %dma_start3A_349] : memref<8x128x32xf32, #tpu.memory_space<vmem>> -> memref<1x128x32xf32, #tpu.memory_space<vmem>>
          %dma_start3A_351 = tpu.memref_squeeze %dma_start3A_350 : memref<1x128x32xf32, #tpu.memory_space<vmem>> -> memref<128x32xf32, #tpu.memory_space<vmem>>
          %dma_start3A_352 = arith.constant 0 : i32
          %dma_start3A_353 = tpu.memref_slice %arg9[%add3A_345, %dma_start3A_352] : memref<160x128xi32, #tpu.memory_space<vmem>> -> memref<1x128xi32, #tpu.memory_space<vmem>>
          %dma_start3A_354 = tpu.memref_squeeze %dma_start3A_353 : memref<1x128xi32, #tpu.memory_space<vmem>> -> memref<128xi32, #tpu.memory_space<vmem>>
          %dma_start3A_355 = arith.constant 0 : i32
          %dma_start3A_356 = arith.constant 0 : i32
          %dma_start3A_357 = tpu.memref_slice %arg3[%dma_start3A_355, %dma_start3A_356] : memref<11264x32xf32, #tpu.memory_space<hbm>> -> memref<11264x32xf32, #tpu.memory_space<hbm>>
          %dma_start3A_358 = tpu.memref_slice %arg12[%dma_start3A_347] : memref<8x!tpu.dma_semaphore, #tpu.memory_space<semaphore_mem>> -> memref<1x!tpu.dma_semaphore, #tpu.memory_space<semaphore_mem>>
          %dma_start3A_359 = tpu.memref_squeeze %dma_start3A_358 : memref<1x!tpu.dma_semaphore, #tpu.memory_space<semaphore_mem>> -> memref<!tpu.dma_semaphore, #tpu.memory_space<semaphore_mem>>
          tpu.enqueue_indirect_dma source(%dma_start3A_357 : memref<11264x32xf32, #tpu.memory_space<hbm>>) target(%dma_start3A_351 : memref<128x32xf32, #tpu.memory_space<vmem>>) offsets(%dma_start3A_354 : memref<128xi32, #tpu.memory_space<vmem>>) semaphore(%dma_start3A_359 : memref<!tpu.dma_semaphore, #tpu.memory_space<semaphore_mem>>)
        } else {
        }
        %mul3A_188 = arith.constant 8 : i32
        %mul3A_189 = arith.muli %add3A_138, %mul3A_188 : i32
        %add3A_190 = arith.constant 2 : i32
        %add3A_191 = arith.addi %mul3A_189, %add3A_190 : i32
        %dma_wait3A_192 = arith.constant 2 : i32
        %dma_wait3A_193 = arith.constant 2 : i32
        %dma_wait3A_194 = arith.constant 0 : i32
        %dma_wait3A_195 = arith.constant 0 : i32
        %dma_wait3A_196 = tpu.memref_slice %arg11[%dma_wait3A_192, %dma_wait3A_194, %dma_wait3A_195] : memref<8x128x32xf32, #tpu.memory_space<vmem>> -> memref<1x128x32xf32, #tpu.memory_space<vmem>>
        %dma_wait3A_197 = tpu.memref_squeeze %dma_wait3A_196 : memref<1x128x32xf32, #tpu.memory_space<vmem>> -> memref<128x32xf32, #tpu.memory_space<vmem>>
        %dma_wait3A_198 = arith.constant 0 : i32
        %dma_wait3A_199 = tpu.memref_slice %arg9[%add3A_191, %dma_wait3A_198] : memref<160x128xi32, #tpu.memory_space<vmem>> -> memref<1x128xi32, #tpu.memory_space<vmem>>
        %dma_wait3A_200 = tpu.memref_squeeze %dma_wait3A_199 : memref<1x128xi32, #tpu.memory_space<vmem>> -> memref<128xi32, #tpu.memory_space<vmem>>
        %dma_wait3A_201 = arith.constant 0 : i32
        %dma_wait3A_202 = arith.constant 0 : i32
        %dma_wait3A_203 = tpu.memref_slice %arg3[%dma_wait3A_201, %dma_wait3A_202] : memref<11264x32xf32, #tpu.memory_space<hbm>> -> memref<11264x32xf32, #tpu.memory_space<hbm>>
        %dma_wait3A_204 = tpu.memref_slice %arg12[%dma_wait3A_193] : memref<8x!tpu.dma_semaphore, #tpu.memory_space<semaphore_mem>> -> memref<1x!tpu.dma_semaphore, #tpu.memory_space<semaphore_mem>>
        %dma_wait3A_205 = tpu.memref_squeeze %dma_wait3A_204 : memref<1x!tpu.dma_semaphore, #tpu.memory_space<semaphore_mem>> -> memref<!tpu.dma_semaphore, #tpu.memory_space<semaphore_mem>>
        tpu.wait_indirect_dma semaphore(%dma_wait3A_205 : memref<!tpu.dma_semaphore, #tpu.memory_space<semaphore_mem>>) src(%dma_wait3A_203 : memref<11264x32xf32, #tpu.memory_space<hbm>>) dst(%dma_wait3A_197 : memref<128x32xf32, #tpu.memory_space<vmem>>)
        %run_scoped3A_206 = arith.constant 2 : i32
        "tpu.region"() ({
          %run_scoped3A_344 = tpu.sem_alloc : memref<!tpu.dma_semaphore, #tpu.memory_space<semaphore_mem>>
          %dma_start3A_345 = arith.constant 0 : i32
          %dma_start3A_346 = arith.constant 0 : i32
          %dma_start3A_347 = tpu.memref_slice %arg11[%run_scoped3A_206, %dma_start3A_345, %dma_start3A_346] : memref<8x128x32xf32, #tpu.memory_space<vmem>> -> memref<1x128x32xf32, #tpu.memory_space<vmem>>
          %dma_start3A_348 = tpu.memref_squeeze %dma_start3A_347 : memref<1x128x32xf32, #tpu.memory_space<vmem>> -> memref<128x32xf32, #tpu.memory_space<vmem>>
          %dma_start3A_349 = arith.constant 0 : i32
          %dma_start3A_350 = tpu.memref_slice %arg10[%add3A_191, %dma_start3A_349] : memref<160x128xi32, #tpu.memory_space<vmem>> -> memref<1x128xi32, #tpu.memory_space<vmem>>
          %dma_start3A_351 = tpu.memref_squeeze %dma_start3A_350 : memref<1x128xi32, #tpu.memory_space<vmem>> -> memref<128xi32, #tpu.memory_space<vmem>>
          %dma_start3A_352 = arith.constant 0 : i32
          %dma_start3A_353 = arith.constant 0 : i32
          %dma_start3A_354 = tpu.memref_slice %arg8[%dma_start3A_352, %dma_start3A_353] : memref<11264x32xf32, #tpu.memory_space<vmem_shared>> -> memref<11264x32xf32, #tpu.memory_space<vmem_shared>>
          tpu.enqueue_indirect_dma source(%dma_start3A_348 : memref<128x32xf32, #tpu.memory_space<vmem>>) target(%dma_start3A_354 : memref<11264x32xf32, #tpu.memory_space<vmem_shared>>) offsets(%dma_start3A_351 : memref<128xi32, #tpu.memory_space<vmem>>) semaphore(%run_scoped3A_344 : memref<!tpu.dma_semaphore, #tpu.memory_space<semaphore_mem>>) {add = true}
          %dma_wait3A_355 = arith.constant 0 : i32
          %dma_wait3A_356 = arith.constant 0 : i32
          %dma_wait3A_357 = tpu.memref_slice %arg11[%run_scoped3A_206, %dma_wait3A_355, %dma_wait3A_356] : memref<8x128x32xf32, #tpu.memory_space<vmem>> -> memref<1x128x32xf32, #tpu.memory_space<vmem>>
          %dma_wait3A_358 = tpu.memref_squeeze %dma_wait3A_357 : memref<1x128x32xf32, #tpu.memory_space<vmem>> -> memref<128x32xf32, #tpu.memory_space<vmem>>
          %dma_wait3A_359 = arith.constant 0 : i32
          %dma_wait3A_360 = tpu.memref_slice %arg10[%add3A_191, %dma_wait3A_359] : memref<160x128xi32, #tpu.memory_space<vmem>> -> memref<1x128xi32, #tpu.memory_space<vmem>>
          %dma_wait3A_361 = tpu.memref_squeeze %dma_wait3A_360 : memref<1x128xi32, #tpu.memory_space<vmem>> -> memref<128xi32, #tpu.memory_space<vmem>>
          %dma_wait3A_362 = arith.constant 0 : i32
          %dma_wait3A_363 = arith.constant 0 : i32
          %dma_wait3A_364 = tpu.memref_slice %arg8[%dma_wait3A_362, %dma_wait3A_363] : memref<11264x32xf32, #tpu.memory_space<vmem_shared>> -> memref<11264x32xf32, #tpu.memory_space<vmem_shared>>
          tpu.wait_indirect_dma semaphore(%run_scoped3A_344 : memref<!tpu.dma_semaphore, #tpu.memory_space<semaphore_mem>>) src(%dma_wait3A_358 : memref<128x32xf32, #tpu.memory_space<vmem>>) dst(%dma_wait3A_364 : memref<11264x32xf32, #tpu.memory_space<vmem_shared>>)
          tpu.yield
        }) : () -> ()
        %add3A_207 = arith.constant 8 : i32
        %add3A_208 = arith.addi %add3A_191, %add3A_207 : i32
        %lt3A_209 = arith.constant 160 : i32
        %lt3A_210 = arith.cmpi slt, %add3A_208, %lt3A_209 : i32
        %convert_element_type3A_211 = arith.extui %lt3A_210 : i1 to i32
        %cond3A_212 = arith.constant 0 : i32
        %cond3A_213 = arith.cmpi ne, %convert_element_type3A_211, %cond3A_212 : i32
        scf.if %cond3A_213 {
          %add3A_344 = arith.constant 8 : i32
          %add3A_345 = arith.addi %add3A_191, %add3A_344 : i32
          %dma_start3A_346 = arith.constant 2 : i32
          %dma_start3A_347 = arith.constant 2 : i32
          %dma_start3A_348 = arith.constant 0 : i32
          %dma_start3A_349 = arith.constant 0 : i32
          %dma_start3A_350 = tpu.memref_slice %arg11[%dma_start3A_346, %dma_start3A_348, %dma_start3A_349] : memref<8x128x32xf32, #tpu.memory_space<vmem>> -> memref<1x128x32xf32, #tpu.memory_space<vmem>>
          %dma_start3A_351 = tpu.memref_squeeze %dma_start3A_350 : memref<1x128x32xf32, #tpu.memory_space<vmem>> -> memref<128x32xf32, #tpu.memory_space<vmem>>
          %dma_start3A_352 = arith.constant 0 : i32
          %dma_start3A_353 = tpu.memref_slice %arg9[%add3A_345, %dma_start3A_352] : memref<160x128xi32, #tpu.memory_space<vmem>> -> memref<1x128xi32, #tpu.memory_space<vmem>>
          %dma_start3A_354 = tpu.memref_squeeze %dma_start3A_353 : memref<1x128xi32, #tpu.memory_space<vmem>> -> memref<128xi32, #tpu.memory_space<vmem>>
          %dma_start3A_355 = arith.constant 0 : i32
          %dma_start3A_356 = arith.constant 0 : i32
          %dma_start3A_357 = tpu.memref_slice %arg3[%dma_start3A_355, %dma_start3A_356] : memref<11264x32xf32, #tpu.memory_space<hbm>> -> memref<11264x32xf32, #tpu.memory_space<hbm>>
          %dma_start3A_358 = tpu.memref_slice %arg12[%dma_start3A_347] : memref<8x!tpu.dma_semaphore, #tpu.memory_space<semaphore_mem>> -> memref<1x!tpu.dma_semaphore, #tpu.memory_space<semaphore_mem>>
          %dma_start3A_359 = tpu.memref_squeeze %dma_start3A_358 : memref<1x!tpu.dma_semaphore, #tpu.memory_space<semaphore_mem>> -> memref<!tpu.dma_semaphore, #tpu.memory_space<semaphore_mem>>
          tpu.enqueue_indirect_dma source(%dma_start3A_357 : memref<11264x32xf32, #tpu.memory_space<hbm>>) target(%dma_start3A_351 : memref<128x32xf32, #tpu.memory_space<vmem>>) offsets(%dma_start3A_354 : memref<128xi32, #tpu.memory_space<vmem>>) semaphore(%dma_start3A_359 : memref<!tpu.dma_semaphore, #tpu.memory_space<semaphore_mem>>)
        } else {
        }
        %mul3A_214 = arith.constant 8 : i32
        %mul3A_215 = arith.muli %add3A_138, %mul3A_214 : i32
        %add3A_216 = arith.constant 3 : i32
        %add3A_217 = arith.addi %mul3A_215, %add3A_216 : i32
        %dma_wait3A_218 = arith.constant 3 : i32
        %dma_wait3A_219 = arith.constant 3 : i32
        %dma_wait3A_220 = arith.constant 0 : i32
        %dma_wait3A_221 = arith.constant 0 : i32
        %dma_wait3A_222 = tpu.memref_slice %arg11[%dma_wait3A_218, %dma_wait3A_220, %dma_wait3A_221] : memref<8x128x32xf32, #tpu.memory_space<vmem>> -> memref<1x128x32xf32, #tpu.memory_space<vmem>>
        %dma_wait3A_223 = tpu.memref_squeeze %dma_wait3A_222 : memref<1x128x32xf32, #tpu.memory_space<vmem>> -> memref<128x32xf32, #tpu.memory_space<vmem>>
        %dma_wait3A_224 = arith.constant 0 : i32
        %dma_wait3A_225 = tpu.memref_slice %arg9[%add3A_217, %dma_wait3A_224] : memref<160x128xi32, #tpu.memory_space<vmem>> -> memref<1x128xi32, #tpu.memory_space<vmem>>
        %dma_wait3A_226 = tpu.memref_squeeze %dma_wait3A_225 : memref<1x128xi32, #tpu.memory_space<vmem>> -> memref<128xi32, #tpu.memory_space<vmem>>
        %dma_wait3A_227 = arith.constant 0 : i32
        %dma_wait3A_228 = arith.constant 0 : i32
        %dma_wait3A_229 = tpu.memref_slice %arg3[%dma_wait3A_227, %dma_wait3A_228] : memref<11264x32xf32, #tpu.memory_space<hbm>> -> memref<11264x32xf32, #tpu.memory_space<hbm>>
        %dma_wait3A_230 = tpu.memref_slice %arg12[%dma_wait3A_219] : memref<8x!tpu.dma_semaphore, #tpu.memory_space<semaphore_mem>> -> memref<1x!tpu.dma_semaphore, #tpu.memory_space<semaphore_mem>>
        %dma_wait3A_231 = tpu.memref_squeeze %dma_wait3A_230 : memref<1x!tpu.dma_semaphore, #tpu.memory_space<semaphore_mem>> -> memref<!tpu.dma_semaphore, #tpu.memory_space<semaphore_mem>>
        tpu.wait_indirect_dma semaphore(%dma_wait3A_231 : memref<!tpu.dma_semaphore, #tpu.memory_space<semaphore_mem>>) src(%dma_wait3A_229 : memref<11264x32xf32, #tpu.memory_space<hbm>>) dst(%dma_wait3A_223 : memref<128x32xf32, #tpu.memory_space<vmem>>)
        %run_scoped3A_232 = arith.constant 3 : i32
        "tpu.region"() ({
          %run_scoped3A_344 = tpu.sem_alloc : memref<!tpu.dma_semaphore, #tpu.memory_space<semaphore_mem>>
          %dma_start3A_345 = arith.constant 0 : i32
          %dma_start3A_346 = arith.constant 0 : i32
          %dma_start3A_347 = tpu.memref_slice %arg11[%run_scoped3A_232, %dma_start3A_345, %dma_start3A_346] : memref<8x128x32xf32, #tpu.memory_space<vmem>> -> memref<1x128x32xf32, #tpu.memory_space<vmem>>
          %dma_start3A_348 = tpu.memref_squeeze %dma_start3A_347 : memref<1x128x32xf32, #tpu.memory_space<vmem>> -> memref<128x32xf32, #tpu.memory_space<vmem>>
          %dma_start3A_349 = arith.constant 0 : i32
          %dma_start3A_350 = tpu.memref_slice %arg10[%add3A_217, %dma_start3A_349] : memref<160x128xi32, #tpu.memory_space<vmem>> -> memref<1x128xi32, #tpu.memory_space<vmem>>
          %dma_start3A_351 = tpu.memref_squeeze %dma_start3A_350 : memref<1x128xi32, #tpu.memory_space<vmem>> -> memref<128xi32, #tpu.memory_space<vmem>>
          %dma_start3A_352 = arith.constant 0 : i32
          %dma_start3A_353 = arith.constant 0 : i32
          %dma_start3A_354 = tpu.memref_slice %arg8[%dma_start3A_352, %dma_start3A_353] : memref<11264x32xf32, #tpu.memory_space<vmem_shared>> -> memref<11264x32xf32, #tpu.memory_space<vmem_shared>>
          tpu.enqueue_indirect_dma source(%dma_start3A_348 : memref<128x32xf32, #tpu.memory_space<vmem>>) target(%dma_start3A_354 : memref<11264x32xf32, #tpu.memory_space<vmem_shared>>) offsets(%dma_start3A_351 : memref<128xi32, #tpu.memory_space<vmem>>) semaphore(%run_scoped3A_344 : memref<!tpu.dma_semaphore, #tpu.memory_space<semaphore_mem>>) {add = true}
          %dma_wait3A_355 = arith.constant 0 : i32
          %dma_wait3A_356 = arith.constant 0 : i32
          %dma_wait3A_357 = tpu.memref_slice %arg11[%run_scoped3A_232, %dma_wait3A_355, %dma_wait3A_356] : memref<8x128x32xf32, #tpu.memory_space<vmem>> -> memref<1x128x32xf32, #tpu.memory_space<vmem>>
          %dma_wait3A_358 = tpu.memref_squeeze %dma_wait3A_357 : memref<1x128x32xf32, #tpu.memory_space<vmem>> -> memref<128x32xf32, #tpu.memory_space<vmem>>
          %dma_wait3A_359 = arith.constant 0 : i32
          %dma_wait3A_360 = tpu.memref_slice %arg10[%add3A_217, %dma_wait3A_359] : memref<160x128xi32, #tpu.memory_space<vmem>> -> memref<1x128xi32, #tpu.memory_space<vmem>>
          %dma_wait3A_361 = tpu.memref_squeeze %dma_wait3A_360 : memref<1x128xi32, #tpu.memory_space<vmem>> -> memref<128xi32, #tpu.memory_space<vmem>>
          %dma_wait3A_362 = arith.constant 0 : i32
          %dma_wait3A_363 = arith.constant 0 : i32
          %dma_wait3A_364 = tpu.memref_slice %arg8[%dma_wait3A_362, %dma_wait3A_363] : memref<11264x32xf32, #tpu.memory_space<vmem_shared>> -> memref<11264x32xf32, #tpu.memory_space<vmem_shared>>
          tpu.wait_indirect_dma semaphore(%run_scoped3A_344 : memref<!tpu.dma_semaphore, #tpu.memory_space<semaphore_mem>>) src(%dma_wait3A_358 : memref<128x32xf32, #tpu.memory_space<vmem>>) dst(%dma_wait3A_364 : memref<11264x32xf32, #tpu.memory_space<vmem_shared>>)
          tpu.yield
        }) : () -> ()
        %add3A_233 = arith.constant 8 : i32
        %add3A_234 = arith.addi %add3A_217, %add3A_233 : i32
        %lt3A_235 = arith.constant 160 : i32
        %lt3A_236 = arith.cmpi slt, %add3A_234, %lt3A_235 : i32
        %convert_element_type3A_237 = arith.extui %lt3A_236 : i1 to i32
        %cond3A_238 = arith.constant 0 : i32
        %cond3A_239 = arith.cmpi ne, %convert_element_type3A_237, %cond3A_238 : i32
        scf.if %cond3A_239 {
          %add3A_344 = arith.constant 8 : i32
          %add3A_345 = arith.addi %add3A_217, %add3A_344 : i32
          %dma_start3A_346 = arith.constant 3 : i32
          %dma_start3A_347 = arith.constant 3 : i32
          %dma_start3A_348 = arith.constant 0 : i32
          %dma_start3A_349 = arith.constant 0 : i32
          %dma_start3A_350 = tpu.memref_slice %arg11[%dma_start3A_346, %dma_start3A_348, %dma_start3A_349] : memref<8x128x32xf32, #tpu.memory_space<vmem>> -> memref<1x128x32xf32, #tpu.memory_space<vmem>>
          %dma_start3A_351 = tpu.memref_squeeze %dma_start3A_350 : memref<1x128x32xf32, #tpu.memory_space<vmem>> -> memref<128x32xf32, #tpu.memory_space<vmem>>
          %dma_start3A_352 = arith.constant 0 : i32
          %dma_start3A_353 = tpu.memref_slice %arg9[%add3A_345, %dma_start3A_352] : memref<160x128xi32, #tpu.memory_space<vmem>> -> memref<1x128xi32, #tpu.memory_space<vmem>>
          %dma_start3A_354 = tpu.memref_squeeze %dma_start3A_353 : memref<1x128xi32, #tpu.memory_space<vmem>> -> memref<128xi32, #tpu.memory_space<vmem>>
          %dma_start3A_355 = arith.constant 0 : i32
          %dma_start3A_356 = arith.constant 0 : i32
          %dma_start3A_357 = tpu.memref_slice %arg3[%dma_start3A_355, %dma_start3A_356] : memref<11264x32xf32, #tpu.memory_space<hbm>> -> memref<11264x32xf32, #tpu.memory_space<hbm>>
          %dma_start3A_358 = tpu.memref_slice %arg12[%dma_start3A_347] : memref<8x!tpu.dma_semaphore, #tpu.memory_space<semaphore_mem>> -> memref<1x!tpu.dma_semaphore, #tpu.memory_space<semaphore_mem>>
          %dma_start3A_359 = tpu.memref_squeeze %dma_start3A_358 : memref<1x!tpu.dma_semaphore, #tpu.memory_space<semaphore_mem>> -> memref<!tpu.dma_semaphore, #tpu.memory_space<semaphore_mem>>
          tpu.enqueue_indirect_dma source(%dma_start3A_357 : memref<11264x32xf32, #tpu.memory_space<hbm>>) target(%dma_start3A_351 : memref<128x32xf32, #tpu.memory_space<vmem>>) offsets(%dma_start3A_354 : memref<128xi32, #tpu.memory_space<vmem>>) semaphore(%dma_start3A_359 : memref<!tpu.dma_semaphore, #tpu.memory_space<semaphore_mem>>)
        } else {
        }
        %mul3A_240 = arith.constant 8 : i32
        %mul3A_241 = arith.muli %add3A_138, %mul3A_240 : i32
        %add3A_242 = arith.constant 4 : i32
        %add3A_243 = arith.addi %mul3A_241, %add3A_242 : i32
        %dma_wait3A_244 = arith.constant 4 : i32
        %dma_wait3A_245 = arith.constant 4 : i32
        %dma_wait3A_246 = arith.constant 0 : i32
        %dma_wait3A_247 = arith.constant 0 : i32
        %dma_wait3A_248 = tpu.memref_slice %arg11[%dma_wait3A_244, %dma_wait3A_246, %dma_wait3A_247] : memref<8x128x32xf32, #tpu.memory_space<vmem>> -> memref<1x128x32xf32, #tpu.memory_space<vmem>>
        %dma_wait3A_249 = tpu.memref_squeeze %dma_wait3A_248 : memref<1x128x32xf32, #tpu.memory_space<vmem>> -> memref<128x32xf32, #tpu.memory_space<vmem>>
        %dma_wait3A_250 = arith.constant 0 : i32
        %dma_wait3A_251 = tpu.memref_slice %arg9[%add3A_243, %dma_wait3A_250] : memref<160x128xi32, #tpu.memory_space<vmem>> -> memref<1x128xi32, #tpu.memory_space<vmem>>
        %dma_wait3A_252 = tpu.memref_squeeze %dma_wait3A_251 : memref<1x128xi32, #tpu.memory_space<vmem>> -> memref<128xi32, #tpu.memory_space<vmem>>
        %dma_wait3A_253 = arith.constant 0 : i32
        %dma_wait3A_254 = arith.constant 0 : i32
        %dma_wait3A_255 = tpu.memref_slice %arg3[%dma_wait3A_253, %dma_wait3A_254] : memref<11264x32xf32, #tpu.memory_space<hbm>> -> memref<11264x32xf32, #tpu.memory_space<hbm>>
        %dma_wait3A_256 = tpu.memref_slice %arg12[%dma_wait3A_245] : memref<8x!tpu.dma_semaphore, #tpu.memory_space<semaphore_mem>> -> memref<1x!tpu.dma_semaphore, #tpu.memory_space<semaphore_mem>>
        %dma_wait3A_257 = tpu.memref_squeeze %dma_wait3A_256 : memref<1x!tpu.dma_semaphore, #tpu.memory_space<semaphore_mem>> -> memref<!tpu.dma_semaphore, #tpu.memory_space<semaphore_mem>>
        tpu.wait_indirect_dma semaphore(%dma_wait3A_257 : memref<!tpu.dma_semaphore, #tpu.memory_space<semaphore_mem>>) src(%dma_wait3A_255 : memref<11264x32xf32, #tpu.memory_space<hbm>>) dst(%dma_wait3A_249 : memref<128x32xf32, #tpu.memory_space<vmem>>)
        %run_scoped3A_258 = arith.constant 4 : i32
        "tpu.region"() ({
          %run_scoped3A_344 = tpu.sem_alloc : memref<!tpu.dma_semaphore, #tpu.memory_space<semaphore_mem>>
          %dma_start3A_345 = arith.constant 0 : i32
          %dma_start3A_346 = arith.constant 0 : i32
          %dma_start3A_347 = tpu.memref_slice %arg11[%run_scoped3A_258, %dma_start3A_345, %dma_start3A_346] : memref<8x128x32xf32, #tpu.memory_space<vmem>> -> memref<1x128x32xf32, #tpu.memory_space<vmem>>
          %dma_start3A_348 = tpu.memref_squeeze %dma_start3A_347 : memref<1x128x32xf32, #tpu.memory_space<vmem>> -> memref<128x32xf32, #tpu.memory_space<vmem>>
          %dma_start3A_349 = arith.constant 0 : i32
          %dma_start3A_350 = tpu.memref_slice %arg10[%add3A_243, %dma_start3A_349] : memref<160x128xi32, #tpu.memory_space<vmem>> -> memref<1x128xi32, #tpu.memory_space<vmem>>
          %dma_start3A_351 = tpu.memref_squeeze %dma_start3A_350 : memref<1x128xi32, #tpu.memory_space<vmem>> -> memref<128xi32, #tpu.memory_space<vmem>>
          %dma_start3A_352 = arith.constant 0 : i32
          %dma_start3A_353 = arith.constant 0 : i32
          %dma_start3A_354 = tpu.memref_slice %arg8[%dma_start3A_352, %dma_start3A_353] : memref<11264x32xf32, #tpu.memory_space<vmem_shared>> -> memref<11264x32xf32, #tpu.memory_space<vmem_shared>>
          tpu.enqueue_indirect_dma source(%dma_start3A_348 : memref<128x32xf32, #tpu.memory_space<vmem>>) target(%dma_start3A_354 : memref<11264x32xf32, #tpu.memory_space<vmem_shared>>) offsets(%dma_start3A_351 : memref<128xi32, #tpu.memory_space<vmem>>) semaphore(%run_scoped3A_344 : memref<!tpu.dma_semaphore, #tpu.memory_space<semaphore_mem>>) {add = true}
          %dma_wait3A_355 = arith.constant 0 : i32
          %dma_wait3A_356 = arith.constant 0 : i32
          %dma_wait3A_357 = tpu.memref_slice %arg11[%run_scoped3A_258, %dma_wait3A_355, %dma_wait3A_356] : memref<8x128x32xf32, #tpu.memory_space<vmem>> -> memref<1x128x32xf32, #tpu.memory_space<vmem>>
          %dma_wait3A_358 = tpu.memref_squeeze %dma_wait3A_357 : memref<1x128x32xf32, #tpu.memory_space<vmem>> -> memref<128x32xf32, #tpu.memory_space<vmem>>
          %dma_wait3A_359 = arith.constant 0 : i32
          %dma_wait3A_360 = tpu.memref_slice %arg10[%add3A_243, %dma_wait3A_359] : memref<160x128xi32, #tpu.memory_space<vmem>> -> memref<1x128xi32, #tpu.memory_space<vmem>>
          %dma_wait3A_361 = tpu.memref_squeeze %dma_wait3A_360 : memref<1x128xi32, #tpu.memory_space<vmem>> -> memref<128xi32, #tpu.memory_space<vmem>>
          %dma_wait3A_362 = arith.constant 0 : i32
          %dma_wait3A_363 = arith.constant 0 : i32
          %dma_wait3A_364 = tpu.memref_slice %arg8[%dma_wait3A_362, %dma_wait3A_363] : memref<11264x32xf32, #tpu.memory_space<vmem_shared>> -> memref<11264x32xf32, #tpu.memory_space<vmem_shared>>
          tpu.wait_indirect_dma semaphore(%run_scoped3A_344 : memref<!tpu.dma_semaphore, #tpu.memory_space<semaphore_mem>>) src(%dma_wait3A_358 : memref<128x32xf32, #tpu.memory_space<vmem>>) dst(%dma_wait3A_364 : memref<11264x32xf32, #tpu.memory_space<vmem_shared>>)
          tpu.yield
        }) : () -> ()
        %add3A_259 = arith.constant 8 : i32
        %add3A_260 = arith.addi %add3A_243, %add3A_259 : i32
        %lt3A_261 = arith.constant 160 : i32
        %lt3A_262 = arith.cmpi slt, %add3A_260, %lt3A_261 : i32
        %convert_element_type3A_263 = arith.extui %lt3A_262 : i1 to i32
        %cond3A_264 = arith.constant 0 : i32
        %cond3A_265 = arith.cmpi ne, %convert_element_type3A_263, %cond3A_264 : i32
        scf.if %cond3A_265 {
          %add3A_344 = arith.constant 8 : i32
          %add3A_345 = arith.addi %add3A_243, %add3A_344 : i32
          %dma_start3A_346 = arith.constant 4 : i32
          %dma_start3A_347 = arith.constant 4 : i32
          %dma_start3A_348 = arith.constant 0 : i32
          %dma_start3A_349 = arith.constant 0 : i32
          %dma_start3A_350 = tpu.memref_slice %arg11[%dma_start3A_346, %dma_start3A_348, %dma_start3A_349] : memref<8x128x32xf32, #tpu.memory_space<vmem>> -> memref<1x128x32xf32, #tpu.memory_space<vmem>>
          %dma_start3A_351 = tpu.memref_squeeze %dma_start3A_350 : memref<1x128x32xf32, #tpu.memory_space<vmem>> -> memref<128x32xf32, #tpu.memory_space<vmem>>
          %dma_start3A_352 = arith.constant 0 : i32
          %dma_start3A_353 = tpu.memref_slice %arg9[%add3A_345, %dma_start3A_352] : memref<160x128xi32, #tpu.memory_space<vmem>> -> memref<1x128xi32, #tpu.memory_space<vmem>>
          %dma_start3A_354 = tpu.memref_squeeze %dma_start3A_353 : memref<1x128xi32, #tpu.memory_space<vmem>> -> memref<128xi32, #tpu.memory_space<vmem>>
          %dma_start3A_355 = arith.constant 0 : i32
          %dma_start3A_356 = arith.constant 0 : i32
          %dma_start3A_357 = tpu.memref_slice %arg3[%dma_start3A_355, %dma_start3A_356] : memref<11264x32xf32, #tpu.memory_space<hbm>> -> memref<11264x32xf32, #tpu.memory_space<hbm>>
          %dma_start3A_358 = tpu.memref_slice %arg12[%dma_start3A_347] : memref<8x!tpu.dma_semaphore, #tpu.memory_space<semaphore_mem>> -> memref<1x!tpu.dma_semaphore, #tpu.memory_space<semaphore_mem>>
          %dma_start3A_359 = tpu.memref_squeeze %dma_start3A_358 : memref<1x!tpu.dma_semaphore, #tpu.memory_space<semaphore_mem>> -> memref<!tpu.dma_semaphore, #tpu.memory_space<semaphore_mem>>
          tpu.enqueue_indirect_dma source(%dma_start3A_357 : memref<11264x32xf32, #tpu.memory_space<hbm>>) target(%dma_start3A_351 : memref<128x32xf32, #tpu.memory_space<vmem>>) offsets(%dma_start3A_354 : memref<128xi32, #tpu.memory_space<vmem>>) semaphore(%dma_start3A_359 : memref<!tpu.dma_semaphore, #tpu.memory_space<semaphore_mem>>)
        } else {
        }
        %mul3A_266 = arith.constant 8 : i32
        %mul3A_267 = arith.muli %add3A_138, %mul3A_266 : i32
        %add3A_268 = arith.constant 5 : i32
        %add3A_269 = arith.addi %mul3A_267, %add3A_268 : i32
        %dma_wait3A_270 = arith.constant 5 : i32
        %dma_wait3A_271 = arith.constant 5 : i32
        %dma_wait3A_272 = arith.constant 0 : i32
        %dma_wait3A_273 = arith.constant 0 : i32
        %dma_wait3A_274 = tpu.memref_slice %arg11[%dma_wait3A_270, %dma_wait3A_272, %dma_wait3A_273] : memref<8x128x32xf32, #tpu.memory_space<vmem>> -> memref<1x128x32xf32, #tpu.memory_space<vmem>>
        %dma_wait3A_275 = tpu.memref_squeeze %dma_wait3A_274 : memref<1x128x32xf32, #tpu.memory_space<vmem>> -> memref<128x32xf32, #tpu.memory_space<vmem>>
        %dma_wait3A_276 = arith.constant 0 : i32
        %dma_wait3A_277 = tpu.memref_slice %arg9[%add3A_269, %dma_wait3A_276] : memref<160x128xi32, #tpu.memory_space<vmem>> -> memref<1x128xi32, #tpu.memory_space<vmem>>
        %dma_wait3A_278 = tpu.memref_squeeze %dma_wait3A_277 : memref<1x128xi32, #tpu.memory_space<vmem>> -> memref<128xi32, #tpu.memory_space<vmem>>
        %dma_wait3A_279 = arith.constant 0 : i32
        %dma_wait3A_280 = arith.constant 0 : i32
        %dma_wait3A_281 = tpu.memref_slice %arg3[%dma_wait3A_279, %dma_wait3A_280] : memref<11264x32xf32, #tpu.memory_space<hbm>> -> memref<11264x32xf32, #tpu.memory_space<hbm>>
        %dma_wait3A_282 = tpu.memref_slice %arg12[%dma_wait3A_271] : memref<8x!tpu.dma_semaphore, #tpu.memory_space<semaphore_mem>> -> memref<1x!tpu.dma_semaphore, #tpu.memory_space<semaphore_mem>>
        %dma_wait3A_283 = tpu.memref_squeeze %dma_wait3A_282 : memref<1x!tpu.dma_semaphore, #tpu.memory_space<semaphore_mem>> -> memref<!tpu.dma_semaphore, #tpu.memory_space<semaphore_mem>>
        tpu.wait_indirect_dma semaphore(%dma_wait3A_283 : memref<!tpu.dma_semaphore, #tpu.memory_space<semaphore_mem>>) src(%dma_wait3A_281 : memref<11264x32xf32, #tpu.memory_space<hbm>>) dst(%dma_wait3A_275 : memref<128x32xf32, #tpu.memory_space<vmem>>)
        %run_scoped3A_284 = arith.constant 5 : i32
        "tpu.region"() ({
          %run_scoped3A_344 = tpu.sem_alloc : memref<!tpu.dma_semaphore, #tpu.memory_space<semaphore_mem>>
          %dma_start3A_345 = arith.constant 0 : i32
          %dma_start3A_346 = arith.constant 0 : i32
          %dma_start3A_347 = tpu.memref_slice %arg11[%run_scoped3A_284, %dma_start3A_345, %dma_start3A_346] : memref<8x128x32xf32, #tpu.memory_space<vmem>> -> memref<1x128x32xf32, #tpu.memory_space<vmem>>
          %dma_start3A_348 = tpu.memref_squeeze %dma_start3A_347 : memref<1x128x32xf32, #tpu.memory_space<vmem>> -> memref<128x32xf32, #tpu.memory_space<vmem>>
          %dma_start3A_349 = arith.constant 0 : i32
          %dma_start3A_350 = tpu.memref_slice %arg10[%add3A_269, %dma_start3A_349] : memref<160x128xi32, #tpu.memory_space<vmem>> -> memref<1x128xi32, #tpu.memory_space<vmem>>
          %dma_start3A_351 = tpu.memref_squeeze %dma_start3A_350 : memref<1x128xi32, #tpu.memory_space<vmem>> -> memref<128xi32, #tpu.memory_space<vmem>>
          %dma_start3A_352 = arith.constant 0 : i32
          %dma_start3A_353 = arith.constant 0 : i32
          %dma_start3A_354 = tpu.memref_slice %arg8[%dma_start3A_352, %dma_start3A_353] : memref<11264x32xf32, #tpu.memory_space<vmem_shared>> -> memref<11264x32xf32, #tpu.memory_space<vmem_shared>>
          tpu.enqueue_indirect_dma source(%dma_start3A_348 : memref<128x32xf32, #tpu.memory_space<vmem>>) target(%dma_start3A_354 : memref<11264x32xf32, #tpu.memory_space<vmem_shared>>) offsets(%dma_start3A_351 : memref<128xi32, #tpu.memory_space<vmem>>) semaphore(%run_scoped3A_344 : memref<!tpu.dma_semaphore, #tpu.memory_space<semaphore_mem>>) {add = true}
          %dma_wait3A_355 = arith.constant 0 : i32
          %dma_wait3A_356 = arith.constant 0 : i32
          %dma_wait3A_357 = tpu.memref_slice %arg11[%run_scoped3A_284, %dma_wait3A_355, %dma_wait3A_356] : memref<8x128x32xf32, #tpu.memory_space<vmem>> -> memref<1x128x32xf32, #tpu.memory_space<vmem>>
          %dma_wait3A_358 = tpu.memref_squeeze %dma_wait3A_357 : memref<1x128x32xf32, #tpu.memory_space<vmem>> -> memref<128x32xf32, #tpu.memory_space<vmem>>
          %dma_wait3A_359 = arith.constant 0 : i32
          %dma_wait3A_360 = tpu.memref_slice %arg10[%add3A_269, %dma_wait3A_359] : memref<160x128xi32, #tpu.memory_space<vmem>> -> memref<1x128xi32, #tpu.memory_space<vmem>>
          %dma_wait3A_361 = tpu.memref_squeeze %dma_wait3A_360 : memref<1x128xi32, #tpu.memory_space<vmem>> -> memref<128xi32, #tpu.memory_space<vmem>>
          %dma_wait3A_362 = arith.constant 0 : i32
          %dma_wait3A_363 = arith.constant 0 : i32
          %dma_wait3A_364 = tpu.memref_slice %arg8[%dma_wait3A_362, %dma_wait3A_363] : memref<11264x32xf32, #tpu.memory_space<vmem_shared>> -> memref<11264x32xf32, #tpu.memory_space<vmem_shared>>
          tpu.wait_indirect_dma semaphore(%run_scoped3A_344 : memref<!tpu.dma_semaphore, #tpu.memory_space<semaphore_mem>>) src(%dma_wait3A_358 : memref<128x32xf32, #tpu.memory_space<vmem>>) dst(%dma_wait3A_364 : memref<11264x32xf32, #tpu.memory_space<vmem_shared>>)
          tpu.yield
        }) : () -> ()
        %add3A_285 = arith.constant 8 : i32
        %add3A_286 = arith.addi %add3A_269, %add3A_285 : i32
        %lt3A_287 = arith.constant 160 : i32
        %lt3A_288 = arith.cmpi slt, %add3A_286, %lt3A_287 : i32
        %convert_element_type3A_289 = arith.extui %lt3A_288 : i1 to i32
        %cond3A_290 = arith.constant 0 : i32
        %cond3A_291 = arith.cmpi ne, %convert_element_type3A_289, %cond3A_290 : i32
        scf.if %cond3A_291 {
          %add3A_344 = arith.constant 8 : i32
          %add3A_345 = arith.addi %add3A_269, %add3A_344 : i32
          %dma_start3A_346 = arith.constant 5 : i32
          %dma_start3A_347 = arith.constant 5 : i32
          %dma_start3A_348 = arith.constant 0 : i32
          %dma_start3A_349 = arith.constant 0 : i32
          %dma_start3A_350 = tpu.memref_slice %arg11[%dma_start3A_346, %dma_start3A_348, %dma_start3A_349] : memref<8x128x32xf32, #tpu.memory_space<vmem>> -> memref<1x128x32xf32, #tpu.memory_space<vmem>>
          %dma_start3A_351 = tpu.memref_squeeze %dma_start3A_350 : memref<1x128x32xf32, #tpu.memory_space<vmem>> -> memref<128x32xf32, #tpu.memory_space<vmem>>
          %dma_start3A_352 = arith.constant 0 : i32
          %dma_start3A_353 = tpu.memref_slice %arg9[%add3A_345, %dma_start3A_352] : memref<160x128xi32, #tpu.memory_space<vmem>> -> memref<1x128xi32, #tpu.memory_space<vmem>>
          %dma_start3A_354 = tpu.memref_squeeze %dma_start3A_353 : memref<1x128xi32, #tpu.memory_space<vmem>> -> memref<128xi32, #tpu.memory_space<vmem>>
          %dma_start3A_355 = arith.constant 0 : i32
          %dma_start3A_356 = arith.constant 0 : i32
          %dma_start3A_357 = tpu.memref_slice %arg3[%dma_start3A_355, %dma_start3A_356] : memref<11264x32xf32, #tpu.memory_space<hbm>> -> memref<11264x32xf32, #tpu.memory_space<hbm>>
          %dma_start3A_358 = tpu.memref_slice %arg12[%dma_start3A_347] : memref<8x!tpu.dma_semaphore, #tpu.memory_space<semaphore_mem>> -> memref<1x!tpu.dma_semaphore, #tpu.memory_space<semaphore_mem>>
          %dma_start3A_359 = tpu.memref_squeeze %dma_start3A_358 : memref<1x!tpu.dma_semaphore, #tpu.memory_space<semaphore_mem>> -> memref<!tpu.dma_semaphore, #tpu.memory_space<semaphore_mem>>
          tpu.enqueue_indirect_dma source(%dma_start3A_357 : memref<11264x32xf32, #tpu.memory_space<hbm>>) target(%dma_start3A_351 : memref<128x32xf32, #tpu.memory_space<vmem>>) offsets(%dma_start3A_354 : memref<128xi32, #tpu.memory_space<vmem>>) semaphore(%dma_start3A_359 : memref<!tpu.dma_semaphore, #tpu.memory_space<semaphore_mem>>)
        } else {
        }
        %mul3A_292 = arith.constant 8 : i32
        %mul3A_293 = arith.muli %add3A_138, %mul3A_292 : i32
        %add3A_294 = arith.constant 6 : i32
        %add3A_295 = arith.addi %mul3A_293, %add3A_294 : i32
        %dma_wait3A_296 = arith.constant 6 : i32
        %dma_wait3A_297 = arith.constant 6 : i32
        %dma_wait3A_298 = arith.constant 0 : i32
        %dma_wait3A_299 = arith.constant 0 : i32
        %dma_wait3A_300 = tpu.memref_slice %arg11[%dma_wait3A_296, %dma_wait3A_298, %dma_wait3A_299] : memref<8x128x32xf32, #tpu.memory_space<vmem>> -> memref<1x128x32xf32, #tpu.memory_space<vmem>>
        %dma_wait3A_301 = tpu.memref_squeeze %dma_wait3A_300 : memref<1x128x32xf32, #tpu.memory_space<vmem>> -> memref<128x32xf32, #tpu.memory_space<vmem>>
        %dma_wait3A_302 = arith.constant 0 : i32
        %dma_wait3A_303 = tpu.memref_slice %arg9[%add3A_295, %dma_wait3A_302] : memref<160x128xi32, #tpu.memory_space<vmem>> -> memref<1x128xi32, #tpu.memory_space<vmem>>
        %dma_wait3A_304 = tpu.memref_squeeze %dma_wait3A_303 : memref<1x128xi32, #tpu.memory_space<vmem>> -> memref<128xi32, #tpu.memory_space<vmem>>
        %dma_wait3A_305 = arith.constant 0 : i32
        %dma_wait3A_306 = arith.constant 0 : i32
        %dma_wait3A_307 = tpu.memref_slice %arg3[%dma_wait3A_305, %dma_wait3A_306] : memref<11264x32xf32, #tpu.memory_space<hbm>> -> memref<11264x32xf32, #tpu.memory_space<hbm>>
        %dma_wait3A_308 = tpu.memref_slice %arg12[%dma_wait3A_297] : memref<8x!tpu.dma_semaphore, #tpu.memory_space<semaphore_mem>> -> memref<1x!tpu.dma_semaphore, #tpu.memory_space<semaphore_mem>>
        %dma_wait3A_309 = tpu.memref_squeeze %dma_wait3A_308 : memref<1x!tpu.dma_semaphore, #tpu.memory_space<semaphore_mem>> -> memref<!tpu.dma_semaphore, #tpu.memory_space<semaphore_mem>>
        tpu.wait_indirect_dma semaphore(%dma_wait3A_309 : memref<!tpu.dma_semaphore, #tpu.memory_space<semaphore_mem>>) src(%dma_wait3A_307 : memref<11264x32xf32, #tpu.memory_space<hbm>>) dst(%dma_wait3A_301 : memref<128x32xf32, #tpu.memory_space<vmem>>)
        %run_scoped3A_310 = arith.constant 6 : i32
        "tpu.region"() ({
          %run_scoped3A_344 = tpu.sem_alloc : memref<!tpu.dma_semaphore, #tpu.memory_space<semaphore_mem>>
          %dma_start3A_345 = arith.constant 0 : i32
          %dma_start3A_346 = arith.constant 0 : i32
          %dma_start3A_347 = tpu.memref_slice %arg11[%run_scoped3A_310, %dma_start3A_345, %dma_start3A_346] : memref<8x128x32xf32, #tpu.memory_space<vmem>> -> memref<1x128x32xf32, #tpu.memory_space<vmem>>
          %dma_start3A_348 = tpu.memref_squeeze %dma_start3A_347 : memref<1x128x32xf32, #tpu.memory_space<vmem>> -> memref<128x32xf32, #tpu.memory_space<vmem>>
          %dma_start3A_349 = arith.constant 0 : i32
          %dma_start3A_350 = tpu.memref_slice %arg10[%add3A_295, %dma_start3A_349] : memref<160x128xi32, #tpu.memory_space<vmem>> -> memref<1x128xi32, #tpu.memory_space<vmem>>
          %dma_start3A_351 = tpu.memref_squeeze %dma_start3A_350 : memref<1x128xi32, #tpu.memory_space<vmem>> -> memref<128xi32, #tpu.memory_space<vmem>>
          %dma_start3A_352 = arith.constant 0 : i32
          %dma_start3A_353 = arith.constant 0 : i32
          %dma_start3A_354 = tpu.memref_slice %arg8[%dma_start3A_352, %dma_start3A_353] : memref<11264x32xf32, #tpu.memory_space<vmem_shared>> -> memref<11264x32xf32, #tpu.memory_space<vmem_shared>>
          tpu.enqueue_indirect_dma source(%dma_start3A_348 : memref<128x32xf32, #tpu.memory_space<vmem>>) target(%dma_start3A_354 : memref<11264x32xf32, #tpu.memory_space<vmem_shared>>) offsets(%dma_start3A_351 : memref<128xi32, #tpu.memory_space<vmem>>) semaphore(%run_scoped3A_344 : memref<!tpu.dma_semaphore, #tpu.memory_space<semaphore_mem>>) {add = true}
          %dma_wait3A_355 = arith.constant 0 : i32
          %dma_wait3A_356 = arith.constant 0 : i32
          %dma_wait3A_357 = tpu.memref_slice %arg11[%run_scoped3A_310, %dma_wait3A_355, %dma_wait3A_356] : memref<8x128x32xf32, #tpu.memory_space<vmem>> -> memref<1x128x32xf32, #tpu.memory_space<vmem>>
          %dma_wait3A_358 = tpu.memref_squeeze %dma_wait3A_357 : memref<1x128x32xf32, #tpu.memory_space<vmem>> -> memref<128x32xf32, #tpu.memory_space<vmem>>
          %dma_wait3A_359 = arith.constant 0 : i32
          %dma_wait3A_360 = tpu.memref_slice %arg10[%add3A_295, %dma_wait3A_359] : memref<160x128xi32, #tpu.memory_space<vmem>> -> memref<1x128xi32, #tpu.memory_space<vmem>>
          %dma_wait3A_361 = tpu.memref_squeeze %dma_wait3A_360 : memref<1x128xi32, #tpu.memory_space<vmem>> -> memref<128xi32, #tpu.memory_space<vmem>>
          %dma_wait3A_362 = arith.constant 0 : i32
          %dma_wait3A_363 = arith.constant 0 : i32
          %dma_wait3A_364 = tpu.memref_slice %arg8[%dma_wait3A_362, %dma_wait3A_363] : memref<11264x32xf32, #tpu.memory_space<vmem_shared>> -> memref<11264x32xf32, #tpu.memory_space<vmem_shared>>
          tpu.wait_indirect_dma semaphore(%run_scoped3A_344 : memref<!tpu.dma_semaphore, #tpu.memory_space<semaphore_mem>>) src(%dma_wait3A_358 : memref<128x32xf32, #tpu.memory_space<vmem>>) dst(%dma_wait3A_364 : memref<11264x32xf32, #tpu.memory_space<vmem_shared>>)
          tpu.yield
        }) : () -> ()
        %add3A_311 = arith.constant 8 : i32
        %add3A_312 = arith.addi %add3A_295, %add3A_311 : i32
        %lt3A_313 = arith.constant 160 : i32
        %lt3A_314 = arith.cmpi slt, %add3A_312, %lt3A_313 : i32
        %convert_element_type3A_315 = arith.extui %lt3A_314 : i1 to i32
        %cond3A_316 = arith.constant 0 : i32
        %cond3A_317 = arith.cmpi ne, %convert_element_type3A_315, %cond3A_316 : i32
        scf.if %cond3A_317 {
          %add3A_344 = arith.constant 8 : i32
          %add3A_345 = arith.addi %add3A_295, %add3A_344 : i32
          %dma_start3A_346 = arith.constant 6 : i32
          %dma_start3A_347 = arith.constant 6 : i32
          %dma_start3A_348 = arith.constant 0 : i32
          %dma_start3A_349 = arith.constant 0 : i32
          %dma_start3A_350 = tpu.memref_slice %arg11[%dma_start3A_346, %dma_start3A_348, %dma_start3A_349] : memref<8x128x32xf32, #tpu.memory_space<vmem>> -> memref<1x128x32xf32, #tpu.memory_space<vmem>>
          %dma_start3A_351 = tpu.memref_squeeze %dma_start3A_350 : memref<1x128x32xf32, #tpu.memory_space<vmem>> -> memref<128x32xf32, #tpu.memory_space<vmem>>
          %dma_start3A_352 = arith.constant 0 : i32
          %dma_start3A_353 = tpu.memref_slice %arg9[%add3A_345, %dma_start3A_352] : memref<160x128xi32, #tpu.memory_space<vmem>> -> memref<1x128xi32, #tpu.memory_space<vmem>>
          %dma_start3A_354 = tpu.memref_squeeze %dma_start3A_353 : memref<1x128xi32, #tpu.memory_space<vmem>> -> memref<128xi32, #tpu.memory_space<vmem>>
          %dma_start3A_355 = arith.constant 0 : i32
          %dma_start3A_356 = arith.constant 0 : i32
          %dma_start3A_357 = tpu.memref_slice %arg3[%dma_start3A_355, %dma_start3A_356] : memref<11264x32xf32, #tpu.memory_space<hbm>> -> memref<11264x32xf32, #tpu.memory_space<hbm>>
          %dma_start3A_358 = tpu.memref_slice %arg12[%dma_start3A_347] : memref<8x!tpu.dma_semaphore, #tpu.memory_space<semaphore_mem>> -> memref<1x!tpu.dma_semaphore, #tpu.memory_space<semaphore_mem>>
          %dma_start3A_359 = tpu.memref_squeeze %dma_start3A_358 : memref<1x!tpu.dma_semaphore, #tpu.memory_space<semaphore_mem>> -> memref<!tpu.dma_semaphore, #tpu.memory_space<semaphore_mem>>
          tpu.enqueue_indirect_dma source(%dma_start3A_357 : memref<11264x32xf32, #tpu.memory_space<hbm>>) target(%dma_start3A_351 : memref<128x32xf32, #tpu.memory_space<vmem>>) offsets(%dma_start3A_354 : memref<128xi32, #tpu.memory_space<vmem>>) semaphore(%dma_start3A_359 : memref<!tpu.dma_semaphore, #tpu.memory_space<semaphore_mem>>)
        } else {
        }
        %mul3A_318 = arith.constant 8 : i32
        %mul3A_319 = arith.muli %add3A_138, %mul3A_318 : i32
        %add3A_320 = arith.constant 7 : i32
        %add3A_321 = arith.addi %mul3A_319, %add3A_320 : i32
        %dma_wait3A_322 = arith.constant 7 : i32
        %dma_wait3A_323 = arith.constant 7 : i32
        %dma_wait3A_324 = arith.constant 0 : i32
        %dma_wait3A_325 = arith.constant 0 : i32
        %dma_wait3A_326 = tpu.memref_slice %arg11[%dma_wait3A_322, %dma_wait3A_324, %dma_wait3A_325] : memref<8x128x32xf32, #tpu.memory_space<vmem>> -> memref<1x128x32xf32, #tpu.memory_space<vmem>>
        %dma_wait3A_327 = tpu.memref_squeeze %dma_wait3A_326 : memref<1x128x32xf32, #tpu.memory_space<vmem>> -> memref<128x32xf32, #tpu.memory_space<vmem>>
        %dma_wait3A_328 = arith.constant 0 : i32
        %dma_wait3A_329 = tpu.memref_slice %arg9[%add3A_321, %dma_wait3A_328] : memref<160x128xi32, #tpu.memory_space<vmem>> -> memref<1x128xi32, #tpu.memory_space<vmem>>
        %dma_wait3A_330 = tpu.memref_squeeze %dma_wait3A_329 : memref<1x128xi32, #tpu.memory_space<vmem>> -> memref<128xi32, #tpu.memory_space<vmem>>
        %dma_wait3A_331 = arith.constant 0 : i32
        %dma_wait3A_332 = arith.constant 0 : i32
        %dma_wait3A_333 = tpu.memref_slice %arg3[%dma_wait3A_331, %dma_wait3A_332] : memref<11264x32xf32, #tpu.memory_space<hbm>> -> memref<11264x32xf32, #tpu.memory_space<hbm>>
        %dma_wait3A_334 = tpu.memref_slice %arg12[%dma_wait3A_323] : memref<8x!tpu.dma_semaphore, #tpu.memory_space<semaphore_mem>> -> memref<1x!tpu.dma_semaphore, #tpu.memory_space<semaphore_mem>>
        %dma_wait3A_335 = tpu.memref_squeeze %dma_wait3A_334 : memref<1x!tpu.dma_semaphore, #tpu.memory_space<semaphore_mem>> -> memref<!tpu.dma_semaphore, #tpu.memory_space<semaphore_mem>>
        tpu.wait_indirect_dma semaphore(%dma_wait3A_335 : memref<!tpu.dma_semaphore, #tpu.memory_space<semaphore_mem>>) src(%dma_wait3A_333 : memref<11264x32xf32, #tpu.memory_space<hbm>>) dst(%dma_wait3A_327 : memref<128x32xf32, #tpu.memory_space<vmem>>)
        %run_scoped3A_336 = arith.constant 7 : i32
        "tpu.region"() ({
          %run_scoped3A_344 = tpu.sem_alloc : memref<!tpu.dma_semaphore, #tpu.memory_space<semaphore_mem>>
          %dma_start3A_345 = arith.constant 0 : i32
          %dma_start3A_346 = arith.constant 0 : i32
          %dma_start3A_347 = tpu.memref_slice %arg11[%run_scoped3A_336, %dma_start3A_345, %dma_start3A_346] : memref<8x128x32xf32, #tpu.memory_space<vmem>> -> memref<1x128x32xf32, #tpu.memory_space<vmem>>
          %dma_start3A_348 = tpu.memref_squeeze %dma_start3A_347 : memref<1x128x32xf32, #tpu.memory_space<vmem>> -> memref<128x32xf32, #tpu.memory_space<vmem>>
          %dma_start3A_349 = arith.constant 0 : i32
          %dma_start3A_350 = tpu.memref_slice %arg10[%add3A_321, %dma_start3A_349] : memref<160x128xi32, #tpu.memory_space<vmem>> -> memref<1x128xi32, #tpu.memory_space<vmem>>
          %dma_start3A_351 = tpu.memref_squeeze %dma_start3A_350 : memref<1x128xi32, #tpu.memory_space<vmem>> -> memref<128xi32, #tpu.memory_space<vmem>>
          %dma_start3A_352 = arith.constant 0 : i32
          %dma_start3A_353 = arith.constant 0 : i32
          %dma_start3A_354 = tpu.memref_slice %arg8[%dma_start3A_352, %dma_start3A_353] : memref<11264x32xf32, #tpu.memory_space<vmem_shared>> -> memref<11264x32xf32, #tpu.memory_space<vmem_shared>>
          tpu.enqueue_indirect_dma source(%dma_start3A_348 : memref<128x32xf32, #tpu.memory_space<vmem>>) target(%dma_start3A_354 : memref<11264x32xf32, #tpu.memory_space<vmem_shared>>) offsets(%dma_start3A_351 : memref<128xi32, #tpu.memory_space<vmem>>) semaphore(%run_scoped3A_344 : memref<!tpu.dma_semaphore, #tpu.memory_space<semaphore_mem>>) {add = true}
          %dma_wait3A_355 = arith.constant 0 : i32
          %dma_wait3A_356 = arith.constant 0 : i32
          %dma_wait3A_357 = tpu.memref_slice %arg11[%run_scoped3A_336, %dma_wait3A_355, %dma_wait3A_356] : memref<8x128x32xf32, #tpu.memory_space<vmem>> -> memref<1x128x32xf32, #tpu.memory_space<vmem>>
          %dma_wait3A_358 = tpu.memref_squeeze %dma_wait3A_357 : memref<1x128x32xf32, #tpu.memory_space<vmem>> -> memref<128x32xf32, #tpu.memory_space<vmem>>
          %dma_wait3A_359 = arith.constant 0 : i32
          %dma_wait3A_360 = tpu.memref_slice %arg10[%add3A_321, %dma_wait3A_359] : memref<160x128xi32, #tpu.memory_space<vmem>> -> memref<1x128xi32, #tpu.memory_space<vmem>>
          %dma_wait3A_361 = tpu.memref_squeeze %dma_wait3A_360 : memref<1x128xi32, #tpu.memory_space<vmem>> -> memref<128xi32, #tpu.memory_space<vmem>>
          %dma_wait3A_362 = arith.constant 0 : i32
          %dma_wait3A_363 = arith.constant 0 : i32
          %dma_wait3A_364 = tpu.memref_slice %arg8[%dma_wait3A_362, %dma_wait3A_363] : memref<11264x32xf32, #tpu.memory_space<vmem_shared>> -> memref<11264x32xf32, #tpu.memory_space<vmem_shared>>
          tpu.wait_indirect_dma semaphore(%run_scoped3A_344 : memref<!tpu.dma_semaphore, #tpu.memory_space<semaphore_mem>>) src(%dma_wait3A_358 : memref<128x32xf32, #tpu.memory_space<vmem>>) dst(%dma_wait3A_364 : memref<11264x32xf32, #tpu.memory_space<vmem_shared>>)
          tpu.yield
        }) : () -> ()
        %add3A_337 = arith.constant 8 : i32
        %add3A_338 = arith.addi %add3A_321, %add3A_337 : i32
        %lt3A_339 = arith.constant 160 : i32
        %lt3A_340 = arith.cmpi slt, %add3A_338, %lt3A_339 : i32
        %convert_element_type3A_341 = arith.extui %lt3A_340 : i1 to i32
        %cond3A_342 = arith.constant 0 : i32
        %cond3A_343 = arith.cmpi ne, %convert_element_type3A_341, %cond3A_342 : i32
        scf.if %cond3A_343 {
          %add3A_344 = arith.constant 8 : i32
          %add3A_345 = arith.addi %add3A_321, %add3A_344 : i32
          %dma_start3A_346 = arith.constant 7 : i32
          %dma_start3A_347 = arith.constant 7 : i32
          %dma_start3A_348 = arith.constant 0 : i32
          %dma_start3A_349 = arith.constant 0 : i32
          %dma_start3A_350 = tpu.memref_slice %arg11[%dma_start3A_346, %dma_start3A_348, %dma_start3A_349] : memref<8x128x32xf32, #tpu.memory_space<vmem>> -> memref<1x128x32xf32, #tpu.memory_space<vmem>>
          %dma_start3A_351 = tpu.memref_squeeze %dma_start3A_350 : memref<1x128x32xf32, #tpu.memory_space<vmem>> -> memref<128x32xf32, #tpu.memory_space<vmem>>
          %dma_start3A_352 = arith.constant 0 : i32
          %dma_start3A_353 = tpu.memref_slice %arg9[%add3A_345, %dma_start3A_352] : memref<160x128xi32, #tpu.memory_space<vmem>> -> memref<1x128xi32, #tpu.memory_space<vmem>>
          %dma_start3A_354 = tpu.memref_squeeze %dma_start3A_353 : memref<1x128xi32, #tpu.memory_space<vmem>> -> memref<128xi32, #tpu.memory_space<vmem>>
          %dma_start3A_355 = arith.constant 0 : i32
          %dma_start3A_356 = arith.constant 0 : i32
          %dma_start3A_357 = tpu.memref_slice %arg3[%dma_start3A_355, %dma_start3A_356] : memref<11264x32xf32, #tpu.memory_space<hbm>> -> memref<11264x32xf32, #tpu.memory_space<hbm>>
          %dma_start3A_358 = tpu.memref_slice %arg12[%dma_start3A_347] : memref<8x!tpu.dma_semaphore, #tpu.memory_space<semaphore_mem>> -> memref<1x!tpu.dma_semaphore, #tpu.memory_space<semaphore_mem>>
          %dma_start3A_359 = tpu.memref_squeeze %dma_start3A_358 : memref<1x!tpu.dma_semaphore, #tpu.memory_space<semaphore_mem>> -> memref<!tpu.dma_semaphore, #tpu.memory_space<semaphore_mem>>
          tpu.enqueue_indirect_dma source(%dma_start3A_357 : memref<11264x32xf32, #tpu.memory_space<hbm>>) target(%dma_start3A_351 : memref<128x32xf32, #tpu.memory_space<vmem>>) offsets(%dma_start3A_354 : memref<128xi32, #tpu.memory_space<vmem>>) semaphore(%dma_start3A_359 : memref<!tpu.dma_semaphore, #tpu.memory_space<semaphore_mem>>)
        } else {
        }
      }
      %scan3A_133 = arith.constant 20 : i32
      %barrier3A_134 = arith.constant 0 : index
      tpu.barrier barrier_id(%barrier3A_134)
      "tpu.region"() ({
        %run_scoped3A = tpu.sem_alloc : memref<!tpu.dma_semaphore, #tpu.memory_space<semaphore_mem>>
        %dma_start3A_135 = arith.constant 0 : i32
        %dma_start3A_136 = tpu.memref_slice %arg7[%mul3A_0, %dma_start3A_135] : memref<11264x32xf32, #tpu.memory_space<hbm>> -> memref<704x32xf32, #tpu.memory_space<hbm>>
        %dma_start3A_137 = arith.constant 0 : i32
        %dma_start3A_138 = tpu.memref_slice %arg8[%mul3A_0, %dma_start3A_137] : memref<11264x32xf32, #tpu.memory_space<vmem_shared>> -> memref<704x32xf32, #tpu.memory_space<vmem_shared>>
        tpu.enqueue_dma source(%dma_start3A_138 : memref<704x32xf32, #tpu.memory_space<vmem_shared>>) target(%dma_start3A_136 : memref<704x32xf32, #tpu.memory_space<hbm>>) target_semaphore(%run_scoped3A : memref<!tpu.dma_semaphore, #tpu.memory_space<semaphore_mem>>)
        %dma_wait3A = arith.constant 0 : i32
        %dma_wait3A_139 = tpu.memref_slice %arg7[%mul3A_0, %dma_wait3A] : memref<11264x32xf32, #tpu.memory_space<hbm>> -> memref<704x32xf32, #tpu.memory_space<hbm>>
        %dma_wait3A_140 = arith.constant 0 : i32
        %dma_wait3A_141 = tpu.memref_slice %arg8[%mul3A_0, %dma_wait3A_140] : memref<11264x32xf32, #tpu.memory_space<vmem_shared>> -> memref<704x32xf32, #tpu.memory_space<vmem_shared>>
        tpu.wait_dma2 semaphore(%run_scoped3A : memref<!tpu.dma_semaphore, #tpu.memory_space<semaphore_mem>>) src(%dma_wait3A_141 : memref<704x32xf32, #tpu.memory_space<vmem_shared>>) dst(%dma_wait3A_139 : memref<704x32xf32, #tpu.memory_space<hbm>>)
        tpu.yield
      }) : () -> ()
    } else {
    }
    return
  }
}

module attributes {stable_mosaic.version = 14 : i64} {
  func.func @_tc_pre_body(%arg0: i32, %arg1: memref<1024xf32, #tpu.memory_space<vmem>>, %arg2: memref<1024xf32, #tpu.memory_space<vmem>>, %arg3: memref<1024x128xf32, #tpu.memory_space<vmem>>, %arg4: memref<128x64xf32, #tpu.memory_space<vmem>>, %arg5: memref<1024xf32, #tpu.memory_space<vmem>>, %arg6: memref<256x128xf32, #tpu.memory_space<vmem>>, %arg7: memref<256x128xf32, #tpu.memory_space<vmem>>) attributes {dimension_semantics = [#tpu.dimension_semantics<arbitrary>], iteration_bounds = array<i64: 11>, scalar_prefetch = 0 : i64, scratch_operands = 0 : i64, tpu.core_type = #tpu.core_type<tc>, window_params = [{transform_indices = @transform_0, window_bounds = array<i64: 1024>}, {transform_indices = @transform_1, window_bounds = array<i64: 1024>}, {transform_indices = @transform_2, window_bounds = array<i64: 1024, 128>}, {pipeline_mode = #tpu.pipeline_mode<synchronous>, transform_indices = @transform_3, window_bounds = array<i64: 128, 64>}, {transform_indices = @transform_4, window_bounds = array<i64: 1024>}, {transform_indices = @transform_5, window_bounds = array<i64: 256, 128>}, {transform_indices = @transform_6, window_bounds = array<i64: 256, 128>}]} {
    %get3A = arith.constant 0 : index
    %get3A_0 = vector.load %arg1[%get3A] : memref<1024xf32, #tpu.memory_space<vmem>>, vector<1024xf32>
    %get3A_1 = arith.constant 0 : index
    %get3A_2 = vector.load %arg2[%get3A_1] : memref<1024xf32, #tpu.memory_space<vmem>>, vector<1024xf32>
    %add3A = arith.addf %get3A_0, %get3A_2 : vector<1024xf32>
    %add3A_3 = arith.constant 1.000000e+00 : f32
    %add3A_4 = vector.broadcast %add3A_3 : f32 to vector<1024xf32>
    %add3A_5 = arith.addf %add3A, %add3A_4 : vector<1024xf32>
    %rsqrt3A = math.rsqrt %add3A_5 : vector<1024xf32>
    %reshape3A = vector.shape_cast %rsqrt3A : vector<1024xf32> to vector<1024x1xf32>
    %get3A_6 = arith.constant 0 : index
    %get3A_7 = arith.constant 0 : index
    %get3A_8 = vector.load %arg3[%get3A_6, %get3A_7] : memref<1024x128xf32, #tpu.memory_space<vmem>>, vector<1024x128xf32>
    %get3A_9 = arith.constant 0 : index
    %get3A_10 = arith.constant 0 : index
    %get3A_11 = vector.load %arg4[%get3A_9, %get3A_10] : memref<128x64xf32, #tpu.memory_space<vmem>>, vector<128x64xf32>
    %dot_general3A = arith.constant dense<0.000000e+00> : vector<1024x64xf32>
    %dot_general3A_12 = tpu.matmul %get3A_8, %get3A_11, %dot_general3A {dimension_numbers = #tpu.dot_dimension_numbers<[1], [0], [0], [1], [0, 0, 1, 1], [], []>, transpose_lhs_hint = false} : vector<1024x128xf32>, vector<128x64xf32>, vector<1024x64xf32> -> vector<1024x64xf32>
    %mul3A = vector.broadcast %reshape3A : vector<1024x1xf32> to vector<1024x64xf32>
    %mul3A_13 = arith.mulf %dot_general3A_12, %mul3A : vector<1024x64xf32>
    %reshape3A_14 = vector.shape_cast %reshape3A : vector<1024x1xf32> to vector<1024xf32>
    %swap3A = arith.constant 0 : index
    %swap3A_15 = vector.load %arg5[%swap3A] : memref<1024xf32, #tpu.memory_space<vmem>>, vector<1024xf32>
    tpu.vector_store %arg5[%swap3A], %reshape3A_14 {strides = array<i32>} : memref<1024xf32, #tpu.memory_space<vmem>>, vector<1024xf32>,
    %slice3A = vector.extract_strided_slice %mul3A_13 {offsets = [0, 0], sizes = [1024, 32], strides = [1, 1]} : vector<1024x64xf32> to vector<1024x32xf32>
    %reshape3A_16 = vector.shape_cast %slice3A : vector<1024x32xf32> to vector<256x4x32xf32>
    %slice3A_17 = vector.extract_strided_slice %reshape3A_16 {offsets = [0, 0, 0], sizes = [256, 1, 32], strides = [1, 1, 1]} : vector<256x4x32xf32> to vector<256x1x32xf32>
    %squeeze3A = vector.shape_cast %slice3A_17 : vector<256x1x32xf32> to vector<256x32xf32>
    %slice3A_18 = vector.extract_strided_slice %reshape3A_16 {offsets = [0, 1, 0], sizes = [256, 1, 32], strides = [1, 1, 1]} : vector<256x4x32xf32> to vector<256x1x32xf32>
    %squeeze3A_19 = vector.shape_cast %slice3A_18 : vector<256x1x32xf32> to vector<256x32xf32>
    %slice3A_20 = vector.extract_strided_slice %reshape3A_16 {offsets = [0, 2, 0], sizes = [256, 1, 32], strides = [1, 1, 1]} : vector<256x4x32xf32> to vector<256x1x32xf32>
    %squeeze3A_21 = vector.shape_cast %slice3A_20 : vector<256x1x32xf32> to vector<256x32xf32>
    %slice3A_22 = vector.extract_strided_slice %reshape3A_16 {offsets = [0, 3, 0], sizes = [256, 1, 32], strides = [1, 1, 1]} : vector<256x4x32xf32> to vector<256x1x32xf32>
    %squeeze3A_23 = vector.shape_cast %slice3A_22 : vector<256x1x32xf32> to vector<256x32xf32>
    %concatenate3A = tpu.concatenate %squeeze3A, %squeeze3A_19, %squeeze3A_21, %squeeze3A_23 in 1 : vector<256x32xf32>, vector<256x32xf32>, vector<256x32xf32>, vector<256x32xf32> -> vector<256x128xf32>
    %swap3A_24 = arith.constant 0 : index
    %swap3A_25 = arith.constant 0 : index
    %swap3A_26 = vector.load %arg6[%swap3A_24, %swap3A_25] : memref<256x128xf32, #tpu.memory_space<vmem>>, vector<256x128xf32>
    tpu.vector_store %arg6[%swap3A_24, %swap3A_25], %concatenate3A {strides = array<i32>} : memref<256x128xf32, #tpu.memory_space<vmem>>, vector<256x128xf32>,
    %slice3A_27 = vector.extract_strided_slice %mul3A_13 {offsets = [0, 32], sizes = [1024, 32], strides = [1, 1]} : vector<1024x64xf32> to vector<1024x32xf32>
    %reshape3A_28 = vector.shape_cast %slice3A_27 : vector<1024x32xf32> to vector<256x4x32xf32>
    %slice3A_29 = vector.extract_strided_slice %reshape3A_28 {offsets = [0, 0, 0], sizes = [256, 1, 32], strides = [1, 1, 1]} : vector<256x4x32xf32> to vector<256x1x32xf32>
    %squeeze3A_30 = vector.shape_cast %slice3A_29 : vector<256x1x32xf32> to vector<256x32xf32>
    %slice3A_31 = vector.extract_strided_slice %reshape3A_28 {offsets = [0, 1, 0], sizes = [256, 1, 32], strides = [1, 1, 1]} : vector<256x4x32xf32> to vector<256x1x32xf32>
    %squeeze3A_32 = vector.shape_cast %slice3A_31 : vector<256x1x32xf32> to vector<256x32xf32>
    %slice3A_33 = vector.extract_strided_slice %reshape3A_28 {offsets = [0, 2, 0], sizes = [256, 1, 32], strides = [1, 1, 1]} : vector<256x4x32xf32> to vector<256x1x32xf32>
    %squeeze3A_34 = vector.shape_cast %slice3A_33 : vector<256x1x32xf32> to vector<256x32xf32>
    %slice3A_35 = vector.extract_strided_slice %reshape3A_28 {offsets = [0, 3, 0], sizes = [256, 1, 32], strides = [1, 1, 1]} : vector<256x4x32xf32> to vector<256x1x32xf32>
    %squeeze3A_36 = vector.shape_cast %slice3A_35 : vector<256x1x32xf32> to vector<256x32xf32>
    %concatenate3A_37 = tpu.concatenate %squeeze3A_30, %squeeze3A_32, %squeeze3A_34, %squeeze3A_36 in 1 : vector<256x32xf32>, vector<256x32xf32>, vector<256x32xf32>, vector<256x32xf32> -> vector<256x128xf32>
    %swap3A_38 = arith.constant 0 : index
    %swap3A_39 = arith.constant 0 : index
    %swap3A_40 = vector.load %arg7[%swap3A_38, %swap3A_39] : memref<256x128xf32, #tpu.memory_space<vmem>>, vector<256x128xf32>
    tpu.vector_store %arg7[%swap3A_38, %swap3A_39], %concatenate3A_37 {strides = array<i32>} : memref<256x128xf32, #tpu.memory_space<vmem>>, vector<256x128xf32>,
    return
  }
  func.func @transform_0(%arg0: i32) -> i32 {
    %c0_i32 = arith.constant 0 : i32
    return %arg0 : i32
  }
  func.func @transform_1(%arg0: i32) -> i32 {
    %c0_i32 = arith.constant 0 : i32
    return %arg0 : i32
  }
  func.func @transform_2(%arg0: i32) -> (i32, i32) {
    %c0_i32 = arith.constant 0 : i32
    %c0_i32_0 = arith.constant 0 : i32
    return %arg0, %c0_i32 : i32, i32
  }
  func.func @transform_3(%arg0: i32) -> (i32, i32) {
    %c0_i32 = arith.constant 0 : i32
    %c0_i32_0 = arith.constant 0 : i32
    %c0_i32_1 = arith.constant 0 : i32
    return %c0_i32, %c0_i32_0 : i32, i32
  }
  func.func @transform_4(%arg0: i32) -> i32 {
    %c0_i32 = arith.constant 0 : i32
    return %arg0 : i32
  }
  func.func @transform_5(%arg0: i32) -> (i32, i32) {
    %c0_i32 = arith.constant 0 : i32
    %c0_i32_0 = arith.constant 0 : i32
    return %arg0, %c0_i32 : i32, i32
  }
  func.func @transform_6(%arg0: i32) -> (i32, i32) {
    %c0_i32 = arith.constant 0 : i32
    %c0_i32_0 = arith.constant 0 : i32
    return %arg0, %c0_i32 : i32, i32
  }
}

module attributes {stable_mosaic.version = 14 : i64} {
  func.func @_tc_post_body(%arg0: i32, %arg1: memref<128x128xf32, #tpu.memory_space<vmem>>, %arg2: memref<128x128xf32, #tpu.memory_space<vmem>>, %arg3: memref<1024xf32, #tpu.memory_space<vmem>>, %arg4: memref<1x32xf32, #tpu.memory_space<vmem>>, %arg5: memref<1024x32xf32, #tpu.memory_space<vmem>>) attributes {dimension_semantics = [#tpu.dimension_semantics<arbitrary>], iteration_bounds = array<i64: 11>, scalar_prefetch = 0 : i64, scratch_operands = 0 : i64, tpu.core_type = #tpu.core_type<tc>, window_params = [{transform_indices = @transform_0, window_bounds = array<i64: 128, 128>}, {transform_indices = @transform_1, window_bounds = array<i64: 128, 128>}, {transform_indices = @transform_2, window_bounds = array<i64: 1024>}, {pipeline_mode = #tpu.pipeline_mode<synchronous>, transform_indices = @transform_3, window_bounds = array<i64: 1, 32>}, {transform_indices = @transform_4, window_bounds = array<i64: 1024, 32>}]} {
    %get3A = arith.constant 0 : index
    %get3A_0 = arith.constant 0 : index
    %get3A_1 = vector.load %arg1[%get3A, %get3A_0] : memref<128x128xf32, #tpu.memory_space<vmem>>, vector<128x128xf32>
    %slice3A = vector.extract_strided_slice %get3A_1 {offsets = [0, 0], sizes = [128, 16], strides = [1, 1]} : vector<128x128xf32> to vector<128x16xf32>
    %slice3A_2 = vector.extract_strided_slice %get3A_1 {offsets = [0, 16], sizes = [128, 16], strides = [1, 1]} : vector<128x128xf32> to vector<128x16xf32>
    %slice3A_3 = vector.extract_strided_slice %get3A_1 {offsets = [0, 32], sizes = [128, 16], strides = [1, 1]} : vector<128x128xf32> to vector<128x16xf32>
    %slice3A_4 = vector.extract_strided_slice %get3A_1 {offsets = [0, 48], sizes = [128, 16], strides = [1, 1]} : vector<128x128xf32> to vector<128x16xf32>
    %slice3A_5 = vector.extract_strided_slice %get3A_1 {offsets = [0, 64], sizes = [128, 16], strides = [1, 1]} : vector<128x128xf32> to vector<128x16xf32>
    %slice3A_6 = vector.extract_strided_slice %get3A_1 {offsets = [0, 80], sizes = [128, 16], strides = [1, 1]} : vector<128x128xf32> to vector<128x16xf32>
    %slice3A_7 = vector.extract_strided_slice %get3A_1 {offsets = [0, 96], sizes = [128, 16], strides = [1, 1]} : vector<128x128xf32> to vector<128x16xf32>
    %slice3A_8 = vector.extract_strided_slice %get3A_1 {offsets = [0, 112], sizes = [128, 16], strides = [1, 1]} : vector<128x128xf32> to vector<128x16xf32>
    %stack3A = vector.shape_cast %slice3A : vector<128x16xf32> to vector<128x1x16xf32>
    %stack3A_9 = vector.shape_cast %slice3A_2 : vector<128x16xf32> to vector<128x1x16xf32>
    %stack3A_10 = vector.shape_cast %slice3A_3 : vector<128x16xf32> to vector<128x1x16xf32>
    %stack3A_11 = vector.shape_cast %slice3A_4 : vector<128x16xf32> to vector<128x1x16xf32>
    %stack3A_12 = vector.shape_cast %slice3A_5 : vector<128x16xf32> to vector<128x1x16xf32>
    %stack3A_13 = vector.shape_cast %slice3A_6 : vector<128x16xf32> to vector<128x1x16xf32>
    %stack3A_14 = vector.shape_cast %slice3A_7 : vector<128x16xf32> to vector<128x1x16xf32>
    %stack3A_15 = vector.shape_cast %slice3A_8 : vector<128x16xf32> to vector<128x1x16xf32>
    %stack3A_16 = tpu.concatenate %stack3A, %stack3A_9, %stack3A_10, %stack3A_11, %stack3A_12, %stack3A_13, %stack3A_14, %stack3A_15 in 1 : vector<128x1x16xf32>, vector<128x1x16xf32>, vector<128x1x16xf32>, vector<128x1x16xf32>, vector<128x1x16xf32>, vector<128x1x16xf32>, vector<128x1x16xf32>, vector<128x1x16xf32> -> vector<128x8x16xf32>
    %reshape3A = vector.shape_cast %stack3A_16 : vector<128x8x16xf32> to vector<1024x16xf32>
    %get3A_17 = arith.constant 0 : index
    %get3A_18 = arith.constant 0 : index
    %get3A_19 = vector.load %arg2[%get3A_17, %get3A_18] : memref<128x128xf32, #tpu.memory_space<vmem>>, vector<128x128xf32>
    %slice3A_20 = vector.extract_strided_slice %get3A_19 {offsets = [0, 0], sizes = [128, 16], strides = [1, 1]} : vector<128x128xf32> to vector<128x16xf32>
    %slice3A_21 = vector.extract_strided_slice %get3A_19 {offsets = [0, 16], sizes = [128, 16], strides = [1, 1]} : vector<128x128xf32> to vector<128x16xf32>
    %slice3A_22 = vector.extract_strided_slice %get3A_19 {offsets = [0, 32], sizes = [128, 16], strides = [1, 1]} : vector<128x128xf32> to vector<128x16xf32>
    %slice3A_23 = vector.extract_strided_slice %get3A_19 {offsets = [0, 48], sizes = [128, 16], strides = [1, 1]} : vector<128x128xf32> to vector<128x16xf32>
    %slice3A_24 = vector.extract_strided_slice %get3A_19 {offsets = [0, 64], sizes = [128, 16], strides = [1, 1]} : vector<128x128xf32> to vector<128x16xf32>
    %slice3A_25 = vector.extract_strided_slice %get3A_19 {offsets = [0, 80], sizes = [128, 16], strides = [1, 1]} : vector<128x128xf32> to vector<128x16xf32>
    %slice3A_26 = vector.extract_strided_slice %get3A_19 {offsets = [0, 96], sizes = [128, 16], strides = [1, 1]} : vector<128x128xf32> to vector<128x16xf32>
    %slice3A_27 = vector.extract_strided_slice %get3A_19 {offsets = [0, 112], sizes = [128, 16], strides = [1, 1]} : vector<128x128xf32> to vector<128x16xf32>
    %stack3A_28 = vector.shape_cast %slice3A_20 : vector<128x16xf32> to vector<128x1x16xf32>
    %stack3A_29 = vector.shape_cast %slice3A_21 : vector<128x16xf32> to vector<128x1x16xf32>
    %stack3A_30 = vector.shape_cast %slice3A_22 : vector<128x16xf32> to vector<128x1x16xf32>
    %stack3A_31 = vector.shape_cast %slice3A_23 : vector<128x16xf32> to vector<128x1x16xf32>
    %stack3A_32 = vector.shape_cast %slice3A_24 : vector<128x16xf32> to vector<128x1x16xf32>
    %stack3A_33 = vector.shape_cast %slice3A_25 : vector<128x16xf32> to vector<128x1x16xf32>
    %stack3A_34 = vector.shape_cast %slice3A_26 : vector<128x16xf32> to vector<128x1x16xf32>
    %stack3A_35 = vector.shape_cast %slice3A_27 : vector<128x16xf32> to vector<128x1x16xf32>
    %stack3A_36 = tpu.concatenate %stack3A_28, %stack3A_29, %stack3A_30, %stack3A_31, %stack3A_32, %stack3A_33, %stack3A_34, %stack3A_35 in 1 : vector<128x1x16xf32>, vector<128x1x16xf32>, vector<128x1x16xf32>, vector<128x1x16xf32>, vector<128x1x16xf32>, vector<128x1x16xf32>, vector<128x1x16xf32>, vector<128x1x16xf32> -> vector<128x8x16xf32>
    %reshape3A_37 = vector.shape_cast %stack3A_36 : vector<128x8x16xf32> to vector<1024x16xf32>
    %concatenate3A = tpu.concatenate %reshape3A, %reshape3A_37 in 1 : vector<1024x16xf32>, vector<1024x16xf32> -> vector<1024x32xf32>
    %get3A_38 = arith.constant 0 : index
    %get3A_39 = vector.load %arg3[%get3A_38] : memref<1024xf32, #tpu.memory_space<vmem>>, vector<1024xf32>
    %reshape3A_40 = vector.shape_cast %get3A_39 : vector<1024xf32> to vector<1024x1xf32>
    %mul3A = vector.broadcast %reshape3A_40 : vector<1024x1xf32> to vector<1024x32xf32>
    %mul3A_41 = arith.mulf %concatenate3A, %mul3A : vector<1024x32xf32>
    %get3A_42 = arith.constant 0 : index
    %get3A_43 = arith.constant 0 : index
    %get3A_44 = vector.load %arg4[%get3A_42, %get3A_43] : memref<1x32xf32, #tpu.memory_space<vmem>>, vector<1x32xf32>
    %add3A = vector.broadcast %get3A_44 : vector<1x32xf32> to vector<1024x32xf32>
    %add3A_45 = arith.addf %mul3A_41, %add3A : vector<1024x32xf32>
    %swap3A = arith.constant 0 : index
    %swap3A_46 = arith.constant 0 : index
    %swap3A_47 = vector.load %arg5[%swap3A, %swap3A_46] : memref<1024x32xf32, #tpu.memory_space<vmem>>, vector<1024x32xf32>
    tpu.vector_store %arg5[%swap3A, %swap3A_46], %add3A_45 {strides = array<i32>} : memref<1024x32xf32, #tpu.memory_space<vmem>>, vector<1024x32xf32>,
    return
  }
  func.func @transform_0(%arg0: i32) -> (i32, i32) {
    %c0_i32 = arith.constant 0 : i32
    %c0_i32_0 = arith.constant 0 : i32
    return %arg0, %c0_i32 : i32, i32
  }
  func.func @transform_1(%arg0: i32) -> (i32, i32) {
    %c0_i32 = arith.constant 0 : i32
    %c0_i32_0 = arith.constant 0 : i32
    return %arg0, %c0_i32 : i32, i32
  }
  func.func @transform_2(%arg0: i32) -> i32 {
    %c0_i32 = arith.constant 0 : i32
    return %arg0 : i32
  }
  func.func @transform_3(%arg0: i32) -> (i32, i32) {
    %c0_i32 = arith.constant 0 : i32
    %c0_i32_0 = arith.constant 0 : i32
    %c0_i32_1 = arith.constant 0 : i32
    return %c0_i32, %c0_i32_0 : i32, i32
  }
  func.func @transform_4(%arg0: i32) -> (i32, i32) {
    %c0_i32 = arith.constant 0 : i32
    %c0_i32_0 = arith.constant 0 : i32
    return %arg0, %c0_i32 : i32, i32
  }
}

module attributes {stable_mosaic.version = 14 : i64} {
  func.func @_tc_mid_body(%arg0: i32, %arg1: memref<256x128xf32, #tpu.memory_space<vmem>>, %arg2: memref<256x128xf32, #tpu.memory_space<vmem>>, %arg3: memref<1024xf32, #tpu.memory_space<vmem>>, %arg4: memref<1x64xf32, #tpu.memory_space<vmem>>, %arg5: memref<64x32xf32, #tpu.memory_space<vmem>>, %arg6: memref<128x128xf32, #tpu.memory_space<vmem>>, %arg7: memref<128x128xf32, #tpu.memory_space<vmem>>) attributes {dimension_semantics = [#tpu.dimension_semantics<arbitrary>], iteration_bounds = array<i64: 11>, scalar_prefetch = 0 : i64, scratch_operands = 0 : i64, tpu.core_type = #tpu.core_type<tc>, window_params = [{transform_indices = @transform_0, window_bounds = array<i64: 256, 128>}, {transform_indices = @transform_1, window_bounds = array<i64: 256, 128>}, {transform_indices = @transform_2, window_bounds = array<i64: 1024>}, {pipeline_mode = #tpu.pipeline_mode<synchronous>, transform_indices = @transform_3, window_bounds = array<i64: 1, 64>}, {pipeline_mode = #tpu.pipeline_mode<synchronous>, transform_indices = @transform_4, window_bounds = array<i64: 64, 32>}, {transform_indices = @transform_5, window_bounds = array<i64: 128, 128>}, {transform_indices = @transform_6, window_bounds = array<i64: 128, 128>}]} {
    %get3A = arith.constant 0 : index
    %get3A_0 = arith.constant 0 : index
    %get3A_1 = vector.load %arg1[%get3A, %get3A_0] : memref<256x128xf32, #tpu.memory_space<vmem>>, vector<256x128xf32>
    %slice3A = vector.extract_strided_slice %get3A_1 {offsets = [0, 0], sizes = [256, 32], strides = [1, 1]} : vector<256x128xf32> to vector<256x32xf32>
    %slice3A_2 = vector.extract_strided_slice %get3A_1 {offsets = [0, 32], sizes = [256, 32], strides = [1, 1]} : vector<256x128xf32> to vector<256x32xf32>
    %slice3A_3 = vector.extract_strided_slice %get3A_1 {offsets = [0, 64], sizes = [256, 32], strides = [1, 1]} : vector<256x128xf32> to vector<256x32xf32>
    %slice3A_4 = vector.extract_strided_slice %get3A_1 {offsets = [0, 96], sizes = [256, 32], strides = [1, 1]} : vector<256x128xf32> to vector<256x32xf32>
    %stack3A = vector.shape_cast %slice3A : vector<256x32xf32> to vector<256x1x32xf32>
    %stack3A_5 = vector.shape_cast %slice3A_2 : vector<256x32xf32> to vector<256x1x32xf32>
    %stack3A_6 = vector.shape_cast %slice3A_3 : vector<256x32xf32> to vector<256x1x32xf32>
    %stack3A_7 = vector.shape_cast %slice3A_4 : vector<256x32xf32> to vector<256x1x32xf32>
    %stack3A_8 = tpu.concatenate %stack3A, %stack3A_5, %stack3A_6, %stack3A_7 in 1 : vector<256x1x32xf32>, vector<256x1x32xf32>, vector<256x1x32xf32>, vector<256x1x32xf32> -> vector<256x4x32xf32>
    %reshape3A = vector.shape_cast %stack3A_8 : vector<256x4x32xf32> to vector<1024x32xf32>
    %get3A_9 = arith.constant 0 : index
    %get3A_10 = arith.constant 0 : index
    %get3A_11 = vector.load %arg2[%get3A_9, %get3A_10] : memref<256x128xf32, #tpu.memory_space<vmem>>, vector<256x128xf32>
    %slice3A_12 = vector.extract_strided_slice %get3A_11 {offsets = [0, 0], sizes = [256, 32], strides = [1, 1]} : vector<256x128xf32> to vector<256x32xf32>
    %slice3A_13 = vector.extract_strided_slice %get3A_11 {offsets = [0, 32], sizes = [256, 32], strides = [1, 1]} : vector<256x128xf32> to vector<256x32xf32>
    %slice3A_14 = vector.extract_strided_slice %get3A_11 {offsets = [0, 64], sizes = [256, 32], strides = [1, 1]} : vector<256x128xf32> to vector<256x32xf32>
    %slice3A_15 = vector.extract_strided_slice %get3A_11 {offsets = [0, 96], sizes = [256, 32], strides = [1, 1]} : vector<256x128xf32> to vector<256x32xf32>
    %stack3A_16 = vector.shape_cast %slice3A_12 : vector<256x32xf32> to vector<256x1x32xf32>
    %stack3A_17 = vector.shape_cast %slice3A_13 : vector<256x32xf32> to vector<256x1x32xf32>
    %stack3A_18 = vector.shape_cast %slice3A_14 : vector<256x32xf32> to vector<256x1x32xf32>
    %stack3A_19 = vector.shape_cast %slice3A_15 : vector<256x32xf32> to vector<256x1x32xf32>
    %stack3A_20 = tpu.concatenate %stack3A_16, %stack3A_17, %stack3A_18, %stack3A_19 in 1 : vector<256x1x32xf32>, vector<256x1x32xf32>, vector<256x1x32xf32>, vector<256x1x32xf32> -> vector<256x4x32xf32>
    %reshape3A_21 = vector.shape_cast %stack3A_20 : vector<256x4x32xf32> to vector<1024x32xf32>
    %concatenate3A = tpu.concatenate %reshape3A, %reshape3A_21 in 1 : vector<1024x32xf32>, vector<1024x32xf32> -> vector<1024x64xf32>
    %get3A_22 = arith.constant 0 : index
    %get3A_23 = vector.load %arg3[%get3A_22] : memref<1024xf32, #tpu.memory_space<vmem>>, vector<1024xf32>
    %reshape3A_24 = vector.shape_cast %get3A_23 : vector<1024xf32> to vector<1024x1xf32>
    %mul3A = vector.broadcast %reshape3A_24 : vector<1024x1xf32> to vector<1024x64xf32>
    %mul3A_25 = arith.mulf %concatenate3A, %mul3A : vector<1024x64xf32>
    %get3A_26 = arith.constant 0 : index
    %get3A_27 = arith.constant 0 : index
    %get3A_28 = vector.load %arg4[%get3A_26, %get3A_27] : memref<1x64xf32, #tpu.memory_space<vmem>>, vector<1x64xf32>
    %add3A = vector.broadcast %get3A_28 : vector<1x64xf32> to vector<1024x64xf32>
    %add3A_29 = arith.addf %mul3A_25, %add3A : vector<1024x64xf32>
    %max3A = arith.constant 0.000000e+00 : f32
    %max3A_30 = vector.broadcast %max3A : f32 to vector<1024x64xf32>
    %max3A_31 = arith.maximumf %add3A_29, %max3A_30 : vector<1024x64xf32>
    %get3A_32 = arith.constant 0 : index
    %get3A_33 = arith.constant 0 : index
    %get3A_34 = vector.load %arg5[%get3A_32, %get3A_33] : memref<64x32xf32, #tpu.memory_space<vmem>>, vector<64x32xf32>
    %dot_general3A = arith.constant dense<0.000000e+00> : vector<1024x32xf32>
    %dot_general3A_35 = tpu.matmul %max3A_31, %get3A_34, %dot_general3A {dimension_numbers = #tpu.dot_dimension_numbers<[1], [0], [0], [1], [0, 0, 1, 1], [], []>, transpose_lhs_hint = false} : vector<1024x64xf32>, vector<64x32xf32>, vector<1024x32xf32> -> vector<1024x32xf32>
    %mul3A_36 = vector.broadcast %reshape3A_24 : vector<1024x1xf32> to vector<1024x32xf32>
    %mul3A_37 = arith.mulf %dot_general3A_35, %mul3A_36 : vector<1024x32xf32>
    %slice3A_38 = vector.extract_strided_slice %mul3A_37 {offsets = [0, 0], sizes = [1024, 16], strides = [1, 1]} : vector<1024x32xf32> to vector<1024x16xf32>
    %reshape3A_39 = vector.shape_cast %slice3A_38 : vector<1024x16xf32> to vector<128x8x16xf32>
    %slice3A_40 = vector.extract_strided_slice %reshape3A_39 {offsets = [0, 0, 0], sizes = [128, 1, 16], strides = [1, 1, 1]} : vector<128x8x16xf32> to vector<128x1x16xf32>
    %squeeze3A = vector.shape_cast %slice3A_40 : vector<128x1x16xf32> to vector<128x16xf32>
    %slice3A_41 = vector.extract_strided_slice %reshape3A_39 {offsets = [0, 1, 0], sizes = [128, 1, 16], strides = [1, 1, 1]} : vector<128x8x16xf32> to vector<128x1x16xf32>
    %squeeze3A_42 = vector.shape_cast %slice3A_41 : vector<128x1x16xf32> to vector<128x16xf32>
    %slice3A_43 = vector.extract_strided_slice %reshape3A_39 {offsets = [0, 2, 0], sizes = [128, 1, 16], strides = [1, 1, 1]} : vector<128x8x16xf32> to vector<128x1x16xf32>
    %squeeze3A_44 = vector.shape_cast %slice3A_43 : vector<128x1x16xf32> to vector<128x16xf32>
    %slice3A_45 = vector.extract_strided_slice %reshape3A_39 {offsets = [0, 3, 0], sizes = [128, 1, 16], strides = [1, 1, 1]} : vector<128x8x16xf32> to vector<128x1x16xf32>
    %squeeze3A_46 = vector.shape_cast %slice3A_45 : vector<128x1x16xf32> to vector<128x16xf32>
    %slice3A_47 = vector.extract_strided_slice %reshape3A_39 {offsets = [0, 4, 0], sizes = [128, 1, 16], strides = [1, 1, 1]} : vector<128x8x16xf32> to vector<128x1x16xf32>
    %squeeze3A_48 = vector.shape_cast %slice3A_47 : vector<128x1x16xf32> to vector<128x16xf32>
    %slice3A_49 = vector.extract_strided_slice %reshape3A_39 {offsets = [0, 5, 0], sizes = [128, 1, 16], strides = [1, 1, 1]} : vector<128x8x16xf32> to vector<128x1x16xf32>
    %squeeze3A_50 = vector.shape_cast %slice3A_49 : vector<128x1x16xf32> to vector<128x16xf32>
    %slice3A_51 = vector.extract_strided_slice %reshape3A_39 {offsets = [0, 6, 0], sizes = [128, 1, 16], strides = [1, 1, 1]} : vector<128x8x16xf32> to vector<128x1x16xf32>
    %squeeze3A_52 = vector.shape_cast %slice3A_51 : vector<128x1x16xf32> to vector<128x16xf32>
    %slice3A_53 = vector.extract_strided_slice %reshape3A_39 {offsets = [0, 7, 0], sizes = [128, 1, 16], strides = [1, 1, 1]} : vector<128x8x16xf32> to vector<128x1x16xf32>
    %squeeze3A_54 = vector.shape_cast %slice3A_53 : vector<128x1x16xf32> to vector<128x16xf32>
    %concatenate3A_55 = tpu.concatenate %squeeze3A, %squeeze3A_42, %squeeze3A_44, %squeeze3A_46, %squeeze3A_48, %squeeze3A_50, %squeeze3A_52, %squeeze3A_54 in 1 : vector<128x16xf32>, vector<128x16xf32>, vector<128x16xf32>, vector<128x16xf32>, vector<128x16xf32>, vector<128x16xf32>, vector<128x16xf32>, vector<128x16xf32> -> vector<128x128xf32>
    %swap3A = arith.constant 0 : index
    %swap3A_56 = arith.constant 0 : index
    %swap3A_57 = vector.load %arg6[%swap3A, %swap3A_56] : memref<128x128xf32, #tpu.memory_space<vmem>>, vector<128x128xf32>
    tpu.vector_store %arg6[%swap3A, %swap3A_56], %concatenate3A_55 {strides = array<i32>} : memref<128x128xf32, #tpu.memory_space<vmem>>, vector<128x128xf32>,
    %slice3A_58 = vector.extract_strided_slice %mul3A_37 {offsets = [0, 16], sizes = [1024, 16], strides = [1, 1]} : vector<1024x32xf32> to vector<1024x16xf32>
    %reshape3A_59 = vector.shape_cast %slice3A_58 : vector<1024x16xf32> to vector<128x8x16xf32>
    %slice3A_60 = vector.extract_strided_slice %reshape3A_59 {offsets = [0, 0, 0], sizes = [128, 1, 16], strides = [1, 1, 1]} : vector<128x8x16xf32> to vector<128x1x16xf32>
    %squeeze3A_61 = vector.shape_cast %slice3A_60 : vector<128x1x16xf32> to vector<128x16xf32>
    %slice3A_62 = vector.extract_strided_slice %reshape3A_59 {offsets = [0, 1, 0], sizes = [128, 1, 16], strides = [1, 1, 1]} : vector<128x8x16xf32> to vector<128x1x16xf32>
    %squeeze3A_63 = vector.shape_cast %slice3A_62 : vector<128x1x16xf32> to vector<128x16xf32>
    %slice3A_64 = vector.extract_strided_slice %reshape3A_59 {offsets = [0, 2, 0], sizes = [128, 1, 16], strides = [1, 1, 1]} : vector<128x8x16xf32> to vector<128x1x16xf32>
    %squeeze3A_65 = vector.shape_cast %slice3A_64 : vector<128x1x16xf32> to vector<128x16xf32>
    %slice3A_66 = vector.extract_strided_slice %reshape3A_59 {offsets = [0, 3, 0], sizes = [128, 1, 16], strides = [1, 1, 1]} : vector<128x8x16xf32> to vector<128x1x16xf32>
    %squeeze3A_67 = vector.shape_cast %slice3A_66 : vector<128x1x16xf32> to vector<128x16xf32>
    %slice3A_68 = vector.extract_strided_slice %reshape3A_59 {offsets = [0, 4, 0], sizes = [128, 1, 16], strides = [1, 1, 1]} : vector<128x8x16xf32> to vector<128x1x16xf32>
    %squeeze3A_69 = vector.shape_cast %slice3A_68 : vector<128x1x16xf32> to vector<128x16xf32>
    %slice3A_70 = vector.extract_strided_slice %reshape3A_59 {offsets = [0, 5, 0], sizes = [128, 1, 16], strides = [1, 1, 1]} : vector<128x8x16xf32> to vector<128x1x16xf32>
    %squeeze3A_71 = vector.shape_cast %slice3A_70 : vector<128x1x16xf32> to vector<128x16xf32>
    %slice3A_72 = vector.extract_strided_slice %reshape3A_59 {offsets = [0, 6, 0], sizes = [128, 1, 16], strides = [1, 1, 1]} : vector<128x8x16xf32> to vector<128x1x16xf32>
    %squeeze3A_73 = vector.shape_cast %slice3A_72 : vector<128x1x16xf32> to vector<128x16xf32>
    %slice3A_74 = vector.extract_strided_slice %reshape3A_59 {offsets = [0, 7, 0], sizes = [128, 1, 16], strides = [1, 1, 1]} : vector<128x8x16xf32> to vector<128x1x16xf32>
    %squeeze3A_75 = vector.shape_cast %slice3A_74 : vector<128x1x16xf32> to vector<128x16xf32>
    %concatenate3A_76 = tpu.concatenate %squeeze3A_61, %squeeze3A_63, %squeeze3A_65, %squeeze3A_67, %squeeze3A_69, %squeeze3A_71, %squeeze3A_73, %squeeze3A_75 in 1 : vector<128x16xf32>, vector<128x16xf32>, vector<128x16xf32>, vector<128x16xf32>, vector<128x16xf32>, vector<128x16xf32>, vector<128x16xf32>, vector<128x16xf32> -> vector<128x128xf32>
    %swap3A_77 = arith.constant 0 : index
    %swap3A_78 = arith.constant 0 : index
    %swap3A_79 = vector.load %arg7[%swap3A_77, %swap3A_78] : memref<128x128xf32, #tpu.memory_space<vmem>>, vector<128x128xf32>
    tpu.vector_store %arg7[%swap3A_77, %swap3A_78], %concatenate3A_76 {strides = array<i32>} : memref<128x128xf32, #tpu.memory_space<vmem>>, vector<128x128xf32>,
    return
  }
  func.func @transform_0(%arg0: i32) -> (i32, i32) {
    %c0_i32 = arith.constant 0 : i32
    %c0_i32_0 = arith.constant 0 : i32
    return %arg0, %c0_i32 : i32, i32
  }
  func.func @transform_1(%arg0: i32) -> (i32, i32) {
    %c0_i32 = arith.constant 0 : i32
    %c0_i32_0 = arith.constant 0 : i32
    return %arg0, %c0_i32 : i32, i32
  }
  func.func @transform_2(%arg0: i32) -> i32 {
    %c0_i32 = arith.constant 0 : i32
    return %arg0 : i32
  }
  func.func @transform_3(%arg0: i32) -> (i32, i32) {
    %c0_i32 = arith.constant 0 : i32
    %c0_i32_0 = arith.constant 0 : i32
    %c0_i32_1 = arith.constant 0 : i32
    return %c0_i32, %c0_i32_0 : i32, i32
  }
  func.func @transform_4(%arg0: i32) -> (i32, i32) {
    %c0_i32 = arith.constant 0 : i32
    %c0_i32_0 = arith.constant 0 : i32
    %c0_i32_1 = arith.constant 0 : i32
    return %c0_i32, %c0_i32_0 : i32, i32
  }
  func.func @transform_5(%arg0: i32) -> (i32, i32) {
    %c0_i32 = arith.constant 0 : i32
    %c0_i32_0 = arith.constant 0 : i32
    return %arg0, %c0_i32 : i32, i32
  }
  func.func @transform_6(%arg0: i32) -> (i32, i32) {
    %c0_i32 = arith.constant 0 : i32
    %c0_i32_0 = arith.constant 0 : i32
    return %arg0, %c0_i32 : i32, i32
  }
}

</mosaic_0001>

<sc_bundles>
// kernel: kernel.11.cloned.1.call-start
scs
__scs_entry_jumppad:
0x0: {  	(pc) =	sbr.rel $0x88, $3  }
0x1: {  	(tag) =	ssettag $0x0;
	lr =	simm.s32 $0x1  }
0x2: {  	[smem:$0x3F9B] =	sst lr;
	_ =	strace $0xD0000000  }
0x3: {  	_ = 	snop  }
0x4: {  	_ = 	snop  }
0x5: {  	_ = 	snop  }
0x6: {  	_ = 	snop  }
0x7: {  	_ = 	snop  }
__scs_overlays_trampoline_lowered:
0x8: {  	[smem:$0x3FAA] =	sst s0  }
0x9: {  	[smem:$0x3FAB] =	sst s1  }
0xa: {  	[smem:$0x3FAC] =	sst s2  }
0xb: {  	[smem:$0x3FAD] =	sst s3  }
0xc: {  	[smem:$0x3FAE] =	sst s4  }
0xd: {  	[smem:$0x3FAF] =	sst s5  }
0xe: {  	[smem:$0x3FB0] =	sst s6  }
0xf: {  	[smem:$0x3FB1] =	sst s7  }
0x10: {  	[smem:$0x3FB2] =	sst s8  }
0x11: {  	[smem:$0x3FB3] =	sst s9;
	s0 =	simm.s32 @!p0 $0x0  }
0x12: {  	s1 =	sld [smem:$0x3F99];
	s0 =	simm.s32 @p0 $0x1  }
0x13: {  	[smem:$0x3FB4] =	sst s0;
	s0 =	simm.s32 @!p1 $0x0  }
0x14: {  	s2 =	sld [smem:$0x3F98];
	s0 =	simm.s32 @p1 $0x1  }
0x15: {  	[smem:$0x3FB5] =	sst s0;
	s0 =	simm.s32 @!p2 $0x0  }
0x16: {  	s3 =	sld [smem:$0x3FDB];
	s0 =	simm.s32 @p2 $0x1  }
0x17: {  	s4 =	simm.s32 $0x1BF5;
	[smem:$0x3FB7] =	sst s0  }
0x18: {  	s0 =	sld [smem:$0x3F9A];
	_ =	swait.ge [sflag:s4], $0x0  }
0x19: {  	s7 =	sld [smem:$0x3F9B]  }
0x1a: {  	s8 =	sadd.s32 $0xFFFFE003, lr  }
0x1b: {  	s9 =	sadd.s32 $0xFFFFFEF7, lr;
	s5 =	simm.s32 $0xFFFFFFFF;
	p2 =	slt.u32 s8, $0xFFFFF086  }
0x1c: {  	p1 =	slt.u32 s9, $0xF7A;
	s5 =	simm.s32 @!p2 $0x0  }
0x1d: {  	s5 =	simm.s32 @p1 $0x1;
	p0 =	seq.s32 s7, s2  }
0x1e: {  	s7 =	smul.u32 @!p0 $0xF7A, s2;
	p2 =	seq.s32 @!p0 s5, $0x0  }
0x1f: {  	s9 =	smul.u32 $0xF7A, s1;
	s8 =	simm.s32 @!p0 $0x1BF5;
	p2 =	por !p2, p0  }
0x20: {  	[sflag:s8] =	ssyncset.s32 @!p0 $0xFFFFF086;
	s6 =	sadd.s32 @!p0 s3, s7;
	s7 =	simm.s32 @!p0 $0x108  }
0x21: {  	s3 =	sadd.s32 s3, s9;
	s6 =	sadd.s32 @!p0 $0x88, s6;
	s7 =	simm.s32 @p2 $0x1082  }
0x22: {  	[simem:s7], [sflag:s8] =	dma.local @!p0 [hbm:s6], $0xF7A  }
0x23: {  	s9 =	sor.u32 $0xD0000000, s2;
	s6 =	simm.s32 $0x108;
	_ =	swait.ge @!p0 [sflag:s8], $0x0  }
0x24: {  	s3 =	sadd.s32 $0x88, s3;
	s6 =	simm.s32 @!p1 $0x1082;
	[sflag:s4] =	ssyncset.s32 $0xFFFFF086  }
0x25: {  	[simem:s6], [sflag:s4] =	dma.local [hbm:s3], $0xF7A  }
0x26: {  	[smem:$0x3F9B] =	sst s1;
	(tag) =	ssettag s2;
	_ =	strace s9  }
0x27: {  	s1 =	sld [smem:$0x3FAB]  }
0x28: {  	s2 =	sld [smem:$0x3FAC]  }
0x29: {  	s4 =	sld [smem:$0x3FAE]  }
0x2a: {  	p0 =	seq.s32 s5, $0x0;
	s5 =	sld [smem:$0x3FAF]  }
0x2b: {  	s6 =	sld [smem:$0x3FB0]  }
0x2c: {  	s7 =	sld [smem:$0x3FB1]  }
0x2d: {  	s3 =	simm.s32 $0x108;
	s8 =	sld [smem:$0x3FB2]  }
0x2e: {  	s3 =	simm.s32 @!p0 $0x1082;
	s9 =	sld [smem:$0x3FB3]  }
0x2f: {  	lr =	sadd.s32 s0, s3;
	s0 =	sld [smem:$0x3FAA]  }
0x30: {  	s3 =	sld [smem:$0x3FAD]  }
0x31: {  	[smem:$0x3FB6] =	sst s10  }
0x32: {  	s10 =	sld [smem:$0x3FB4];
	_ =	sdelay $0x3  }
0x33: {  	p0 =	seq.s32 s10, $0x1;
	s10 =	sld [smem:$0x3FB6];
	_ =	sdelay $0x3  }
0x34: {  	[smem:$0x3FB6] =	sst s10  }
0x35: {  	s10 =	sld [smem:$0x3FB5];
	_ =	sdelay $0x3  }
0x36: {  	p1 =	seq.s32 s10, $0x1;
	s10 =	sld [smem:$0x3FB6];
	_ =	sdelay $0x3  }
0x37: {  	[smem:$0x3FB6] =	sst s10  }
0x38: {  	s10 =	sld [smem:$0x3FB7]  }
0x39: {  	_ = 	snop;
	(pc) =	sbr.ind lr, $3  }
0x3a: {  	_ = 	snop  }
0x3b: {  	_ = 	snop  }
0x3c: {  	p2 =	seq.s32 s10, $0x1;
	s10 =	sld [smem:$0x3FB6]  }
0x3d: {  	_ =	shalt  }
0x3e: {  	_ =	shalt  }
0x3f: {  	_ =	shalt  }
0x40: {  	_ =	shalt  }
0x41: {  	_ =	shalt  }
0x42: {  	_ =	shalt  }
0x43: {  	_ =	shalt  }
0x44: {  	_ =	shalt  }
0x45: {  	_ =	shalt  }
0x46: {  	_ =	shalt  }
0x47: {  	_ =	shalt  }
0x48: {  	_ =	shalt  }
0x49: {  	_ =	shalt  }
0x4a: {  	_ =	shalt  }
0x4b: {  	_ =	shalt  }
0x4c: {  	_ =	shalt  }
0x4d: {  	_ =	shalt  }
0x4e: {  	_ =	shalt  }
0x4f: {  	_ =	shalt  }
0x50: {  	_ =	shalt  }
0x51: {  	_ =	shalt  }
0x52: {  	_ =	shalt  }
0x53: {  	_ =	shalt  }
0x54: {  	_ =	shalt  }
0x55: {  	_ =	shalt  }
0x56: {  	_ =	shalt  }
0x57: {  	_ =	shalt  }
0x58: {  	_ =	shalt  }
0x59: {  	_ =	shalt  }
0x5a: {  	_ =	shalt  }
0x5b: {  	_ =	shalt  }
0x5c: {  	_ =	shalt  }
0x5d: {  	_ =	shalt  }
0x5e: {  	_ =	shalt  }
0x5f: {  	_ =	shalt  }
0x60: {  	_ =	shalt  }
0x61: {  	_ =	shalt  }
0x62: {  	_ =	shalt  }
0x63: {  	_ =	shalt  }
0x64: {  	_ =	shalt  }
0x65: {  	_ =	shalt  }
0x66: {  	_ =	shalt  }
0x67: {  	_ =	shalt  }
0x68: {  	_ =	shalt  }
0x69: {  	_ =	shalt  }
0x6a: {  	_ =	shalt  }
0x6b: {  	_ =	shalt  }
0x6c: {  	_ =	shalt  }
0x6d: {  	_ =	shalt  }
0x6e: {  	_ =	shalt  }
0x6f: {  	_ =	shalt  }
0x70: {  	_ =	shalt  }
0x71: {  	_ =	shalt  }
0x72: {  	_ =	shalt  }
0x73: {  	_ =	shalt  }
0x74: {  	_ =	shalt  }
0x75: {  	_ =	shalt  }
0x76: {  	_ =	shalt  }
0x77: {  	_ =	shalt  }
0x78: {  	_ =	shalt  }
0x79: {  	_ =	shalt  }
0x7a: {  	_ =	shalt  }
0x7b: {  	_ =	shalt  }
0x7c: {  	_ =	shalt  }
0x7d: {  	_ =	shalt  }
0x7e: {  	_ =	shalt  }
0x7f: {  	_ =	shalt  }
0x80: {  	_ =	shalt  }
0x81: {  	_ =	shalt  }
0x82: {  	_ =	shalt  }
0x83: {  	_ =	shalt  }
0x84: {  	_ =	shalt  }
0x85: {  	_ =	shalt  }
0x86: {  	_ =	shalt  }
0x87: {  	_ =	shalt  }
.Lfunc_end0:
.L_simem_size_0:
called_computation.1_lowered:
.L_overlay_start_0:
0x88: {  	s2 =	sld [smem:$0x3FD9]  }
0x89: {  	s3 =	sld [smem:$0x3FFE];
	_ =	sdelay $0x1  }
0x8a: {  	s1 =	srdreg.scid  }
0x8b: {  	s0 =	sand.u32 $0x1, s1  }
0x8c: {  	s16 =	sshll.u32 s0, $0xA;
	s2 =	sadd.s32 s3, s2  }
0x8d: {  	s2 =	sadd.s32 s2, s16  }
0x8e: {  	[smem:$0x3FC2] =	sst s2  }
0x8f: {  	_ = 	snop  }
0x90: {  	(tm) =	ssettm $0x1  }
0x91: {  	s17 =	sld [smem:$0x3FFB];
	_ =	sdelay $0x3  }
0x92: {  	_ =	strace s17  }
0x93: {  	s2 =	sld [smem:$0x3FFC];
	_ =	sdelay $0x3  }
0x94: {  	_ =	strace s2  }
0x95: {  	s2 =	sld [smem:$0x3FFD];
	_ =	sdelay $0x3  }
0x96: {  	_ =	strace s2  }
0x97: {  	_ =	strace $0x8FFFFFFF  }
0x98: {  	s18 =	sld [smem:$0x3FDB];
	_ =	sdelay $0x1  }
0x99: {  	s19 =	simm.s32 $_scs_section_size  }
0x9a: {  	s4 =	simm.s32 $_size__tile_overlayer_lowered;
	s5 =	simm.s32 $_tile_overlayer_lowered  }
0x9b: {  	s22 =	simm.s32 $0x1BFF;
	s21 =	sshll.u32 s5, $0x1;
	s2 =	sadd.s32 s19, s18  }
0x9c: {  	s6 =	simm.s32 $0x0;
	s20 =	sshll.u32 s4, $0x1;
	s4 =	sadd.s32 s21, s2  }
0x9d: {  	[timem:s6], [sflag:s22] =	dma.local [hbm:s4], s20  }
0x9e: {  	_ =	swait.ge [sflag:s22], s20  }
0x9f: {  	s3 =	ssub.s32 $0x0, s20;
	[sflag:s22] =	ssyncset.done $0x0  }
0xa0: {  	[sflag:s22] =	ssyncadd.s32 s3;
	_ =	sdelay $0x1  }
0xa1: {  	s23 =	simm.s32 $0x1B8B  }
0xa2: {  	_ =	swait.ge [sflag:s23], $0x1  }
0xa3: {  	[sflag:s23] =	ssyncset.done $0x0  }
0xa4: {  	s25 =	simm.s32 $0x1B8E;
	s24 =	sld [smem:$0x3FFE];
	[sflag:s23] =	ssyncadd.s32 $0xFFFFFFFF  }
0xa5: {  	s26 =	simm.s32 $execute0_lowered;
	[smem:$0x3FD2] =	sst s25  }
0xa6: {  	s4 =	sshll.u32 s26, $0x1;
	_ =	strace $0x80000049;
	[dreg:$0x1] =	wrdreg $0xFFFFFFFF  }
0xa7: {  	s28 =	simm.s32 $_size_execute0_lowered;
	s2 =	sadd.s32 s2, s4;
	[dreg:$0x0] =	wrdreg $0x0  }
0xa8: {  	s4 =	sshll.u32 s28, $0x1;
	[dreg:$0x2] =	wrdreg s2  }
0xa9: {  	[dreg:$0x3] =	wrdreg s4  }
0xaa: {  	[dreg:$0x4] =	wrdreg $0xC0  }
0xab: {  	_ =	task [dreg:s6], $0x5FFFF  }
0xac: {  	[dreg:$0x1] =	wrdreg $0xFFFFFFFF  }
0xad: {  	[dreg:$0x0] =	wrdreg $0x60  }
0xae: {  	[dreg:$0x2] =	wrdreg s24  }
0xaf: {  	[dreg:$0x3] =	wrdreg $0x0  }
0xb0: {  	[dreg:$0x4] =	wrdreg $0x9  }
0xb1: {  	_ =	task.clear_ibuf [dreg:s6], $0x5FFFF;
	_ =	strace $0x90000049  }
0xb2: {  	s29 =	simm.s32 $0x9;
	_ =	strace $0x8000004B  }
0xb3: {  	_ =	swait.ge [sflag:s29], $0x1  }
0xb4: {  	[sflag:s29] =	ssyncadd.s32 $0xFFFFFFFF  }
0xb5: {  	_ =	strace $0x9000004B  }
0xb6: {  	_ =	sfence  }
0xb7: {  	s30 =	sld [smem:$0x0];
	_ =	sdelay $0x2  }
0xb8: {  	s31 =	sshll.u32 s1, $0xD;
	s1 =	sshrl.u32 s1, $0x2  }
0xb9: {  	s3 =	sand.u32 $0x4000, s31;
	s1 =	sadd.s32 s1, s30  }
0xba: {  	s0 =	sor.u32 s3, s0;
	s1 =	sshll.u32 s1, $0x11  }
0xbb: {  	s0 =	sor.u32 s1, s0  }
0xbc: {  	s0 =	sadd.s32 $0x8F2B, s0  }
0xbd: {  	[sflag:s0] =	ssyncadd.remote.s32 $0x1  }
0xbe: {  	_ =	sfence.sel $0xFFFF  }
0xbf: {  	[dreg:$0x0] =	wrdreg $0xFFFFFFFF;
	(pc) =	sbr.abs _section_cstart, $3  }
0xc0: {  	[dreg:$0x1] =	wrdreg $0xFFFFFFFF  }
0xc1: {  	_ =	task.clear_ibuf [dreg:s6], $0x2FFFF;
	_ =	strace $0x9FFFFFFF  }
0xc2: {  	(tm) =	ssettm $0x7FFFFFFF  }
0xc3: {  	_ =	shalt  }
tec
execute0_lowered:
.L_overlay_start_1:
0x0: {  	(tag) =	ssettag $0x1  }
0x1: {  	s0 =	rddreg [dreg:$0x0]  }
0x2: {  	s2 =	rddreg [dreg:$0x1];
	s14 =	simm.s32 $0x0  }
0x3: {  	s9 =	stileid.u32;
	s1 =	srdreg.scid;
	s15 =	simm.s32 $0x9  }
0x4: {  	s20 =	simm.s32 $0x80;
	s21 =	simm.s32 $0xF800;
	s30 =	simm.s32 $0x13800  }
0x5: {  	s16 =	simm.s32 $0x15800;
	s11 =	simm.s32 $0x1;
	s22 =	simm.s32 $0x3  }
0x6: {  	s12 =	simm.s32 $0x5;
	[smem:$0x7FF] =	sst s14;
	s3 =	smul.u32 $0xA00, s9  }
0x7: {  	s1 =	sand.u32 $0x1, s1;
	s4 =	sadd.s32 $0x17A00, s0;
	s5 =	sadd.s32 $0x22A00, s0  }
0x8: {  	s8 =	smul.u32 $0x5800, s9;
	s10 =	sadd.s32 $0x2DA00, s0;
	s31 =	sshll.u32 s9, $0x6  }
0x9: {  	_ =	strace $0x8000004A;
	s6 =	ssub.s32 $0x2, s1;
	[dreg:$0x3] =	wrdreg s10  }
0xa: {  	p0 =	sne.s32 s1, $0x0;
	s1 =	simm.s32 $0x5800;
	[dreg:$0x9] =	wrdreg s31  }
0xb: {  	s29 =	sor.u32 $0x1C09, s31;
	s3 =	sadd.s32 s3, s0;
	s7 =	sshrl.u32 s6, $0x1  }
0xc: {  	s0 =	sadd.s32 $0x38A00, s0;
	s10 =	sshrl.u32 s8, $0x3;
	s25 =	sadd.s32 s8, s2  }
0xd: {  	[dreg:$0x4] =	wrdreg s0;
	s23 =	ssub.s32 s6, s7;
	s24 =	sadd.s32 $0x3A00, s3  }
.Ltmp0:
0xe: {  	s3 =	sadd.s32 $0xDA00, s3;
	[dreg:$0x5] =	wrdreg s24;
	(pc) =	sbr.rel .LBB2_1-.Ltmp0, $4  }
0xf: {  	s26 =	sadd.s32 s5, s10;
	s28 =	sadd.s32 s4, s10;
	[dreg:$0x6] =	wrdreg s3  }
0x10: {  	s19 =	sshrl.u32 s25, $0x3;
	s25 =	simm.s32 $0x11800;
	[dreg:$0x7] =	wrdreg s26  }
0x11: {  	s7 =	simm.s32 $0x16800;
	[dreg:$0x8] =	wrdreg s28;
	s13 =	smax.u32 s23, $0x1  }
0x12: {  	s23 =	simm.s32 $0x7;
	s24 =	simm.s32 $0x8;
	s26 =	simm.s32 $0x0  }
.LBB2_8:
0x13: {  	s0 =	rddreg [dreg:$0x4];
	s14 =	simm.s32 $0x0  }
.LBB2_9:
0x14: {  	_ =	swait.ge [sflag:s24], $0x1000  }
0x15: {  	s1 =	sshra.s32 s28, $0x2;
	[sflag:s24] =	ssyncset.done $0x0  }
0x16: {  	s1 =	sadd.s32 $0xAB80, s1;
	[sflag:s24] =	ssyncadd.s32 $0xFFFFF000  }
0x17: {  	[spmem:s2] =	stream.indirect.scatter.add.f32 [tilespmem:s7], [sflag:$0x9], $0x20, s1, s20, $0xb8;
	[tilespmem:$0x17800] =	vst v63  }
0x18: {  	_ =	swait.ge [sflag:s15], $0x1000  }
0x19: {  	s26 =	sadd.s32 $0x1, s26;
	[sflag:s15] =	ssyncset.done $0x0  }
0x1a: {  	p1 =	sne.s32 s26, s13;
	[sflag:s15] =	ssyncadd.s32 $0xFFFFF000  }
.Ltmp1:
0x1b: {  	s0 =	sadd.s32 s0, s10;
	[bflag:$0x0] =	sbarrier.arrive $0xFFFF;
	(pc) =	sbr.rel @!p1 .LBB2_10-.Ltmp1, $4  }
0x1c: {  	[hbm:s0], [sflag:s18] =	dma.local [spmem:s19], $0xB00  }
0x1d: {  	_ =	swait.ge [sflag:s15], $0xB00  }
0x1e: {  	[sflag:s15] =	ssyncset.done $0x0  }
0x1f: {  	s1 =	simm.s32 $0x5800;
	[sflag:s15] =	ssyncadd.s32 $0xFFFFF500  }
.LBB2_1:
0x20: {  	s0 =	rddreg [dreg:$0x5]  }
0x21: {  	[tilespmem:s1], [sflag:$0x9] =	stream.linear.gather [hbm4b:s0+s14], $0x5000, $0x38;
	[tilespmem:$0x17800] =	vst v63  }
0x22: {  	_ =	swait.ge [sflag:s15], $0x5000  }
0x23: {  	s3 =	simm.s32 $0xA800;
	[sflag:s15] =	ssyncset.done $0x0  }
.Ltmp2:
0x24: {  	s31 =	rddreg [dreg:$0x6];
	[sflag:s15] =	ssyncadd.s32 $0xFFFFB000;
	(pc) =	sbr.rel @p0 .LBB2_6-.Ltmp2, $4  }
0x25: {  	[tilespmem:s3], [sflag:$0x9] =	stream.linear.gather [hbm4b:s31+s14], $0x5000, $0x38;
	[tilespmem:$0x17800] =	vst v63  }
0x26: {  	_ =	swait.ge [sflag:s15], $0x5000  }
0x27: {  	[sflag:s15] =	ssyncset.done $0x0  }
0x28: {  	[sflag:s15] =	ssyncadd.s32 $0xFFFFB000  }
0x29: {  	s0 =	rddreg [dreg:$0x8]  }
0x2a: {  	[spmem:s19], [sflag:s29] =	dma.local [hbm:s0], $0xB00  }
0x2b: {  	_ =	swait.ge [sflag:s15], $0xB00  }
0x2c: {  	[sflag:s15] =	ssyncset.done $0x0  }
0x2d: {  	[sflag:s15] =	ssyncadd.s32 $0xFFFFF500  }
0x2e: {  	[bflag:$0x0] =	sbarrier.arrive $0xFFFF  }
0x2f: {  	[tilespmem:s21], [sflag:$0x1] =	stream.indirect.gather [hbm4b:s4+s20], $0x20, s1, s20, $0xb8;
	[tilespmem:$0x17800] =	vst v63  }
0x30: {  	s18 =	simm.s32 $0x5880;
	s31 =	simm.s32 $0x10800  }
0x31: {  	[tilespmem:s31], [sflag:$0x2] =	stream.indirect.gather [hbm4b:s4+s20], $0x20, s18, s20, $0xb8;
	[tilespmem:$0x17800] =	vst v63  }
0x32: {  	s1 =	simm.s32 $0x5900  }
0x33: {  	[tilespmem:s25], [sflag:$0x3] =	stream.indirect.gather [hbm4b:s4+s20], $0x20, s1, s20, $0xb8;
	[tilespmem:$0x17800] =	vst v63  }
0x34: {  	s3 =	simm.s32 $0x5980;
	s6 =	simm.s32 $0x12800  }
0x35: {  	[tilespmem:s6], [sflag:$0x4] =	stream.indirect.gather [hbm4b:s4+s20], $0x20, s3, s20, $0xb8;
	[tilespmem:$0x17800] =	vst v63  }
0x36: {  	s8 =	simm.s32 $0x5A00  }
0x37: {  	[tilespmem:s30], [sflag:$0x5] =	stream.indirect.gather [hbm4b:s4+s20], $0x20, s8, s20, $0xb8;
	[tilespmem:$0x17800] =	vst v63  }
0x38: {  	s9 =	simm.s32 $0x5A80;
	s17 =	simm.s32 $0x14800  }
0x39: {  	[tilespmem:s17], [sflag:$0x6] =	stream.indirect.gather [hbm4b:s4+s20], $0x20, s9, s20, $0xb8;
	[tilespmem:$0x17800] =	vst v63  }
0x3a: {  	s18 =	simm.s32 $0x5B00  }
0x3b: {  	[tilespmem:s16], [sflag:$0x7] =	stream.indirect.gather [hbm4b:s4+s20], $0x20, s18, s20, $0xb8;
	[tilespmem:$0x17800] =	vst v63  }
0x3c: {  	s28 =	simm.s32 $0x0;
	s31 =	simm.s32 $0x5B80  }
0x3d: {  	[tilespmem:s7], [sflag:$0x8] =	stream.indirect.gather [hbm4b:s4+s20], $0x20, s31, s20, $0xb8;
	[tilespmem:$0x17800] =	vst v63  }
.LBB2_3:
0x3e: {  	_ =	swait.ge [sflag:s11], $0x1000  }
0x3f: {  	s18 =	sshra.s32 s28, $0x2;
	[sflag:s11] =	ssyncset.done $0x0  }
0x40: {  	s0 =	sadd.s32 $0xA800, s18;
	[sflag:s11] =	ssyncadd.s32 $0xFFFFF000  }
0x41: {  	[spmem:s2] =	stream.indirect.scatter.add.f32 [tilespmem:s21], [sflag:$0x9], $0x20, s0, s20, $0xb8;
	[tilespmem:$0x17800] =	vst v63  }
0x42: {  	_ =	swait.ge [sflag:s15], $0x1000  }
0x43: {  	p1 =	seq.s32 s28, $0x13000;
	[sflag:s15] =	ssyncset.done $0x0  }
0x44: {  	s0 =	simm.s32 @p1 $0x2;
	[sflag:s15] =	ssyncadd.s32 $0xFFFFF000  }
0x45: {  	s3 =	sshra.s32 @p1 s28, $0x2;
	_ =	swait.ge @p1 [sflag:s0], $0x1000  }
0x46: {  	s6 =	simm.s32 @p1 $0x80;
	s1 =	simm.s32 @p1 $0x10800;
	[sflag:s0] =	ssyncset.done @p1 $0x0  }
0x47: {  	s17 =	simm.s32 @p1 $0x9;
	[sflag:s0] =	ssyncadd.s32 @p1 $0xFFFFF000;
	s0 =	sadd.s32 @p1 $0xA880, s3  }
0x48: {  	[spmem:s2] =	stream.indirect.scatter.add.f32 @p1 [tilespmem:s1], [sflag:$0x9], $0x20, s0, s6, $0xb8;
	[tilespmem:$0x17800] =	vst v63  }
0x49: {  	_ =	swait.ge @p1 [sflag:s17], $0x1000  }
0x4a: {  	s31 =	simm.s32 @!p1 $0xF800;
	s0 =	sshra.s32 @!p1 s28, $0x2;
	[sflag:s17] =	ssyncset.done @p1 $0x0  }
0x4b: {  	s1 =	simm.s32 @!p1 $0x80;
	s8 =	sadd.s32 @!p1 $0x5C00, s0;
	[sflag:s17] =	ssyncadd.s32 @p1 $0xFFFFF000  }
0x4c: {  	[tilespmem:s31], [sflag:$0x1] =	stream.indirect.gather @!p1 [hbm4b:s4+s1], $0x20, s8, s1, $0xb8;
	[tilespmem:$0x17800] =	vst v63  }
0x4d: {  	s8 =	simm.s32 @!p1 $0x2  }
0x4e: {  	_ =	swait.ge @!p1 [sflag:s8], $0x1000  }
0x4f: {  	[sflag:s8] =	ssyncset.done @!p1 $0x0  }
0x50: {  	s31 =	simm.s32 @!p1 $0x10800;
	[sflag:s8] =	ssyncadd.s32 @!p1 $0xFFFFF000;
	s8 =	sadd.s32 @!p1 $0xA880, s0  }
0x51: {  	[spmem:s2] =	stream.indirect.scatter.add.f32 @!p1 [tilespmem:s31], [sflag:$0x9], $0x20, s8, s1, $0xb8;
	[tilespmem:$0x17800] =	vst v63  }
0x52: {  	s8 =	simm.s32 @!p1 $0x9  }
0x53: {  	_ =	swait.ge @!p1 [sflag:s8], $0x1000  }
0x54: {  	[sflag:s8] =	ssyncset.done @!p1 $0x0  }
0x55: {  	s9 =	sadd.s32 @!p1 $0x5C80, s0;
	[sflag:s8] =	ssyncadd.s32 @!p1 $0xFFFFF000  }
0x56: {  	[tilespmem:s31], [sflag:$0x2] =	stream.indirect.gather @!p1 [hbm4b:s4+s1], $0x20, s9, s1, $0xb8;
	[tilespmem:$0x17800] =	vst v63  }
0x57: {  	_ =	swait.ge [sflag:s22], $0x1000  }
0x58: {  	[sflag:s22] =	ssyncset.done $0x0  }
0x59: {  	s31 =	sadd.s32 $0xA900, s18;
	[sflag:s22] =	ssyncadd.s32 $0xFFFFF000  }
0x5a: {  	[spmem:s2] =	stream.indirect.scatter.add.f32 [tilespmem:s25], [sflag:$0x9], $0x20, s31, s20, $0xb8;
	[tilespmem:$0x17800] =	vst v63  }
0x5b: {  	_ =	swait.ge [sflag:s15], $0x1000  }
0x5c: {  	[sflag:s15] =	ssyncset.done $0x0  }
0x5d: {  	s9 =	simm.s32 @p1 $0x4;
	[sflag:s15] =	ssyncadd.s32 $0xFFFFF000  }
0x5e: {  	_ =	swait.ge @p1 [sflag:s9], $0x1000  }
0x5f: {  	[sflag:s9] =	ssyncset.done @p1 $0x0  }
0x60: {  	s31 =	simm.s32 @p1 $0x12800;
	[sflag:s9] =	ssyncadd.s32 @p1 $0xFFFFF000;
	s9 =	sadd.s32 @p1 $0xA980, s3  }
0x61: {  	[spmem:s2] =	stream.indirect.scatter.add.f32 @p1 [tilespmem:s31], [sflag:$0x9], $0x20, s9, s6, $0xb8;
	[tilespmem:$0x17800] =	vst v63  }
0x62: {  	_ =	swait.ge @p1 [sflag:s17], $0x1000  }
0x63: {  	[sflag:s17] =	ssyncset.done @p1 $0x0  }
0x64: {  	s9 =	sadd.s32 @!p1 $0x5D00, s0;
	s31 =	simm.s32 @!p1 $0x11800;
	[sflag:s17] =	ssyncadd.s32 @p1 $0xFFFFF000  }
0x65: {  	[tilespmem:s31], [sflag:$0x3] =	stream.indirect.gather @!p1 [hbm4b:s4+s1], $0x20, s9, s1, $0xb8;
	[tilespmem:$0x17800] =	vst v63  }
0x66: {  	s9 =	simm.s32 @!p1 $0x4  }
0x67: {  	_ =	swait.ge @!p1 [sflag:s9], $0x1000  }
0x68: {  	[sflag:s9] =	ssyncset.done @!p1 $0x0  }
0x69: {  	s31 =	simm.s32 @!p1 $0x12800;
	[sflag:s9] =	ssyncadd.s32 @!p1 $0xFFFFF000;
	s9 =	sadd.s32 @!p1 $0xA980, s0  }
0x6a: {  	[spmem:s2] =	stream.indirect.scatter.add.f32 @!p1 [tilespmem:s31], [sflag:$0x9], $0x20, s9, s1, $0xb8;
	[tilespmem:$0x17800] =	vst v63  }
0x6b: {  	_ =	swait.ge @!p1 [sflag:s8], $0x1000  }
0x6c: {  	[sflag:s8] =	ssyncset.done @!p1 $0x0  }
0x6d: {  	s9 =	sadd.s32 @!p1 $0x5D80, s0;
	[sflag:s8] =	ssyncadd.s32 @!p1 $0xFFFFF000  }
0x6e: {  	[tilespmem:s31], [sflag:$0x4] =	stream.indirect.gather @!p1 [hbm4b:s4+s1], $0x20, s9, s1, $0xb8;
	[tilespmem:$0x17800] =	vst v63  }
0x6f: {  	_ =	swait.ge [sflag:s12], $0x1000  }
0x70: {  	[sflag:s12] =	ssyncset.done $0x0  }
0x71: {  	s31 =	sadd.s32 $0xAA00, s18;
	[sflag:s12] =	ssyncadd.s32 $0xFFFFF000  }
0x72: {  	[spmem:s2] =	stream.indirect.scatter.add.f32 [tilespmem:s30], [sflag:$0x9], $0x20, s31, s20, $0xb8;
	[tilespmem:$0x17800] =	vst v63  }
0x73: {  	_ =	swait.ge [sflag:s15], $0x1000  }
0x74: {  	[sflag:s15] =	ssyncset.done $0x0  }
0x75: {  	s9 =	simm.s32 @p1 $0x6;
	[sflag:s15] =	ssyncadd.s32 $0xFFFFF000  }
0x76: {  	_ =	swait.ge @p1 [sflag:s9], $0x1000  }
0x77: {  	[sflag:s9] =	ssyncset.done @p1 $0x0  }
0x78: {  	s3 =	sadd.s32 @p1 $0xAA80, s3;
	[sflag:s9] =	ssyncadd.s32 @p1 $0xFFFFF000;
	s9 =	simm.s32 @p1 $0x14800  }
0x79: {  	[spmem:s2] =	stream.indirect.scatter.add.f32 @p1 [tilespmem:s9], [sflag:$0x9], $0x20, s3, s6, $0xb8;
	[tilespmem:$0x17800] =	vst v63  }
0x7a: {  	_ =	swait.ge @p1 [sflag:s17], $0x1000  }
0x7b: {  	[sflag:s17] =	ssyncset.done @p1 $0x0  }
0x7c: {  	s3 =	sadd.s32 @!p1 $0x5E00, s0;
	s6 =	simm.s32 @!p1 $0x13800;
	[sflag:s17] =	ssyncadd.s32 @p1 $0xFFFFF000  }
0x7d: {  	[tilespmem:s6], [sflag:$0x5] =	stream.indirect.gather @!p1 [hbm4b:s4+s1], $0x20, s3, s1, $0xb8;
	[tilespmem:$0x17800] =	vst v63  }
0x7e: {  	s3 =	simm.s32 @!p1 $0x6  }
0x7f: {  	_ =	swait.ge @!p1 [sflag:s3], $0x1000  }
0x80: {  	[sflag:s3] =	ssyncset.done @!p1 $0x0  }
0x81: {  	s6 =	simm.s32 @!p1 $0x14800;
	[sflag:s3] =	ssyncadd.s32 @!p1 $0xFFFFF000;
	s3 =	sadd.s32 @!p1 $0xAA80, s0  }
0x82: {  	[spmem:s2] =	stream.indirect.scatter.add.f32 @!p1 [tilespmem:s6], [sflag:$0x9], $0x20, s3, s1, $0xb8;
	[tilespmem:$0x17800] =	vst v63  }
0x83: {  	_ =	swait.ge @!p1 [sflag:s8], $0x1000  }
0x84: {  	[sflag:s8] =	ssyncset.done @!p1 $0x0  }
0x85: {  	s0 =	sadd.s32 @!p1 $0x5E80, s0;
	[sflag:s8] =	ssyncadd.s32 @!p1 $0xFFFFF000  }
0x86: {  	[tilespmem:s6], [sflag:$0x6] =	stream.indirect.gather @!p1 [hbm4b:s4+s1], $0x20, s0, s1, $0xb8;
	[tilespmem:$0x17800] =	vst v63  }
0x87: {  	_ =	swait.ge [sflag:s23], $0x1000  }
0x88: {  	[sflag:s23] =	ssyncset.done $0x0  }
.Ltmp3:
0x89: {  	s31 =	sadd.s32 $0xAB00, s18;
	[sflag:s23] =	ssyncadd.s32 $0xFFFFF000;
	(pc) =	sbr.rel @p1 .LBB2_4-.Ltmp3, $4  }
0x8a: {  	[spmem:s2] =	stream.indirect.scatter.add.f32 [tilespmem:s16], [sflag:$0x9], $0x20, s31, s20, $0xb8;
	[tilespmem:$0x17800] =	vst v63  }
0x8b: {  	_ =	swait.ge [sflag:s15], $0x1000  }
0x8c: {  	[sflag:s15] =	ssyncset.done $0x0  }
0x8d: {  	[sflag:s15] =	ssyncadd.s32 $0xFFFFF000  }
0x8e: {  	s0 =	sadd.s32 $0x5F00, s18  }
0x8f: {  	[tilespmem:s16], [sflag:$0x7] =	stream.indirect.gather [hbm4b:s4+s20], $0x20, s0, s20, $0xb8;
	[tilespmem:$0x17800] =	vst v63  }
0x90: {  	_ =	swait.ge [sflag:s24], $0x1000  }
0x91: {  	[sflag:s24] =	ssyncset.done $0x0  }
0x92: {  	s17 =	sadd.s32 $0xAB80, s18;
	[sflag:s24] =	ssyncadd.s32 $0xFFFFF000  }
0x93: {  	[spmem:s2] =	stream.indirect.scatter.add.f32 [tilespmem:s7], [sflag:$0x9], $0x20, s17, s20, $0xb8;
	[tilespmem:$0x17800] =	vst v63  }
.Ltmp4:
0x94: {  	_ = 	snop;
	(pc) =	sbr.rel .LBB2_3-.Ltmp4, $4  }
0x95: {  	_ =	swait.ge [sflag:s15], $0x1000  }
0x96: {  	[sflag:s15] =	ssyncset.done $0x0  }
0x97: {  	s31 =	sadd.s32 $0x5F80, s18;
	s28 =	sadd.s32 $0x1000, s28;
	[sflag:s15] =	ssyncadd.s32 $0xFFFFF000  }
0x98: {  	[tilespmem:s7], [sflag:$0x8] =	stream.indirect.gather [hbm4b:s4+s20], $0x20, s31, s20, $0xb8;
	[tilespmem:$0x17800] =	vst v63  }
.LBB2_6:
0x99: {  	s0 =	rddreg [dreg:$0x9]  }
0x9a: {  	s14 =	rddreg [dreg:$0x7];
	s18 =	sor.u32 $0x1C09, s0  }
0x9b: {  	[spmem:s19], [sflag:s18] =	dma.local [hbm:s14], $0xB00  }
0x9c: {  	_ =	swait.ge [sflag:s15], $0xB00  }
0x9d: {  	[sflag:s15] =	ssyncset.done $0x0  }
0x9e: {  	[sflag:s15] =	ssyncadd.s32 $0xFFFFF500  }
0x9f: {  	[bflag:$0x0] =	sbarrier.arrive $0xFFFF  }
0xa0: {  	[tilespmem:s21], [sflag:$0x1] =	stream.indirect.gather [hbm4b:s5+s20], $0x20, s1, s20, $0xb8;
	[tilespmem:$0x17800] =	vst v63  }
0xa1: {  	s17 =	simm.s32 $0x5880;
	s31 =	simm.s32 $0x10800  }
0xa2: {  	[tilespmem:s31], [sflag:$0x2] =	stream.indirect.gather [hbm4b:s5+s20], $0x20, s17, s20, $0xb8;
	[tilespmem:$0x17800] =	vst v63  }
0xa3: {  	s1 =	simm.s32 $0x5900  }
0xa4: {  	[tilespmem:s25], [sflag:$0x3] =	stream.indirect.gather [hbm4b:s5+s20], $0x20, s1, s20, $0xb8;
	[tilespmem:$0x17800] =	vst v63  }
0xa5: {  	s3 =	simm.s32 $0x5980;
	s6 =	simm.s32 $0x12800  }
0xa6: {  	[tilespmem:s6], [sflag:$0x4] =	stream.indirect.gather [hbm4b:s5+s20], $0x20, s3, s20, $0xb8;
	[tilespmem:$0x17800] =	vst v63  }
0xa7: {  	s8 =	simm.s32 $0x5A00  }
0xa8: {  	[tilespmem:s30], [sflag:$0x5] =	stream.indirect.gather [hbm4b:s5+s20], $0x20, s8, s20, $0xb8;
	[tilespmem:$0x17800] =	vst v63  }
0xa9: {  	s9 =	simm.s32 $0x5A80;
	s14 =	simm.s32 $0x14800  }
0xaa: {  	[tilespmem:s14], [sflag:$0x6] =	stream.indirect.gather [hbm4b:s5+s20], $0x20, s9, s20, $0xb8;
	[tilespmem:$0x17800] =	vst v63  }
0xab: {  	s17 =	simm.s32 $0x5B00  }
0xac: {  	[tilespmem:s16], [sflag:$0x7] =	stream.indirect.gather [hbm4b:s5+s20], $0x20, s17, s20, $0xb8;
	[tilespmem:$0x17800] =	vst v63  }
0xad: {  	s28 =	simm.s32 $0x0;
	s31 =	simm.s32 $0x5B80  }
0xae: {  	[tilespmem:s7], [sflag:$0x8] =	stream.indirect.gather [hbm4b:s5+s20], $0x20, s31, s20, $0xb8;
	[tilespmem:$0x17800] =	vst v63  }
.LBB2_7:
0xaf: {  	_ =	swait.ge [sflag:s11], $0x1000  }
0xb0: {  	s31 =	sshra.s32 s28, $0x2;
	[sflag:s11] =	ssyncset.done $0x0  }
0xb1: {  	s0 =	sadd.s32 $0xA800, s31;
	[sflag:s11] =	ssyncadd.s32 $0xFFFFF000  }
0xb2: {  	[spmem:s2] =	stream.indirect.scatter.add.f32 [tilespmem:s21], [sflag:$0x9], $0x20, s0, s20, $0xb8;
	[tilespmem:$0x17800] =	vst v63  }
0xb3: {  	_ =	swait.ge [sflag:s15], $0x1000  }
0xb4: {  	p1 =	seq.s32 s28, $0x13000;
	[sflag:s15] =	ssyncset.done $0x0  }
0xb5: {  	s0 =	simm.s32 @p1 $0x2;
	[sflag:s15] =	ssyncadd.s32 $0xFFFFF000  }
0xb6: {  	s6 =	sshra.s32 @p1 s28, $0x2;
	_ =	swait.ge @p1 [sflag:s0], $0x1000  }
0xb7: {  	s17 =	simm.s32 @p1 $0x80;
	s1 =	simm.s32 @p1 $0x10800;
	[sflag:s0] =	ssyncset.done @p1 $0x0  }
0xb8: {  	s3 =	simm.s32 @p1 $0x9;
	[sflag:s0] =	ssyncadd.s32 @p1 $0xFFFFF000;
	s0 =	sadd.s32 @p1 $0xA880, s6  }
0xb9: {  	[spmem:s2] =	stream.indirect.scatter.add.f32 @p1 [tilespmem:s1], [sflag:$0x9], $0x20, s0, s17, $0xb8;
	[tilespmem:$0x17800] =	vst v63  }
0xba: {  	_ =	swait.ge @p1 [sflag:s3], $0x1000  }
0xbb: {  	s9 =	simm.s32 @!p1 $0xF800;
	s0 =	sshra.s32 @!p1 s28, $0x2;
	[sflag:s3] =	ssyncset.done @p1 $0x0  }
0xbc: {  	s1 =	simm.s32 @!p1 $0x80;
	s8 =	sadd.s32 @!p1 $0x5C00, s0;
	[sflag:s3] =	ssyncadd.s32 @p1 $0xFFFFF000  }
0xbd: {  	[tilespmem:s9], [sflag:$0x1] =	stream.indirect.gather @!p1 [hbm4b:s5+s1], $0x20, s8, s1, $0xb8;
	[tilespmem:$0x17800] =	vst v63  }
0xbe: {  	s8 =	simm.s32 @!p1 $0x2  }
0xbf: {  	_ =	swait.ge @!p1 [sflag:s8], $0x1000  }
0xc0: {  	[sflag:s8] =	ssyncset.done @!p1 $0x0  }
0xc1: {  	s9 =	simm.s32 @!p1 $0x10800;
	[sflag:s8] =	ssyncadd.s32 @!p1 $0xFFFFF000;
	s8 =	sadd.s32 @!p1 $0xA880, s0  }
0xc2: {  	[spmem:s2] =	stream.indirect.scatter.add.f32 @!p1 [tilespmem:s9], [sflag:$0x9], $0x20, s8, s1, $0xb8;
	[tilespmem:$0x17800] =	vst v63  }
0xc3: {  	s8 =	simm.s32 @!p1 $0x9  }
0xc4: {  	_ =	swait.ge @!p1 [sflag:s8], $0x1000  }
0xc5: {  	[sflag:s8] =	ssyncset.done @!p1 $0x0  }
0xc6: {  	s14 =	sadd.s32 @!p1 $0x5C80, s0;
	[sflag:s8] =	ssyncadd.s32 @!p1 $0xFFFFF000  }
0xc7: {  	[tilespmem:s9], [sflag:$0x2] =	stream.indirect.gather @!p1 [hbm4b:s5+s1], $0x20, s14, s1, $0xb8;
	[tilespmem:$0x17800] =	vst v63  }
0xc8: {  	_ =	swait.ge [sflag:s22], $0x1000  }
0xc9: {  	[sflag:s22] =	ssyncset.done $0x0  }
0xca: {  	s14 =	sadd.s32 $0xA900, s31;
	[sflag:s22] =	ssyncadd.s32 $0xFFFFF000  }
0xcb: {  	[spmem:s2] =	stream.indirect.scatter.add.f32 [tilespmem:s25], [sflag:$0x9], $0x20, s14, s20, $0xb8;
	[tilespmem:$0x17800] =	vst v63  }
0xcc: {  	_ =	swait.ge [sflag:s15], $0x1000  }
0xcd: {  	[sflag:s15] =	ssyncset.done $0x0  }
0xce: {  	s9 =	simm.s32 @p1 $0x4;
	[sflag:s15] =	ssyncadd.s32 $0xFFFFF000  }
0xcf: {  	_ =	swait.ge @p1 [sflag:s9], $0x1000  }
0xd0: {  	[sflag:s9] =	ssyncset.done @p1 $0x0  }
0xd1: {  	s14 =	simm.s32 @p1 $0x12800;
	[sflag:s9] =	ssyncadd.s32 @p1 $0xFFFFF000;
	s9 =	sadd.s32 @p1 $0xA980, s6  }
0xd2: {  	[spmem:s2] =	stream.indirect.scatter.add.f32 @p1 [tilespmem:s14], [sflag:$0x9], $0x20, s9, s17, $0xb8;
	[tilespmem:$0x17800] =	vst v63  }
0xd3: {  	_ =	swait.ge @p1 [sflag:s3], $0x1000  }
0xd4: {  	[sflag:s3] =	ssyncset.done @p1 $0x0  }
0xd5: {  	s9 =	sadd.s32 @!p1 $0x5D00, s0;
	s14 =	simm.s32 @!p1 $0x11800;
	[sflag:s3] =	ssyncadd.s32 @p1 $0xFFFFF000  }
0xd6: {  	[tilespmem:s14], [sflag:$0x3] =	stream.indirect.gather @!p1 [hbm4b:s5+s1], $0x20, s9, s1, $0xb8;
	[tilespmem:$0x17800] =	vst v63  }
0xd7: {  	s9 =	simm.s32 @!p1 $0x4  }
0xd8: {  	_ =	swait.ge @!p1 [sflag:s9], $0x1000  }
0xd9: {  	[sflag:s9] =	ssyncset.done @!p1 $0x0  }
0xda: {  	s14 =	simm.s32 @!p1 $0x12800;
	[sflag:s9] =	ssyncadd.s32 @!p1 $0xFFFFF000;
	s9 =	sadd.s32 @!p1 $0xA980, s0  }
0xdb: {  	[spmem:s2] =	stream.indirect.scatter.add.f32 @!p1 [tilespmem:s14], [sflag:$0x9], $0x20, s9, s1, $0xb8;
	[tilespmem:$0x17800] =	vst v63  }
0xdc: {  	_ =	swait.ge @!p1 [sflag:s8], $0x1000  }
0xdd: {  	[sflag:s8] =	ssyncset.done @!p1 $0x0  }
0xde: {  	s9 =	sadd.s32 @!p1 $0x5D80, s0;
	[sflag:s8] =	ssyncadd.s32 @!p1 $0xFFFFF000  }
0xdf: {  	[tilespmem:s14], [sflag:$0x4] =	stream.indirect.gather @!p1 [hbm4b:s5+s1], $0x20, s9, s1, $0xb8;
	[tilespmem:$0x17800] =	vst v63  }
0xe0: {  	_ =	swait.ge [sflag:s12], $0x1000  }
0xe1: {  	[sflag:s12] =	ssyncset.done $0x0  }
0xe2: {  	s14 =	sadd.s32 $0xAA00, s31;
	[sflag:s12] =	ssyncadd.s32 $0xFFFFF000  }
0xe3: {  	[spmem:s2] =	stream.indirect.scatter.add.f32 [tilespmem:s30], [sflag:$0x9], $0x20, s14, s20, $0xb8;
	[tilespmem:$0x17800] =	vst v63  }
0xe4: {  	_ =	swait.ge [sflag:s15], $0x1000  }
0xe5: {  	[sflag:s15] =	ssyncset.done $0x0  }
0xe6: {  	s9 =	simm.s32 @p1 $0x6;
	[sflag:s15] =	ssyncadd.s32 $0xFFFFF000  }
0xe7: {  	_ =	swait.ge @p1 [sflag:s9], $0x1000  }
0xe8: {  	[sflag:s9] =	ssyncset.done @p1 $0x0  }
0xe9: {  	s6 =	sadd.s32 @p1 $0xAA80, s6;
	[sflag:s9] =	ssyncadd.s32 @p1 $0xFFFFF000;
	s9 =	simm.s32 @p1 $0x14800  }
0xea: {  	[spmem:s2] =	stream.indirect.scatter.add.f32 @p1 [tilespmem:s9], [sflag:$0x9], $0x20, s6, s17, $0xb8;
	[tilespmem:$0x17800] =	vst v63  }
0xeb: {  	_ =	swait.ge @p1 [sflag:s3], $0x1000  }
0xec: {  	[sflag:s3] =	ssyncset.done @p1 $0x0  }
0xed: {  	s6 =	simm.s32 @!p1 $0x13800;
	[sflag:s3] =	ssyncadd.s32 @p1 $0xFFFFF000;
	s3 =	sadd.s32 @!p1 $0x5E00, s0  }
0xee: {  	[tilespmem:s6], [sflag:$0x5] =	stream.indirect.gather @!p1 [hbm4b:s5+s1], $0x20, s3, s1, $0xb8;
	[tilespmem:$0x17800] =	vst v63  }
0xef: {  	s3 =	simm.s32 @!p1 $0x6  }
0xf0: {  	_ =	swait.ge @!p1 [sflag:s3], $0x1000  }
0xf1: {  	[sflag:s3] =	ssyncset.done @!p1 $0x0  }
0xf2: {  	s6 =	simm.s32 @!p1 $0x14800;
	[sflag:s3] =	ssyncadd.s32 @!p1 $0xFFFFF000;
	s3 =	sadd.s32 @!p1 $0xAA80, s0  }
0xf3: {  	[spmem:s2] =	stream.indirect.scatter.add.f32 @!p1 [tilespmem:s6], [sflag:$0x9], $0x20, s3, s1, $0xb8;
	[tilespmem:$0x17800] =	vst v63  }
0xf4: {  	_ =	swait.ge @!p1 [sflag:s8], $0x1000  }
0xf5: {  	[sflag:s8] =	ssyncset.done @!p1 $0x0  }
0xf6: {  	s0 =	sadd.s32 @!p1 $0x5E80, s0;
	[sflag:s8] =	ssyncadd.s32 @!p1 $0xFFFFF000  }
0xf7: {  	[tilespmem:s6], [sflag:$0x6] =	stream.indirect.gather @!p1 [hbm4b:s5+s1], $0x20, s0, s1, $0xb8;
	[tilespmem:$0x17800] =	vst v63  }
0xf8: {  	_ =	swait.ge [sflag:s23], $0x1000  }
0xf9: {  	[sflag:s23] =	ssyncset.done $0x0  }
.Ltmp5:
0xfa: {  	s17 =	sadd.s32 $0xAB00, s31;
	[sflag:s23] =	ssyncadd.s32 $0xFFFFF000;
	(pc) =	sbr.rel @p1 .LBB2_8-.Ltmp5, $4  }
0xfb: {  	[spmem:s2] =	stream.indirect.scatter.add.f32 [tilespmem:s16], [sflag:$0x9], $0x20, s17, s20, $0xb8;
	[tilespmem:$0x17800] =	vst v63  }
0xfc: {  	_ =	swait.ge [sflag:s15], $0x1000  }
0xfd: {  	[sflag:s15] =	ssyncset.done $0x0  }
0xfe: {  	[sflag:s15] =	ssyncadd.s32 $0xFFFFF000  }
0xff: {  	s0 =	sadd.s32 $0x5F00, s31  }
0x100: {  	[tilespmem:s16], [sflag:$0x7] =	stream.indirect.gather [hbm4b:s5+s20], $0x20, s0, s20, $0xb8;
	[tilespmem:$0x17800] =	vst v63  }
0x101: {  	_ =	swait.ge [sflag:s24], $0x1000  }
0x102: {  	[sflag:s24] =	ssyncset.done $0x0  }
0x103: {  	s17 =	sadd.s32 $0xAB80, s31;
	[sflag:s24] =	ssyncadd.s32 $0xFFFFF000  }
0x104: {  	[spmem:s2] =	stream.indirect.scatter.add.f32 [tilespmem:s7], [sflag:$0x9], $0x20, s17, s20, $0xb8;
	[tilespmem:$0x17800] =	vst v63  }
.Ltmp6:
0x105: {  	_ = 	snop;
	(pc) =	sbr.rel .LBB2_7-.Ltmp6, $4  }
0x106: {  	_ =	swait.ge [sflag:s15], $0x1000  }
0x107: {  	[sflag:s15] =	ssyncset.done $0x0  }
0x108: {  	s31 =	sadd.s32 $0x5F80, s31;
	s28 =	sadd.s32 $0x1000, s28;
	[sflag:s15] =	ssyncadd.s32 $0xFFFFF000  }
0x109: {  	[tilespmem:s7], [sflag:$0x8] =	stream.indirect.gather [hbm4b:s5+s20], $0x20, s31, s20, $0xb8;
	[tilespmem:$0x17800] =	vst v63  }
.LBB2_4:
.Ltmp7:
0x10a: {  	(pc) =	sbr.rel .LBB2_9-.Ltmp7, $2  }
0x10b: {  	_ =	sdelay $0x2  }
0x10c: {  	s0 =	rddreg [dreg:$0x3];
	s18 =	smov.u32 s29  }
.LBB2_10:
0x10d: {  	_ =	sfence.sel $0x180000  }
0x10e: {  	[bflag:$0x0] =	sbarrier.arrive $0xFFFF  }
0x10f: {  	_ =	strace $0x9000004A  }
0x110: {  	s0 =	stileid.u32;
	[bflag:$0x2] =	sbarrier.arrive $0xFFFF  }
0x111: {  	p0 =	sne.s32 s0, $0x0;
	s0 =	rddreg [dreg:$0x2]  }
0x112: {  	s0 =	sadd.s32 @!p0 $0x100000, s0  }
0x113: {  	[sflag:s0] =	ssyncadd.tile.s32 @!p0 $0x1;
	_ =	shalt  }
.Lfunc_end2:
_tile_overlayer_lowered:
.L_overlay_start_2:
0x114: {  	(tag) =	ssettag $0x2  }
0x115: {  	s0 =	rddreg [dreg:$0x0];
	s2 =	stileid.u32  }
0x116: {  	s1 =	rddreg [dreg:$0x1];
	p0 =	sne.s32 s2, $0x0  }
0x117: {  	s3 =	rddreg [dreg:$0x2];
	[bflag:$0x3] =	sbarrier.arrive $0xFFFF;
	s2 =	simm.s32 @!p0 $0x1C09  }
0x118: {  	[timem:s3], [sflag:s2] =	dma.local @!p0 [hbm:s0], s1  }
0x119: {  	s0 =	simm.s32 @!p0 $0x9  }
0x11a: {  	_ =	swait.ge @!p0 [sflag:s0], s1  }
0x11b: {  	s1 =	ssub.s32 @!p0 $0x0, s1;
	[sflag:s0] =	ssyncset.done @!p0 $0x0  }
0x11c: {  	[sflag:s0] =	ssyncadd.s32 @!p0 s1  }
0x11d: {  	[bflag:$0x3] =	sbarrier.arrive $0xFFFF  }
0x11e: {  	_ =	shalt  }

// kernel: kernel.14.cloned.1.call-start
scs
__scs_entry_jumppad:
0x0: {  	(pc) =	sbr.rel $0x88, $3  }
0x1: {  	(tag) =	ssettag $0x0;
	lr =	simm.s32 $0x1  }
0x2: {  	[smem:$0x3F9B] =	sst lr;
	_ =	strace $0xD0000000  }
0x3: {  	_ = 	snop  }
0x4: {  	_ = 	snop  }
0x5: {  	_ = 	snop  }
0x6: {  	_ = 	snop  }
0x7: {  	_ = 	snop  }
__scs_overlays_trampoline_lowered:
0x8: {  	[smem:$0x3FAA] =	sst s0  }
0x9: {  	[smem:$0x3FAB] =	sst s1  }
0xa: {  	[smem:$0x3FAC] =	sst s2  }
0xb: {  	[smem:$0x3FAD] =	sst s3  }
0xc: {  	[smem:$0x3FAE] =	sst s4  }
0xd: {  	[smem:$0x3FAF] =	sst s5  }
0xe: {  	[smem:$0x3FB0] =	sst s6  }
0xf: {  	[smem:$0x3FB1] =	sst s7  }
0x10: {  	[smem:$0x3FB2] =	sst s8  }
0x11: {  	[smem:$0x3FB3] =	sst s9;
	s0 =	simm.s32 @!p0 $0x0  }
0x12: {  	s1 =	sld [smem:$0x3F99];
	s0 =	simm.s32 @p0 $0x1  }
0x13: {  	[smem:$0x3FB4] =	sst s0;
	s0 =	simm.s32 @!p1 $0x0  }
0x14: {  	s2 =	sld [smem:$0x3F98];
	s0 =	simm.s32 @p1 $0x1  }
0x15: {  	[smem:$0x3FB5] =	sst s0;
	s0 =	simm.s32 @!p2 $0x0  }
0x16: {  	s3 =	sld [smem:$0x3FDB];
	s0 =	simm.s32 @p2 $0x1  }
0x17: {  	s4 =	simm.s32 $0x1BF5;
	[smem:$0x3FB7] =	sst s0  }
0x18: {  	s0 =	sld [smem:$0x3F9A];
	_ =	swait.ge [sflag:s4], $0x0  }
0x19: {  	s7 =	sld [smem:$0x3F9B]  }
0x1a: {  	s8 =	sadd.s32 $0xFFFFE003, lr  }
0x1b: {  	s9 =	sadd.s32 $0xFFFFFEF7, lr;
	s5 =	simm.s32 $0xFFFFFFFF;
	p2 =	slt.u32 s8, $0xFFFFF086  }
0x1c: {  	p1 =	slt.u32 s9, $0xF7A;
	s5 =	simm.s32 @!p2 $0x0  }
0x1d: {  	s5 =	simm.s32 @p1 $0x1;
	p0 =	seq.s32 s7, s2  }
0x1e: {  	s7 =	smul.u32 @!p0 $0xF7A, s2;
	p2 =	seq.s32 @!p0 s5, $0x0  }
0x1f: {  	s9 =	smul.u32 $0xF7A, s1;
	s8 =	simm.s32 @!p0 $0x1BF5;
	p2 =	por !p2, p0  }
0x20: {  	[sflag:s8] =	ssyncset.s32 @!p0 $0xFFFFF086;
	s6 =	sadd.s32 @!p0 s3, s7;
	s7 =	simm.s32 @!p0 $0x108  }
0x21: {  	s3 =	sadd.s32 s3, s9;
	s6 =	sadd.s32 @!p0 $0x88, s6;
	s7 =	simm.s32 @p2 $0x1082  }
0x22: {  	[simem:s7], [sflag:s8] =	dma.local @!p0 [hbm:s6], $0xF7A  }
0x23: {  	s9 =	sor.u32 $0xD0000000, s2;
	s6 =	simm.s32 $0x108;
	_ =	swait.ge @!p0 [sflag:s8], $0x0  }
0x24: {  	s3 =	sadd.s32 $0x88, s3;
	s6 =	simm.s32 @!p1 $0x1082;
	[sflag:s4] =	ssyncset.s32 $0xFFFFF086  }
0x25: {  	[simem:s6], [sflag:s4] =	dma.local [hbm:s3], $0xF7A  }
0x26: {  	[smem:$0x3F9B] =	sst s1;
	(tag) =	ssettag s2;
	_ =	strace s9  }
0x27: {  	s1 =	sld [smem:$0x3FAB]  }
0x28: {  	s2 =	sld [smem:$0x3FAC]  }
0x29: {  	s4 =	sld [smem:$0x3FAE]  }
0x2a: {  	p0 =	seq.s32 s5, $0x0;
	s5 =	sld [smem:$0x3FAF]  }
0x2b: {  	s6 =	sld [smem:$0x3FB0]  }
0x2c: {  	s7 =	sld [smem:$0x3FB1]  }
0x2d: {  	s3 =	simm.s32 $0x108;
	s8 =	sld [smem:$0x3FB2]  }
0x2e: {  	s3 =	simm.s32 @!p0 $0x1082;
	s9 =	sld [smem:$0x3FB3]  }
0x2f: {  	lr =	sadd.s32 s0, s3;
	s0 =	sld [smem:$0x3FAA]  }
0x30: {  	s3 =	sld [smem:$0x3FAD]  }
0x31: {  	[smem:$0x3FB6] =	sst s10  }
0x32: {  	s10 =	sld [smem:$0x3FB4];
	_ =	sdelay $0x3  }
0x33: {  	p0 =	seq.s32 s10, $0x1;
	s10 =	sld [smem:$0x3FB6];
	_ =	sdelay $0x3  }
0x34: {  	[smem:$0x3FB6] =	sst s10  }
0x35: {  	s10 =	sld [smem:$0x3FB5];
	_ =	sdelay $0x3  }
0x36: {  	p1 =	seq.s32 s10, $0x1;
	s10 =	sld [smem:$0x3FB6];
	_ =	sdelay $0x3  }
0x37: {  	[smem:$0x3FB6] =	sst s10  }
0x38: {  	s10 =	sld [smem:$0x3FB7]  }
0x39: {  	_ = 	snop;
	(pc) =	sbr.ind lr, $3  }
0x3a: {  	_ = 	snop  }
0x3b: {  	_ = 	snop  }
0x3c: {  	p2 =	seq.s32 s10, $0x1;
	s10 =	sld [smem:$0x3FB6]  }
0x3d: {  	_ =	shalt  }
0x3e: {  	_ =	shalt  }
0x3f: {  	_ =	shalt  }
0x40: {  	_ =	shalt  }
0x41: {  	_ =	shalt  }
0x42: {  	_ =	shalt  }
0x43: {  	_ =	shalt  }
0x44: {  	_ =	shalt  }
0x45: {  	_ =	shalt  }
0x46: {  	_ =	shalt  }
0x47: {  	_ =	shalt  }
0x48: {  	_ =	shalt  }
0x49: {  	_ =	shalt  }
0x4a: {  	_ =	shalt  }
0x4b: {  	_ =	shalt  }
0x4c: {  	_ =	shalt  }
0x4d: {  	_ =	shalt  }
0x4e: {  	_ =	shalt  }
0x4f: {  	_ =	shalt  }
0x50: {  	_ =	shalt  }
0x51: {  	_ =	shalt  }
0x52: {  	_ =	shalt  }
0x53: {  	_ =	shalt  }
0x54: {  	_ =	shalt  }
0x55: {  	_ =	shalt  }
0x56: {  	_ =	shalt  }
0x57: {  	_ =	shalt  }
0x58: {  	_ =	shalt  }
0x59: {  	_ =	shalt  }
0x5a: {  	_ =	shalt  }
0x5b: {  	_ =	shalt  }
0x5c: {  	_ =	shalt  }
0x5d: {  	_ =	shalt  }
0x5e: {  	_ =	shalt  }
0x5f: {  	_ =	shalt  }
0x60: {  	_ =	shalt  }
0x61: {  	_ =	shalt  }
0x62: {  	_ =	shalt  }
0x63: {  	_ =	shalt  }
0x64: {  	_ =	shalt  }
0x65: {  	_ =	shalt  }
0x66: {  	_ =	shalt  }
0x67: {  	_ =	shalt  }
0x68: {  	_ =	shalt  }
0x69: {  	_ =	shalt  }
0x6a: {  	_ =	shalt  }
0x6b: {  	_ =	shalt  }
0x6c: {  	_ =	shalt  }
0x6d: {  	_ =	shalt  }
0x6e: {  	_ =	shalt  }
0x6f: {  	_ =	shalt  }
0x70: {  	_ =	shalt  }
0x71: {  	_ =	shalt  }
0x72: {  	_ =	shalt  }
0x73: {  	_ =	shalt  }
0x74: {  	_ =	shalt  }
0x75: {  	_ =	shalt  }
0x76: {  	_ =	shalt  }
0x77: {  	_ =	shalt  }
0x78: {  	_ =	shalt  }
0x79: {  	_ =	shalt  }
0x7a: {  	_ =	shalt  }
0x7b: {  	_ =	shalt  }
0x7c: {  	_ =	shalt  }
0x7d: {  	_ =	shalt  }
0x7e: {  	_ =	shalt  }
0x7f: {  	_ =	shalt  }
0x80: {  	_ =	shalt  }
0x81: {  	_ =	shalt  }
0x82: {  	_ =	shalt  }
0x83: {  	_ =	shalt  }
0x84: {  	_ =	shalt  }
0x85: {  	_ =	shalt  }
0x86: {  	_ =	shalt  }
0x87: {  	_ =	shalt  }
.Lfunc_end0:
.L_simem_size_0:
called_computation.2_lowered:
.L_overlay_start_0:
0x88: {  	s2 =	sld [smem:$0x3FD9]  }
0x89: {  	s3 =	sld [smem:$0x3FFE];
	_ =	sdelay $0x1  }
0x8a: {  	s1 =	srdreg.scid  }
0x8b: {  	s0 =	sand.u32 $0x1, s1  }
0x8c: {  	s17 =	sshll.u32 s0, $0xA;
	s2 =	sadd.s32 s3, s2  }
0x8d: {  	s2 =	sadd.s32 s2, s17  }
0x8e: {  	[smem:$0x3FC2] =	sst s2  }
0x8f: {  	_ = 	snop  }
0x90: {  	s2 =	sld [smem:$0x3FD0];
	(tm) =	ssettm $0x1  }
0x91: {  	s18 =	sld [smem:$0x3FFB];
	_ =	sdelay $0x3  }
0x92: {  	_ =	strace s18  }
0x93: {  	s3 =	sld [smem:$0x3FFC];
	_ =	sdelay $0x3  }
0x94: {  	_ =	strace s3  }
0x95: {  	s3 =	sld [smem:$0x3FFD];
	_ =	sdelay $0x3  }
0x96: {  	_ =	strace s3  }
0x97: {  	_ =	strace $0x8FFFFFFF  }
0x98: {  	s19 =	sld [smem:$0x3FDB];
	_ =	sdelay $0x1  }
0x99: {  	s4 =	simm.s32 $_scs_section_size  }
0x9a: {  	s5 =	simm.s32 $_size__tile_overlayer_lowered;
	s6 =	simm.s32 $_tile_overlayer_lowered  }
0x9b: {  	s22 =	simm.s32 $0x1BFF;
	s21 =	sshll.u32 s6, $0x1;
	s3 =	sadd.s32 s4, s19  }
0x9c: {  	s7 =	simm.s32 $0x0;
	s20 =	sshll.u32 s5, $0x1;
	s5 =	sadd.s32 s21, s3  }
0x9d: {  	[timem:s7], [sflag:s22] =	dma.local [hbm:s5], s20  }
0x9e: {  	_ =	swait.ge [sflag:s22], s20  }
0x9f: {  	s4 =	ssub.s32 $0x0, s20;
	[sflag:s22] =	ssyncset.done $0x0  }
0xa0: {  	[sflag:s22] =	ssyncadd.s32 s4;
	_ =	sdelay $0x1  }
0xa1: {  	s23 =	simm.s32 $0x1B8B  }
0xa2: {  	_ =	swait.ge [sflag:s23], $0x1  }
0xa3: {  	[sflag:s23] =	ssyncset.done $0x0  }
0xa4: {  	s25 =	simm.s32 $0x1B8E;
	s24 =	sld [smem:$0x3FFE];
	[sflag:s23] =	ssyncadd.s32 $0xFFFFFFFF  }
0xa5: {  	s26 =	simm.s32 $execute0_lowered;
	[smem:$0x3FD2] =	sst s25  }
0xa6: {  	s5 =	sshll.u32 s26, $0x1;
	_ =	strace $0x8000004C;
	[dreg:$0x1] =	wrdreg $0xFFFFFFFF  }
0xa7: {  	s28 =	simm.s32 $_size_execute0_lowered;
	s3 =	sadd.s32 s3, s5;
	[dreg:$0x0] =	wrdreg $0x0  }
0xa8: {  	s5 =	sshll.u32 s28, $0x1;
	[dreg:$0x2] =	wrdreg s3  }
0xa9: {  	[dreg:$0x3] =	wrdreg s5  }
0xaa: {  	[dreg:$0x4] =	wrdreg $0xC0  }
0xab: {  	_ =	task [dreg:s7], $0x5FFFF  }
0xac: {  	[dreg:$0x1] =	wrdreg $0xFFFFFFFF  }
0xad: {  	[dreg:$0x0] =	wrdreg $0x60  }
0xae: {  	[dreg:$0x2] =	wrdreg s2  }
0xaf: {  	[dreg:$0x3] =	wrdreg s24  }
0xb0: {  	[dreg:$0x4] =	wrdreg $0x0  }
0xb1: {  	[dreg:$0x5] =	wrdreg $0x9  }
0xb2: {  	_ =	task.clear_ibuf [dreg:s7], $0x6FFFF;
	_ =	strace $0x9000004C  }
0xb3: {  	s29 =	simm.s32 $0x9;
	_ =	strace $0x8000004E  }
0xb4: {  	_ =	swait.ge [sflag:s29], $0x1  }
0xb5: {  	[sflag:s29] =	ssyncadd.s32 $0xFFFFFFFF  }
0xb6: {  	_ =	strace $0x9000004E  }
0xb7: {  	_ =	sfence  }
0xb8: {  	s30 =	sld [smem:$0x0];
	_ =	sdelay $0x2  }
0xb9: {  	s31 =	sshll.u32 s1, $0xD;
	s1 =	sshrl.u32 s1, $0x2  }
0xba: {  	s3 =	sand.u32 $0x4000, s31;
	s1 =	sadd.s32 s1, s30  }
0xbb: {  	s0 =	sor.u32 s3, s0;
	s1 =	sshll.u32 s1, $0x11  }
0xbc: {  	s0 =	sor.u32 s1, s0  }
0xbd: {  	s0 =	sadd.s32 $0x8F2B, s0  }
0xbe: {  	[sflag:s0] =	ssyncadd.remote.s32 $0x1  }
0xbf: {  	_ =	sfence.sel $0xFFFF  }
0xc0: {  	[dreg:$0x0] =	wrdreg $0xFFFFFFFF;
	(pc) =	sbr.abs _section_cstart, $3  }
0xc1: {  	[dreg:$0x1] =	wrdreg $0xFFFFFFFF  }
0xc2: {  	_ =	task.clear_ibuf [dreg:s7], $0x2FFFF;
	_ =	strace $0x9FFFFFFF  }
0xc3: {  	(tm) =	ssettm $0x7FFFFFFF  }
tec
execute0_lowered:
.L_overlay_start_1:
0x0: {  	(tag) =	ssettag $0x1  }
0x1: {  	s1 =	rddreg [dreg:$0x0]  }
0x2: {  	s0 =	rddreg [dreg:$0x1]  }
0x3: {  	s3 =	rddreg [dreg:$0x2]  }
0x4: {  	s14 =	simm.s32 $0x0;
	s9 =	stileid.u32;
	s2 =	srdreg.scid  }
0x5: {  	s15 =	simm.s32 $0x9;
	s20 =	simm.s32 $0x80;
	s21 =	simm.s32 $0xCC00  }
0x6: {  	s30 =	simm.s32 $0xEC00;
	s16 =	simm.s32 $0xFC00;
	s11 =	simm.s32 $0x1  }
0x7: {  	s22 =	simm.s32 $0x3;
	s12 =	simm.s32 $0x5;
	[smem:$0x7FF] =	sst s14  }
0x8: {  	s4 =	smul.u32 $0xA00, s9;
	s2 =	sand.u32 $0x1, s2;
	s5 =	sadd.s32 $0x17A00, s0  }
0x9: {  	s8 =	smul.u32 $0x2C00, s9;
	s10 =	sadd.s32 $0x1D200, s0;
	s31 =	sshll.u32 s9, $0x6  }
0xa: {  	_ =	strace $0x8000004D;
	s6 =	ssub.s32 $0x2, s2;
	[dreg:$0x4] =	wrdreg s10  }
0xb: {  	p0 =	sne.s32 s2, $0x0;
	s2 =	simm.s32 $0x2C00;
	[dreg:$0xa] =	wrdreg s31  }
0xc: {  	s29 =	sor.u32 $0x1C09, s31;
	s4 =	sadd.s32 s4, s0;
	s7 =	sshrl.u32 s6, $0x1  }
0xd: {  	s0 =	sadd.s32 $0x22A00, s0;
	s10 =	sshrl.u32 s8, $0x3;
	s25 =	sadd.s32 s8, s3  }
0xe: {  	[dreg:$0x5] =	wrdreg s0;
	s23 =	ssub.s32 s6, s7;
	s24 =	sadd.s32 $0x3A00, s4  }
.Ltmp0:
0xf: {  	s4 =	sadd.s32 $0xDA00, s4;
	[dreg:$0x6] =	wrdreg s24;
	(pc) =	sbr.rel .LBB2_1-.Ltmp0, $4  }
0x10: {  	s26 =	sadd.s32 s5, s10;
	s28 =	sadd.s32 s1, s10;
	[dreg:$0x7] =	wrdreg s4  }
0x11: {  	s19 =	sshrl.u32 s25, $0x3;
	s25 =	simm.s32 $0xDC00;
	[dreg:$0x8] =	wrdreg s26  }
0x12: {  	s7 =	simm.s32 $0x10400;
	[dreg:$0x9] =	wrdreg s28;
	s13 =	smax.u32 s23, $0x1  }
0x13: {  	s23 =	simm.s32 $0x7;
	s24 =	simm.s32 $0x8;
	s26 =	simm.s32 $0x0  }
.LBB2_8:
0x14: {  	s0 =	rddreg [dreg:$0x5];
	s14 =	simm.s32 $0x0  }
.LBB2_9:
0x15: {  	_ =	swait.ge [sflag:s24], $0x800  }
0x16: {  	s2 =	sshra.s32 s28, $0x2;
	[sflag:s24] =	ssyncset.done $0x0  }
0x17: {  	s2 =	sadd.s32 $0x7F80, s2;
	[sflag:s24] =	ssyncadd.s32 $0xFFFFF800  }
0x18: {  	[spmem:s3] =	stream.indirect.scatter.add.f32 [tilespmem:s7], [sflag:$0x9], $0x10, s2, s20, $0xb8;
	[tilespmem:$0x10C00] =	vst v63  }
0x19: {  	_ =	swait.ge [sflag:s15], $0x800  }
0x1a: {  	s26 =	sadd.s32 $0x1, s26;
	[sflag:s15] =	ssyncset.done $0x0  }
0x1b: {  	p1 =	sne.s32 s26, s13;
	[sflag:s15] =	ssyncadd.s32 $0xFFFFF800  }
.Ltmp1:
0x1c: {  	s0 =	sadd.s32 s0, s10;
	[bflag:$0x0] =	sbarrier.arrive $0xFFFF;
	(pc) =	sbr.rel @!p1 .LBB2_10-.Ltmp1, $4  }
0x1d: {  	[hbm:s0], [sflag:s18] =	dma.local [spmem:s19], $0x580  }
0x1e: {  	_ =	swait.ge [sflag:s15], $0x580  }
0x1f: {  	[sflag:s15] =	ssyncset.done $0x0  }
0x20: {  	s2 =	simm.s32 $0x2C00;
	[sflag:s15] =	ssyncadd.s32 $0xFFFFFA80  }
.LBB2_1:
0x21: {  	s0 =	rddreg [dreg:$0x6]  }
0x22: {  	[tilespmem:s2], [sflag:$0x9] =	stream.linear.gather [hbm4b:s0+s14], $0x5000, $0x38;
	[tilespmem:$0x10C00] =	vst v63  }
0x23: {  	_ =	swait.ge [sflag:s15], $0x5000  }
0x24: {  	s4 =	simm.s32 $0x7C00;
	[sflag:s15] =	ssyncset.done $0x0  }
.Ltmp2:
0x25: {  	s31 =	rddreg [dreg:$0x7];
	[sflag:s15] =	ssyncadd.s32 $0xFFFFB000;
	(pc) =	sbr.rel @p0 .LBB2_6-.Ltmp2, $4  }
0x26: {  	[tilespmem:s4], [sflag:$0x9] =	stream.linear.gather [hbm4b:s31+s14], $0x5000, $0x38;
	[tilespmem:$0x10C00] =	vst v63  }
0x27: {  	_ =	swait.ge [sflag:s15], $0x5000  }
0x28: {  	[sflag:s15] =	ssyncset.done $0x0  }
0x29: {  	[sflag:s15] =	ssyncadd.s32 $0xFFFFB000  }
0x2a: {  	s0 =	rddreg [dreg:$0x9]  }
0x2b: {  	[spmem:s19], [sflag:s29] =	dma.local [hbm:s0], $0x580  }
0x2c: {  	_ =	swait.ge [sflag:s15], $0x580  }
0x2d: {  	[sflag:s15] =	ssyncset.done $0x0  }
0x2e: {  	[sflag:s15] =	ssyncadd.s32 $0xFFFFFA80  }
0x2f: {  	[bflag:$0x0] =	sbarrier.arrive $0xFFFF  }
0x30: {  	[tilespmem:s21], [sflag:$0x1] =	stream.indirect.gather [hbm4b:s1+s20], $0x10, s2, s20, $0xb8;
	[tilespmem:$0x10C00] =	vst v63  }
0x31: {  	s18 =	simm.s32 $0x2C80;
	s31 =	simm.s32 $0xD400  }
0x32: {  	[tilespmem:s31], [sflag:$0x2] =	stream.indirect.gather [hbm4b:s1+s20], $0x10, s18, s20, $0xb8;
	[tilespmem:$0x10C00] =	vst v63  }
0x33: {  	s2 =	simm.s32 $0x2D00  }
0x34: {  	[tilespmem:s25], [sflag:$0x3] =	stream.indirect.gather [hbm4b:s1+s20], $0x10, s2, s20, $0xb8;
	[tilespmem:$0x10C00] =	vst v63  }
0x35: {  	s4 =	simm.s32 $0x2D80;
	s6 =	simm.s32 $0xE400  }
0x36: {  	[tilespmem:s6], [sflag:$0x4] =	stream.indirect.gather [hbm4b:s1+s20], $0x10, s4, s20, $0xb8;
	[tilespmem:$0x10C00] =	vst v63  }
0x37: {  	s8 =	simm.s32 $0x2E00  }
0x38: {  	[tilespmem:s30], [sflag:$0x5] =	stream.indirect.gather [hbm4b:s1+s20], $0x10, s8, s20, $0xb8;
	[tilespmem:$0x10C00] =	vst v63  }
0x39: {  	s9 =	simm.s32 $0x2E80;
	s17 =	simm.s32 $0xF400  }
0x3a: {  	[tilespmem:s17], [sflag:$0x6] =	stream.indirect.gather [hbm4b:s1+s20], $0x10, s9, s20, $0xb8;
	[tilespmem:$0x10C00] =	vst v63  }
0x3b: {  	s18 =	simm.s32 $0x2F00  }
0x3c: {  	[tilespmem:s16], [sflag:$0x7] =	stream.indirect.gather [hbm4b:s1+s20], $0x10, s18, s20, $0xb8;
	[tilespmem:$0x10C00] =	vst v63  }
0x3d: {  	s28 =	simm.s32 $0x0;
	s31 =	simm.s32 $0x2F80  }
0x3e: {  	[tilespmem:s7], [sflag:$0x8] =	stream.indirect.gather [hbm4b:s1+s20], $0x10, s31, s20, $0xb8;
	[tilespmem:$0x10C00] =	vst v63  }
.LBB2_3:
0x3f: {  	_ =	swait.ge [sflag:s11], $0x800  }
0x40: {  	s18 =	sshra.s32 s28, $0x2;
	[sflag:s11] =	ssyncset.done $0x0  }
0x41: {  	s0 =	sadd.s32 $0x7C00, s18;
	[sflag:s11] =	ssyncadd.s32 $0xFFFFF800  }
0x42: {  	[spmem:s3] =	stream.indirect.scatter.add.f32 [tilespmem:s21], [sflag:$0x9], $0x10, s0, s20, $0xb8;
	[tilespmem:$0x10C00] =	vst v63  }
0x43: {  	_ =	swait.ge [sflag:s15], $0x800  }
0x44: {  	p1 =	seq.s32 s28, $0x13000;
	[sflag:s15] =	ssyncset.done $0x0  }
0x45: {  	s0 =	simm.s32 @p1 $0x2;
	[sflag:s15] =	ssyncadd.s32 $0xFFFFF800  }
0x46: {  	s4 =	sshra.s32 @p1 s28, $0x2;
	_ =	swait.ge @p1 [sflag:s0], $0x800  }
0x47: {  	s6 =	simm.s32 @p1 $0x80;
	s2 =	simm.s32 @p1 $0xD400;
	[sflag:s0] =	ssyncset.done @p1 $0x0  }
0x48: {  	s17 =	simm.s32 @p1 $0x9;
	[sflag:s0] =	ssyncadd.s32 @p1 $0xFFFFF800;
	s0 =	sadd.s32 @p1 $0x7C80, s4  }
0x49: {  	[spmem:s3] =	stream.indirect.scatter.add.f32 @p1 [tilespmem:s2], [sflag:$0x9], $0x10, s0, s6, $0xb8;
	[tilespmem:$0x10C00] =	vst v63  }
0x4a: {  	_ =	swait.ge @p1 [sflag:s17], $0x800  }
0x4b: {  	s31 =	simm.s32 @!p1 $0xCC00;
	s0 =	sshra.s32 @!p1 s28, $0x2;
	[sflag:s17] =	ssyncset.done @p1 $0x0  }
0x4c: {  	s2 =	simm.s32 @!p1 $0x80;
	s8 =	sadd.s32 @!p1 $0x3000, s0;
	[sflag:s17] =	ssyncadd.s32 @p1 $0xFFFFF800  }
0x4d: {  	[tilespmem:s31], [sflag:$0x1] =	stream.indirect.gather @!p1 [hbm4b:s1+s2], $0x10, s8, s2, $0xb8;
	[tilespmem:$0x10C00] =	vst v63  }
0x4e: {  	s8 =	simm.s32 @!p1 $0x2  }
0x4f: {  	_ =	swait.ge @!p1 [sflag:s8], $0x800  }
0x50: {  	[sflag:s8] =	ssyncset.done @!p1 $0x0  }
0x51: {  	s31 =	simm.s32 @!p1 $0xD400;
	[sflag:s8] =	ssyncadd.s32 @!p1 $0xFFFFF800;
	s8 =	sadd.s32 @!p1 $0x7C80, s0  }
0x52: {  	[spmem:s3] =	stream.indirect.scatter.add.f32 @!p1 [tilespmem:s31], [sflag:$0x9], $0x10, s8, s2, $0xb8;
	[tilespmem:$0x10C00] =	vst v63  }
0x53: {  	s8 =	simm.s32 @!p1 $0x9  }
0x54: {  	_ =	swait.ge @!p1 [sflag:s8], $0x800  }
0x55: {  	[sflag:s8] =	ssyncset.done @!p1 $0x0  }
0x56: {  	s9 =	sadd.s32 @!p1 $0x3080, s0;
	[sflag:s8] =	ssyncadd.s32 @!p1 $0xFFFFF800  }
0x57: {  	[tilespmem:s31], [sflag:$0x2] =	stream.indirect.gather @!p1 [hbm4b:s1+s2], $0x10, s9, s2, $0xb8;
	[tilespmem:$0x10C00] =	vst v63  }
0x58: {  	_ =	swait.ge [sflag:s22], $0x800  }
0x59: {  	[sflag:s22] =	ssyncset.done $0x0  }
0x5a: {  	s31 =	sadd.s32 $0x7D00, s18;
	[sflag:s22] =	ssyncadd.s32 $0xFFFFF800  }
0x5b: {  	[spmem:s3] =	stream.indirect.scatter.add.f32 [tilespmem:s25], [sflag:$0x9], $0x10, s31, s20, $0xb8;
	[tilespmem:$0x10C00] =	vst v63  }
0x5c: {  	_ =	swait.ge [sflag:s15], $0x800  }
0x5d: {  	[sflag:s15] =	ssyncset.done $0x0  }
0x5e: {  	s9 =	simm.s32 @p1 $0x4;
	[sflag:s15] =	ssyncadd.s32 $0xFFFFF800  }
0x5f: {  	_ =	swait.ge @p1 [sflag:s9], $0x800  }
0x60: {  	[sflag:s9] =	ssyncset.done @p1 $0x0  }
0x61: {  	s31 =	simm.s32 @p1 $0xE400;
	[sflag:s9] =	ssyncadd.s32 @p1 $0xFFFFF800;
	s9 =	sadd.s32 @p1 $0x7D80, s4  }
0x62: {  	[spmem:s3] =	stream.indirect.scatter.add.f32 @p1 [tilespmem:s31], [sflag:$0x9], $0x10, s9, s6, $0xb8;
	[tilespmem:$0x10C00] =	vst v63  }
0x63: {  	_ =	swait.ge @p1 [sflag:s17], $0x800  }
0x64: {  	[sflag:s17] =	ssyncset.done @p1 $0x0  }
0x65: {  	s9 =	sadd.s32 @!p1 $0x3100, s0;
	s31 =	simm.s32 @!p1 $0xDC00;
	[sflag:s17] =	ssyncadd.s32 @p1 $0xFFFFF800  }
0x66: {  	[tilespmem:s31], [sflag:$0x3] =	stream.indirect.gather @!p1 [hbm4b:s1+s2], $0x10, s9, s2, $0xb8;
	[tilespmem:$0x10C00] =	vst v63  }
0x67: {  	s9 =	simm.s32 @!p1 $0x4  }
0x68: {  	_ =	swait.ge @!p1 [sflag:s9], $0x800  }
0x69: {  	[sflag:s9] =	ssyncset.done @!p1 $0x0  }
0x6a: {  	s31 =	simm.s32 @!p1 $0xE400;
	[sflag:s9] =	ssyncadd.s32 @!p1 $0xFFFFF800;
	s9 =	sadd.s32 @!p1 $0x7D80, s0  }
0x6b: {  	[spmem:s3] =	stream.indirect.scatter.add.f32 @!p1 [tilespmem:s31], [sflag:$0x9], $0x10, s9, s2, $0xb8;
	[tilespmem:$0x10C00] =	vst v63  }
0x6c: {  	_ =	swait.ge @!p1 [sflag:s8], $0x800  }
0x6d: {  	[sflag:s8] =	ssyncset.done @!p1 $0x0  }
0x6e: {  	s9 =	sadd.s32 @!p1 $0x3180, s0;
	[sflag:s8] =	ssyncadd.s32 @!p1 $0xFFFFF800  }
0x6f: {  	[tilespmem:s31], [sflag:$0x4] =	stream.indirect.gather @!p1 [hbm4b:s1+s2], $0x10, s9, s2, $0xb8;
	[tilespmem:$0x10C00] =	vst v63  }
0x70: {  	_ =	swait.ge [sflag:s12], $0x800  }
0x71: {  	[sflag:s12] =	ssyncset.done $0x0  }
0x72: {  	s31 =	sadd.s32 $0x7E00, s18;
	[sflag:s12] =	ssyncadd.s32 $0xFFFFF800  }
0x73: {  	[spmem:s3] =	stream.indirect.scatter.add.f32 [tilespmem:s30], [sflag:$0x9], $0x10, s31, s20, $0xb8;
	[tilespmem:$0x10C00] =	vst v63  }
0x74: {  	_ =	swait.ge [sflag:s15], $0x800  }
0x75: {  	[sflag:s15] =	ssyncset.done $0x0  }
0x76: {  	s9 =	simm.s32 @p1 $0x6;
	[sflag:s15] =	ssyncadd.s32 $0xFFFFF800  }
0x77: {  	_ =	swait.ge @p1 [sflag:s9], $0x800  }
0x78: {  	[sflag:s9] =	ssyncset.done @p1 $0x0  }
0x79: {  	s4 =	sadd.s32 @p1 $0x7E80, s4;
	[sflag:s9] =	ssyncadd.s32 @p1 $0xFFFFF800;
	s9 =	simm.s32 @p1 $0xF400  }
0x7a: {  	[spmem:s3] =	stream.indirect.scatter.add.f32 @p1 [tilespmem:s9], [sflag:$0x9], $0x10, s4, s6, $0xb8;
	[tilespmem:$0x10C00] =	vst v63  }
0x7b: {  	_ =	swait.ge @p1 [sflag:s17], $0x800  }
0x7c: {  	[sflag:s17] =	ssyncset.done @p1 $0x0  }
0x7d: {  	s4 =	sadd.s32 @!p1 $0x3200, s0;
	s6 =	simm.s32 @!p1 $0xEC00;
	[sflag:s17] =	ssyncadd.s32 @p1 $0xFFFFF800  }
0x7e: {  	[tilespmem:s6], [sflag:$0x5] =	stream.indirect.gather @!p1 [hbm4b:s1+s2], $0x10, s4, s2, $0xb8;
	[tilespmem:$0x10C00] =	vst v63  }
0x7f: {  	s4 =	simm.s32 @!p1 $0x6  }
0x80: {  	_ =	swait.ge @!p1 [sflag:s4], $0x800  }
0x81: {  	[sflag:s4] =	ssyncset.done @!p1 $0x0  }
0x82: {  	s6 =	simm.s32 @!p1 $0xF400;
	[sflag:s4] =	ssyncadd.s32 @!p1 $0xFFFFF800;
	s4 =	sadd.s32 @!p1 $0x7E80, s0  }
0x83: {  	[spmem:s3] =	stream.indirect.scatter.add.f32 @!p1 [tilespmem:s6], [sflag:$0x9], $0x10, s4, s2, $0xb8;
	[tilespmem:$0x10C00] =	vst v63  }
0x84: {  	_ =	swait.ge @!p1 [sflag:s8], $0x800  }
0x85: {  	[sflag:s8] =	ssyncset.done @!p1 $0x0  }
0x86: {  	s0 =	sadd.s32 @!p1 $0x3280, s0;
	[sflag:s8] =	ssyncadd.s32 @!p1 $0xFFFFF800  }
0x87: {  	[tilespmem:s6], [sflag:$0x6] =	stream.indirect.gather @!p1 [hbm4b:s1+s2], $0x10, s0, s2, $0xb8;
	[tilespmem:$0x10C00] =	vst v63  }
0x88: {  	_ =	swait.ge [sflag:s23], $0x800  }
0x89: {  	[sflag:s23] =	ssyncset.done $0x0  }
.Ltmp3:
0x8a: {  	s31 =	sadd.s32 $0x7F00, s18;
	[sflag:s23] =	ssyncadd.s32 $0xFFFFF800;
	(pc) =	sbr.rel @p1 .LBB2_4-.Ltmp3, $4  }
0x8b: {  	[spmem:s3] =	stream.indirect.scatter.add.f32 [tilespmem:s16], [sflag:$0x9], $0x10, s31, s20, $0xb8;
	[tilespmem:$0x10C00] =	vst v63  }
0x8c: {  	_ =	swait.ge [sflag:s15], $0x800  }
0x8d: {  	[sflag:s15] =	ssyncset.done $0x0  }
0x8e: {  	[sflag:s15] =	ssyncadd.s32 $0xFFFFF800  }
0x8f: {  	s0 =	sadd.s32 $0x3300, s18  }
0x90: {  	[tilespmem:s16], [sflag:$0x7] =	stream.indirect.gather [hbm4b:s1+s20], $0x10, s0, s20, $0xb8;
	[tilespmem:$0x10C00] =	vst v63  }
0x91: {  	_ =	swait.ge [sflag:s24], $0x800  }
0x92: {  	[sflag:s24] =	ssyncset.done $0x0  }
0x93: {  	s17 =	sadd.s32 $0x7F80, s18;
	[sflag:s24] =	ssyncadd.s32 $0xFFFFF800  }
0x94: {  	[spmem:s3] =	stream.indirect.scatter.add.f32 [tilespmem:s7], [sflag:$0x9], $0x10, s17, s20, $0xb8;
	[tilespmem:$0x10C00] =	vst v63  }
.Ltmp4:
0x95: {  	_ = 	snop;
	(pc) =	sbr.rel .LBB2_3-.Ltmp4, $4  }
0x96: {  	_ =	swait.ge [sflag:s15], $0x800  }
0x97: {  	[sflag:s15] =	ssyncset.done $0x0  }
0x98: {  	s31 =	sadd.s32 $0x3380, s18;
	s28 =	sadd.s32 $0x1000, s28;
	[sflag:s15] =	ssyncadd.s32 $0xFFFFF800  }
0x99: {  	[tilespmem:s7], [sflag:$0x8] =	stream.indirect.gather [hbm4b:s1+s20], $0x10, s31, s20, $0xb8;
	[tilespmem:$0x10C00] =	vst v63  }
.LBB2_6:
0x9a: {  	s0 =	rddreg [dreg:$0xa]  }
0x9b: {  	s14 =	rddreg [dreg:$0x8];
	s18 =	sor.u32 $0x1C09, s0  }
0x9c: {  	[spmem:s19], [sflag:s18] =	dma.local [hbm:s14], $0x580  }
0x9d: {  	_ =	swait.ge [sflag:s15], $0x580  }
0x9e: {  	[sflag:s15] =	ssyncset.done $0x0  }
0x9f: {  	[sflag:s15] =	ssyncadd.s32 $0xFFFFFA80  }
0xa0: {  	[bflag:$0x0] =	sbarrier.arrive $0xFFFF  }
0xa1: {  	[tilespmem:s21], [sflag:$0x1] =	stream.indirect.gather [hbm4b:s5+s20], $0x10, s2, s20, $0xb8;
	[tilespmem:$0x10C00] =	vst v63  }
0xa2: {  	s17 =	simm.s32 $0x2C80;
	s31 =	simm.s32 $0xD400  }
0xa3: {  	[tilespmem:s31], [sflag:$0x2] =	stream.indirect.gather [hbm4b:s5+s20], $0x10, s17, s20, $0xb8;
	[tilespmem:$0x10C00] =	vst v63  }
0xa4: {  	s2 =	simm.s32 $0x2D00  }
0xa5: {  	[tilespmem:s25], [sflag:$0x3] =	stream.indirect.gather [hbm4b:s5+s20], $0x10, s2, s20, $0xb8;
	[tilespmem:$0x10C00] =	vst v63  }
0xa6: {  	s4 =	simm.s32 $0x2D80;
	s6 =	simm.s32 $0xE400  }
0xa7: {  	[tilespmem:s6], [sflag:$0x4] =	stream.indirect.gather [hbm4b:s5+s20], $0x10, s4, s20, $0xb8;
	[tilespmem:$0x10C00] =	vst v63  }
0xa8: {  	s8 =	simm.s32 $0x2E00  }
0xa9: {  	[tilespmem:s30], [sflag:$0x5] =	stream.indirect.gather [hbm4b:s5+s20], $0x10, s8, s20, $0xb8;
	[tilespmem:$0x10C00] =	vst v63  }
0xaa: {  	s9 =	simm.s32 $0x2E80;
	s14 =	simm.s32 $0xF400  }
0xab: {  	[tilespmem:s14], [sflag:$0x6] =	stream.indirect.gather [hbm4b:s5+s20], $0x10, s9, s20, $0xb8;
	[tilespmem:$0x10C00] =	vst v63  }
0xac: {  	s17 =	simm.s32 $0x2F00  }
0xad: {  	[tilespmem:s16], [sflag:$0x7] =	stream.indirect.gather [hbm4b:s5+s20], $0x10, s17, s20, $0xb8;
	[tilespmem:$0x10C00] =	vst v63  }
0xae: {  	s28 =	simm.s32 $0x0;
	s31 =	simm.s32 $0x2F80  }
0xaf: {  	[tilespmem:s7], [sflag:$0x8] =	stream.indirect.gather [hbm4b:s5+s20], $0x10, s31, s20, $0xb8;
	[tilespmem:$0x10C00] =	vst v63  }
.LBB2_7:
0xb0: {  	_ =	swait.ge [sflag:s11], $0x800  }
0xb1: {  	s31 =	sshra.s32 s28, $0x2;
	[sflag:s11] =	ssyncset.done $0x0  }
0xb2: {  	s0 =	sadd.s32 $0x7C00, s31;
	[sflag:s11] =	ssyncadd.s32 $0xFFFFF800  }
0xb3: {  	[spmem:s3] =	stream.indirect.scatter.add.f32 [tilespmem:s21], [sflag:$0x9], $0x10, s0, s20, $0xb8;
	[tilespmem:$0x10C00] =	vst v63  }
0xb4: {  	_ =	swait.ge [sflag:s15], $0x800  }
0xb5: {  	p1 =	seq.s32 s28, $0x13000;
	[sflag:s15] =	ssyncset.done $0x0  }
0xb6: {  	s0 =	simm.s32 @p1 $0x2;
	[sflag:s15] =	ssyncadd.s32 $0xFFFFF800  }
0xb7: {  	s6 =	sshra.s32 @p1 s28, $0x2;
	_ =	swait.ge @p1 [sflag:s0], $0x800  }
0xb8: {  	s17 =	simm.s32 @p1 $0x80;
	s2 =	simm.s32 @p1 $0xD400;
	[sflag:s0] =	ssyncset.done @p1 $0x0  }
0xb9: {  	s4 =	simm.s32 @p1 $0x9;
	[sflag:s0] =	ssyncadd.s32 @p1 $0xFFFFF800;
	s0 =	sadd.s32 @p1 $0x7C80, s6  }
0xba: {  	[spmem:s3] =	stream.indirect.scatter.add.f32 @p1 [tilespmem:s2], [sflag:$0x9], $0x10, s0, s17, $0xb8;
	[tilespmem:$0x10C00] =	vst v63  }
0xbb: {  	_ =	swait.ge @p1 [sflag:s4], $0x800  }
0xbc: {  	s9 =	simm.s32 @!p1 $0xCC00;
	s0 =	sshra.s32 @!p1 s28, $0x2;
	[sflag:s4] =	ssyncset.done @p1 $0x0  }
0xbd: {  	s2 =	simm.s32 @!p1 $0x80;
	s8 =	sadd.s32 @!p1 $0x3000, s0;
	[sflag:s4] =	ssyncadd.s32 @p1 $0xFFFFF800  }
0xbe: {  	[tilespmem:s9], [sflag:$0x1] =	stream.indirect.gather @!p1 [hbm4b:s5+s2], $0x10, s8, s2, $0xb8;
	[tilespmem:$0x10C00] =	vst v63  }
0xbf: {  	s8 =	simm.s32 @!p1 $0x2  }
0xc0: {  	_ =	swait.ge @!p1 [sflag:s8], $0x800  }
0xc1: {  	[sflag:s8] =	ssyncset.done @!p1 $0x0  }
0xc2: {  	s9 =	simm.s32 @!p1 $0xD400;
	[sflag:s8] =	ssyncadd.s32 @!p1 $0xFFFFF800;
	s8 =	sadd.s32 @!p1 $0x7C80, s0  }
0xc3: {  	[spmem:s3] =	stream.indirect.scatter.add.f32 @!p1 [tilespmem:s9], [sflag:$0x9], $0x10, s8, s2, $0xb8;
	[tilespmem:$0x10C00] =	vst v63  }
0xc4: {  	s8 =	simm.s32 @!p1 $0x9  }
0xc5: {  	_ =	swait.ge @!p1 [sflag:s8], $0x800  }
0xc6: {  	[sflag:s8] =	ssyncset.done @!p1 $0x0  }
0xc7: {  	s14 =	sadd.s32 @!p1 $0x3080, s0;
	[sflag:s8] =	ssyncadd.s32 @!p1 $0xFFFFF800  }
0xc8: {  	[tilespmem:s9], [sflag:$0x2] =	stream.indirect.gather @!p1 [hbm4b:s5+s2], $0x10, s14, s2, $0xb8;
	[tilespmem:$0x10C00] =	vst v63  }
0xc9: {  	_ =	swait.ge [sflag:s22], $0x800  }
0xca: {  	[sflag:s22] =	ssyncset.done $0x0  }
0xcb: {  	s14 =	sadd.s32 $0x7D00, s31;
	[sflag:s22] =	ssyncadd.s32 $0xFFFFF800  }
0xcc: {  	[spmem:s3] =	stream.indirect.scatter.add.f32 [tilespmem:s25], [sflag:$0x9], $0x10, s14, s20, $0xb8;
	[tilespmem:$0x10C00] =	vst v63  }
0xcd: {  	_ =	swait.ge [sflag:s15], $0x800  }
0xce: {  	[sflag:s15] =	ssyncset.done $0x0  }
0xcf: {  	s9 =	simm.s32 @p1 $0x4;
	[sflag:s15] =	ssyncadd.s32 $0xFFFFF800  }
0xd0: {  	_ =	swait.ge @p1 [sflag:s9], $0x800  }
0xd1: {  	[sflag:s9] =	ssyncset.done @p1 $0x0  }
0xd2: {  	s14 =	simm.s32 @p1 $0xE400;
	[sflag:s9] =	ssyncadd.s32 @p1 $0xFFFFF800;
	s9 =	sadd.s32 @p1 $0x7D80, s6  }
0xd3: {  	[spmem:s3] =	stream.indirect.scatter.add.f32 @p1 [tilespmem:s14], [sflag:$0x9], $0x10, s9, s17, $0xb8;
	[tilespmem:$0x10C00] =	vst v63  }
0xd4: {  	_ =	swait.ge @p1 [sflag:s4], $0x800  }
0xd5: {  	[sflag:s4] =	ssyncset.done @p1 $0x0  }
0xd6: {  	s9 =	sadd.s32 @!p1 $0x3100, s0;
	s14 =	simm.s32 @!p1 $0xDC00;
	[sflag:s4] =	ssyncadd.s32 @p1 $0xFFFFF800  }
0xd7: {  	[tilespmem:s14], [sflag:$0x3] =	stream.indirect.gather @!p1 [hbm4b:s5+s2], $0x10, s9, s2, $0xb8;
	[tilespmem:$0x10C00] =	vst v63  }
0xd8: {  	s9 =	simm.s32 @!p1 $0x4  }
0xd9: {  	_ =	swait.ge @!p1 [sflag:s9], $0x800  }
0xda: {  	[sflag:s9] =	ssyncset.done @!p1 $0x0  }
0xdb: {  	s14 =	simm.s32 @!p1 $0xE400;
	[sflag:s9] =	ssyncadd.s32 @!p1 $0xFFFFF800;
	s9 =	sadd.s32 @!p1 $0x7D80, s0  }
0xdc: {  	[spmem:s3] =	stream.indirect.scatter.add.f32 @!p1 [tilespmem:s14], [sflag:$0x9], $0x10, s9, s2, $0xb8;
	[tilespmem:$0x10C00] =	vst v63  }
0xdd: {  	_ =	swait.ge @!p1 [sflag:s8], $0x800  }
0xde: {  	[sflag:s8] =	ssyncset.done @!p1 $0x0  }
0xdf: {  	s9 =	sadd.s32 @!p1 $0x3180, s0;
	[sflag:s8] =	ssyncadd.s32 @!p1 $0xFFFFF800  }
0xe0: {  	[tilespmem:s14], [sflag:$0x4] =	stream.indirect.gather @!p1 [hbm4b:s5+s2], $0x10, s9, s2, $0xb8;
	[tilespmem:$0x10C00] =	vst v63  }
0xe1: {  	_ =	swait.ge [sflag:s12], $0x800  }
0xe2: {  	[sflag:s12] =	ssyncset.done $0x0  }
0xe3: {  	s14 =	sadd.s32 $0x7E00, s31;
	[sflag:s12] =	ssyncadd.s32 $0xFFFFF800  }
0xe4: {  	[spmem:s3] =	stream.indirect.scatter.add.f32 [tilespmem:s30], [sflag:$0x9], $0x10, s14, s20, $0xb8;
	[tilespmem:$0x10C00] =	vst v63  }
0xe5: {  	_ =	swait.ge [sflag:s15], $0x800  }
0xe6: {  	[sflag:s15] =	ssyncset.done $0x0  }
0xe7: {  	s9 =	simm.s32 @p1 $0x6;
	[sflag:s15] =	ssyncadd.s32 $0xFFFFF800  }
0xe8: {  	_ =	swait.ge @p1 [sflag:s9], $0x800  }
0xe9: {  	[sflag:s9] =	ssyncset.done @p1 $0x0  }
0xea: {  	s6 =	sadd.s32 @p1 $0x7E80, s6;
	[sflag:s9] =	ssyncadd.s32 @p1 $0xFFFFF800;
	s9 =	simm.s32 @p1 $0xF400  }
0xeb: {  	[spmem:s3] =	stream.indirect.scatter.add.f32 @p1 [tilespmem:s9], [sflag:$0x9], $0x10, s6, s17, $0xb8;
	[tilespmem:$0x10C00] =	vst v63  }
0xec: {  	_ =	swait.ge @p1 [sflag:s4], $0x800  }
0xed: {  	[sflag:s4] =	ssyncset.done @p1 $0x0  }
0xee: {  	s6 =	simm.s32 @!p1 $0xEC00;
	[sflag:s4] =	ssyncadd.s32 @p1 $0xFFFFF800;
	s4 =	sadd.s32 @!p1 $0x3200, s0  }
0xef: {  	[tilespmem:s6], [sflag:$0x5] =	stream.indirect.gather @!p1 [hbm4b:s5+s2], $0x10, s4, s2, $0xb8;
	[tilespmem:$0x10C00] =	vst v63  }
0xf0: {  	s4 =	simm.s32 @!p1 $0x6  }
0xf1: {  	_ =	swait.ge @!p1 [sflag:s4], $0x800  }
0xf2: {  	[sflag:s4] =	ssyncset.done @!p1 $0x0  }
0xf3: {  	s6 =	simm.s32 @!p1 $0xF400;
	[sflag:s4] =	ssyncadd.s32 @!p1 $0xFFFFF800;
	s4 =	sadd.s32 @!p1 $0x7E80, s0  }
0xf4: {  	[spmem:s3] =	stream.indirect.scatter.add.f32 @!p1 [tilespmem:s6], [sflag:$0x9], $0x10, s4, s2, $0xb8;
	[tilespmem:$0x10C00] =	vst v63  }
0xf5: {  	_ =	swait.ge @!p1 [sflag:s8], $0x800  }
0xf6: {  	[sflag:s8] =	ssyncset.done @!p1 $0x0  }
0xf7: {  	s0 =	sadd.s32 @!p1 $0x3280, s0;
	[sflag:s8] =	ssyncadd.s32 @!p1 $0xFFFFF800  }
0xf8: {  	[tilespmem:s6], [sflag:$0x6] =	stream.indirect.gather @!p1 [hbm4b:s5+s2], $0x10, s0, s2, $0xb8;
	[tilespmem:$0x10C00] =	vst v63  }
0xf9: {  	_ =	swait.ge [sflag:s23], $0x800  }
0xfa: {  	[sflag:s23] =	ssyncset.done $0x0  }
.Ltmp5:
0xfb: {  	s17 =	sadd.s32 $0x7F00, s31;
	[sflag:s23] =	ssyncadd.s32 $0xFFFFF800;
	(pc) =	sbr.rel @p1 .LBB2_8-.Ltmp5, $4  }
0xfc: {  	[spmem:s3] =	stream.indirect.scatter.add.f32 [tilespmem:s16], [sflag:$0x9], $0x10, s17, s20, $0xb8;
	[tilespmem:$0x10C00] =	vst v63  }
0xfd: {  	_ =	swait.ge [sflag:s15], $0x800  }
0xfe: {  	[sflag:s15] =	ssyncset.done $0x0  }
0xff: {  	[sflag:s15] =	ssyncadd.s32 $0xFFFFF800  }
0x100: {  	s0 =	sadd.s32 $0x3300, s31  }
0x101: {  	[tilespmem:s16], [sflag:$0x7] =	stream.indirect.gather [hbm4b:s5+s20], $0x10, s0, s20, $0xb8;
	[tilespmem:$0x10C00] =	vst v63  }
0x102: {  	_ =	swait.ge [sflag:s24], $0x800  }
0x103: {  	[sflag:s24] =	ssyncset.done $0x0  }
0x104: {  	s17 =	sadd.s32 $0x7F80, s31;
	[sflag:s24] =	ssyncadd.s32 $0xFFFFF800  }
0x105: {  	[spmem:s3] =	stream.indirect.scatter.add.f32 [tilespmem:s7], [sflag:$0x9], $0x10, s17, s20, $0xb8;
	[tilespmem:$0x10C00] =	vst v63  }
.Ltmp6:
0x106: {  	_ = 	snop;
	(pc) =	sbr.rel .LBB2_7-.Ltmp6, $4  }
0x107: {  	_ =	swait.ge [sflag:s15], $0x800  }
0x108: {  	[sflag:s15] =	ssyncset.done $0x0  }
0x109: {  	s31 =	sadd.s32 $0x3380, s31;
	s28 =	sadd.s32 $0x1000, s28;
	[sflag:s15] =	ssyncadd.s32 $0xFFFFF800  }
0x10a: {  	[tilespmem:s7], [sflag:$0x8] =	stream.indirect.gather [hbm4b:s5+s20], $0x10, s31, s20, $0xb8;
	[tilespmem:$0x10C00] =	vst v63  }
.LBB2_4:
.Ltmp7:
0x10b: {  	(pc) =	sbr.rel .LBB2_9-.Ltmp7, $2  }
0x10c: {  	_ =	sdelay $0x2  }
0x10d: {  	s0 =	rddreg [dreg:$0x4];
	s18 =	smov.u32 s29  }
.LBB2_10:
0x10e: {  	_ =	sfence.sel $0x180000  }
0x10f: {  	[bflag:$0x0] =	sbarrier.arrive $0xFFFF  }
0x110: {  	_ =	strace $0x9000004D  }
0x111: {  	s0 =	stileid.u32;
	[bflag:$0x2] =	sbarrier.arrive $0xFFFF  }
0x112: {  	p0 =	sne.s32 s0, $0x0;
	s0 =	rddreg [dreg:$0x3]  }
0x113: {  	s0 =	sadd.s32 @!p0 $0x100000, s0  }
0x114: {  	[sflag:s0] =	ssyncadd.tile.s32 @!p0 $0x1;
	_ =	shalt  }
.Lfunc_end2:
_tile_overlayer_lowered:
.L_overlay_start_2:
0x115: {  	(tag) =	ssettag $0x2  }
0x116: {  	s0 =	rddreg [dreg:$0x0];
	s2 =	stileid.u32  }
0x117: {  	s1 =	rddreg [dreg:$0x1];
	p0 =	sne.s32 s2, $0x0  }
0x118: {  	s3 =	rddreg [dreg:$0x2];
	[bflag:$0x3] =	sbarrier.arrive $0xFFFF;
	s2 =	simm.s32 @!p0 $0x1C09  }
0x119: {  	[timem:s3], [sflag:s2] =	dma.local @!p0 [hbm:s0], s1  }
0x11a: {  	s0 =	simm.s32 @!p0 $0x9  }
0x11b: {  	_ =	swait.ge @!p0 [sflag:s0], s1  }
0x11c: {  	s1 =	ssub.s32 @!p0 $0x0, s1;
	[sflag:s0] =	ssyncset.done @!p0 $0x0  }
0x11d: {  	[sflag:s0] =	ssyncadd.s32 @!p0 s1  }
0x11e: {  	[bflag:$0x3] =	sbarrier.arrive $0xFFFF  }
0x11f: {  	_ =	shalt  }

// kernel: kernel.8.cloned.1.call-start
scs
__scs_entry_jumppad:
0x0: {  	(pc) =	sbr.rel $0x88, $3  }
0x1: {  	(tag) =	ssettag $0x0;
	lr =	simm.s32 $0x1  }
0x2: {  	[smem:$0x3F9B] =	sst lr;
	_ =	strace $0xD0000000  }
0x3: {  	_ = 	snop  }
0x4: {  	_ = 	snop  }
0x5: {  	_ = 	snop  }
0x6: {  	_ = 	snop  }
0x7: {  	_ = 	snop  }
__scs_overlays_trampoline_lowered:
0x8: {  	[smem:$0x3FAA] =	sst s0  }
0x9: {  	[smem:$0x3FAB] =	sst s1  }
0xa: {  	[smem:$0x3FAC] =	sst s2  }
0xb: {  	[smem:$0x3FAD] =	sst s3  }
0xc: {  	[smem:$0x3FAE] =	sst s4  }
0xd: {  	[smem:$0x3FAF] =	sst s5  }
0xe: {  	[smem:$0x3FB0] =	sst s6  }
0xf: {  	[smem:$0x3FB1] =	sst s7  }
0x10: {  	[smem:$0x3FB2] =	sst s8  }
0x11: {  	[smem:$0x3FB3] =	sst s9;
	s0 =	simm.s32 @!p0 $0x0  }
0x12: {  	s1 =	sld [smem:$0x3F99];
	s0 =	simm.s32 @p0 $0x1  }
0x13: {  	[smem:$0x3FB4] =	sst s0;
	s0 =	simm.s32 @!p1 $0x0  }
0x14: {  	s2 =	sld [smem:$0x3F98];
	s0 =	simm.s32 @p1 $0x1  }
0x15: {  	[smem:$0x3FB5] =	sst s0;
	s0 =	simm.s32 @!p2 $0x0  }
0x16: {  	s3 =	sld [smem:$0x3FDB];
	s0 =	simm.s32 @p2 $0x1  }
0x17: {  	s4 =	simm.s32 $0x1BF5;
	[smem:$0x3FB7] =	sst s0  }
0x18: {  	s0 =	sld [smem:$0x3F9A];
	_ =	swait.ge [sflag:s4], $0x0  }
0x19: {  	s7 =	sld [smem:$0x3F9B]  }
0x1a: {  	s8 =	sadd.s32 $0xFFFFE003, lr  }
0x1b: {  	s9 =	sadd.s32 $0xFFFFFEF7, lr;
	s5 =	simm.s32 $0xFFFFFFFF;
	p2 =	slt.u32 s8, $0xFFFFF086  }
0x1c: {  	p1 =	slt.u32 s9, $0xF7A;
	s5 =	simm.s32 @!p2 $0x0  }
0x1d: {  	s5 =	simm.s32 @p1 $0x1;
	p0 =	seq.s32 s7, s2  }
0x1e: {  	s7 =	smul.u32 @!p0 $0xF7A, s2;
	p2 =	seq.s32 @!p0 s5, $0x0  }
0x1f: {  	s9 =	smul.u32 $0xF7A, s1;
	s8 =	simm.s32 @!p0 $0x1BF5;
	p2 =	por !p2, p0  }
0x20: {  	[sflag:s8] =	ssyncset.s32 @!p0 $0xFFFFF086;
	s6 =	sadd.s32 @!p0 s3, s7;
	s7 =	simm.s32 @!p0 $0x108  }
0x21: {  	s3 =	sadd.s32 s3, s9;
	s6 =	sadd.s32 @!p0 $0x88, s6;
	s7 =	simm.s32 @p2 $0x1082  }
0x22: {  	[simem:s7], [sflag:s8] =	dma.local @!p0 [hbm:s6], $0xF7A  }
0x23: {  	s9 =	sor.u32 $0xD0000000, s2;
	s6 =	simm.s32 $0x108;
	_ =	swait.ge @!p0 [sflag:s8], $0x0  }
0x24: {  	s3 =	sadd.s32 $0x88, s3;
	s6 =	simm.s32 @!p1 $0x1082;
	[sflag:s4] =	ssyncset.s32 $0xFFFFF086  }
0x25: {  	[simem:s6], [sflag:s4] =	dma.local [hbm:s3], $0xF7A  }
0x26: {  	[smem:$0x3F9B] =	sst s1;
	(tag) =	ssettag s2;
	_ =	strace s9  }
0x27: {  	s1 =	sld [smem:$0x3FAB]  }
0x28: {  	s2 =	sld [smem:$0x3FAC]  }
0x29: {  	s4 =	sld [smem:$0x3FAE]  }
0x2a: {  	p0 =	seq.s32 s5, $0x0;
	s5 =	sld [smem:$0x3FAF]  }
0x2b: {  	s6 =	sld [smem:$0x3FB0]  }
0x2c: {  	s7 =	sld [smem:$0x3FB1]  }
0x2d: {  	s3 =	simm.s32 $0x108;
	s8 =	sld [smem:$0x3FB2]  }
0x2e: {  	s3 =	simm.s32 @!p0 $0x1082;
	s9 =	sld [smem:$0x3FB3]  }
0x2f: {  	lr =	sadd.s32 s0, s3;
	s0 =	sld [smem:$0x3FAA]  }
0x30: {  	s3 =	sld [smem:$0x3FAD]  }
0x31: {  	[smem:$0x3FB6] =	sst s10  }
0x32: {  	s10 =	sld [smem:$0x3FB4];
	_ =	sdelay $0x3  }
0x33: {  	p0 =	seq.s32 s10, $0x1;
	s10 =	sld [smem:$0x3FB6];
	_ =	sdelay $0x3  }
0x34: {  	[smem:$0x3FB6] =	sst s10  }
0x35: {  	s10 =	sld [smem:$0x3FB5];
	_ =	sdelay $0x3  }
0x36: {  	p1 =	seq.s32 s10, $0x1;
	s10 =	sld [smem:$0x3FB6];
	_ =	sdelay $0x3  }
0x37: {  	[smem:$0x3FB6] =	sst s10  }
0x38: {  	s10 =	sld [smem:$0x3FB7]  }
0x39: {  	_ = 	snop;
	(pc) =	sbr.ind lr, $3  }
0x3a: {  	_ = 	snop  }
0x3b: {  	_ = 	snop  }
0x3c: {  	p2 =	seq.s32 s10, $0x1;
	s10 =	sld [smem:$0x3FB6]  }
0x3d: {  	_ =	shalt  }
0x3e: {  	_ =	shalt  }
0x3f: {  	_ =	shalt  }
0x40: {  	_ =	shalt  }
0x41: {  	_ =	shalt  }
0x42: {  	_ =	shalt  }
0x43: {  	_ =	shalt  }
0x44: {  	_ =	shalt  }
0x45: {  	_ =	shalt  }
0x46: {  	_ =	shalt  }
0x47: {  	_ =	shalt  }
0x48: {  	_ =	shalt  }
0x49: {  	_ =	shalt  }
0x4a: {  	_ =	shalt  }
0x4b: {  	_ =	shalt  }
0x4c: {  	_ =	shalt  }
0x4d: {  	_ =	shalt  }
0x4e: {  	_ =	shalt  }
0x4f: {  	_ =	shalt  }
0x50: {  	_ =	shalt  }
0x51: {  	_ =	shalt  }
0x52: {  	_ =	shalt  }
0x53: {  	_ =	shalt  }
0x54: {  	_ =	shalt  }
0x55: {  	_ =	shalt  }
0x56: {  	_ =	shalt  }
0x57: {  	_ =	shalt  }
0x58: {  	_ =	shalt  }
0x59: {  	_ =	shalt  }
0x5a: {  	_ =	shalt  }
0x5b: {  	_ =	shalt  }
0x5c: {  	_ =	shalt  }
0x5d: {  	_ =	shalt  }
0x5e: {  	_ =	shalt  }
0x5f: {  	_ =	shalt  }
0x60: {  	_ =	shalt  }
0x61: {  	_ =	shalt  }
0x62: {  	_ =	shalt  }
0x63: {  	_ =	shalt  }
0x64: {  	_ =	shalt  }
0x65: {  	_ =	shalt  }
0x66: {  	_ =	shalt  }
0x67: {  	_ =	shalt  }
0x68: {  	_ =	shalt  }
0x69: {  	_ =	shalt  }
0x6a: {  	_ =	shalt  }
0x6b: {  	_ =	shalt  }
0x6c: {  	_ =	shalt  }
0x6d: {  	_ =	shalt  }
0x6e: {  	_ =	shalt  }
0x6f: {  	_ =	shalt  }
0x70: {  	_ =	shalt  }
0x71: {  	_ =	shalt  }
0x72: {  	_ =	shalt  }
0x73: {  	_ =	shalt  }
0x74: {  	_ =	shalt  }
0x75: {  	_ =	shalt  }
0x76: {  	_ =	shalt  }
0x77: {  	_ =	shalt  }
0x78: {  	_ =	shalt  }
0x79: {  	_ =	shalt  }
0x7a: {  	_ =	shalt  }
0x7b: {  	_ =	shalt  }
0x7c: {  	_ =	shalt  }
0x7d: {  	_ =	shalt  }
0x7e: {  	_ =	shalt  }
0x7f: {  	_ =	shalt  }
0x80: {  	_ =	shalt  }
0x81: {  	_ =	shalt  }
0x82: {  	_ =	shalt  }
0x83: {  	_ =	shalt  }
0x84: {  	_ =	shalt  }
0x85: {  	_ =	shalt  }
0x86: {  	_ =	shalt  }
0x87: {  	_ =	shalt  }
.Lfunc_end0:
.L_simem_size_0:
called_computation_lowered:
.L_overlay_start_0:
0x88: {  	s2 =	sld [smem:$0x3FD9]  }
0x89: {  	s3 =	sld [smem:$0x3FFE];
	_ =	sdelay $0x1  }
0x8a: {  	s1 =	srdreg.scid  }
0x8b: {  	s0 =	sand.u32 $0x1, s1  }
0x8c: {  	s17 =	sshll.u32 s0, $0xA;
	s2 =	sadd.s32 s3, s2  }
0x8d: {  	s2 =	sadd.s32 s2, s17  }
0x8e: {  	[smem:$0x3FC2] =	sst s2  }
0x8f: {  	_ = 	snop  }
0x90: {  	s2 =	sld [smem:$0x3FD0];
	(tm) =	ssettm $0x1  }
0x91: {  	s18 =	sld [smem:$0x3FFB];
	_ =	sdelay $0x3  }
0x92: {  	_ =	strace s18  }
0x93: {  	s3 =	sld [smem:$0x3FFC];
	_ =	sdelay $0x3  }
0x94: {  	_ =	strace s3  }
0x95: {  	s3 =	sld [smem:$0x3FFD];
	_ =	sdelay $0x3  }
0x96: {  	_ =	strace s3  }
0x97: {  	_ =	strace $0x8FFFFFFF  }
0x98: {  	s19 =	sld [smem:$0x3FDB];
	_ =	sdelay $0x1  }
0x99: {  	s4 =	simm.s32 $_scs_section_size  }
0x9a: {  	s5 =	simm.s32 $_size__tile_overlayer_lowered;
	s6 =	simm.s32 $_tile_overlayer_lowered  }
0x9b: {  	s22 =	simm.s32 $0x1BFF;
	s21 =	sshll.u32 s6, $0x1;
	s3 =	sadd.s32 s4, s19  }
0x9c: {  	s7 =	simm.s32 $0x0;
	s20 =	sshll.u32 s5, $0x1;
	s5 =	sadd.s32 s21, s3  }
0x9d: {  	[timem:s7], [sflag:s22] =	dma.local [hbm:s5], s20  }
0x9e: {  	_ =	swait.ge [sflag:s22], s20  }
0x9f: {  	s4 =	ssub.s32 $0x0, s20;
	[sflag:s22] =	ssyncset.done $0x0  }
0xa0: {  	[sflag:s22] =	ssyncadd.s32 s4;
	_ =	sdelay $0x1  }
0xa1: {  	s23 =	simm.s32 $0x1B8B  }
0xa2: {  	_ =	swait.ge [sflag:s23], $0x1  }
0xa3: {  	[sflag:s23] =	ssyncset.done $0x0  }
0xa4: {  	s25 =	simm.s32 $0x1B8E;
	s24 =	sld [smem:$0x3FFE];
	[sflag:s23] =	ssyncadd.s32 $0xFFFFFFFF  }
0xa5: {  	s26 =	simm.s32 $execute0_lowered;
	[smem:$0x3FD2] =	sst s25  }
0xa6: {  	s5 =	sshll.u32 s26, $0x1;
	_ =	strace $0x80000046;
	[dreg:$0x1] =	wrdreg $0xFFFFFFFF  }
0xa7: {  	s28 =	simm.s32 $_size_execute0_lowered;
	s3 =	sadd.s32 s3, s5;
	[dreg:$0x0] =	wrdreg $0x0  }
0xa8: {  	s5 =	sshll.u32 s28, $0x1;
	[dreg:$0x2] =	wrdreg s3  }
0xa9: {  	[dreg:$0x3] =	wrdreg s5  }
0xaa: {  	[dreg:$0x4] =	wrdreg $0xC0  }
0xab: {  	_ =	task [dreg:s7], $0x5FFFF  }
0xac: {  	[dreg:$0x1] =	wrdreg $0xFFFFFFFF  }
0xad: {  	[dreg:$0x0] =	wrdreg $0x60  }
0xae: {  	[dreg:$0x2] =	wrdreg s24  }
0xaf: {  	[dreg:$0x3] =	wrdreg s2  }
0xb0: {  	[dreg:$0x4] =	wrdreg $0x0  }
0xb1: {  	[dreg:$0x5] =	wrdreg $0x9  }
0xb2: {  	_ =	task.clear_ibuf [dreg:s7], $0x6FFFF;
	_ =	strace $0x90000046  }
0xb3: {  	s29 =	simm.s32 $0x9;
	_ =	strace $0x80000048  }
0xb4: {  	_ =	swait.ge [sflag:s29], $0x1  }
0xb5: {  	[sflag:s29] =	ssyncadd.s32 $0xFFFFFFFF  }
0xb6: {  	_ =	strace $0x90000048  }
0xb7: {  	_ =	sfence  }
0xb8: {  	s30 =	sld [smem:$0x0];
	_ =	sdelay $0x2  }
0xb9: {  	s31 =	sshll.u32 s1, $0xD;
	s1 =	sshrl.u32 s1, $0x2  }
0xba: {  	s3 =	sand.u32 $0x4000, s31;
	s1 =	sadd.s32 s1, s30  }
0xbb: {  	s0 =	sor.u32 s3, s0;
	s1 =	sshll.u32 s1, $0x11  }
0xbc: {  	s0 =	sor.u32 s1, s0  }
0xbd: {  	s0 =	sadd.s32 $0x8F2B, s0  }
0xbe: {  	[sflag:s0] =	ssyncadd.remote.s32 $0x1  }
0xbf: {  	_ =	sfence.sel $0xFFFF  }
0xc0: {  	[dreg:$0x0] =	wrdreg $0xFFFFFFFF;
	(pc) =	sbr.abs _section_cstart, $3  }
0xc1: {  	[dreg:$0x1] =	wrdreg $0xFFFFFFFF  }
0xc2: {  	_ =	task.clear_ibuf [dreg:s7], $0x2FFFF;
	_ =	strace $0x9FFFFFFF  }
0xc3: {  	(tm) =	ssettm $0x7FFFFFFF  }
tec
execute0_lowered:
.L_overlay_start_1:
0x0: {  	(tag) =	ssettag $0x1  }
0x1: {  	s4 =	rddreg [dreg:$0x0]  }
0x2: {  	s0 =	srdreg.scid;
	s6 =	rddreg [dreg:$0x1]  }
0x3: {  	s2 =	rddreg [dreg:$0x2];
	s3 =	simm.s32 $0x0;
	s11 =	simm.s32 $0x80  }
0x4: {  	s12 =	simm.s32 $0x2AC0;
	s13 =	simm.s32 $0x1;
	s14 =	simm.s32 $0x0  }
0x5: {  	s5 =	sand.u32 $0x1, s0;
	s0 =	stileid.u32;
	[smem:$0x7FF] =	sst s3  }
0x6: {  	s9 =	sadd.s32 $0x17A00, s4;
	s1 =	sshll.u32 s5, $0x4;
	s8 =	ssub.s32 $0x2, s5  }
0x7: {  	s10 =	smul.u32 $0x2C0, s0;
	p0 =	seq.s32 s5, $0x0;
	s7 =	sor.u32 s0, s1  }
0x8: {  	s1 =	rddreg [dreg:$0x3];
	_ =	strace $0x80000047;
	s30 =	sshrl.u32 s8, $0x1  }
0x9: {  	s9 =	smov.u32 @p0 s6;
	s7 =	smul.u32 $0x500, s7;
	s8 =	ssub.s32 s8, s30  }
0xa: {  	s5 =	sadd.s32 s10, s2;
	s31 =	sshrl.u32 s10, $0x3;
	s10 =	simm.s32 $0x2B40  }
0xb: {  	s6 =	smax.u32 s8, $0x1;
	s8 =	simm.s32 $0x2C0;
	s7 =	sadd.s32 s7, s4  }
0xc: {  	v0 =	vimm.f32 $1.000000000e+00;
	v1 =	vimm.f32 $0.0e+00;
	s4 =	sadd.s32 $0xDA00, s7;
	s7 =	sadd.s32 s9, s31;
	s9 =	simm.s32 $0x2  }
.LBB2_1:
0xd: {  	[tilespmem:$0x2AC0] =	vst v0  }
0xe: {  	[tilespmem:$0x2AD0] =	vst v0  }
0xf: {  	[tilespmem:$0x2AE0] =	vst v0  }
0x10: {  	[tilespmem:$0x2AF0] =	vst v0  }
0x11: {  	[tilespmem:$0x2B00] =	vst v0  }
0x12: {  	[tilespmem:$0x2B10] =	vst v0  }
0x13: {  	[tilespmem:$0x2B20] =	vst v0  }
0x14: {  	[tilespmem:$0x2B30] =	vst v0  }
0x15: {  	[tilespmem:$0x2B40] =	vst v1  }
0x16: {  	[tilespmem:$0x2B50] =	vst v1  }
0x17: {  	[tilespmem:$0x2B60] =	vst v1  }
0x18: {  	[tilespmem:$0x2B70] =	vst v1  }
0x19: {  	[tilespmem:$0x2B80] =	vst v1  }
0x1a: {  	[tilespmem:$0x2B90] =	vst v1  }
0x1b: {  	[tilespmem:$0x2BA0] =	vst v1  }
0x1c: {  	[tilespmem:$0x2BB0] =	vst v1  }
0x1d: {  	[tilespmem:$0x2BC0] =	vst v1  }
0x1e: {  	[tilespmem:$0x2BD0] =	vst v1  }
0x1f: {  	[tilespmem:$0x2BE0] =	vst v1  }
0x20: {  	[tilespmem:$0x2BF0] =	vst v1  }
0x21: {  	[tilespmem:$0x2C00] =	vst v1  }
0x22: {  	[tilespmem:$0x2C10] =	vst v1  }
0x23: {  	[tilespmem:$0x2C20] =	vst v1  }
0x24: {  	[tilespmem:$0x2C30] =	vst v1  }
0x25: {  	[tilespmem:$0x2C40] =	vst v1  }
0x26: {  	[tilespmem:$0x2C50] =	vst v1  }
0x27: {  	[tilespmem:$0x2C60] =	vst v1  }
0x28: {  	[tilespmem:$0x2C70] =	vst v1  }
0x29: {  	[tilespmem:$0x2C80] =	vst v1  }
0x2a: {  	[tilespmem:$0x2C90] =	vst v1  }
0x2b: {  	[tilespmem:$0x2CA0] =	vst v1  }
0x2c: {  	[tilespmem:$0x2CB0] =	vst v1  }
0x2d: {  	[tilespmem:$0x2CC0] =	vst v1  }
0x2e: {  	[tilespmem:$0x2CD0] =	vst v1  }
0x2f: {  	[tilespmem:$0x2CE0] =	vst v1  }
0x30: {  	[tilespmem:$0x2CF0] =	vst v1  }
0x31: {  	[tilespmem:$0x2D00] =	vst v1  }
0x32: {  	[tilespmem:$0x2D10] =	vst v1  }
0x33: {  	[tilespmem:$0x2D20] =	vst v1  }
0x34: {  	[tilespmem:$0x2D30] =	vst v1  }
0x35: {  	[tilespmem:$0x2D40] =	vst v1  }
0x36: {  	[tilespmem:$0x2D50] =	vst v1  }
0x37: {  	[tilespmem:$0x2D60] =	vst v1  }
0x38: {  	[tilespmem:$0x2D70] =	vst v1  }
0x39: {  	[tilespmem:$0x2D80] =	vst v1  }
0x3a: {  	[tilespmem:$0x2D90] =	vst v1  }
0x3b: {  	[tilespmem:$0x2DA0] =	vst v1  }
0x3c: {  	[tilespmem:$0x2DB0] =	vst v1  }
0x3d: {  	[tilespmem:$0x2DC0] =	vst v1  }
0x3e: {  	[tilespmem:$0x2DD0] =	vst v1  }
0x3f: {  	[tilespmem:$0x2DE0] =	vst v1  }
0x40: {  	[tilespmem:$0x2DF0] =	vst v1  }
0x41: {  	[tilespmem:s8], [sflag:$0x2] =	stream.linear.gather [hbm4b:s4+s3], $0x2800, $0x38;
	[tilespmem:$0x2E00] =	vst v63  }
0x42: {  	_ =	swait.ge [sflag:s9], $0x2800  }
0x43: {  	[sflag:s9] =	ssyncset.done $0x0  }
0x44: {  	[sflag:s9] =	ssyncadd.s32 $0xFFFFD800  }
0x45: {  	[spmem:s5] =	stream.linear.scatter [tilespmem:s10], [sflag:$0x2], $0x2C0, $0x38;
	[tilespmem:$0x2E00] =	vst v63  }
0x46: {  	_ =	swait.ge [sflag:s9], $0x2C0  }
0x47: {  	[sflag:s9] =	ssyncset.done $0x0  }
0x48: {  	[sflag:s9] =	ssyncadd.s32 $0xFFFFFD40  }
0x49: {  	s15 =	simm.s32 $0x0;
	[bflag:$0x0] =	sbarrier.arrive $0xFFFF  }
.LBB2_2:
0x4a: {  	p0 =	sne.s32 s15, $0x9E00  }
.Ltmp0:
0x4b: {  	_ = 	snop;
	(pc) =	sbr.rel @p0 .LBB2_2-.Ltmp0, $4  }
0x4c: {  	_ = 	snop  }
0x4d: {  	s16 =	sshra.s32 s15, $0x2  }
0x4e: {  	s15 =	sadd.s32 $0x200, s15;
	s16 =	sadd.s32 $0x2C0, s16  }
0x4f: {  	[spmem:s2] =	stream.indirect.scatter.add.f32 [tilespmem:s12], [sflag:$0x1], $0x1, s16, s11, $0xb8;
	[tilespmem:$0x2E00] =	vst v63  }
0x50: {  	_ =	swait.ge [sflag:s13], $0x80  }
0x51: {  	s15 =	simm.s32 $0x4F;
	[sflag:s13] =	ssyncset.done $0x0  }
.LBB2_4:
0x52: {  	p0 =	sne.s32 s15, $0x1;
	s15 =	sadd.s32 $0xFFFFFFFF, s15;
	[sflag:s13] =	ssyncadd.s32 $0xFFFFFF80  }
.Ltmp1:
0x53: {  	(pc) =	sbr.rel @p0 .LBB2_4-.Ltmp1, $3  }
0x54: {  	_ =	sdelay $0x1  }
0x55: {  	_ =	swait.ge [sflag:s13], $0x80  }
0x56: {  	[sflag:s13] =	ssyncset.done $0x0  }
0x57: {  	[sflag:s13] =	ssyncadd.s32 $0xFFFFFF80  }
0x58: {  	[bflag:$0x0] =	sbarrier.arrive $0xFFFF  }
0x59: {  	[tilespmem:s10], [sflag:$0x2] =	stream.linear.gather [spmem:s5], $0x2C0, $0x38;
	[tilespmem:$0x2E00] =	vst v63  }
0x5a: {  	s14 =	sadd.s32 $0x1, s14;
	_ =	swait.ge [sflag:s9], $0x2C0  }
0x5b: {  	p0 =	sne.s32 s14, s6;
	[sflag:s9] =	ssyncset.done $0x0  }
.Ltmp2:
0x5c: {  	[sflag:s9] =	ssyncadd.s32 $0xFFFFFD40;
	(pc) =	sbr.rel @p0 .LBB2_1-.Ltmp2, $4  }
0x5d: {  	[hbm4b:s7+s3] =	stream.linear.scatter [tilespmem:s10], [sflag:$0x2], $0x2C0, $0x38;
	[tilespmem:$0x2E00] =	vst v63  }
0x5e: {  	_ =	swait.ge [sflag:s9], $0x2C0  }
0x5f: {  	[sflag:s9] =	ssyncset.done $0x0  }
0x60: {  	[sflag:s9] =	ssyncadd.s32 $0xFFFFFD40  }
0x61: {  	_ =	sfence.sel $0x180000  }
0x62: {  	[bflag:$0x0] =	sbarrier.arrive $0xFFFF  }
0x63: {  	p0 =	sne.s32 s0, $0x0;
	_ =	strace $0x90000047  }
0x64: {  	s0 =	sadd.s32 @!p0 $0x100000, s1;
	[bflag:$0x2] =	sbarrier.arrive $0xFFFF  }
0x65: {  	[sflag:s0] =	ssyncadd.tile.s32 @!p0 $0x1;
	_ =	shalt  }
.Lfunc_end2:
_tile_overlayer_lowered:
.L_overlay_start_2:
0x66: {  	(tag) =	ssettag $0x2  }
0x67: {  	s0 =	rddreg [dreg:$0x0];
	s2 =	stileid.u32  }
0x68: {  	s1 =	rddreg [dreg:$0x1];
	p0 =	sne.s32 s2, $0x0  }
0x69: {  	s3 =	rddreg [dreg:$0x2];
	[bflag:$0x3] =	sbarrier.arrive $0xFFFF;
	s2 =	simm.s32 @!p0 $0x1C02  }
0x6a: {  	[timem:s3], [sflag:s2] =	dma.local @!p0 [hbm:s0], s1  }
0x6b: {  	s0 =	simm.s32 @!p0 $0x2  }
0x6c: {  	_ =	swait.ge @!p0 [sflag:s0], s1  }
0x6d: {  	s1 =	ssub.s32 @!p0 $0x0, s1;
	[sflag:s0] =	ssyncset.done @!p0 $0x0  }
0x6e: {  	[sflag:s0] =	ssyncadd.s32 @!p0 s1  }
0x6f: {  	[bflag:$0x3] =	sbarrier.arrive $0xFFFF  }
0x70: {  	_ =	shalt  }

</sc_bundles>
